<compile_context>
chip_gen: v7x
topology: tpu7x:2x2x1
jax: 0.10.2.dev20260603
libtpu: 0.0.44.dev20260713+nightly
codegen_flags: <defaults>
</compile_context>

<pallas_src>
import functools

import jax
import jax.numpy as jnp
from jax import lax
from jax.experimental import pallas as pl
from jax.experimental.pallas import tpu as pltpu
from jax.experimental.pallas import tpu_sc as plsc

N = 10000
E = 320000
D = 128

NC, NS = 2, 16
NW = NC * NS
EPW = E // NW
K = 80
NCH = EPW // K
R = 4
NI = 8
IL = 6
GL = 2
RPT = 624
ZR = 16
CZ = 2000
UNROLL = 8

MAIN = NCH - (NCH % UNROLL)


def _make_sc_agg(with_counts: bool):
    mesh = plsc.VectorSubcoreMesh(core_axis_name="c", subcore_axis_name="s")

    out_type = [
        jax.ShapeDtypeStruct((N, D), jnp.float32),
        jax.ShapeDtypeStruct((N, D), jnp.float32),
    ]
    scratch = (
        [pltpu.VMEM((K,), jnp.int32) for _ in range(NI)]
        + [pltpu.VMEM((K,), jnp.int32) for _ in range(NI)]
        + [pltpu.VMEM((K, D), jnp.float32) for _ in range(R)]
        + [
            pltpu.VMEM((ZR, D), jnp.float32),
            pltpu.VMEM_SHARED((N, D), jnp.float32),
        ]
        + [pltpu.SemaphoreType.DMA for _ in range(NI)]
        + [pltpu.SemaphoreType.DMA for _ in range(R)]
        + [pltpu.SemaphoreType.DMA]
        + [pltpu.SemaphoreType.DMA]
    )
    if with_counts:
        out_type += [
            jax.ShapeDtypeStruct((N,), jnp.float32),
            jax.ShapeDtypeStruct((N,), jnp.float32),
        ]
        scratch += [
            pltpu.VMEM((K,), jnp.float32),
            pltpu.VMEM((CZ,), jnp.float32),
            pltpu.VMEM_SHARED((N,), jnp.float32),
        ]

    def body(x_hbm, src_hbm, dst_hbm, p0_hbm, p1_hbm, *rest):
        if with_counts:
            c0_hbm, c1_hbm, *rest = rest
        sidx = rest[:NI]
        didx = rest[NI:2 * NI]
        rows = rest[2 * NI:2 * NI + R]
        zbuf, acc = rest[2 * NI + R:2 * NI + R + 2]
        o = 2 * NI + R + 2
        semi = rest[o:o + NI]
        semg = rest[o + NI:o + NI + R]
        sems = rest[o + NI + R]
        semz = rest[o + NI + R + 1]
        if with_counts:
            ones, czbuf, cnt = rest[o + NI + R + 2:]
        cid = lax.axis_index("c")
        sid = lax.axis_index("s")
        wid = sid * NC + cid
        base = wid * EPW

        def issue_idx(ch, b):
            off = base + ch * K
            pltpu.async_copy(src_hbm.at[pl.ds(off, K)], sidx[b], semi[b])
            pltpu.async_copy(dst_hbm.at[pl.ds(off, K)], didx[b], semi[b])

        for ch0 in range(IL):
            issue_idx(ch0, ch0 % NI)

        def zfill(i, _):
            r = i // (D // 16)
            c = (i % (D // 16)) * 16
            zbuf[r, pl.ds(c, 16)] = jnp.zeros((16,), jnp.float32)
            return 0
        lax.fori_loop(0, ZR * (D // 16), zfill, 0)

        def zacc(j, _):
            pltpu.async_copy(zbuf, acc.at[pl.ds(sid * RPT + j * ZR, ZR)],
                             semz)
            return 0
        lax.fori_loop(0, (RPT + N - NS * RPT) // ZR, zacc, 0)

        if with_counts:
            for off in sorted({min(i * 16, K - 16)
                               for i in range((K + 15) // 16)}):
                ones[pl.ds(off, 16)] = jnp.ones((16,), jnp.float32)

            def czfill(i, _):
                czbuf[pl.ds(i * 16, 16)] = jnp.zeros((16,), jnp.float32)
                return 0
            lax.fori_loop(0, CZ // 16, czfill, 0)

            @pl.when(sid < N // CZ)
            def _():
                pltpu.sync_copy(czbuf, cnt.at[pl.ds(sid * CZ, CZ)])

        def zdrain(j, _):
            pltpu.make_async_copy(x_hbm.at[pl.ds(0, ZR)], zbuf, semz).wait()
            return 0
        lax.fori_loop(0, (RPT + N - NS * RPT) // ZR, zdrain, 0)

        plsc.subcore_barrier()

        def drain_idx(b):
            pltpu.make_async_copy(src_hbm.at[pl.ds(0, K)], sidx[b],
                                  semi[b]).wait()
            pltpu.make_async_copy(src_hbm.at[pl.ds(0, K)], didx[b],
                                  semi[b]).wait()

        def issue_gather(bi_, br_):
            pltpu.async_copy(x_hbm.at[sidx[bi_]], rows[br_], semg[br_])

        def drain_rows(sem_arr, b):
            pltpu.make_async_copy(x_hbm.at[pl.ds(0, K)], rows[b],
                                  sem_arr[b]).wait()

        def drain_scatter(b):
            pltpu.make_async_copy(x_hbm.at[pl.ds(0, K)], rows[b % R],
                                  sems).wait()

        def issue_scatter(ch, b):
            if isinstance(ch, int):
                if ch > 0:
                    drain_scatter(b)
            else:
                @pl.when(ch > 0)
                def _():
                    drain_scatter(b)
            pltpu.async_copy(rows[b % R], acc.at[didx[b % NI]], sems,
                             add=True)
            if with_counts:
                pltpu.sync_copy(ones, cnt.at[didx[b % NI]], add=True)

        def step(ch, b):
            bi = (b + IL) % NI
            bg_i = (b + GL) % NI
            bg = (b + GL) % R
            br = b % R

            @pl.when(ch + IL < NCH)
            def _():
                issue_idx(ch + IL, bi)

            @pl.when(ch + GL < NCH)
            def _():
                drain_idx(bg_i)
                issue_gather(bg_i, bg)

            drain_rows(semg, br)
            issue_scatter(ch, b)

        for ch in range(GL):
            drain_idx(ch % NI)
            issue_gather(ch % NI, ch % R)

        def round_(j2, _):
            for b in range(UNROLL):
                step(j2 * UNROLL + b, b)
            return 0
        lax.fori_loop(0, MAIN // UNROLL, round_, 0)
        for ch in range(MAIN, NCH):
            step(ch, ch % UNROLL)

        drain_scatter(0)

        plsc.subcore_barrier()

        @pl.when(cid == 0)
        def _():
            pltpu.sync_copy(acc.at[pl.ds(sid * RPT, RPT)],
                            p0_hbm.at[pl.ds(sid * RPT, RPT)])

            @pl.when(sid == NS - 1)
            def _():
                pltpu.sync_copy(acc.at[pl.ds(NS * RPT, N - NS * RPT)],
                                p0_hbm.at[pl.ds(NS * RPT, N - NS * RPT)])

        @pl.when(cid == 1)
        def _():
            pltpu.sync_copy(acc.at[pl.ds(sid * RPT, RPT)],
                            p1_hbm.at[pl.ds(sid * RPT, RPT)])

            @pl.when(sid == NS - 1)
            def _():
                pltpu.sync_copy(acc.at[pl.ds(NS * RPT, N - NS * RPT)],
                                p1_hbm.at[pl.ds(NS * RPT, N - NS * RPT)])

        if with_counts:
            @pl.when((cid == 0) & (sid < N // CZ))
            def _():
                pltpu.sync_copy(cnt.at[pl.ds(sid * CZ, CZ)], czbuf)
                pltpu.sync_copy(czbuf, c0_hbm.at[pl.ds(sid * CZ, CZ)])

            @pl.when((cid == 1) & (sid < N // CZ))
            def _():
                pltpu.sync_copy(cnt.at[pl.ds(sid * CZ, CZ)], czbuf)
                pltpu.sync_copy(czbuf, c1_hbm.at[pl.ds(sid * CZ, CZ)])

    return pl.kernel(body, out_type=out_type, mesh=mesh, scratch_types=scratch)


_sc_agg_counts = _make_sc_agg(True)
_sc_agg = _make_sc_agg(False)


BLK = 5000


def _tc_body(act, p0, p1, c0, c1, x, wn, ws, b, out):
    c = c0[...] + c1[...]
    s = p0[...] + p1[...]
    mean = s / jnp.maximum(c, 1.0)
    r = (jnp.dot(mean, wn[...], preferred_element_type=jnp.float32)
         + jnp.dot(x[...], ws[...], preferred_element_type=jnp.float32)
         + b[...])
    if act == "relu":
        out[...] = jnp.maximum(r, 0.0)
    else:
        m = jnp.max(r, axis=1, keepdims=True)
        lse = jnp.log(jnp.sum(jnp.exp(r - m), axis=1, keepdims=True)) + m
        out[...] = r - lse


def _tc_layer(p0, p1, c0, c1, x, wn, ws, b, act):
    return pl.pallas_call(
        functools.partial(_tc_body, act),
        grid=(N // BLK,),
        in_specs=[
            pl.BlockSpec((BLK, D), lambda i: (i, 0)),
            pl.BlockSpec((BLK, D), lambda i: (i, 0)),
            pl.BlockSpec((BLK, 1), lambda i: (i, 0)),
            pl.BlockSpec((BLK, 1), lambda i: (i, 0)),
            pl.BlockSpec((BLK, D), lambda i: (i, 0)),
            pl.BlockSpec((D, D), lambda i: (0, 0)),
            pl.BlockSpec((D, D), lambda i: (0, 0)),
            pl.BlockSpec((1, D), lambda i: (0, 0)),
        ],
        out_specs=pl.BlockSpec((BLK, D), lambda i: (i, 0)),
        out_shape=jax.ShapeDtypeStruct((N, D), jnp.float32),
    )(p0, p1, c0, c1, x, wn, ws, b.reshape(1, D))


def kernel(x, edge_index, W_self1, W_neigh1, b1, W_self2, W_neigh2, b2):
    src = edge_index[0].astype(jnp.int32)
    dst = edge_index[1].astype(jnp.int32)

    p0, p1, c0, c1 = _sc_agg_counts(x, src, dst)
    c0 = c0.reshape(N, 1)
    c1 = c1.reshape(N, 1)
    h = _tc_layer(p0, p1, c0, c1, x, W_neigh1, W_self1, b1, "relu")
    q0, q1 = _sc_agg(h, src, dst)
    return _tc_layer(q0, q1, c0, c1, h, W_neigh2, W_self2, b2, "logsoftmax")

# --- scband reference (transcript-rebuilt; emitter-appended) ---
"""Pipeline reference for scband-graph-sage-90460601188537 (READ-ONLY COPY).

The authoritative reference and input builder live on the scoring server;
editing this copy changes nothing except your own understanding.
"""

import jax, jax.numpy as jnp
import numpy as np

N_NODES = 10000
N_EDGES = 320000
D_IN = 128
D_HID = 128
D_OUT = 128


def setup_inputs(seed: int = 0) -> dict:
    key = jax.random.key(seed)
    ks = jax.random.split(key, 9)
    x = jax.random.normal(ks[0], (N_NODES, D_IN), dtype=jnp.float32)
    edge_index = jax.random.randint(ks[1], (2, N_EDGES), 0, N_NODES, dtype=jnp.int64)
    s1 = 1.0 / np.sqrt(D_IN)
    s2 = 1.0 / np.sqrt(D_HID)
    W_self1 = jax.random.uniform(ks[2], (D_IN, D_HID), jnp.float32, -s1, s1)
    W_neigh1 = jax.random.uniform(ks[3], (D_IN, D_HID), jnp.float32, -s1, s1)
    b1 = jax.random.uniform(ks[4], (D_HID,), jnp.float32, -s1, s1)
    W_self2 = jax.random.uniform(ks[5], (D_HID, D_OUT), jnp.float32, -s2, s2)
    W_neigh2 = jax.random.uniform(ks[6], (D_HID, D_OUT), jnp.float32, -s2, s2)
    b2 = jax.random.uniform(ks[7], (D_OUT,), jnp.float32, -s2, s2)
    return {"x": x, "edge_index": edge_index,
            "W_self1": W_self1, "W_neigh1": W_neigh1, "b1": b1,
            "W_self2": W_self2, "W_neigh2": W_neigh2, "b2": b2}


def _sage_conv(x, edge_index, W_self, W_neigh, b):
    src = edge_index[0]
    dst = edge_index[1]
    msgs = jnp.take(x, src, axis=0)
    summed = jax.ops.segment_sum(msgs, dst, num_segments=N_NODES)
    counts = jax.ops.segment_sum(jnp.ones((msgs.shape[0],), dtype=x.dtype), dst, num_segments=N_NODES)
    mean_aggr = summed / jnp.clip(counts, 1.0, None)[:, None]
    return mean_aggr @ W_neigh + x @ W_self + b


def reference(x, edge_index, W_self1, W_neigh1, b1, W_self2, W_neigh2, b2):
    h = _sage_conv(x, edge_index, W_self1, W_neigh1, b1)
    h = jax.nn.relu(h)
    # dropout is identity in eval mode
    out = _sage_conv(h, edge_index, W_self2, W_neigh2, b2)
    return jax.nn.log_softmax(out, axis=1)

if __name__ == "__main__":
    import jax
    _d = setup_inputs()
    print(jax.jit(kernel)(*tuple(_d.values())))

</pallas_src>

<mosaic_0001>
#map = affine_map<(d0, d1) -> (0, 0)>
#map1 = affine_map<(d0, d1) -> (0)>
module attributes {stable_mosaic.version = 14 : i64} {
  func.func @body(%arg0: i32, %arg1: i32, %arg2: memref<10000x128xf32, #tpu.memory_space<hbm>>, %arg3: memref<320000xi32, #tpu.memory_space<hbm>>, %arg4: memref<320000xi32, #tpu.memory_space<hbm>>, %arg5: memref<10000x128xf32, #tpu.memory_space<hbm>>, %arg6: memref<10000x128xf32, #tpu.memory_space<hbm>>, %arg7: memref<10000xf32, #tpu.memory_space<hbm>>, %arg8: memref<10000xf32, #tpu.memory_space<hbm>>, %arg9: memref<80xi32, #tpu.memory_space<vmem>>, %arg10: memref<80xi32, #tpu.memory_space<vmem>>, %arg11: memref<80xi32, #tpu.memory_space<vmem>>, %arg12: memref<80xi32, #tpu.memory_space<vmem>>, %arg13: memref<80xi32, #tpu.memory_space<vmem>>, %arg14: memref<80xi32, #tpu.memory_space<vmem>>, %arg15: memref<80xi32, #tpu.memory_space<vmem>>, %arg16: memref<80xi32, #tpu.memory_space<vmem>>, %arg17: memref<80xi32, #tpu.memory_space<vmem>>, %arg18: memref<80xi32, #tpu.memory_space<vmem>>, %arg19: memref<80xi32, #tpu.memory_space<vmem>>, %arg20: memref<80xi32, #tpu.memory_space<vmem>>, %arg21: memref<80xi32, #tpu.memory_space<vmem>>, %arg22: memref<80xi32, #tpu.memory_space<vmem>>, %arg23: memref<80xi32, #tpu.memory_space<vmem>>, %arg24: memref<80xi32, #tpu.memory_space<vmem>>, %arg25: memref<80x128xf32, #tpu.memory_space<vmem>>, %arg26: memref<80x128xf32, #tpu.memory_space<vmem>>, %arg27: memref<80x128xf32, #tpu.memory_space<vmem>>, %arg28: memref<80x128xf32, #tpu.memory_space<vmem>>, %arg29: memref<16x128xf32, #tpu.memory_space<vmem>>, %arg30: memref<10000x128xf32, #tpu.memory_space<vmem_shared>>, %arg31: memref<!tpu.dma_semaphore, #tpu.memory_space<semaphore_mem>>, %arg32: memref<!tpu.dma_semaphore, #tpu.memory_space<semaphore_mem>>, %arg33: memref<!tpu.dma_semaphore, #tpu.memory_space<semaphore_mem>>, %arg34: memref<!tpu.dma_semaphore, #tpu.memory_space<semaphore_mem>>, %arg35: memref<!tpu.dma_semaphore, #tpu.memory_space<semaphore_mem>>, %arg36: memref<!tpu.dma_semaphore, #tpu.memory_space<semaphore_mem>>, %arg37: memref<!tpu.dma_semaphore, #tpu.memory_space<semaphore_mem>>, %arg38: memref<!tpu.dma_semaphore, #tpu.memory_space<semaphore_mem>>, %arg39: memref<!tpu.dma_semaphore, #tpu.memory_space<semaphore_mem>>, %arg40: memref<!tpu.dma_semaphore, #tpu.memory_space<semaphore_mem>>, %arg41: memref<!tpu.dma_semaphore, #tpu.memory_space<semaphore_mem>>, %arg42: memref<!tpu.dma_semaphore, #tpu.memory_space<semaphore_mem>>, %arg43: memref<!tpu.dma_semaphore, #tpu.memory_space<semaphore_mem>>, %arg44: memref<!tpu.dma_semaphore, #tpu.memory_space<semaphore_mem>>, %arg45: memref<80xf32, #tpu.memory_space<vmem>>, %arg46: memref<2000xf32, #tpu.memory_space<vmem>>, %arg47: memref<10000xf32, #tpu.memory_space<vmem_shared>>) attributes {dimension_semantics = [#tpu.dimension_semantics<core_parallel>, #tpu.dimension_semantics<subcore_parallel>], iteration_bounds = array<i64: 2, 16>, scalar_prefetch = 0 : i64, scratch_operands = 39 : i64, tpu.core_type = #tpu.core_type<sc_vector_subcore>, window_params = [{transform_indices = #map}, {transform_indices = #map1}, {transform_indices = #map1}, {transform_indices = #map}, {transform_indices = #map}, {transform_indices = #map1}, {transform_indices = #map1}]} {
    %mul3A = arith.constant 2 : i32
    %mul3A_0 = arith.muli %arg1, %mul3A : i32
    %add3A = arith.addi %mul3A_0, %arg0 : i32
    %mul3A_1 = arith.constant 10000 : i32
    %mul3A_2 = arith.muli %add3A, %mul3A_1 : i32
    %add3A_3 = arith.constant 0 : i32
    %add3A_4 = arith.addi %mul3A_2, %add3A_3 : i32
    %dma_start3A = tpu.memref_slice %arg3[%add3A_4] : memref<320000xi32, #tpu.memory_space<hbm>> -> memref<80xi32, #tpu.memory_space<hbm>>
    %dma_start3A_5 = tpu.memref_slice %arg3[%add3A_4] : memref<320000xi32, #tpu.memory_space<hbm>> -> memref<80xi32, #tpu.memory_space<hbm>>
    tpu.enqueue_dma source(%dma_start3A_5 : memref<80xi32, #tpu.memory_space<hbm>>) target(%arg9 : memref<80xi32, #tpu.memory_space<vmem>>) target_semaphore(%arg31 : memref<!tpu.dma_semaphore, #tpu.memory_space<semaphore_mem>>)
    %dma_start3A_6 = tpu.memref_slice %arg4[%add3A_4] : memref<320000xi32, #tpu.memory_space<hbm>> -> memref<80xi32, #tpu.memory_space<hbm>>
    %dma_start3A_7 = tpu.memref_slice %arg4[%add3A_4] : memref<320000xi32, #tpu.memory_space<hbm>> -> memref<80xi32, #tpu.memory_space<hbm>>
    tpu.enqueue_dma source(%dma_start3A_7 : memref<80xi32, #tpu.memory_space<hbm>>) target(%arg17 : memref<80xi32, #tpu.memory_space<vmem>>) target_semaphore(%arg31 : memref<!tpu.dma_semaphore, #tpu.memory_space<semaphore_mem>>)
    %add3A_8 = arith.constant 80 : i32
    %add3A_9 = arith.addi %mul3A_2, %add3A_8 : i32
    %dma_start3A_10 = tpu.memref_slice %arg3[%add3A_9] : memref<320000xi32, #tpu.memory_space<hbm>> -> memref<80xi32, #tpu.memory_space<hbm>>
    %dma_start3A_11 = tpu.memref_slice %arg3[%add3A_9] : memref<320000xi32, #tpu.memory_space<hbm>> -> memref<80xi32, #tpu.memory_space<hbm>>
    tpu.enqueue_dma source(%dma_start3A_11 : memref<80xi32, #tpu.memory_space<hbm>>) target(%arg10 : memref<80xi32, #tpu.memory_space<vmem>>) target_semaphore(%arg32 : memref<!tpu.dma_semaphore, #tpu.memory_space<semaphore_mem>>)
    %dma_start3A_12 = tpu.memref_slice %arg4[%add3A_9] : memref<320000xi32, #tpu.memory_space<hbm>> -> memref<80xi32, #tpu.memory_space<hbm>>
    %dma_start3A_13 = tpu.memref_slice %arg4[%add3A_9] : memref<320000xi32, #tpu.memory_space<hbm>> -> memref<80xi32, #tpu.memory_space<hbm>>
    tpu.enqueue_dma source(%dma_start3A_13 : memref<80xi32, #tpu.memory_space<hbm>>) target(%arg18 : memref<80xi32, #tpu.memory_space<vmem>>) target_semaphore(%arg32 : memref<!tpu.dma_semaphore, #tpu.memory_space<semaphore_mem>>)
    %add3A_14 = arith.constant 160 : i32
    %add3A_15 = arith.addi %mul3A_2, %add3A_14 : i32
    %dma_start3A_16 = tpu.memref_slice %arg3[%add3A_15] : memref<320000xi32, #tpu.memory_space<hbm>> -> memref<80xi32, #tpu.memory_space<hbm>>
    %dma_start3A_17 = tpu.memref_slice %arg3[%add3A_15] : memref<320000xi32, #tpu.memory_space<hbm>> -> memref<80xi32, #tpu.memory_space<hbm>>
    tpu.enqueue_dma source(%dma_start3A_17 : memref<80xi32, #tpu.memory_space<hbm>>) target(%arg11 : memref<80xi32, #tpu.memory_space<vmem>>) target_semaphore(%arg33 : memref<!tpu.dma_semaphore, #tpu.memory_space<semaphore_mem>>)
    %dma_start3A_18 = tpu.memref_slice %arg4[%add3A_15] : memref<320000xi32, #tpu.memory_space<hbm>> -> memref<80xi32, #tpu.memory_space<hbm>>
    %dma_start3A_19 = tpu.memref_slice %arg4[%add3A_15] : memref<320000xi32, #tpu.memory_space<hbm>> -> memref<80xi32, #tpu.memory_space<hbm>>
    tpu.enqueue_dma source(%dma_start3A_19 : memref<80xi32, #tpu.memory_space<hbm>>) target(%arg19 : memref<80xi32, #tpu.memory_space<vmem>>) target_semaphore(%arg33 : memref<!tpu.dma_semaphore, #tpu.memory_space<semaphore_mem>>)
    %add3A_20 = arith.constant 240 : i32
    %add3A_21 = arith.addi %mul3A_2, %add3A_20 : i32
    %dma_start3A_22 = tpu.memref_slice %arg3[%add3A_21] : memref<320000xi32, #tpu.memory_space<hbm>> -> memref<80xi32, #tpu.memory_space<hbm>>
    %dma_start3A_23 = tpu.memref_slice %arg3[%add3A_21] : memref<320000xi32, #tpu.memory_space<hbm>> -> memref<80xi32, #tpu.memory_space<hbm>>
    tpu.enqueue_dma source(%dma_start3A_23 : memref<80xi32, #tpu.memory_space<hbm>>) target(%arg12 : memref<80xi32, #tpu.memory_space<vmem>>) target_semaphore(%arg34 : memref<!tpu.dma_semaphore, #tpu.memory_space<semaphore_mem>>)
    %dma_start3A_24 = tpu.memref_slice %arg4[%add3A_21] : memref<320000xi32, #tpu.memory_space<hbm>> -> memref<80xi32, #tpu.memory_space<hbm>>
    %dma_start3A_25 = tpu.memref_slice %arg4[%add3A_21] : memref<320000xi32, #tpu.memory_space<hbm>> -> memref<80xi32, #tpu.memory_space<hbm>>
    tpu.enqueue_dma source(%dma_start3A_25 : memref<80xi32, #tpu.memory_space<hbm>>) target(%arg20 : memref<80xi32, #tpu.memory_space<vmem>>) target_semaphore(%arg34 : memref<!tpu.dma_semaphore, #tpu.memory_space<semaphore_mem>>)
    %add3A_26 = arith.constant 320 : i32
    %add3A_27 = arith.addi %mul3A_2, %add3A_26 : i32
    %dma_start3A_28 = tpu.memref_slice %arg3[%add3A_27] : memref<320000xi32, #tpu.memory_space<hbm>> -> memref<80xi32, #tpu.memory_space<hbm>>
    %dma_start3A_29 = tpu.memref_slice %arg3[%add3A_27] : memref<320000xi32, #tpu.memory_space<hbm>> -> memref<80xi32, #tpu.memory_space<hbm>>
    tpu.enqueue_dma source(%dma_start3A_29 : memref<80xi32, #tpu.memory_space<hbm>>) target(%arg13 : memref<80xi32, #tpu.memory_space<vmem>>) target_semaphore(%arg35 : memref<!tpu.dma_semaphore, #tpu.memory_space<semaphore_mem>>)
    %dma_start3A_30 = tpu.memref_slice %arg4[%add3A_27] : memref<320000xi32, #tpu.memory_space<hbm>> -> memref<80xi32, #tpu.memory_space<hbm>>
    %dma_start3A_31 = tpu.memref_slice %arg4[%add3A_27] : memref<320000xi32, #tpu.memory_space<hbm>> -> memref<80xi32, #tpu.memory_space<hbm>>
    tpu.enqueue_dma source(%dma_start3A_31 : memref<80xi32, #tpu.memory_space<hbm>>) target(%arg21 : memref<80xi32, #tpu.memory_space<vmem>>) target_semaphore(%arg35 : memref<!tpu.dma_semaphore, #tpu.memory_space<semaphore_mem>>)
    %add3A_32 = arith.constant 400 : i32
    %add3A_33 = arith.addi %mul3A_2, %add3A_32 : i32
    %dma_start3A_34 = tpu.memref_slice %arg3[%add3A_33] : memref<320000xi32, #tpu.memory_space<hbm>> -> memref<80xi32, #tpu.memory_space<hbm>>
    %dma_start3A_35 = tpu.memref_slice %arg3[%add3A_33] : memref<320000xi32, #tpu.memory_space<hbm>> -> memref<80xi32, #tpu.memory_space<hbm>>
    tpu.enqueue_dma source(%dma_start3A_35 : memref<80xi32, #tpu.memory_space<hbm>>) target(%arg14 : memref<80xi32, #tpu.memory_space<vmem>>) target_semaphore(%arg36 : memref<!tpu.dma_semaphore, #tpu.memory_space<semaphore_mem>>)
    %dma_start3A_36 = tpu.memref_slice %arg4[%add3A_33] : memref<320000xi32, #tpu.memory_space<hbm>> -> memref<80xi32, #tpu.memory_space<hbm>>
    %dma_start3A_37 = tpu.memref_slice %arg4[%add3A_33] : memref<320000xi32, #tpu.memory_space<hbm>> -> memref<80xi32, #tpu.memory_space<hbm>>
    tpu.enqueue_dma source(%dma_start3A_37 : memref<80xi32, #tpu.memory_space<hbm>>) target(%arg22 : memref<80xi32, #tpu.memory_space<vmem>>) target_semaphore(%arg36 : memref<!tpu.dma_semaphore, #tpu.memory_space<semaphore_mem>>)
    %scan3A = arith.constant 0 : i32
    %scan3A_38 = arith.constant 0 : i32
    %scan3A_39 = arith.constant 128 : i32
    %scan3A_40 = arith.addi %scan3A_38, %scan3A_39 : i32
    %scan3A_41 = arith.constant 1 : i32
    %scan3A_42 = scf.for %scan3A_262 = %scan3A_38 to %scan3A_40 step %scan3A_41 iter_args(%scan3A_263 = %scan3A) -> (i32)  : i32 {
      %jit3A = arith.constant 8 : i32
      %div3A = arith.divsi %scan3A_262, %jit3A : i32
      %sign3A = arith.constant 0 : i32
      %sign3A_264 = arith.cmpi sgt, %scan3A_262, %sign3A : i32
      %sign3A_265 = arith.extui %sign3A_264 : i1 to i32
      %sign3A_266 = arith.constant 0 : i32
      %sign3A_267 = arith.cmpi slt, %scan3A_262, %sign3A_266 : i32
      %sign3A_268 = arith.extui %sign3A_267 : i1 to i32
      %sign3A_269 = arith.subi %sign3A_265, %sign3A_268 : i32
      %sign3A_270 = arith.constant 0 : i32
      %sign3A_271 = arith.cmpi sgt, %jit3A, %sign3A_270 : i32
      %sign3A_272 = arith.extui %sign3A_271 : i1 to i32
      %sign3A_273 = arith.constant 0 : i32
      %sign3A_274 = arith.cmpi slt, %jit3A, %sign3A_273 : i32
      %sign3A_275 = arith.extui %sign3A_274 : i1 to i32
      %sign3A_276 = arith.subi %sign3A_272, %sign3A_275 : i32
      %ne3A = arith.cmpi ne, %sign3A_269, %sign3A_276 : i32
      %rem3A = arith.remsi %scan3A_262, %jit3A : i32
      %ne3A_277 = arith.constant 0 : i32
      %ne3A_278 = arith.cmpi ne, %rem3A, %ne3A_277 : i32
      %and3A_279 = arith.andi %ne3A, %ne3A_278 : i1
      %sub3A = arith.constant 1 : i32
      %sub3A_280 = arith.subi %div3A, %sub3A : i32
      %select_n3A = arith.select %and3A_279, %sub3A_280, %div3A : i32
      %jit3A_281 = arith.constant 8 : i32
      %eq3A_282 = arith.constant 0 : i32
      %eq3A_283 = arith.cmpi eq, %jit3A_281, %eq3A_282 : i32
      %jit3A_284 = arith.constant 1 : i32
      %select_n3A_285 = arith.select %eq3A_283, %jit3A_284, %jit3A_281 : i32
      %rem3A_286 = arith.remsi %scan3A_262, %select_n3A_285 : i32
      %ne3A_287 = arith.constant 0 : i32
      %ne3A_288 = arith.cmpi ne, %rem3A_286, %ne3A_287 : i32
      %lt3A_289 = arith.constant 0 : i32
      %lt3A_290 = arith.cmpi slt, %rem3A_286, %lt3A_289 : i32
      %lt3A_291 = arith.constant 0 : i32
      %lt3A_292 = arith.cmpi slt, %select_n3A_285, %lt3A_291 : i32
      %ne3A_293 = arith.xori %lt3A_290, %lt3A_292 : i1
      %and3A_294 = arith.andi %ne3A_293, %ne3A_288 : i1
      %add3A_295 = arith.addi %rem3A_286, %select_n3A_285 : i32
      %select_n3A_296 = arith.select %and3A_294, %add3A_295, %rem3A_286 : i32
      %mul3A_297 = arith.constant 16 : i32
      %mul3A_298 = arith.muli %select_n3A_296, %mul3A_297 : i32
      %broadcast_in_dim3A_299 = arith.constant 0.000000e+00 : f32
      %broadcast_in_dim3A_300 = vector.broadcast %broadcast_in_dim3A_299 : f32 to vector<16xf32>
      %swap3A_301 = arith.index_cast %select_n3A : i32 to index
      %swap3A_302 = arith.index_cast %mul3A_298 : i32 to index
      %swap3A_303 = tpu.vector_load %arg29[%swap3A_301, %swap3A_302] {strides = array<i32>} : memref<16x128xf32, #tpu.memory_space<vmem>>, vector<1x16xf32>,
      %swap3A_304 = vector.shape_cast %swap3A_303 : vector<1x16xf32> to vector<16xf32>
      %swap3A_305 = vector.shape_cast %broadcast_in_dim3A_300 : vector<16xf32> to vector<1x16xf32>
      tpu.vector_store %arg29[%swap3A_301, %swap3A_302], %swap3A_305 {strides = array<i32>} : memref<16x128xf32, #tpu.memory_space<vmem>>, vector<1x16xf32>,
      %scan3A_306 = arith.constant 0 : i32
      scf.yield %scan3A_306 : i32
    }
    %scan3A_43 = arith.constant 128 : i32
    %scan3A_44 = arith.constant 0 : i32
    %scan3A_45 = arith.constant 0 : i32
    %scan3A_46 = arith.constant 40 : i32
    %scan3A_47 = arith.addi %scan3A_45, %scan3A_46 : i32
    %scan3A_48 = arith.constant 1 : i32
    %scan3A_49 = scf.for %scan3A_262 = %scan3A_45 to %scan3A_47 step %scan3A_48 iter_args(%scan3A_263 = %scan3A_44) -> (i32)  : i32 {
      %mul3A_264 = arith.constant 624 : i32
      %mul3A_265 = arith.muli %arg1, %mul3A_264 : i32
      %mul3A_266 = arith.constant 16 : i32
      %mul3A_267 = arith.muli %scan3A_262, %mul3A_266 : i32
      %add3A_268 = arith.addi %mul3A_265, %mul3A_267 : i32
      %dma_start3A_269 = arith.constant 0 : i32
      %dma_start3A_270 = tpu.memref_slice %arg30[%add3A_268, %dma_start3A_269] : memref<10000x128xf32, #tpu.memory_space<vmem_shared>> -> memref<16x128xf32, #tpu.memory_space<vmem_shared>>
      %dma_start3A_271 = arith.constant 0 : i32
      %dma_start3A_272 = tpu.memref_slice %arg30[%add3A_268, %dma_start3A_271] : memref<10000x128xf32, #tpu.memory_space<vmem_shared>> -> memref<16x128xf32, #tpu.memory_space<vmem_shared>>
      tpu.enqueue_dma source(%arg29 : memref<16x128xf32, #tpu.memory_space<vmem>>) target(%dma_start3A_272 : memref<16x128xf32, #tpu.memory_space<vmem_shared>>) target_semaphore(%arg44 : memref<!tpu.dma_semaphore, #tpu.memory_space<semaphore_mem>>)
      %scan3A_273 = arith.constant 0 : i32
      scf.yield %scan3A_273 : i32
    }
    %scan3A_50 = arith.constant 40 : i32
    %broadcast_in_dim3A = arith.constant 1.000000e+00 : f32
    %broadcast_in_dim3A_51 = vector.broadcast %broadcast_in_dim3A : f32 to vector<16xf32>
    %swap3A = arith.constant 0 : index
    %swap3A_52 = tpu.vector_load %arg45[%swap3A] {strides = array<i32>} : memref<80xf32, #tpu.memory_space<vmem>>, vector<16xf32>,
    %swap3A_53 = vector.shape_cast %swap3A_52 : vector<16xf32> to vector<16xf32>
    %swap3A_54 = vector.shape_cast %broadcast_in_dim3A_51 : vector<16xf32> to vector<16xf32>
    tpu.vector_store %arg45[%swap3A], %swap3A_54 {strides = array<i32>} : memref<80xf32, #tpu.memory_space<vmem>>, vector<16xf32>,
    %broadcast_in_dim3A_55 = arith.constant 1.000000e+00 : f32
    %broadcast_in_dim3A_56 = vector.broadcast %broadcast_in_dim3A_55 : f32 to vector<16xf32>
    %swap3A_57 = arith.constant 16 : index
    %swap3A_58 = tpu.vector_load %arg45[%swap3A_57] {strides = array<i32>} : memref<80xf32, #tpu.memory_space<vmem>>, vector<16xf32>,
    %swap3A_59 = vector.shape_cast %swap3A_58 : vector<16xf32> to vector<16xf32>
    %swap3A_60 = vector.shape_cast %broadcast_in_dim3A_56 : vector<16xf32> to vector<16xf32>
    tpu.vector_store %arg45[%swap3A_57], %swap3A_60 {strides = array<i32>} : memref<80xf32, #tpu.memory_space<vmem>>, vector<16xf32>,
    %broadcast_in_dim3A_61 = arith.constant 1.000000e+00 : f32
    %broadcast_in_dim3A_62 = vector.broadcast %broadcast_in_dim3A_61 : f32 to vector<16xf32>
    %swap3A_63 = arith.constant 32 : index
    %swap3A_64 = tpu.vector_load %arg45[%swap3A_63] {strides = array<i32>} : memref<80xf32, #tpu.memory_space<vmem>>, vector<16xf32>,
    %swap3A_65 = vector.shape_cast %swap3A_64 : vector<16xf32> to vector<16xf32>
    %swap3A_66 = vector.shape_cast %broadcast_in_dim3A_62 : vector<16xf32> to vector<16xf32>
    tpu.vector_store %arg45[%swap3A_63], %swap3A_66 {strides = array<i32>} : memref<80xf32, #tpu.memory_space<vmem>>, vector<16xf32>,
    %broadcast_in_dim3A_67 = arith.constant 1.000000e+00 : f32
    %broadcast_in_dim3A_68 = vector.broadcast %broadcast_in_dim3A_67 : f32 to vector<16xf32>
    %swap3A_69 = arith.constant 48 : index
    %swap3A_70 = tpu.vector_load %arg45[%swap3A_69] {strides = array<i32>} : memref<80xf32, #tpu.memory_space<vmem>>, vector<16xf32>,
    %swap3A_71 = vector.shape_cast %swap3A_70 : vector<16xf32> to vector<16xf32>
    %swap3A_72 = vector.shape_cast %broadcast_in_dim3A_68 : vector<16xf32> to vector<16xf32>
    tpu.vector_store %arg45[%swap3A_69], %swap3A_72 {strides = array<i32>} : memref<80xf32, #tpu.memory_space<vmem>>, vector<16xf32>,
    %broadcast_in_dim3A_73 = arith.constant 1.000000e+00 : f32
    %broadcast_in_dim3A_74 = vector.broadcast %broadcast_in_dim3A_73 : f32 to vector<16xf32>
    %swap3A_75 = arith.constant 64 : index
    %swap3A_76 = tpu.vector_load %arg45[%swap3A_75] {strides = array<i32>} : memref<80xf32, #tpu.memory_space<vmem>>, vector<16xf32>,
    %swap3A_77 = vector.shape_cast %swap3A_76 : vector<16xf32> to vector<16xf32>
    %swap3A_78 = vector.shape_cast %broadcast_in_dim3A_74 : vector<16xf32> to vector<16xf32>
    tpu.vector_store %arg45[%swap3A_75], %swap3A_78 {strides = array<i32>} : memref<80xf32, #tpu.memory_space<vmem>>, vector<16xf32>,
    %scan3A_79 = arith.constant 0 : i32
    %scan3A_80 = arith.constant 0 : i32
    %scan3A_81 = arith.constant 125 : i32
    %scan3A_82 = arith.addi %scan3A_80, %scan3A_81 : i32
    %scan3A_83 = arith.constant 1 : i32
    %scan3A_84 = scf.for %scan3A_262 = %scan3A_80 to %scan3A_82 step %scan3A_83 iter_args(%scan3A_263 = %scan3A_79) -> (i32)  : i32 {
      %broadcast_in_dim3A_264 = arith.constant 0.000000e+00 : f32
      %broadcast_in_dim3A_265 = vector.broadcast %broadcast_in_dim3A_264 : f32 to vector<16xf32>
      %mul3A_266 = arith.constant 16 : i32
      %mul3A_267 = arith.muli %scan3A_262, %mul3A_266 : i32
      %swap3A_268 = arith.index_cast %mul3A_267 : i32 to index
      %swap3A_269 = tpu.vector_load %arg46[%swap3A_268] {strides = array<i32>} : memref<2000xf32, #tpu.memory_space<vmem>>, vector<16xf32>,
      %swap3A_270 = vector.shape_cast %swap3A_269 : vector<16xf32> to vector<16xf32>
      %swap3A_271 = vector.shape_cast %broadcast_in_dim3A_265 : vector<16xf32> to vector<16xf32>
      tpu.vector_store %arg46[%swap3A_268], %swap3A_271 {strides = array<i32>} : memref<2000xf32, #tpu.memory_space<vmem>>, vector<16xf32>,
      %scan3A_272 = arith.constant 0 : i32
      scf.yield %scan3A_272 : i32
    }
    %scan3A_85 = arith.constant 125 : i32
    %lt3A = arith.constant 5 : i32
    %lt3A_86 = arith.cmpi slt, %arg1, %lt3A : i32
    %convert_element_type3A = arith.extui %lt3A_86 : i1 to i32
    %cond3A = arith.constant 0 : i32
    %cond3A_87 = arith.cmpi ne, %convert_element_type3A, %cond3A : i32
    scf.if %cond3A_87 {
      %mul3A_262 = arith.constant 2000 : i32
      %mul3A_263 = arith.muli %arg1, %mul3A_262 : i32
      "tpu.region"() ({
        %run_scoped3A = tpu.sem_alloc : memref<!tpu.dma_semaphore, #tpu.memory_space<semaphore_mem>>
        %dma_start3A_264 = tpu.memref_slice %arg47[%mul3A_263] : memref<10000xf32, #tpu.memory_space<vmem_shared>> -> memref<2000xf32, #tpu.memory_space<vmem_shared>>
        %dma_start3A_265 = tpu.memref_slice %arg47[%mul3A_263] : memref<10000xf32, #tpu.memory_space<vmem_shared>> -> memref<2000xf32, #tpu.memory_space<vmem_shared>>
        tpu.enqueue_dma source(%arg46 : memref<2000xf32, #tpu.memory_space<vmem>>) target(%dma_start3A_265 : memref<2000xf32, #tpu.memory_space<vmem_shared>>) target_semaphore(%run_scoped3A : memref<!tpu.dma_semaphore, #tpu.memory_space<semaphore_mem>>)
        %dma_wait3A_266 = tpu.memref_slice %arg47[%mul3A_263] : memref<10000xf32, #tpu.memory_space<vmem_shared>> -> memref<2000xf32, #tpu.memory_space<vmem_shared>>
        %dma_wait3A_267 = tpu.memref_slice %arg47[%mul3A_263] : memref<10000xf32, #tpu.memory_space<vmem_shared>> -> memref<2000xf32, #tpu.memory_space<vmem_shared>>
        tpu.wait_dma2 semaphore(%run_scoped3A : memref<!tpu.dma_semaphore, #tpu.memory_space<semaphore_mem>>) src(%arg46 : memref<2000xf32, #tpu.memory_space<vmem>>) dst(%dma_wait3A_267 : memref<2000xf32, #tpu.memory_space<vmem_shared>>)
        tpu.yield
      }) : () -> ()
    } else {
    }
    %scan3A_88 = arith.constant 0 : i32
    %scan3A_89 = arith.constant 0 : i32
    %scan3A_90 = arith.constant 40 : i32
    %scan3A_91 = arith.addi %scan3A_89, %scan3A_90 : i32
    %scan3A_92 = arith.constant 1 : i32
    %scan3A_93 = scf.for %scan3A_262 = %scan3A_89 to %scan3A_91 step %scan3A_92 iter_args(%scan3A_263 = %scan3A_88) -> (i32)  : i32 {
      %dma_wait3A_264 = arith.constant 0 : i32
      %dma_wait3A_265 = arith.constant 0 : i32
      %dma_wait3A_266 = tpu.memref_slice %arg2[%dma_wait3A_264, %dma_wait3A_265] : memref<10000x128xf32, #tpu.memory_space<hbm>> -> memref<16x128xf32, #tpu.memory_space<hbm>>
      %dma_wait3A_267 = arith.constant 0 : i32
      %dma_wait3A_268 = arith.constant 0 : i32
      %dma_wait3A_269 = tpu.memref_slice %arg2[%dma_wait3A_267, %dma_wait3A_268] : memref<10000x128xf32, #tpu.memory_space<hbm>> -> memref<16x128xf32, #tpu.memory_space<hbm>>
      tpu.wait_dma2 semaphore(%arg44 : memref<!tpu.dma_semaphore, #tpu.memory_space<semaphore_mem>>) src(%dma_wait3A_269 : memref<16x128xf32, #tpu.memory_space<hbm>>) dst(%arg29 : memref<16x128xf32, #tpu.memory_space<vmem>>)
      %scan3A_270 = arith.constant 0 : i32
      scf.yield %scan3A_270 : i32
    }
    %scan3A_94 = arith.constant 40 : i32
    %barrier3A = arith.constant 0 : index
    tpu.barrier barrier_id(%barrier3A)
    %dma_wait3A = arith.constant 0 : i32
    %dma_wait3A_95 = tpu.memref_slice %arg3[%dma_wait3A] : memref<320000xi32, #tpu.memory_space<hbm>> -> memref<80xi32, #tpu.memory_space<hbm>>
    %dma_wait3A_96 = arith.constant 0 : i32
    %dma_wait3A_97 = tpu.memref_slice %arg3[%dma_wait3A_96] : memref<320000xi32, #tpu.memory_space<hbm>> -> memref<80xi32, #tpu.memory_space<hbm>>
    tpu.wait_dma2 semaphore(%arg31 : memref<!tpu.dma_semaphore, #tpu.memory_space<semaphore_mem>>) src(%dma_wait3A_97 : memref<80xi32, #tpu.memory_space<hbm>>) dst(%arg9 : memref<80xi32, #tpu.memory_space<vmem>>)
    %dma_wait3A_98 = arith.constant 0 : i32
    %dma_wait3A_99 = tpu.memref_slice %arg3[%dma_wait3A_98] : memref<320000xi32, #tpu.memory_space<hbm>> -> memref<80xi32, #tpu.memory_space<hbm>>
    %dma_wait3A_100 = arith.constant 0 : i32
    %dma_wait3A_101 = tpu.memref_slice %arg3[%dma_wait3A_100] : memref<320000xi32, #tpu.memory_space<hbm>> -> memref<80xi32, #tpu.memory_space<hbm>>
    tpu.wait_dma2 semaphore(%arg31 : memref<!tpu.dma_semaphore, #tpu.memory_space<semaphore_mem>>) src(%dma_wait3A_101 : memref<80xi32, #tpu.memory_space<hbm>>) dst(%arg17 : memref<80xi32, #tpu.memory_space<vmem>>)
    %dma_start3A_102 = arith.constant 0 : i32
    %dma_start3A_103 = arith.constant 0 : i32
    %dma_start3A_104 = tpu.memref_slice %arg2[%dma_start3A_102, %dma_start3A_103] : memref<10000x128xf32, #tpu.memory_space<hbm>> -> memref<10000x128xf32, #tpu.memory_space<hbm>>
    tpu.enqueue_indirect_dma source(%dma_start3A_104 : memref<10000x128xf32, #tpu.memory_space<hbm>>) target(%arg25 : memref<80x128xf32, #tpu.memory_space<vmem>>) offsets(%arg9 : memref<80xi32, #tpu.memory_space<vmem>>) semaphore(%arg39 : memref<!tpu.dma_semaphore, #tpu.memory_space<semaphore_mem>>)
    %dma_wait3A_105 = arith.constant 0 : i32
    %dma_wait3A_106 = tpu.memref_slice %arg3[%dma_wait3A_105] : memref<320000xi32, #tpu.memory_space<hbm>> -> memref<80xi32, #tpu.memory_space<hbm>>
    %dma_wait3A_107 = arith.constant 0 : i32
    %dma_wait3A_108 = tpu.memref_slice %arg3[%dma_wait3A_107] : memref<320000xi32, #tpu.memory_space<hbm>> -> memref<80xi32, #tpu.memory_space<hbm>>
    tpu.wait_dma2 semaphore(%arg32 : memref<!tpu.dma_semaphore, #tpu.memory_space<semaphore_mem>>) src(%dma_wait3A_108 : memref<80xi32, #tpu.memory_space<hbm>>) dst(%arg10 : memref<80xi32, #tpu.memory_space<vmem>>)
    %dma_wait3A_109 = arith.constant 0 : i32
    %dma_wait3A_110 = tpu.memref_slice %arg3[%dma_wait3A_109] : memref<320000xi32, #tpu.memory_space<hbm>> -> memref<80xi32, #tpu.memory_space<hbm>>
    %dma_wait3A_111 = arith.constant 0 : i32
    %dma_wait3A_112 = tpu.memref_slice %arg3[%dma_wait3A_111] : memref<320000xi32, #tpu.memory_space<hbm>> -> memref<80xi32, #tpu.memory_space<hbm>>
    tpu.wait_dma2 semaphore(%arg32 : memref<!tpu.dma_semaphore, #tpu.memory_space<semaphore_mem>>) src(%dma_wait3A_112 : memref<80xi32, #tpu.memory_space<hbm>>) dst(%arg18 : memref<80xi32, #tpu.memory_space<vmem>>)
    %dma_start3A_113 = arith.constant 0 : i32
    %dma_start3A_114 = arith.constant 0 : i32
    %dma_start3A_115 = tpu.memref_slice %arg2[%dma_start3A_113, %dma_start3A_114] : memref<10000x128xf32, #tpu.memory_space<hbm>> -> memref<10000x128xf32, #tpu.memory_space<hbm>>
    tpu.enqueue_indirect_dma source(%dma_start3A_115 : memref<10000x128xf32, #tpu.memory_space<hbm>>) target(%arg26 : memref<80x128xf32, #tpu.memory_space<vmem>>) offsets(%arg10 : memref<80xi32, #tpu.memory_space<vmem>>) semaphore(%arg40 : memref<!tpu.dma_semaphore, #tpu.memory_space<semaphore_mem>>)
    %scan3A_116 = arith.constant 0 : i32
    %scan3A_117 = arith.constant 0 : i32
    %scan3A_118 = arith.constant 15 : i32
    %scan3A_119 = arith.addi %scan3A_117, %scan3A_118 : i32
    %scan3A_120 = arith.constant 1 : i32
    %scan3A_121 = scf.for %scan3A_262 = %scan3A_117 to %scan3A_119 step %scan3A_120 iter_args(%scan3A_263 = %scan3A_116) -> (i32)  : i32 {
      %mul3A_264 = arith.constant 8 : i32
      %mul3A_265 = arith.muli %scan3A_262, %mul3A_264 : i32
      %add3A_266 = arith.constant 0 : i32
      %add3A_267 = arith.addi %mul3A_265, %add3A_266 : i32
      %add3A_268 = arith.constant 6 : i32
      %add3A_269 = arith.addi %add3A_267, %add3A_268 : i32
      %lt3A_270 = arith.constant 125 : i32
      %lt3A_271 = arith.cmpi slt, %add3A_269, %lt3A_270 : i32
      %convert_element_type3A_272 = arith.extui %lt3A_271 : i1 to i32
      %cond3A_273 = arith.constant 0 : i32
      %cond3A_274 = arith.cmpi ne, %convert_element_type3A_272, %cond3A_273 : i32
      scf.if %cond3A_274 {
        %add3A_520 = arith.constant 6 : i32
        %add3A_521 = arith.addi %add3A_267, %add3A_520 : i32
        %mul3A_522 = arith.constant 80 : i32
        %mul3A_523 = arith.muli %add3A_521, %mul3A_522 : i32
        %add3A_524 = arith.addi %mul3A_2, %mul3A_523 : i32
        %dma_start3A_525 = tpu.memref_slice %arg3[%add3A_524] : memref<320000xi32, #tpu.memory_space<hbm>> -> memref<80xi32, #tpu.memory_space<hbm>>
        %dma_start3A_526 = tpu.memref_slice %arg3[%add3A_524] : memref<320000xi32, #tpu.memory_space<hbm>> -> memref<80xi32, #tpu.memory_space<hbm>>
        tpu.enqueue_dma source(%dma_start3A_526 : memref<80xi32, #tpu.memory_space<hbm>>) target(%arg15 : memref<80xi32, #tpu.memory_space<vmem>>) target_semaphore(%arg37 : memref<!tpu.dma_semaphore, #tpu.memory_space<semaphore_mem>>)
        %dma_start3A_527 = tpu.memref_slice %arg4[%add3A_524] : memref<320000xi32, #tpu.memory_space<hbm>> -> memref<80xi32, #tpu.memory_space<hbm>>
        %dma_start3A_528 = tpu.memref_slice %arg4[%add3A_524] : memref<320000xi32, #tpu.memory_space<hbm>> -> memref<80xi32, #tpu.memory_space<hbm>>
        tpu.enqueue_dma source(%dma_start3A_528 : memref<80xi32, #tpu.memory_space<hbm>>) target(%arg23 : memref<80xi32, #tpu.memory_space<vmem>>) target_semaphore(%arg37 : memref<!tpu.dma_semaphore, #tpu.memory_space<semaphore_mem>>)
      } else {
      }
      %add3A_275 = arith.constant 2 : i32
      %add3A_276 = arith.addi %add3A_267, %add3A_275 : i32
      %lt3A_277 = arith.constant 125 : i32
      %lt3A_278 = arith.cmpi slt, %add3A_276, %lt3A_277 : i32
      %convert_element_type3A_279 = arith.extui %lt3A_278 : i1 to i32
      %cond3A_280 = arith.constant 0 : i32
      %cond3A_281 = arith.cmpi ne, %convert_element_type3A_279, %cond3A_280 : i32
      scf.if %cond3A_281 {
        %dma_wait3A_520 = arith.constant 0 : i32
        %dma_wait3A_521 = tpu.memref_slice %arg3[%dma_wait3A_520] : memref<320000xi32, #tpu.memory_space<hbm>> -> memref<80xi32, #tpu.memory_space<hbm>>
        %dma_wait3A_522 = arith.constant 0 : i32
        %dma_wait3A_523 = tpu.memref_slice %arg3[%dma_wait3A_522] : memref<320000xi32, #tpu.memory_space<hbm>> -> memref<80xi32, #tpu.memory_space<hbm>>
        tpu.wait_dma2 semaphore(%arg33 : memref<!tpu.dma_semaphore, #tpu.memory_space<semaphore_mem>>) src(%dma_wait3A_523 : memref<80xi32, #tpu.memory_space<hbm>>) dst(%arg11 : memref<80xi32, #tpu.memory_space<vmem>>)
        %dma_wait3A_524 = arith.constant 0 : i32
        %dma_wait3A_525 = tpu.memref_slice %arg3[%dma_wait3A_524] : memref<320000xi32, #tpu.memory_space<hbm>> -> memref<80xi32, #tpu.memory_space<hbm>>
        %dma_wait3A_526 = arith.constant 0 : i32
        %dma_wait3A_527 = tpu.memref_slice %arg3[%dma_wait3A_526] : memref<320000xi32, #tpu.memory_space<hbm>> -> memref<80xi32, #tpu.memory_space<hbm>>
        tpu.wait_dma2 semaphore(%arg33 : memref<!tpu.dma_semaphore, #tpu.memory_space<semaphore_mem>>) src(%dma_wait3A_527 : memref<80xi32, #tpu.memory_space<hbm>>) dst(%arg19 : memref<80xi32, #tpu.memory_space<vmem>>)
        %dma_start3A_528 = arith.constant 0 : i32
        %dma_start3A_529 = arith.constant 0 : i32
        %dma_start3A_530 = tpu.memref_slice %arg2[%dma_start3A_528, %dma_start3A_529] : memref<10000x128xf32, #tpu.memory_space<hbm>> -> memref<10000x128xf32, #tpu.memory_space<hbm>>
        tpu.enqueue_indirect_dma source(%dma_start3A_530 : memref<10000x128xf32, #tpu.memory_space<hbm>>) target(%arg27 : memref<80x128xf32, #tpu.memory_space<vmem>>) offsets(%arg11 : memref<80xi32, #tpu.memory_space<vmem>>) semaphore(%arg41 : memref<!tpu.dma_semaphore, #tpu.memory_space<semaphore_mem>>)
      } else {
      }
      %dma_wait3A_282 = arith.constant 0 : i32
      %dma_wait3A_283 = arith.constant 0 : i32
      %dma_wait3A_284 = tpu.memref_slice %arg2[%dma_wait3A_282, %dma_wait3A_283] : memref<10000x128xf32, #tpu.memory_space<hbm>> -> memref<80x128xf32, #tpu.memory_space<hbm>>
      %dma_wait3A_285 = arith.constant 0 : i32
      %dma_wait3A_286 = arith.constant 0 : i32
      %dma_wait3A_287 = tpu.memref_slice %arg2[%dma_wait3A_285, %dma_wait3A_286] : memref<10000x128xf32, #tpu.memory_space<hbm>> -> memref<80x128xf32, #tpu.memory_space<hbm>>
      tpu.wait_dma2 semaphore(%arg39 : memref<!tpu.dma_semaphore, #tpu.memory_space<semaphore_mem>>) src(%dma_wait3A_287 : memref<80x128xf32, #tpu.memory_space<hbm>>) dst(%arg25 : memref<80x128xf32, #tpu.memory_space<vmem>>)
      %gt3A = arith.constant 0 : i32
      %gt3A_288 = arith.cmpi sgt, %add3A_267, %gt3A : i32
      %convert_element_type3A_289 = arith.extui %gt3A_288 : i1 to i32
      %cond3A_290 = arith.constant 0 : i32
      %cond3A_291 = arith.cmpi ne, %convert_element_type3A_289, %cond3A_290 : i32
      scf.if %cond3A_291 {
        %dma_wait3A_520 = arith.constant 0 : i32
        %dma_wait3A_521 = arith.constant 0 : i32
        %dma_wait3A_522 = tpu.memref_slice %arg2[%dma_wait3A_520, %dma_wait3A_521] : memref<10000x128xf32, #tpu.memory_space<hbm>> -> memref<80x128xf32, #tpu.memory_space<hbm>>
        %dma_wait3A_523 = arith.constant 0 : i32
        %dma_wait3A_524 = arith.constant 0 : i32
        %dma_wait3A_525 = tpu.memref_slice %arg2[%dma_wait3A_523, %dma_wait3A_524] : memref<10000x128xf32, #tpu.memory_space<hbm>> -> memref<80x128xf32, #tpu.memory_space<hbm>>
        tpu.wait_dma2 semaphore(%arg43 : memref<!tpu.dma_semaphore, #tpu.memory_space<semaphore_mem>>) src(%dma_wait3A_525 : memref<80x128xf32, #tpu.memory_space<hbm>>) dst(%arg25 : memref<80x128xf32, #tpu.memory_space<vmem>>)
      } else {
      }
      %dma_start3A_292 = arith.constant 0 : i32
      %dma_start3A_293 = arith.constant 0 : i32
      %dma_start3A_294 = tpu.memref_slice %arg30[%dma_start3A_292, %dma_start3A_293] : memref<10000x128xf32, #tpu.memory_space<vmem_shared>> -> memref<10000x128xf32, #tpu.memory_space<vmem_shared>>
      tpu.enqueue_indirect_dma source(%arg25 : memref<80x128xf32, #tpu.memory_space<vmem>>) target(%dma_start3A_294 : memref<10000x128xf32, #tpu.memory_space<vmem_shared>>) offsets(%arg17 : memref<80xi32, #tpu.memory_space<vmem>>) semaphore(%arg43 : memref<!tpu.dma_semaphore, #tpu.memory_space<semaphore_mem>>) {add = true}
      "tpu.region"() ({
        %run_scoped3A = tpu.sem_alloc : memref<!tpu.dma_semaphore, #tpu.memory_space<semaphore_mem>>
        %dma_start3A_520 = arith.constant 0 : i32
        %dma_start3A_521 = tpu.memref_slice %arg47[%dma_start3A_520] : memref<10000xf32, #tpu.memory_space<vmem_shared>> -> memref<10000xf32, #tpu.memory_space<vmem_shared>>
        tpu.enqueue_indirect_dma source(%arg45 : memref<80xf32, #tpu.memory_space<vmem>>) target(%dma_start3A_521 : memref<10000xf32, #tpu.memory_space<vmem_shared>>) offsets(%arg17 : memref<80xi32, #tpu.memory_space<vmem>>) semaphore(%run_scoped3A : memref<!tpu.dma_semaphore, #tpu.memory_space<semaphore_mem>>) {add = true}
        %dma_wait3A_522 = arith.constant 0 : i32
        %dma_wait3A_523 = tpu.memref_slice %arg47[%dma_wait3A_522] : memref<10000xf32, #tpu.memory_space<vmem_shared>> -> memref<10000xf32, #tpu.memory_space<vmem_shared>>
        tpu.wait_indirect_dma semaphore(%run_scoped3A : memref<!tpu.dma_semaphore, #tpu.memory_space<semaphore_mem>>) src(%arg45 : memref<80xf32, #tpu.memory_space<vmem>>) dst(%dma_wait3A_523 : memref<10000xf32, #tpu.memory_space<vmem_shared>>)
        tpu.yield
      }) : () -> ()
      %mul3A_295 = arith.constant 8 : i32
      %mul3A_296 = arith.muli %scan3A_262, %mul3A_295 : i32
      %add3A_297 = arith.constant 1 : i32
      %add3A_298 = arith.addi %mul3A_296, %add3A_297 : i32
      %add3A_299 = arith.constant 6 : i32
      %add3A_300 = arith.addi %add3A_298, %add3A_299 : i32
      %lt3A_301 = arith.constant 125 : i32
      %lt3A_302 = arith.cmpi slt, %add3A_300, %lt3A_301 : i32
      %convert_element_type3A_303 = arith.extui %lt3A_302 : i1 to i32
      %cond3A_304 = arith.constant 0 : i32
      %cond3A_305 = arith.cmpi ne, %convert_element_type3A_303, %cond3A_304 : i32
      scf.if %cond3A_305 {
        %add3A_520 = arith.constant 6 : i32
        %add3A_521 = arith.addi %add3A_298, %add3A_520 : i32
        %mul3A_522 = arith.constant 80 : i32
        %mul3A_523 = arith.muli %add3A_521, %mul3A_522 : i32
        %add3A_524 = arith.addi %mul3A_2, %mul3A_523 : i32
        %dma_start3A_525 = tpu.memref_slice %arg3[%add3A_524] : memref<320000xi32, #tpu.memory_space<hbm>> -> memref<80xi32, #tpu.memory_space<hbm>>
        %dma_start3A_526 = tpu.memref_slice %arg3[%add3A_524] : memref<320000xi32, #tpu.memory_space<hbm>> -> memref<80xi32, #tpu.memory_space<hbm>>
        tpu.enqueue_dma source(%dma_start3A_526 : memref<80xi32, #tpu.memory_space<hbm>>) target(%arg16 : memref<80xi32, #tpu.memory_space<vmem>>) target_semaphore(%arg38 : memref<!tpu.dma_semaphore, #tpu.memory_space<semaphore_mem>>)
        %dma_start3A_527 = tpu.memref_slice %arg4[%add3A_524] : memref<320000xi32, #tpu.memory_space<hbm>> -> memref<80xi32, #tpu.memory_space<hbm>>
        %dma_start3A_528 = tpu.memref_slice %arg4[%add3A_524] : memref<320000xi32, #tpu.memory_space<hbm>> -> memref<80xi32, #tpu.memory_space<hbm>>
        tpu.enqueue_dma source(%dma_start3A_528 : memref<80xi32, #tpu.memory_space<hbm>>) target(%arg24 : memref<80xi32, #tpu.memory_space<vmem>>) target_semaphore(%arg38 : memref<!tpu.dma_semaphore, #tpu.memory_space<semaphore_mem>>)
      } else {
      }
      %add3A_306 = arith.constant 2 : i32
      %add3A_307 = arith.addi %add3A_298, %add3A_306 : i32
      %lt3A_308 = arith.constant 125 : i32
      %lt3A_309 = arith.cmpi slt, %add3A_307, %lt3A_308 : i32
      %convert_element_type3A_310 = arith.extui %lt3A_309 : i1 to i32
      %cond3A_311 = arith.constant 0 : i32
      %cond3A_312 = arith.cmpi ne, %convert_element_type3A_310, %cond3A_311 : i32
      scf.if %cond3A_312 {
        %dma_wait3A_520 = arith.constant 0 : i32
        %dma_wait3A_521 = tpu.memref_slice %arg3[%dma_wait3A_520] : memref<320000xi32, #tpu.memory_space<hbm>> -> memref<80xi32, #tpu.memory_space<hbm>>
        %dma_wait3A_522 = arith.constant 0 : i32
        %dma_wait3A_523 = tpu.memref_slice %arg3[%dma_wait3A_522] : memref<320000xi32, #tpu.memory_space<hbm>> -> memref<80xi32, #tpu.memory_space<hbm>>
        tpu.wait_dma2 semaphore(%arg34 : memref<!tpu.dma_semaphore, #tpu.memory_space<semaphore_mem>>) src(%dma_wait3A_523 : memref<80xi32, #tpu.memory_space<hbm>>) dst(%arg12 : memref<80xi32, #tpu.memory_space<vmem>>)
        %dma_wait3A_524 = arith.constant 0 : i32
        %dma_wait3A_525 = tpu.memref_slice %arg3[%dma_wait3A_524] : memref<320000xi32, #tpu.memory_space<hbm>> -> memref<80xi32, #tpu.memory_space<hbm>>
        %dma_wait3A_526 = arith.constant 0 : i32
        %dma_wait3A_527 = tpu.memref_slice %arg3[%dma_wait3A_526] : memref<320000xi32, #tpu.memory_space<hbm>> -> memref<80xi32, #tpu.memory_space<hbm>>
        tpu.wait_dma2 semaphore(%arg34 : memref<!tpu.dma_semaphore, #tpu.memory_space<semaphore_mem>>) src(%dma_wait3A_527 : memref<80xi32, #tpu.memory_space<hbm>>) dst(%arg20 : memref<80xi32, #tpu.memory_space<vmem>>)
        %dma_start3A_528 = arith.constant 0 : i32
        %dma_start3A_529 = arith.constant 0 : i32
        %dma_start3A_530 = tpu.memref_slice %arg2[%dma_start3A_528, %dma_start3A_529] : memref<10000x128xf32, #tpu.memory_space<hbm>> -> memref<10000x128xf32, #tpu.memory_space<hbm>>
        tpu.enqueue_indirect_dma source(%dma_start3A_530 : memref<10000x128xf32, #tpu.memory_space<hbm>>) target(%arg28 : memref<80x128xf32, #tpu.memory_space<vmem>>) offsets(%arg12 : memref<80xi32, #tpu.memory_space<vmem>>) semaphore(%arg42 : memref<!tpu.dma_semaphore, #tpu.memory_space<semaphore_mem>>)
      } else {
      }
      %dma_wait3A_313 = arith.constant 0 : i32
      %dma_wait3A_314 = arith.constant 0 : i32
      %dma_wait3A_315 = tpu.memref_slice %arg2[%dma_wait3A_313, %dma_wait3A_314] : memref<10000x128xf32, #tpu.memory_space<hbm>> -> memref<80x128xf32, #tpu.memory_space<hbm>>
      %dma_wait3A_316 = arith.constant 0 : i32
      %dma_wait3A_317 = arith.constant 0 : i32
      %dma_wait3A_318 = tpu.memref_slice %arg2[%dma_wait3A_316, %dma_wait3A_317] : memref<10000x128xf32, #tpu.memory_space<hbm>> -> memref<80x128xf32, #tpu.memory_space<hbm>>
      tpu.wait_dma2 semaphore(%arg40 : memref<!tpu.dma_semaphore, #tpu.memory_space<semaphore_mem>>) src(%dma_wait3A_318 : memref<80x128xf32, #tpu.memory_space<hbm>>) dst(%arg26 : memref<80x128xf32, #tpu.memory_space<vmem>>)
      %gt3A_319 = arith.constant 0 : i32
      %gt3A_320 = arith.cmpi sgt, %add3A_298, %gt3A_319 : i32
      %convert_element_type3A_321 = arith.extui %gt3A_320 : i1 to i32
      %cond3A_322 = arith.constant 0 : i32
      %cond3A_323 = arith.cmpi ne, %convert_element_type3A_321, %cond3A_322 : i32
      scf.if %cond3A_323 {
        %dma_wait3A_520 = arith.constant 0 : i32
        %dma_wait3A_521 = arith.constant 0 : i32
        %dma_wait3A_522 = tpu.memref_slice %arg2[%dma_wait3A_520, %dma_wait3A_521] : memref<10000x128xf32, #tpu.memory_space<hbm>> -> memref<80x128xf32, #tpu.memory_space<hbm>>
        %dma_wait3A_523 = arith.constant 0 : i32
        %dma_wait3A_524 = arith.constant 0 : i32
        %dma_wait3A_525 = tpu.memref_slice %arg2[%dma_wait3A_523, %dma_wait3A_524] : memref<10000x128xf32, #tpu.memory_space<hbm>> -> memref<80x128xf32, #tpu.memory_space<hbm>>
        tpu.wait_dma2 semaphore(%arg43 : memref<!tpu.dma_semaphore, #tpu.memory_space<semaphore_mem>>) src(%dma_wait3A_525 : memref<80x128xf32, #tpu.memory_space<hbm>>) dst(%arg26 : memref<80x128xf32, #tpu.memory_space<vmem>>)
      } else {
      }
      %dma_start3A_324 = arith.constant 0 : i32
      %dma_start3A_325 = arith.constant 0 : i32
      %dma_start3A_326 = tpu.memref_slice %arg30[%dma_start3A_324, %dma_start3A_325] : memref<10000x128xf32, #tpu.memory_space<vmem_shared>> -> memref<10000x128xf32, #tpu.memory_space<vmem_shared>>
      tpu.enqueue_indirect_dma source(%arg26 : memref<80x128xf32, #tpu.memory_space<vmem>>) target(%dma_start3A_326 : memref<10000x128xf32, #tpu.memory_space<vmem_shared>>) offsets(%arg18 : memref<80xi32, #tpu.memory_space<vmem>>) semaphore(%arg43 : memref<!tpu.dma_semaphore, #tpu.memory_space<semaphore_mem>>) {add = true}
      "tpu.region"() ({
        %run_scoped3A = tpu.sem_alloc : memref<!tpu.dma_semaphore, #tpu.memory_space<semaphore_mem>>
        %dma_start3A_520 = arith.constant 0 : i32
        %dma_start3A_521 = tpu.memref_slice %arg47[%dma_start3A_520] : memref<10000xf32, #tpu.memory_space<vmem_shared>> -> memref<10000xf32, #tpu.memory_space<vmem_shared>>
        tpu.enqueue_indirect_dma source(%arg45 : memref<80xf32, #tpu.memory_space<vmem>>) target(%dma_start3A_521 : memref<10000xf32, #tpu.memory_space<vmem_shared>>) offsets(%arg18 : memref<80xi32, #tpu.memory_space<vmem>>) semaphore(%run_scoped3A : memref<!tpu.dma_semaphore, #tpu.memory_space<semaphore_mem>>) {add = true}
        %dma_wait3A_522 = arith.constant 0 : i32
        %dma_wait3A_523 = tpu.memref_slice %arg47[%dma_wait3A_522] : memref<10000xf32, #tpu.memory_space<vmem_shared>> -> memref<10000xf32, #tpu.memory_space<vmem_shared>>
        tpu.wait_indirect_dma semaphore(%run_scoped3A : memref<!tpu.dma_semaphore, #tpu.memory_space<semaphore_mem>>) src(%arg45 : memref<80xf32, #tpu.memory_space<vmem>>) dst(%dma_wait3A_523 : memref<10000xf32, #tpu.memory_space<vmem_shared>>)
        tpu.yield
      }) : () -> ()
      %mul3A_327 = arith.constant 8 : i32
      %mul3A_328 = arith.muli %scan3A_262, %mul3A_327 : i32
      %add3A_329 = arith.constant 2 : i32
      %add3A_330 = arith.addi %mul3A_328, %add3A_329 : i32
      %add3A_331 = arith.constant 6 : i32
      %add3A_332 = arith.addi %add3A_330, %add3A_331 : i32
      %lt3A_333 = arith.constant 125 : i32
      %lt3A_334 = arith.cmpi slt, %add3A_332, %lt3A_333 : i32
      %convert_element_type3A_335 = arith.extui %lt3A_334 : i1 to i32
      %cond3A_336 = arith.constant 0 : i32
      %cond3A_337 = arith.cmpi ne, %convert_element_type3A_335, %cond3A_336 : i32
      scf.if %cond3A_337 {
        %add3A_520 = arith.constant 6 : i32
        %add3A_521 = arith.addi %add3A_330, %add3A_520 : i32
        %mul3A_522 = arith.constant 80 : i32
        %mul3A_523 = arith.muli %add3A_521, %mul3A_522 : i32
        %add3A_524 = arith.addi %mul3A_2, %mul3A_523 : i32
        %dma_start3A_525 = tpu.memref_slice %arg3[%add3A_524] : memref<320000xi32, #tpu.memory_space<hbm>> -> memref<80xi32, #tpu.memory_space<hbm>>
        %dma_start3A_526 = tpu.memref_slice %arg3[%add3A_524] : memref<320000xi32, #tpu.memory_space<hbm>> -> memref<80xi32, #tpu.memory_space<hbm>>
        tpu.enqueue_dma source(%dma_start3A_526 : memref<80xi32, #tpu.memory_space<hbm>>) target(%arg9 : memref<80xi32, #tpu.memory_space<vmem>>) target_semaphore(%arg31 : memref<!tpu.dma_semaphore, #tpu.memory_space<semaphore_mem>>)
        %dma_start3A_527 = tpu.memref_slice %arg4[%add3A_524] : memref<320000xi32, #tpu.memory_space<hbm>> -> memref<80xi32, #tpu.memory_space<hbm>>
        %dma_start3A_528 = tpu.memref_slice %arg4[%add3A_524] : memref<320000xi32, #tpu.memory_space<hbm>> -> memref<80xi32, #tpu.memory_space<hbm>>
        tpu.enqueue_dma source(%dma_start3A_528 : memref<80xi32, #tpu.memory_space<hbm>>) target(%arg17 : memref<80xi32, #tpu.memory_space<vmem>>) target_semaphore(%arg31 : memref<!tpu.dma_semaphore, #tpu.memory_space<semaphore_mem>>)
      } else {
      }
      %add3A_338 = arith.constant 2 : i32
      %add3A_339 = arith.addi %add3A_330, %add3A_338 : i32
      %lt3A_340 = arith.constant 125 : i32
      %lt3A_341 = arith.cmpi slt, %add3A_339, %lt3A_340 : i32
      %convert_element_type3A_342 = arith.extui %lt3A_341 : i1 to i32
      %cond3A_343 = arith.constant 0 : i32
      %cond3A_344 = arith.cmpi ne, %convert_element_type3A_342, %cond3A_343 : i32
      scf.if %cond3A_344 {
        %dma_wait3A_520 = arith.constant 0 : i32
        %dma_wait3A_521 = tpu.memref_slice %arg3[%dma_wait3A_520] : memref<320000xi32, #tpu.memory_space<hbm>> -> memref<80xi32, #tpu.memory_space<hbm>>
        %dma_wait3A_522 = arith.constant 0 : i32
        %dma_wait3A_523 = tpu.memref_slice %arg3[%dma_wait3A_522] : memref<320000xi32, #tpu.memory_space<hbm>> -> memref<80xi32, #tpu.memory_space<hbm>>
        tpu.wait_dma2 semaphore(%arg35 : memref<!tpu.dma_semaphore, #tpu.memory_space<semaphore_mem>>) src(%dma_wait3A_523 : memref<80xi32, #tpu.memory_space<hbm>>) dst(%arg13 : memref<80xi32, #tpu.memory_space<vmem>>)
        %dma_wait3A_524 = arith.constant 0 : i32
        %dma_wait3A_525 = tpu.memref_slice %arg3[%dma_wait3A_524] : memref<320000xi32, #tpu.memory_space<hbm>> -> memref<80xi32, #tpu.memory_space<hbm>>
        %dma_wait3A_526 = arith.constant 0 : i32
        %dma_wait3A_527 = tpu.memref_slice %arg3[%dma_wait3A_526] : memref<320000xi32, #tpu.memory_space<hbm>> -> memref<80xi32, #tpu.memory_space<hbm>>
        tpu.wait_dma2 semaphore(%arg35 : memref<!tpu.dma_semaphore, #tpu.memory_space<semaphore_mem>>) src(%dma_wait3A_527 : memref<80xi32, #tpu.memory_space<hbm>>) dst(%arg21 : memref<80xi32, #tpu.memory_space<vmem>>)
        %dma_start3A_528 = arith.constant 0 : i32
        %dma_start3A_529 = arith.constant 0 : i32
        %dma_start3A_530 = tpu.memref_slice %arg2[%dma_start3A_528, %dma_start3A_529] : memref<10000x128xf32, #tpu.memory_space<hbm>> -> memref<10000x128xf32, #tpu.memory_space<hbm>>
        tpu.enqueue_indirect_dma source(%dma_start3A_530 : memref<10000x128xf32, #tpu.memory_space<hbm>>) target(%arg25 : memref<80x128xf32, #tpu.memory_space<vmem>>) offsets(%arg13 : memref<80xi32, #tpu.memory_space<vmem>>) semaphore(%arg39 : memref<!tpu.dma_semaphore, #tpu.memory_space<semaphore_mem>>)
      } else {
      }
      %dma_wait3A_345 = arith.constant 0 : i32
      %dma_wait3A_346 = arith.constant 0 : i32
      %dma_wait3A_347 = tpu.memref_slice %arg2[%dma_wait3A_345, %dma_wait3A_346] : memref<10000x128xf32, #tpu.memory_space<hbm>> -> memref<80x128xf32, #tpu.memory_space<hbm>>
      %dma_wait3A_348 = arith.constant 0 : i32
      %dma_wait3A_349 = arith.constant 0 : i32
      %dma_wait3A_350 = tpu.memref_slice %arg2[%dma_wait3A_348, %dma_wait3A_349] : memref<10000x128xf32, #tpu.memory_space<hbm>> -> memref<80x128xf32, #tpu.memory_space<hbm>>
      tpu.wait_dma2 semaphore(%arg41 : memref<!tpu.dma_semaphore, #tpu.memory_space<semaphore_mem>>) src(%dma_wait3A_350 : memref<80x128xf32, #tpu.memory_space<hbm>>) dst(%arg27 : memref<80x128xf32, #tpu.memory_space<vmem>>)
      %gt3A_351 = arith.constant 0 : i32
      %gt3A_352 = arith.cmpi sgt, %add3A_330, %gt3A_351 : i32
      %convert_element_type3A_353 = arith.extui %gt3A_352 : i1 to i32
      %cond3A_354 = arith.constant 0 : i32
      %cond3A_355 = arith.cmpi ne, %convert_element_type3A_353, %cond3A_354 : i32
      scf.if %cond3A_355 {
        %dma_wait3A_520 = arith.constant 0 : i32
        %dma_wait3A_521 = arith.constant 0 : i32
        %dma_wait3A_522 = tpu.memref_slice %arg2[%dma_wait3A_520, %dma_wait3A_521] : memref<10000x128xf32, #tpu.memory_space<hbm>> -> memref<80x128xf32, #tpu.memory_space<hbm>>
        %dma_wait3A_523 = arith.constant 0 : i32
        %dma_wait3A_524 = arith.constant 0 : i32
        %dma_wait3A_525 = tpu.memref_slice %arg2[%dma_wait3A_523, %dma_wait3A_524] : memref<10000x128xf32, #tpu.memory_space<hbm>> -> memref<80x128xf32, #tpu.memory_space<hbm>>
        tpu.wait_dma2 semaphore(%arg43 : memref<!tpu.dma_semaphore, #tpu.memory_space<semaphore_mem>>) src(%dma_wait3A_525 : memref<80x128xf32, #tpu.memory_space<hbm>>) dst(%arg27 : memref<80x128xf32, #tpu.memory_space<vmem>>)
      } else {
      }
      %dma_start3A_356 = arith.constant 0 : i32
      %dma_start3A_357 = arith.constant 0 : i32
      %dma_start3A_358 = tpu.memref_slice %arg30[%dma_start3A_356, %dma_start3A_357] : memref<10000x128xf32, #tpu.memory_space<vmem_shared>> -> memref<10000x128xf32, #tpu.memory_space<vmem_shared>>
      tpu.enqueue_indirect_dma source(%arg27 : memref<80x128xf32, #tpu.memory_space<vmem>>) target(%dma_start3A_358 : memref<10000x128xf32, #tpu.memory_space<vmem_shared>>) offsets(%arg19 : memref<80xi32, #tpu.memory_space<vmem>>) semaphore(%arg43 : memref<!tpu.dma_semaphore, #tpu.memory_space<semaphore_mem>>) {add = true}
      "tpu.region"() ({
        %run_scoped3A = tpu.sem_alloc : memref<!tpu.dma_semaphore, #tpu.memory_space<semaphore_mem>>
        %dma_start3A_520 = arith.constant 0 : i32
        %dma_start3A_521 = tpu.memref_slice %arg47[%dma_start3A_520] : memref<10000xf32, #tpu.memory_space<vmem_shared>> -> memref<10000xf32, #tpu.memory_space<vmem_shared>>
        tpu.enqueue_indirect_dma source(%arg45 : memref<80xf32, #tpu.memory_space<vmem>>) target(%dma_start3A_521 : memref<10000xf32, #tpu.memory_space<vmem_shared>>) offsets(%arg19 : memref<80xi32, #tpu.memory_space<vmem>>) semaphore(%run_scoped3A : memref<!tpu.dma_semaphore, #tpu.memory_space<semaphore_mem>>) {add = true}
        %dma_wait3A_522 = arith.constant 0 : i32
        %dma_wait3A_523 = tpu.memref_slice %arg47[%dma_wait3A_522] : memref<10000xf32, #tpu.memory_space<vmem_shared>> -> memref<10000xf32, #tpu.memory_space<vmem_shared>>
        tpu.wait_indirect_dma semaphore(%run_scoped3A : memref<!tpu.dma_semaphore, #tpu.memory_space<semaphore_mem>>) src(%arg45 : memref<80xf32, #tpu.memory_space<vmem>>) dst(%dma_wait3A_523 : memref<10000xf32, #tpu.memory_space<vmem_shared>>)
        tpu.yield
      }) : () -> ()
      %mul3A_359 = arith.constant 8 : i32
      %mul3A_360 = arith.muli %scan3A_262, %mul3A_359 : i32
      %add3A_361 = arith.constant 3 : i32
      %add3A_362 = arith.addi %mul3A_360, %add3A_361 : i32
      %add3A_363 = arith.constant 6 : i32
      %add3A_364 = arith.addi %add3A_362, %add3A_363 : i32
      %lt3A_365 = arith.constant 125 : i32
      %lt3A_366 = arith.cmpi slt, %add3A_364, %lt3A_365 : i32
      %convert_element_type3A_367 = arith.extui %lt3A_366 : i1 to i32
      %cond3A_368 = arith.constant 0 : i32
      %cond3A_369 = arith.cmpi ne, %convert_element_type3A_367, %cond3A_368 : i32
      scf.if %cond3A_369 {
        %add3A_520 = arith.constant 6 : i32
        %add3A_521 = arith.addi %add3A_362, %add3A_520 : i32
        %mul3A_522 = arith.constant 80 : i32
        %mul3A_523 = arith.muli %add3A_521, %mul3A_522 : i32
        %add3A_524 = arith.addi %mul3A_2, %mul3A_523 : i32
        %dma_start3A_525 = tpu.memref_slice %arg3[%add3A_524] : memref<320000xi32, #tpu.memory_space<hbm>> -> memref<80xi32, #tpu.memory_space<hbm>>
        %dma_start3A_526 = tpu.memref_slice %arg3[%add3A_524] : memref<320000xi32, #tpu.memory_space<hbm>> -> memref<80xi32, #tpu.memory_space<hbm>>
        tpu.enqueue_dma source(%dma_start3A_526 : memref<80xi32, #tpu.memory_space<hbm>>) target(%arg10 : memref<80xi32, #tpu.memory_space<vmem>>) target_semaphore(%arg32 : memref<!tpu.dma_semaphore, #tpu.memory_space<semaphore_mem>>)
        %dma_start3A_527 = tpu.memref_slice %arg4[%add3A_524] : memref<320000xi32, #tpu.memory_space<hbm>> -> memref<80xi32, #tpu.memory_space<hbm>>
        %dma_start3A_528 = tpu.memref_slice %arg4[%add3A_524] : memref<320000xi32, #tpu.memory_space<hbm>> -> memref<80xi32, #tpu.memory_space<hbm>>
        tpu.enqueue_dma source(%dma_start3A_528 : memref<80xi32, #tpu.memory_space<hbm>>) target(%arg18 : memref<80xi32, #tpu.memory_space<vmem>>) target_semaphore(%arg32 : memref<!tpu.dma_semaphore, #tpu.memory_space<semaphore_mem>>)
      } else {
      }
      %add3A_370 = arith.constant 2 : i32
      %add3A_371 = arith.addi %add3A_362, %add3A_370 : i32
      %lt3A_372 = arith.constant 125 : i32
      %lt3A_373 = arith.cmpi slt, %add3A_371, %lt3A_372 : i32
      %convert_element_type3A_374 = arith.extui %lt3A_373 : i1 to i32
      %cond3A_375 = arith.constant 0 : i32
      %cond3A_376 = arith.cmpi ne, %convert_element_type3A_374, %cond3A_375 : i32
      scf.if %cond3A_376 {
        %dma_wait3A_520 = arith.constant 0 : i32
        %dma_wait3A_521 = tpu.memref_slice %arg3[%dma_wait3A_520] : memref<320000xi32, #tpu.memory_space<hbm>> -> memref<80xi32, #tpu.memory_space<hbm>>
        %dma_wait3A_522 = arith.constant 0 : i32
        %dma_wait3A_523 = tpu.memref_slice %arg3[%dma_wait3A_522] : memref<320000xi32, #tpu.memory_space<hbm>> -> memref<80xi32, #tpu.memory_space<hbm>>
        tpu.wait_dma2 semaphore(%arg36 : memref<!tpu.dma_semaphore, #tpu.memory_space<semaphore_mem>>) src(%dma_wait3A_523 : memref<80xi32, #tpu.memory_space<hbm>>) dst(%arg14 : memref<80xi32, #tpu.memory_space<vmem>>)
        %dma_wait3A_524 = arith.constant 0 : i32
        %dma_wait3A_525 = tpu.memref_slice %arg3[%dma_wait3A_524] : memref<320000xi32, #tpu.memory_space<hbm>> -> memref<80xi32, #tpu.memory_space<hbm>>
        %dma_wait3A_526 = arith.constant 0 : i32
        %dma_wait3A_527 = tpu.memref_slice %arg3[%dma_wait3A_526] : memref<320000xi32, #tpu.memory_space<hbm>> -> memref<80xi32, #tpu.memory_space<hbm>>
        tpu.wait_dma2 semaphore(%arg36 : memref<!tpu.dma_semaphore, #tpu.memory_space<semaphore_mem>>) src(%dma_wait3A_527 : memref<80xi32, #tpu.memory_space<hbm>>) dst(%arg22 : memref<80xi32, #tpu.memory_space<vmem>>)
        %dma_start3A_528 = arith.constant 0 : i32
        %dma_start3A_529 = arith.constant 0 : i32
        %dma_start3A_530 = tpu.memref_slice %arg2[%dma_start3A_528, %dma_start3A_529] : memref<10000x128xf32, #tpu.memory_space<hbm>> -> memref<10000x128xf32, #tpu.memory_space<hbm>>
        tpu.enqueue_indirect_dma source(%dma_start3A_530 : memref<10000x128xf32, #tpu.memory_space<hbm>>) target(%arg26 : memref<80x128xf32, #tpu.memory_space<vmem>>) offsets(%arg14 : memref<80xi32, #tpu.memory_space<vmem>>) semaphore(%arg40 : memref<!tpu.dma_semaphore, #tpu.memory_space<semaphore_mem>>)
      } else {
      }
      %dma_wait3A_377 = arith.constant 0 : i32
      %dma_wait3A_378 = arith.constant 0 : i32
      %dma_wait3A_379 = tpu.memref_slice %arg2[%dma_wait3A_377, %dma_wait3A_378] : memref<10000x128xf32, #tpu.memory_space<hbm>> -> memref<80x128xf32, #tpu.memory_space<hbm>>
      %dma_wait3A_380 = arith.constant 0 : i32
      %dma_wait3A_381 = arith.constant 0 : i32
      %dma_wait3A_382 = tpu.memref_slice %arg2[%dma_wait3A_380, %dma_wait3A_381] : memref<10000x128xf32, #tpu.memory_space<hbm>> -> memref<80x128xf32, #tpu.memory_space<hbm>>
      tpu.wait_dma2 semaphore(%arg42 : memref<!tpu.dma_semaphore, #tpu.memory_space<semaphore_mem>>) src(%dma_wait3A_382 : memref<80x128xf32, #tpu.memory_space<hbm>>) dst(%arg28 : memref<80x128xf32, #tpu.memory_space<vmem>>)
      %gt3A_383 = arith.constant 0 : i32
      %gt3A_384 = arith.cmpi sgt, %add3A_362, %gt3A_383 : i32
      %convert_element_type3A_385 = arith.extui %gt3A_384 : i1 to i32
      %cond3A_386 = arith.constant 0 : i32
      %cond3A_387 = arith.cmpi ne, %convert_element_type3A_385, %cond3A_386 : i32
      scf.if %cond3A_387 {
        %dma_wait3A_520 = arith.constant 0 : i32
        %dma_wait3A_521 = arith.constant 0 : i32
        %dma_wait3A_522 = tpu.memref_slice %arg2[%dma_wait3A_520, %dma_wait3A_521] : memref<10000x128xf32, #tpu.memory_space<hbm>> -> memref<80x128xf32, #tpu.memory_space<hbm>>
        %dma_wait3A_523 = arith.constant 0 : i32
        %dma_wait3A_524 = arith.constant 0 : i32
        %dma_wait3A_525 = tpu.memref_slice %arg2[%dma_wait3A_523, %dma_wait3A_524] : memref<10000x128xf32, #tpu.memory_space<hbm>> -> memref<80x128xf32, #tpu.memory_space<hbm>>
        tpu.wait_dma2 semaphore(%arg43 : memref<!tpu.dma_semaphore, #tpu.memory_space<semaphore_mem>>) src(%dma_wait3A_525 : memref<80x128xf32, #tpu.memory_space<hbm>>) dst(%arg28 : memref<80x128xf32, #tpu.memory_space<vmem>>)
      } else {
      }
      %dma_start3A_388 = arith.constant 0 : i32
      %dma_start3A_389 = arith.constant 0 : i32
      %dma_start3A_390 = tpu.memref_slice %arg30[%dma_start3A_388, %dma_start3A_389] : memref<10000x128xf32, #tpu.memory_space<vmem_shared>> -> memref<10000x128xf32, #tpu.memory_space<vmem_shared>>
      tpu.enqueue_indirect_dma source(%arg28 : memref<80x128xf32, #tpu.memory_space<vmem>>) target(%dma_start3A_390 : memref<10000x128xf32, #tpu.memory_space<vmem_shared>>) offsets(%arg20 : memref<80xi32, #tpu.memory_space<vmem>>) semaphore(%arg43 : memref<!tpu.dma_semaphore, #tpu.memory_space<semaphore_mem>>) {add = true}
      "tpu.region"() ({
        %run_scoped3A = tpu.sem_alloc : memref<!tpu.dma_semaphore, #tpu.memory_space<semaphore_mem>>
        %dma_start3A_520 = arith.constant 0 : i32
        %dma_start3A_521 = tpu.memref_slice %arg47[%dma_start3A_520] : memref<10000xf32, #tpu.memory_space<vmem_shared>> -> memref<10000xf32, #tpu.memory_space<vmem_shared>>
        tpu.enqueue_indirect_dma source(%arg45 : memref<80xf32, #tpu.memory_space<vmem>>) target(%dma_start3A_521 : memref<10000xf32, #tpu.memory_space<vmem_shared>>) offsets(%arg20 : memref<80xi32, #tpu.memory_space<vmem>>) semaphore(%run_scoped3A : memref<!tpu.dma_semaphore, #tpu.memory_space<semaphore_mem>>) {add = true}
        %dma_wait3A_522 = arith.constant 0 : i32
        %dma_wait3A_523 = tpu.memref_slice %arg47[%dma_wait3A_522] : memref<10000xf32, #tpu.memory_space<vmem_shared>> -> memref<10000xf32, #tpu.memory_space<vmem_shared>>
        tpu.wait_indirect_dma semaphore(%run_scoped3A : memref<!tpu.dma_semaphore, #tpu.memory_space<semaphore_mem>>) src(%arg45 : memref<80xf32, #tpu.memory_space<vmem>>) dst(%dma_wait3A_523 : memref<10000xf32, #tpu.memory_space<vmem_shared>>)
        tpu.yield
      }) : () -> ()
      %mul3A_391 = arith.constant 8 : i32
      %mul3A_392 = arith.muli %scan3A_262, %mul3A_391 : i32
      %add3A_393 = arith.constant 4 : i32
      %add3A_394 = arith.addi %mul3A_392, %add3A_393 : i32
      %add3A_395 = arith.constant 6 : i32
      %add3A_396 = arith.addi %add3A_394, %add3A_395 : i32
      %lt3A_397 = arith.constant 125 : i32
      %lt3A_398 = arith.cmpi slt, %add3A_396, %lt3A_397 : i32
      %convert_element_type3A_399 = arith.extui %lt3A_398 : i1 to i32
      %cond3A_400 = arith.constant 0 : i32
      %cond3A_401 = arith.cmpi ne, %convert_element_type3A_399, %cond3A_400 : i32
      scf.if %cond3A_401 {
        %add3A_520 = arith.constant 6 : i32
        %add3A_521 = arith.addi %add3A_394, %add3A_520 : i32
        %mul3A_522 = arith.constant 80 : i32
        %mul3A_523 = arith.muli %add3A_521, %mul3A_522 : i32
        %add3A_524 = arith.addi %mul3A_2, %mul3A_523 : i32
        %dma_start3A_525 = tpu.memref_slice %arg3[%add3A_524] : memref<320000xi32, #tpu.memory_space<hbm>> -> memref<80xi32, #tpu.memory_space<hbm>>
        %dma_start3A_526 = tpu.memref_slice %arg3[%add3A_524] : memref<320000xi32, #tpu.memory_space<hbm>> -> memref<80xi32, #tpu.memory_space<hbm>>
        tpu.enqueue_dma source(%dma_start3A_526 : memref<80xi32, #tpu.memory_space<hbm>>) target(%arg11 : memref<80xi32, #tpu.memory_space<vmem>>) target_semaphore(%arg33 : memref<!tpu.dma_semaphore, #tpu.memory_space<semaphore_mem>>)
        %dma_start3A_527 = tpu.memref_slice %arg4[%add3A_524] : memref<320000xi32, #tpu.memory_space<hbm>> -> memref<80xi32, #tpu.memory_space<hbm>>
        %dma_start3A_528 = tpu.memref_slice %arg4[%add3A_524] : memref<320000xi32, #tpu.memory_space<hbm>> -> memref<80xi32, #tpu.memory_space<hbm>>
        tpu.enqueue_dma source(%dma_start3A_528 : memref<80xi32, #tpu.memory_space<hbm>>) target(%arg19 : memref<80xi32, #tpu.memory_space<vmem>>) target_semaphore(%arg33 : memref<!tpu.dma_semaphore, #tpu.memory_space<semaphore_mem>>)
      } else {
      }
      %add3A_402 = arith.constant 2 : i32
      %add3A_403 = arith.addi %add3A_394, %add3A_402 : i32
      %lt3A_404 = arith.constant 125 : i32
      %lt3A_405 = arith.cmpi slt, %add3A_403, %lt3A_404 : i32
      %convert_element_type3A_406 = arith.extui %lt3A_405 : i1 to i32
      %cond3A_407 = arith.constant 0 : i32
      %cond3A_408 = arith.cmpi ne, %convert_element_type3A_406, %cond3A_407 : i32
      scf.if %cond3A_408 {
        %dma_wait3A_520 = arith.constant 0 : i32
        %dma_wait3A_521 = tpu.memref_slice %arg3[%dma_wait3A_520] : memref<320000xi32, #tpu.memory_space<hbm>> -> memref<80xi32, #tpu.memory_space<hbm>>
        %dma_wait3A_522 = arith.constant 0 : i32
        %dma_wait3A_523 = tpu.memref_slice %arg3[%dma_wait3A_522] : memref<320000xi32, #tpu.memory_space<hbm>> -> memref<80xi32, #tpu.memory_space<hbm>>
        tpu.wait_dma2 semaphore(%arg37 : memref<!tpu.dma_semaphore, #tpu.memory_space<semaphore_mem>>) src(%dma_wait3A_523 : memref<80xi32, #tpu.memory_space<hbm>>) dst(%arg15 : memref<80xi32, #tpu.memory_space<vmem>>)
        %dma_wait3A_524 = arith.constant 0 : i32
        %dma_wait3A_525 = tpu.memref_slice %arg3[%dma_wait3A_524] : memref<320000xi32, #tpu.memory_space<hbm>> -> memref<80xi32, #tpu.memory_space<hbm>>
        %dma_wait3A_526 = arith.constant 0 : i32
        %dma_wait3A_527 = tpu.memref_slice %arg3[%dma_wait3A_526] : memref<320000xi32, #tpu.memory_space<hbm>> -> memref<80xi32, #tpu.memory_space<hbm>>
        tpu.wait_dma2 semaphore(%arg37 : memref<!tpu.dma_semaphore, #tpu.memory_space<semaphore_mem>>) src(%dma_wait3A_527 : memref<80xi32, #tpu.memory_space<hbm>>) dst(%arg23 : memref<80xi32, #tpu.memory_space<vmem>>)
        %dma_start3A_528 = arith.constant 0 : i32
        %dma_start3A_529 = arith.constant 0 : i32
        %dma_start3A_530 = tpu.memref_slice %arg2[%dma_start3A_528, %dma_start3A_529] : memref<10000x128xf32, #tpu.memory_space<hbm>> -> memref<10000x128xf32, #tpu.memory_space<hbm>>
        tpu.enqueue_indirect_dma source(%dma_start3A_530 : memref<10000x128xf32, #tpu.memory_space<hbm>>) target(%arg27 : memref<80x128xf32, #tpu.memory_space<vmem>>) offsets(%arg15 : memref<80xi32, #tpu.memory_space<vmem>>) semaphore(%arg41 : memref<!tpu.dma_semaphore, #tpu.memory_space<semaphore_mem>>)
      } else {
      }
      %dma_wait3A_409 = arith.constant 0 : i32
      %dma_wait3A_410 = arith.constant 0 : i32
      %dma_wait3A_411 = tpu.memref_slice %arg2[%dma_wait3A_409, %dma_wait3A_410] : memref<10000x128xf32, #tpu.memory_space<hbm>> -> memref<80x128xf32, #tpu.memory_space<hbm>>
      %dma_wait3A_412 = arith.constant 0 : i32
      %dma_wait3A_413 = arith.constant 0 : i32
      %dma_wait3A_414 = tpu.memref_slice %arg2[%dma_wait3A_412, %dma_wait3A_413] : memref<10000x128xf32, #tpu.memory_space<hbm>> -> memref<80x128xf32, #tpu.memory_space<hbm>>
      tpu.wait_dma2 semaphore(%arg39 : memref<!tpu.dma_semaphore, #tpu.memory_space<semaphore_mem>>) src(%dma_wait3A_414 : memref<80x128xf32, #tpu.memory_space<hbm>>) dst(%arg25 : memref<80x128xf32, #tpu.memory_space<vmem>>)
      %gt3A_415 = arith.constant 0 : i32
      %gt3A_416 = arith.cmpi sgt, %add3A_394, %gt3A_415 : i32
      %convert_element_type3A_417 = arith.extui %gt3A_416 : i1 to i32
      %cond3A_418 = arith.constant 0 : i32
      %cond3A_419 = arith.cmpi ne, %convert_element_type3A_417, %cond3A_418 : i32
      scf.if %cond3A_419 {
        %dma_wait3A_520 = arith.constant 0 : i32
        %dma_wait3A_521 = arith.constant 0 : i32
        %dma_wait3A_522 = tpu.memref_slice %arg2[%dma_wait3A_520, %dma_wait3A_521] : memref<10000x128xf32, #tpu.memory_space<hbm>> -> memref<80x128xf32, #tpu.memory_space<hbm>>
        %dma_wait3A_523 = arith.constant 0 : i32
        %dma_wait3A_524 = arith.constant 0 : i32
        %dma_wait3A_525 = tpu.memref_slice %arg2[%dma_wait3A_523, %dma_wait3A_524] : memref<10000x128xf32, #tpu.memory_space<hbm>> -> memref<80x128xf32, #tpu.memory_space<hbm>>
        tpu.wait_dma2 semaphore(%arg43 : memref<!tpu.dma_semaphore, #tpu.memory_space<semaphore_mem>>) src(%dma_wait3A_525 : memref<80x128xf32, #tpu.memory_space<hbm>>) dst(%arg25 : memref<80x128xf32, #tpu.memory_space<vmem>>)
      } else {
      }
      %dma_start3A_420 = arith.constant 0 : i32
      %dma_start3A_421 = arith.constant 0 : i32
      %dma_start3A_422 = tpu.memref_slice %arg30[%dma_start3A_420, %dma_start3A_421] : memref<10000x128xf32, #tpu.memory_space<vmem_shared>> -> memref<10000x128xf32, #tpu.memory_space<vmem_shared>>
      tpu.enqueue_indirect_dma source(%arg25 : memref<80x128xf32, #tpu.memory_space<vmem>>) target(%dma_start3A_422 : memref<10000x128xf32, #tpu.memory_space<vmem_shared>>) offsets(%arg21 : memref<80xi32, #tpu.memory_space<vmem>>) semaphore(%arg43 : memref<!tpu.dma_semaphore, #tpu.memory_space<semaphore_mem>>) {add = true}
      "tpu.region"() ({
        %run_scoped3A = tpu.sem_alloc : memref<!tpu.dma_semaphore, #tpu.memory_space<semaphore_mem>>
        %dma_start3A_520 = arith.constant 0 : i32
        %dma_start3A_521 = tpu.memref_slice %arg47[%dma_start3A_520] : memref<10000xf32, #tpu.memory_space<vmem_shared>> -> memref<10000xf32, #tpu.memory_space<vmem_shared>>
        tpu.enqueue_indirect_dma source(%arg45 : memref<80xf32, #tpu.memory_space<vmem>>) target(%dma_start3A_521 : memref<10000xf32, #tpu.memory_space<vmem_shared>>) offsets(%arg21 : memref<80xi32, #tpu.memory_space<vmem>>) semaphore(%run_scoped3A : memref<!tpu.dma_semaphore, #tpu.memory_space<semaphore_mem>>) {add = true}
        %dma_wait3A_522 = arith.constant 0 : i32
        %dma_wait3A_523 = tpu.memref_slice %arg47[%dma_wait3A_522] : memref<10000xf32, #tpu.memory_space<vmem_shared>> -> memref<10000xf32, #tpu.memory_space<vmem_shared>>
        tpu.wait_indirect_dma semaphore(%run_scoped3A : memref<!tpu.dma_semaphore, #tpu.memory_space<semaphore_mem>>) src(%arg45 : memref<80xf32, #tpu.memory_space<vmem>>) dst(%dma_wait3A_523 : memref<10000xf32, #tpu.memory_space<vmem_shared>>)
        tpu.yield
      }) : () -> ()
      %mul3A_423 = arith.constant 8 : i32
      %mul3A_424 = arith.muli %scan3A_262, %mul3A_423 : i32
      %add3A_425 = arith.constant 5 : i32
      %add3A_426 = arith.addi %mul3A_424, %add3A_425 : i32
      %add3A_427 = arith.constant 6 : i32
      %add3A_428 = arith.addi %add3A_426, %add3A_427 : i32
      %lt3A_429 = arith.constant 125 : i32
      %lt3A_430 = arith.cmpi slt, %add3A_428, %lt3A_429 : i32
      %convert_element_type3A_431 = arith.extui %lt3A_430 : i1 to i32
      %cond3A_432 = arith.constant 0 : i32
      %cond3A_433 = arith.cmpi ne, %convert_element_type3A_431, %cond3A_432 : i32
      scf.if %cond3A_433 {
        %add3A_520 = arith.constant 6 : i32
        %add3A_521 = arith.addi %add3A_426, %add3A_520 : i32
        %mul3A_522 = arith.constant 80 : i32
        %mul3A_523 = arith.muli %add3A_521, %mul3A_522 : i32
        %add3A_524 = arith.addi %mul3A_2, %mul3A_523 : i32
        %dma_start3A_525 = tpu.memref_slice %arg3[%add3A_524] : memref<320000xi32, #tpu.memory_space<hbm>> -> memref<80xi32, #tpu.memory_space<hbm>>
        %dma_start3A_526 = tpu.memref_slice %arg3[%add3A_524] : memref<320000xi32, #tpu.memory_space<hbm>> -> memref<80xi32, #tpu.memory_space<hbm>>
        tpu.enqueue_dma source(%dma_start3A_526 : memref<80xi32, #tpu.memory_space<hbm>>) target(%arg12 : memref<80xi32, #tpu.memory_space<vmem>>) target_semaphore(%arg34 : memref<!tpu.dma_semaphore, #tpu.memory_space<semaphore_mem>>)
        %dma_start3A_527 = tpu.memref_slice %arg4[%add3A_524] : memref<320000xi32, #tpu.memory_space<hbm>> -> memref<80xi32, #tpu.memory_space<hbm>>
        %dma_start3A_528 = tpu.memref_slice %arg4[%add3A_524] : memref<320000xi32, #tpu.memory_space<hbm>> -> memref<80xi32, #tpu.memory_space<hbm>>
        tpu.enqueue_dma source(%dma_start3A_528 : memref<80xi32, #tpu.memory_space<hbm>>) target(%arg20 : memref<80xi32, #tpu.memory_space<vmem>>) target_semaphore(%arg34 : memref<!tpu.dma_semaphore, #tpu.memory_space<semaphore_mem>>)
      } else {
      }
      %add3A_434 = arith.constant 2 : i32
      %add3A_435 = arith.addi %add3A_426, %add3A_434 : i32
      %lt3A_436 = arith.constant 125 : i32
      %lt3A_437 = arith.cmpi slt, %add3A_435, %lt3A_436 : i32
      %convert_element_type3A_438 = arith.extui %lt3A_437 : i1 to i32
      %cond3A_439 = arith.constant 0 : i32
      %cond3A_440 = arith.cmpi ne, %convert_element_type3A_438, %cond3A_439 : i32
      scf.if %cond3A_440 {
        %dma_wait3A_520 = arith.constant 0 : i32
        %dma_wait3A_521 = tpu.memref_slice %arg3[%dma_wait3A_520] : memref<320000xi32, #tpu.memory_space<hbm>> -> memref<80xi32, #tpu.memory_space<hbm>>
        %dma_wait3A_522 = arith.constant 0 : i32
        %dma_wait3A_523 = tpu.memref_slice %arg3[%dma_wait3A_522] : memref<320000xi32, #tpu.memory_space<hbm>> -> memref<80xi32, #tpu.memory_space<hbm>>
        tpu.wait_dma2 semaphore(%arg38 : memref<!tpu.dma_semaphore, #tpu.memory_space<semaphore_mem>>) src(%dma_wait3A_523 : memref<80xi32, #tpu.memory_space<hbm>>) dst(%arg16 : memref<80xi32, #tpu.memory_space<vmem>>)
        %dma_wait3A_524 = arith.constant 0 : i32
        %dma_wait3A_525 = tpu.memref_slice %arg3[%dma_wait3A_524] : memref<320000xi32, #tpu.memory_space<hbm>> -> memref<80xi32, #tpu.memory_space<hbm>>
        %dma_wait3A_526 = arith.constant 0 : i32
        %dma_wait3A_527 = tpu.memref_slice %arg3[%dma_wait3A_526] : memref<320000xi32, #tpu.memory_space<hbm>> -> memref<80xi32, #tpu.memory_space<hbm>>
        tpu.wait_dma2 semaphore(%arg38 : memref<!tpu.dma_semaphore, #tpu.memory_space<semaphore_mem>>) src(%dma_wait3A_527 : memref<80xi32, #tpu.memory_space<hbm>>) dst(%arg24 : memref<80xi32, #tpu.memory_space<vmem>>)
        %dma_start3A_528 = arith.constant 0 : i32
        %dma_start3A_529 = arith.constant 0 : i32
        %dma_start3A_530 = tpu.memref_slice %arg2[%dma_start3A_528, %dma_start3A_529] : memref<10000x128xf32, #tpu.memory_space<hbm>> -> memref<10000x128xf32, #tpu.memory_space<hbm>>
        tpu.enqueue_indirect_dma source(%dma_start3A_530 : memref<10000x128xf32, #tpu.memory_space<hbm>>) target(%arg28 : memref<80x128xf32, #tpu.memory_space<vmem>>) offsets(%arg16 : memref<80xi32, #tpu.memory_space<vmem>>) semaphore(%arg42 : memref<!tpu.dma_semaphore, #tpu.memory_space<semaphore_mem>>)
      } else {
      }
      %dma_wait3A_441 = arith.constant 0 : i32
      %dma_wait3A_442 = arith.constant 0 : i32
      %dma_wait3A_443 = tpu.memref_slice %arg2[%dma_wait3A_441, %dma_wait3A_442] : memref<10000x128xf32, #tpu.memory_space<hbm>> -> memref<80x128xf32, #tpu.memory_space<hbm>>
      %dma_wait3A_444 = arith.constant 0 : i32
      %dma_wait3A_445 = arith.constant 0 : i32
      %dma_wait3A_446 = tpu.memref_slice %arg2[%dma_wait3A_444, %dma_wait3A_445] : memref<10000x128xf32, #tpu.memory_space<hbm>> -> memref<80x128xf32, #tpu.memory_space<hbm>>
      tpu.wait_dma2 semaphore(%arg40 : memref<!tpu.dma_semaphore, #tpu.memory_space<semaphore_mem>>) src(%dma_wait3A_446 : memref<80x128xf32, #tpu.memory_space<hbm>>) dst(%arg26 : memref<80x128xf32, #tpu.memory_space<vmem>>)
      %gt3A_447 = arith.constant 0 : i32
      %gt3A_448 = arith.cmpi sgt, %add3A_426, %gt3A_447 : i32
      %convert_element_type3A_449 = arith.extui %gt3A_448 : i1 to i32
      %cond3A_450 = arith.constant 0 : i32
      %cond3A_451 = arith.cmpi ne, %convert_element_type3A_449, %cond3A_450 : i32
      scf.if %cond3A_451 {
        %dma_wait3A_520 = arith.constant 0 : i32
        %dma_wait3A_521 = arith.constant 0 : i32
        %dma_wait3A_522 = tpu.memref_slice %arg2[%dma_wait3A_520, %dma_wait3A_521] : memref<10000x128xf32, #tpu.memory_space<hbm>> -> memref<80x128xf32, #tpu.memory_space<hbm>>
        %dma_wait3A_523 = arith.constant 0 : i32
        %dma_wait3A_524 = arith.constant 0 : i32
        %dma_wait3A_525 = tpu.memref_slice %arg2[%dma_wait3A_523, %dma_wait3A_524] : memref<10000x128xf32, #tpu.memory_space<hbm>> -> memref<80x128xf32, #tpu.memory_space<hbm>>
        tpu.wait_dma2 semaphore(%arg43 : memref<!tpu.dma_semaphore, #tpu.memory_space<semaphore_mem>>) src(%dma_wait3A_525 : memref<80x128xf32, #tpu.memory_space<hbm>>) dst(%arg26 : memref<80x128xf32, #tpu.memory_space<vmem>>)
      } else {
      }
      %dma_start3A_452 = arith.constant 0 : i32
      %dma_start3A_453 = arith.constant 0 : i32
      %dma_start3A_454 = tpu.memref_slice %arg30[%dma_start3A_452, %dma_start3A_453] : memref<10000x128xf32, #tpu.memory_space<vmem_shared>> -> memref<10000x128xf32, #tpu.memory_space<vmem_shared>>
      tpu.enqueue_indirect_dma source(%arg26 : memref<80x128xf32, #tpu.memory_space<vmem>>) target(%dma_start3A_454 : memref<10000x128xf32, #tpu.memory_space<vmem_shared>>) offsets(%arg22 : memref<80xi32, #tpu.memory_space<vmem>>) semaphore(%arg43 : memref<!tpu.dma_semaphore, #tpu.memory_space<semaphore_mem>>) {add = true}
      "tpu.region"() ({
        %run_scoped3A = tpu.sem_alloc : memref<!tpu.dma_semaphore, #tpu.memory_space<semaphore_mem>>
        %dma_start3A_520 = arith.constant 0 : i32
        %dma_start3A_521 = tpu.memref_slice %arg47[%dma_start3A_520] : memref<10000xf32, #tpu.memory_space<vmem_shared>> -> memref<10000xf32, #tpu.memory_space<vmem_shared>>
        tpu.enqueue_indirect_dma source(%arg45 : memref<80xf32, #tpu.memory_space<vmem>>) target(%dma_start3A_521 : memref<10000xf32, #tpu.memory_space<vmem_shared>>) offsets(%arg22 : memref<80xi32, #tpu.memory_space<vmem>>) semaphore(%run_scoped3A : memref<!tpu.dma_semaphore, #tpu.memory_space<semaphore_mem>>) {add = true}
        %dma_wait3A_522 = arith.constant 0 : i32
        %dma_wait3A_523 = tpu.memref_slice %arg47[%dma_wait3A_522] : memref<10000xf32, #tpu.memory_space<vmem_shared>> -> memref<10000xf32, #tpu.memory_space<vmem_shared>>
        tpu.wait_indirect_dma semaphore(%run_scoped3A : memref<!tpu.dma_semaphore, #tpu.memory_space<semaphore_mem>>) src(%arg45 : memref<80xf32, #tpu.memory_space<vmem>>) dst(%dma_wait3A_523 : memref<10000xf32, #tpu.memory_space<vmem_shared>>)
        tpu.yield
      }) : () -> ()
      %mul3A_455 = arith.constant 8 : i32
      %mul3A_456 = arith.muli %scan3A_262, %mul3A_455 : i32
      %add3A_457 = arith.constant 6 : i32
      %add3A_458 = arith.addi %mul3A_456, %add3A_457 : i32
      %add3A_459 = arith.constant 6 : i32
      %add3A_460 = arith.addi %add3A_458, %add3A_459 : i32
      %lt3A_461 = arith.constant 125 : i32
      %lt3A_462 = arith.cmpi slt, %add3A_460, %lt3A_461 : i32
      %convert_element_type3A_463 = arith.extui %lt3A_462 : i1 to i32
      %cond3A_464 = arith.constant 0 : i32
      %cond3A_465 = arith.cmpi ne, %convert_element_type3A_463, %cond3A_464 : i32
      scf.if %cond3A_465 {
        %add3A_520 = arith.constant 6 : i32
        %add3A_521 = arith.addi %add3A_458, %add3A_520 : i32
        %mul3A_522 = arith.constant 80 : i32
        %mul3A_523 = arith.muli %add3A_521, %mul3A_522 : i32
        %add3A_524 = arith.addi %mul3A_2, %mul3A_523 : i32
        %dma_start3A_525 = tpu.memref_slice %arg3[%add3A_524] : memref<320000xi32, #tpu.memory_space<hbm>> -> memref<80xi32, #tpu.memory_space<hbm>>
        %dma_start3A_526 = tpu.memref_slice %arg3[%add3A_524] : memref<320000xi32, #tpu.memory_space<hbm>> -> memref<80xi32, #tpu.memory_space<hbm>>
        tpu.enqueue_dma source(%dma_start3A_526 : memref<80xi32, #tpu.memory_space<hbm>>) target(%arg13 : memref<80xi32, #tpu.memory_space<vmem>>) target_semaphore(%arg35 : memref<!tpu.dma_semaphore, #tpu.memory_space<semaphore_mem>>)
        %dma_start3A_527 = tpu.memref_slice %arg4[%add3A_524] : memref<320000xi32, #tpu.memory_space<hbm>> -> memref<80xi32, #tpu.memory_space<hbm>>
        %dma_start3A_528 = tpu.memref_slice %arg4[%add3A_524] : memref<320000xi32, #tpu.memory_space<hbm>> -> memref<80xi32, #tpu.memory_space<hbm>>
        tpu.enqueue_dma source(%dma_start3A_528 : memref<80xi32, #tpu.memory_space<hbm>>) target(%arg21 : memref<80xi32, #tpu.memory_space<vmem>>) target_semaphore(%arg35 : memref<!tpu.dma_semaphore, #tpu.memory_space<semaphore_mem>>)
      } else {
      }
      %add3A_466 = arith.constant 2 : i32
      %add3A_467 = arith.addi %add3A_458, %add3A_466 : i32
      %lt3A_468 = arith.constant 125 : i32
      %lt3A_469 = arith.cmpi slt, %add3A_467, %lt3A_468 : i32
      %convert_element_type3A_470 = arith.extui %lt3A_469 : i1 to i32
      %cond3A_471 = arith.constant 0 : i32
      %cond3A_472 = arith.cmpi ne, %convert_element_type3A_470, %cond3A_471 : i32
      scf.if %cond3A_472 {
        %dma_wait3A_520 = arith.constant 0 : i32
        %dma_wait3A_521 = tpu.memref_slice %arg3[%dma_wait3A_520] : memref<320000xi32, #tpu.memory_space<hbm>> -> memref<80xi32, #tpu.memory_space<hbm>>
        %dma_wait3A_522 = arith.constant 0 : i32
        %dma_wait3A_523 = tpu.memref_slice %arg3[%dma_wait3A_522] : memref<320000xi32, #tpu.memory_space<hbm>> -> memref<80xi32, #tpu.memory_space<hbm>>
        tpu.wait_dma2 semaphore(%arg31 : memref<!tpu.dma_semaphore, #tpu.memory_space<semaphore_mem>>) src(%dma_wait3A_523 : memref<80xi32, #tpu.memory_space<hbm>>) dst(%arg9 : memref<80xi32, #tpu.memory_space<vmem>>)
        %dma_wait3A_524 = arith.constant 0 : i32
        %dma_wait3A_525 = tpu.memref_slice %arg3[%dma_wait3A_524] : memref<320000xi32, #tpu.memory_space<hbm>> -> memref<80xi32, #tpu.memory_space<hbm>>
        %dma_wait3A_526 = arith.constant 0 : i32
        %dma_wait3A_527 = tpu.memref_slice %arg3[%dma_wait3A_526] : memref<320000xi32, #tpu.memory_space<hbm>> -> memref<80xi32, #tpu.memory_space<hbm>>
        tpu.wait_dma2 semaphore(%arg31 : memref<!tpu.dma_semaphore, #tpu.memory_space<semaphore_mem>>) src(%dma_wait3A_527 : memref<80xi32, #tpu.memory_space<hbm>>) dst(%arg17 : memref<80xi32, #tpu.memory_space<vmem>>)
        %dma_start3A_528 = arith.constant 0 : i32
        %dma_start3A_529 = arith.constant 0 : i32
        %dma_start3A_530 = tpu.memref_slice %arg2[%dma_start3A_528, %dma_start3A_529] : memref<10000x128xf32, #tpu.memory_space<hbm>> -> memref<10000x128xf32, #tpu.memory_space<hbm>>
        tpu.enqueue_indirect_dma source(%dma_start3A_530 : memref<10000x128xf32, #tpu.memory_space<hbm>>) target(%arg25 : memref<80x128xf32, #tpu.memory_space<vmem>>) offsets(%arg9 : memref<80xi32, #tpu.memory_space<vmem>>) semaphore(%arg39 : memref<!tpu.dma_semaphore, #tpu.memory_space<semaphore_mem>>)
      } else {
      }
      %dma_wait3A_473 = arith.constant 0 : i32
      %dma_wait3A_474 = arith.constant 0 : i32
      %dma_wait3A_475 = tpu.memref_slice %arg2[%dma_wait3A_473, %dma_wait3A_474] : memref<10000x128xf32, #tpu.memory_space<hbm>> -> memref<80x128xf32, #tpu.memory_space<hbm>>
      %dma_wait3A_476 = arith.constant 0 : i32
      %dma_wait3A_477 = arith.constant 0 : i32
      %dma_wait3A_478 = tpu.memref_slice %arg2[%dma_wait3A_476, %dma_wait3A_477] : memref<10000x128xf32, #tpu.memory_space<hbm>> -> memref<80x128xf32, #tpu.memory_space<hbm>>
      tpu.wait_dma2 semaphore(%arg41 : memref<!tpu.dma_semaphore, #tpu.memory_space<semaphore_mem>>) src(%dma_wait3A_478 : memref<80x128xf32, #tpu.memory_space<hbm>>) dst(%arg27 : memref<80x128xf32, #tpu.memory_space<vmem>>)
      %gt3A_479 = arith.constant 0 : i32
      %gt3A_480 = arith.cmpi sgt, %add3A_458, %gt3A_479 : i32
      %convert_element_type3A_481 = arith.extui %gt3A_480 : i1 to i32
      %cond3A_482 = arith.constant 0 : i32
      %cond3A_483 = arith.cmpi ne, %convert_element_type3A_481, %cond3A_482 : i32
      scf.if %cond3A_483 {
        %dma_wait3A_520 = arith.constant 0 : i32
        %dma_wait3A_521 = arith.constant 0 : i32
        %dma_wait3A_522 = tpu.memref_slice %arg2[%dma_wait3A_520, %dma_wait3A_521] : memref<10000x128xf32, #tpu.memory_space<hbm>> -> memref<80x128xf32, #tpu.memory_space<hbm>>
        %dma_wait3A_523 = arith.constant 0 : i32
        %dma_wait3A_524 = arith.constant 0 : i32
        %dma_wait3A_525 = tpu.memref_slice %arg2[%dma_wait3A_523, %dma_wait3A_524] : memref<10000x128xf32, #tpu.memory_space<hbm>> -> memref<80x128xf32, #tpu.memory_space<hbm>>
        tpu.wait_dma2 semaphore(%arg43 : memref<!tpu.dma_semaphore, #tpu.memory_space<semaphore_mem>>) src(%dma_wait3A_525 : memref<80x128xf32, #tpu.memory_space<hbm>>) dst(%arg27 : memref<80x128xf32, #tpu.memory_space<vmem>>)
      } else {
      }
      %dma_start3A_484 = arith.constant 0 : i32
      %dma_start3A_485 = arith.constant 0 : i32
      %dma_start3A_486 = tpu.memref_slice %arg30[%dma_start3A_484, %dma_start3A_485] : memref<10000x128xf32, #tpu.memory_space<vmem_shared>> -> memref<10000x128xf32, #tpu.memory_space<vmem_shared>>
      tpu.enqueue_indirect_dma source(%arg27 : memref<80x128xf32, #tpu.memory_space<vmem>>) target(%dma_start3A_486 : memref<10000x128xf32, #tpu.memory_space<vmem_shared>>) offsets(%arg23 : memref<80xi32, #tpu.memory_space<vmem>>) semaphore(%arg43 : memref<!tpu.dma_semaphore, #tpu.memory_space<semaphore_mem>>) {add = true}
      "tpu.region"() ({
        %run_scoped3A = tpu.sem_alloc : memref<!tpu.dma_semaphore, #tpu.memory_space<semaphore_mem>>
        %dma_start3A_520 = arith.constant 0 : i32
        %dma_start3A_521 = tpu.memref_slice %arg47[%dma_start3A_520] : memref<10000xf32, #tpu.memory_space<vmem_shared>> -> memref<10000xf32, #tpu.memory_space<vmem_shared>>
        tpu.enqueue_indirect_dma source(%arg45 : memref<80xf32, #tpu.memory_space<vmem>>) target(%dma_start3A_521 : memref<10000xf32, #tpu.memory_space<vmem_shared>>) offsets(%arg23 : memref<80xi32, #tpu.memory_space<vmem>>) semaphore(%run_scoped3A : memref<!tpu.dma_semaphore, #tpu.memory_space<semaphore_mem>>) {add = true}
        %dma_wait3A_522 = arith.constant 0 : i32
        %dma_wait3A_523 = tpu.memref_slice %arg47[%dma_wait3A_522] : memref<10000xf32, #tpu.memory_space<vmem_shared>> -> memref<10000xf32, #tpu.memory_space<vmem_shared>>
        tpu.wait_indirect_dma semaphore(%run_scoped3A : memref<!tpu.dma_semaphore, #tpu.memory_space<semaphore_mem>>) src(%arg45 : memref<80xf32, #tpu.memory_space<vmem>>) dst(%dma_wait3A_523 : memref<10000xf32, #tpu.memory_space<vmem_shared>>)
        tpu.yield
      }) : () -> ()
      %mul3A_487 = arith.constant 8 : i32
      %mul3A_488 = arith.muli %scan3A_262, %mul3A_487 : i32
      %add3A_489 = arith.constant 7 : i32
      %add3A_490 = arith.addi %mul3A_488, %add3A_489 : i32
      %add3A_491 = arith.constant 6 : i32
      %add3A_492 = arith.addi %add3A_490, %add3A_491 : i32
      %lt3A_493 = arith.constant 125 : i32
      %lt3A_494 = arith.cmpi slt, %add3A_492, %lt3A_493 : i32
      %convert_element_type3A_495 = arith.extui %lt3A_494 : i1 to i32
      %cond3A_496 = arith.constant 0 : i32
      %cond3A_497 = arith.cmpi ne, %convert_element_type3A_495, %cond3A_496 : i32
      scf.if %cond3A_497 {
        %add3A_520 = arith.constant 6 : i32
        %add3A_521 = arith.addi %add3A_490, %add3A_520 : i32
        %mul3A_522 = arith.constant 80 : i32
        %mul3A_523 = arith.muli %add3A_521, %mul3A_522 : i32
        %add3A_524 = arith.addi %mul3A_2, %mul3A_523 : i32
        %dma_start3A_525 = tpu.memref_slice %arg3[%add3A_524] : memref<320000xi32, #tpu.memory_space<hbm>> -> memref<80xi32, #tpu.memory_space<hbm>>
        %dma_start3A_526 = tpu.memref_slice %arg3[%add3A_524] : memref<320000xi32, #tpu.memory_space<hbm>> -> memref<80xi32, #tpu.memory_space<hbm>>
        tpu.enqueue_dma source(%dma_start3A_526 : memref<80xi32, #tpu.memory_space<hbm>>) target(%arg14 : memref<80xi32, #tpu.memory_space<vmem>>) target_semaphore(%arg36 : memref<!tpu.dma_semaphore, #tpu.memory_space<semaphore_mem>>)
        %dma_start3A_527 = tpu.memref_slice %arg4[%add3A_524] : memref<320000xi32, #tpu.memory_space<hbm>> -> memref<80xi32, #tpu.memory_space<hbm>>
        %dma_start3A_528 = tpu.memref_slice %arg4[%add3A_524] : memref<320000xi32, #tpu.memory_space<hbm>> -> memref<80xi32, #tpu.memory_space<hbm>>
        tpu.enqueue_dma source(%dma_start3A_528 : memref<80xi32, #tpu.memory_space<hbm>>) target(%arg22 : memref<80xi32, #tpu.memory_space<vmem>>) target_semaphore(%arg36 : memref<!tpu.dma_semaphore, #tpu.memory_space<semaphore_mem>>)
      } else {
      }
      %add3A_498 = arith.constant 2 : i32
      %add3A_499 = arith.addi %add3A_490, %add3A_498 : i32
      %lt3A_500 = arith.constant 125 : i32
      %lt3A_501 = arith.cmpi slt, %add3A_499, %lt3A_500 : i32
      %convert_element_type3A_502 = arith.extui %lt3A_501 : i1 to i32
      %cond3A_503 = arith.constant 0 : i32
      %cond3A_504 = arith.cmpi ne, %convert_element_type3A_502, %cond3A_503 : i32
      scf.if %cond3A_504 {
        %dma_wait3A_520 = arith.constant 0 : i32
        %dma_wait3A_521 = tpu.memref_slice %arg3[%dma_wait3A_520] : memref<320000xi32, #tpu.memory_space<hbm>> -> memref<80xi32, #tpu.memory_space<hbm>>
        %dma_wait3A_522 = arith.constant 0 : i32
        %dma_wait3A_523 = tpu.memref_slice %arg3[%dma_wait3A_522] : memref<320000xi32, #tpu.memory_space<hbm>> -> memref<80xi32, #tpu.memory_space<hbm>>
        tpu.wait_dma2 semaphore(%arg32 : memref<!tpu.dma_semaphore, #tpu.memory_space<semaphore_mem>>) src(%dma_wait3A_523 : memref<80xi32, #tpu.memory_space<hbm>>) dst(%arg10 : memref<80xi32, #tpu.memory_space<vmem>>)
        %dma_wait3A_524 = arith.constant 0 : i32
        %dma_wait3A_525 = tpu.memref_slice %arg3[%dma_wait3A_524] : memref<320000xi32, #tpu.memory_space<hbm>> -> memref<80xi32, #tpu.memory_space<hbm>>
        %dma_wait3A_526 = arith.constant 0 : i32
        %dma_wait3A_527 = tpu.memref_slice %arg3[%dma_wait3A_526] : memref<320000xi32, #tpu.memory_space<hbm>> -> memref<80xi32, #tpu.memory_space<hbm>>
        tpu.wait_dma2 semaphore(%arg32 : memref<!tpu.dma_semaphore, #tpu.memory_space<semaphore_mem>>) src(%dma_wait3A_527 : memref<80xi32, #tpu.memory_space<hbm>>) dst(%arg18 : memref<80xi32, #tpu.memory_space<vmem>>)
        %dma_start3A_528 = arith.constant 0 : i32
        %dma_start3A_529 = arith.constant 0 : i32
        %dma_start3A_530 = tpu.memref_slice %arg2[%dma_start3A_528, %dma_start3A_529] : memref<10000x128xf32, #tpu.memory_space<hbm>> -> memref<10000x128xf32, #tpu.memory_space<hbm>>
        tpu.enqueue_indirect_dma source(%dma_start3A_530 : memref<10000x128xf32, #tpu.memory_space<hbm>>) target(%arg26 : memref<80x128xf32, #tpu.memory_space<vmem>>) offsets(%arg10 : memref<80xi32, #tpu.memory_space<vmem>>) semaphore(%arg40 : memref<!tpu.dma_semaphore, #tpu.memory_space<semaphore_mem>>)
      } else {
      }
      %dma_wait3A_505 = arith.constant 0 : i32
      %dma_wait3A_506 = arith.constant 0 : i32
      %dma_wait3A_507 = tpu.memref_slice %arg2[%dma_wait3A_505, %dma_wait3A_506] : memref<10000x128xf32, #tpu.memory_space<hbm>> -> memref<80x128xf32, #tpu.memory_space<hbm>>
      %dma_wait3A_508 = arith.constant 0 : i32
      %dma_wait3A_509 = arith.constant 0 : i32
      %dma_wait3A_510 = tpu.memref_slice %arg2[%dma_wait3A_508, %dma_wait3A_509] : memref<10000x128xf32, #tpu.memory_space<hbm>> -> memref<80x128xf32, #tpu.memory_space<hbm>>
      tpu.wait_dma2 semaphore(%arg42 : memref<!tpu.dma_semaphore, #tpu.memory_space<semaphore_mem>>) src(%dma_wait3A_510 : memref<80x128xf32, #tpu.memory_space<hbm>>) dst(%arg28 : memref<80x128xf32, #tpu.memory_space<vmem>>)
      %gt3A_511 = arith.constant 0 : i32
      %gt3A_512 = arith.cmpi sgt, %add3A_490, %gt3A_511 : i32
      %convert_element_type3A_513 = arith.extui %gt3A_512 : i1 to i32
      %cond3A_514 = arith.constant 0 : i32
      %cond3A_515 = arith.cmpi ne, %convert_element_type3A_513, %cond3A_514 : i32
      scf.if %cond3A_515 {
        %dma_wait3A_520 = arith.constant 0 : i32
        %dma_wait3A_521 = arith.constant 0 : i32
        %dma_wait3A_522 = tpu.memref_slice %arg2[%dma_wait3A_520, %dma_wait3A_521] : memref<10000x128xf32, #tpu.memory_space<hbm>> -> memref<80x128xf32, #tpu.memory_space<hbm>>
        %dma_wait3A_523 = arith.constant 0 : i32
        %dma_wait3A_524 = arith.constant 0 : i32
        %dma_wait3A_525 = tpu.memref_slice %arg2[%dma_wait3A_523, %dma_wait3A_524] : memref<10000x128xf32, #tpu.memory_space<hbm>> -> memref<80x128xf32, #tpu.memory_space<hbm>>
        tpu.wait_dma2 semaphore(%arg43 : memref<!tpu.dma_semaphore, #tpu.memory_space<semaphore_mem>>) src(%dma_wait3A_525 : memref<80x128xf32, #tpu.memory_space<hbm>>) dst(%arg28 : memref<80x128xf32, #tpu.memory_space<vmem>>)
      } else {
      }
      %dma_start3A_516 = arith.constant 0 : i32
      %dma_start3A_517 = arith.constant 0 : i32
      %dma_start3A_518 = tpu.memref_slice %arg30[%dma_start3A_516, %dma_start3A_517] : memref<10000x128xf32, #tpu.memory_space<vmem_shared>> -> memref<10000x128xf32, #tpu.memory_space<vmem_shared>>
      tpu.enqueue_indirect_dma source(%arg28 : memref<80x128xf32, #tpu.memory_space<vmem>>) target(%dma_start3A_518 : memref<10000x128xf32, #tpu.memory_space<vmem_shared>>) offsets(%arg24 : memref<80xi32, #tpu.memory_space<vmem>>) semaphore(%arg43 : memref<!tpu.dma_semaphore, #tpu.memory_space<semaphore_mem>>) {add = true}
      "tpu.region"() ({
        %run_scoped3A = tpu.sem_alloc : memref<!tpu.dma_semaphore, #tpu.memory_space<semaphore_mem>>
        %dma_start3A_520 = arith.constant 0 : i32
        %dma_start3A_521 = tpu.memref_slice %arg47[%dma_start3A_520] : memref<10000xf32, #tpu.memory_space<vmem_shared>> -> memref<10000xf32, #tpu.memory_space<vmem_shared>>
        tpu.enqueue_indirect_dma source(%arg45 : memref<80xf32, #tpu.memory_space<vmem>>) target(%dma_start3A_521 : memref<10000xf32, #tpu.memory_space<vmem_shared>>) offsets(%arg24 : memref<80xi32, #tpu.memory_space<vmem>>) semaphore(%run_scoped3A : memref<!tpu.dma_semaphore, #tpu.memory_space<semaphore_mem>>) {add = true}
        %dma_wait3A_522 = arith.constant 0 : i32
        %dma_wait3A_523 = tpu.memref_slice %arg47[%dma_wait3A_522] : memref<10000xf32, #tpu.memory_space<vmem_shared>> -> memref<10000xf32, #tpu.memory_space<vmem_shared>>
        tpu.wait_indirect_dma semaphore(%run_scoped3A : memref<!tpu.dma_semaphore, #tpu.memory_space<semaphore_mem>>) src(%arg45 : memref<80xf32, #tpu.memory_space<vmem>>) dst(%dma_wait3A_523 : memref<10000xf32, #tpu.memory_space<vmem_shared>>)
        tpu.yield
      }) : () -> ()
      %scan3A_519 = arith.constant 0 : i32
      scf.yield %scan3A_519 : i32
    }
    %scan3A_122 = arith.constant 15 : i32
    %dma_wait3A_123 = arith.constant 0 : i32
    %dma_wait3A_124 = tpu.memref_slice %arg3[%dma_wait3A_123] : memref<320000xi32, #tpu.memory_space<hbm>> -> memref<80xi32, #tpu.memory_space<hbm>>
    %dma_wait3A_125 = arith.constant 0 : i32
    %dma_wait3A_126 = tpu.memref_slice %arg3[%dma_wait3A_125] : memref<320000xi32, #tpu.memory_space<hbm>> -> memref<80xi32, #tpu.memory_space<hbm>>
    tpu.wait_dma2 semaphore(%arg33 : memref<!tpu.dma_semaphore, #tpu.memory_space<semaphore_mem>>) src(%dma_wait3A_126 : memref<80xi32, #tpu.memory_space<hbm>>) dst(%arg11 : memref<80xi32, #tpu.memory_space<vmem>>)
    %dma_wait3A_127 = arith.constant 0 : i32
    %dma_wait3A_128 = tpu.memref_slice %arg3[%dma_wait3A_127] : memref<320000xi32, #tpu.memory_space<hbm>> -> memref<80xi32, #tpu.memory_space<hbm>>
    %dma_wait3A_129 = arith.constant 0 : i32
    %dma_wait3A_130 = tpu.memref_slice %arg3[%dma_wait3A_129] : memref<320000xi32, #tpu.memory_space<hbm>> -> memref<80xi32, #tpu.memory_space<hbm>>
    tpu.wait_dma2 semaphore(%arg33 : memref<!tpu.dma_semaphore, #tpu.memory_space<semaphore_mem>>) src(%dma_wait3A_130 : memref<80xi32, #tpu.memory_space<hbm>>) dst(%arg19 : memref<80xi32, #tpu.memory_space<vmem>>)
    %dma_start3A_131 = arith.constant 0 : i32
    %dma_start3A_132 = arith.constant 0 : i32
    %dma_start3A_133 = tpu.memref_slice %arg2[%dma_start3A_131, %dma_start3A_132] : memref<10000x128xf32, #tpu.memory_space<hbm>> -> memref<10000x128xf32, #tpu.memory_space<hbm>>
    tpu.enqueue_indirect_dma source(%dma_start3A_133 : memref<10000x128xf32, #tpu.memory_space<hbm>>) target(%arg27 : memref<80x128xf32, #tpu.memory_space<vmem>>) offsets(%arg11 : memref<80xi32, #tpu.memory_space<vmem>>) semaphore(%arg41 : memref<!tpu.dma_semaphore, #tpu.memory_space<semaphore_mem>>)
    %dma_wait3A_134 = arith.constant 0 : i32
    %dma_wait3A_135 = arith.constant 0 : i32
    %dma_wait3A_136 = tpu.memref_slice %arg2[%dma_wait3A_134, %dma_wait3A_135] : memref<10000x128xf32, #tpu.memory_space<hbm>> -> memref<80x128xf32, #tpu.memory_space<hbm>>
    %dma_wait3A_137 = arith.constant 0 : i32
    %dma_wait3A_138 = arith.constant 0 : i32
    %dma_wait3A_139 = tpu.memref_slice %arg2[%dma_wait3A_137, %dma_wait3A_138] : memref<10000x128xf32, #tpu.memory_space<hbm>> -> memref<80x128xf32, #tpu.memory_space<hbm>>
    tpu.wait_dma2 semaphore(%arg39 : memref<!tpu.dma_semaphore, #tpu.memory_space<semaphore_mem>>) src(%dma_wait3A_139 : memref<80x128xf32, #tpu.memory_space<hbm>>) dst(%arg25 : memref<80x128xf32, #tpu.memory_space<vmem>>)
    %dma_wait3A_140 = arith.constant 0 : i32
    %dma_wait3A_141 = arith.constant 0 : i32
    %dma_wait3A_142 = tpu.memref_slice %arg2[%dma_wait3A_140, %dma_wait3A_141] : memref<10000x128xf32, #tpu.memory_space<hbm>> -> memref<80x128xf32, #tpu.memory_space<hbm>>
    %dma_wait3A_143 = arith.constant 0 : i32
    %dma_wait3A_144 = arith.constant 0 : i32
    %dma_wait3A_145 = tpu.memref_slice %arg2[%dma_wait3A_143, %dma_wait3A_144] : memref<10000x128xf32, #tpu.memory_space<hbm>> -> memref<80x128xf32, #tpu.memory_space<hbm>>
    tpu.wait_dma2 semaphore(%arg43 : memref<!tpu.dma_semaphore, #tpu.memory_space<semaphore_mem>>) src(%dma_wait3A_145 : memref<80x128xf32, #tpu.memory_space<hbm>>) dst(%arg25 : memref<80x128xf32, #tpu.memory_space<vmem>>)
    %dma_start3A_146 = arith.constant 0 : i32
    %dma_start3A_147 = arith.constant 0 : i32
    %dma_start3A_148 = tpu.memref_slice %arg30[%dma_start3A_146, %dma_start3A_147] : memref<10000x128xf32, #tpu.memory_space<vmem_shared>> -> memref<10000x128xf32, #tpu.memory_space<vmem_shared>>
    tpu.enqueue_indirect_dma source(%arg25 : memref<80x128xf32, #tpu.memory_space<vmem>>) target(%dma_start3A_148 : memref<10000x128xf32, #tpu.memory_space<vmem_shared>>) offsets(%arg17 : memref<80xi32, #tpu.memory_space<vmem>>) semaphore(%arg43 : memref<!tpu.dma_semaphore, #tpu.memory_space<semaphore_mem>>) {add = true}
    "tpu.region"() ({
      %run_scoped3A = tpu.sem_alloc : memref<!tpu.dma_semaphore, #tpu.memory_space<semaphore_mem>>
      %dma_start3A_262 = arith.constant 0 : i32
      %dma_start3A_263 = tpu.memref_slice %arg47[%dma_start3A_262] : memref<10000xf32, #tpu.memory_space<vmem_shared>> -> memref<10000xf32, #tpu.memory_space<vmem_shared>>
      tpu.enqueue_indirect_dma source(%arg45 : memref<80xf32, #tpu.memory_space<vmem>>) target(%dma_start3A_263 : memref<10000xf32, #tpu.memory_space<vmem_shared>>) offsets(%arg17 : memref<80xi32, #tpu.memory_space<vmem>>) semaphore(%run_scoped3A : memref<!tpu.dma_semaphore, #tpu.memory_space<semaphore_mem>>) {add = true}
      %dma_wait3A_264 = arith.constant 0 : i32
      %dma_wait3A_265 = tpu.memref_slice %arg47[%dma_wait3A_264] : memref<10000xf32, #tpu.memory_space<vmem_shared>> -> memref<10000xf32, #tpu.memory_space<vmem_shared>>
      tpu.wait_indirect_dma semaphore(%run_scoped3A : memref<!tpu.dma_semaphore, #tpu.memory_space<semaphore_mem>>) src(%arg45 : memref<80xf32, #tpu.memory_space<vmem>>) dst(%dma_wait3A_265 : memref<10000xf32, #tpu.memory_space<vmem_shared>>)
      tpu.yield
    }) : () -> ()
    %dma_wait3A_149 = arith.constant 0 : i32
    %dma_wait3A_150 = tpu.memref_slice %arg3[%dma_wait3A_149] : memref<320000xi32, #tpu.memory_space<hbm>> -> memref<80xi32, #tpu.memory_space<hbm>>
    %dma_wait3A_151 = arith.constant 0 : i32
    %dma_wait3A_152 = tpu.memref_slice %arg3[%dma_wait3A_151] : memref<320000xi32, #tpu.memory_space<hbm>> -> memref<80xi32, #tpu.memory_space<hbm>>
    tpu.wait_dma2 semaphore(%arg34 : memref<!tpu.dma_semaphore, #tpu.memory_space<semaphore_mem>>) src(%dma_wait3A_152 : memref<80xi32, #tpu.memory_space<hbm>>) dst(%arg12 : memref<80xi32, #tpu.memory_space<vmem>>)
    %dma_wait3A_153 = arith.constant 0 : i32
    %dma_wait3A_154 = tpu.memref_slice %arg3[%dma_wait3A_153] : memref<320000xi32, #tpu.memory_space<hbm>> -> memref<80xi32, #tpu.memory_space<hbm>>
    %dma_wait3A_155 = arith.constant 0 : i32
    %dma_wait3A_156 = tpu.memref_slice %arg3[%dma_wait3A_155] : memref<320000xi32, #tpu.memory_space<hbm>> -> memref<80xi32, #tpu.memory_space<hbm>>
    tpu.wait_dma2 semaphore(%arg34 : memref<!tpu.dma_semaphore, #tpu.memory_space<semaphore_mem>>) src(%dma_wait3A_156 : memref<80xi32, #tpu.memory_space<hbm>>) dst(%arg20 : memref<80xi32, #tpu.memory_space<vmem>>)
    %dma_start3A_157 = arith.constant 0 : i32
    %dma_start3A_158 = arith.constant 0 : i32
    %dma_start3A_159 = tpu.memref_slice %arg2[%dma_start3A_157, %dma_start3A_158] : memref<10000x128xf32, #tpu.memory_space<hbm>> -> memref<10000x128xf32, #tpu.memory_space<hbm>>
    tpu.enqueue_indirect_dma source(%dma_start3A_159 : memref<10000x128xf32, #tpu.memory_space<hbm>>) target(%arg28 : memref<80x128xf32, #tpu.memory_space<vmem>>) offsets(%arg12 : memref<80xi32, #tpu.memory_space<vmem>>) semaphore(%arg42 : memref<!tpu.dma_semaphore, #tpu.memory_space<semaphore_mem>>)
    %dma_wait3A_160 = arith.constant 0 : i32
    %dma_wait3A_161 = arith.constant 0 : i32
    %dma_wait3A_162 = tpu.memref_slice %arg2[%dma_wait3A_160, %dma_wait3A_161] : memref<10000x128xf32, #tpu.memory_space<hbm>> -> memref<80x128xf32, #tpu.memory_space<hbm>>
    %dma_wait3A_163 = arith.constant 0 : i32
    %dma_wait3A_164 = arith.constant 0 : i32
    %dma_wait3A_165 = tpu.memref_slice %arg2[%dma_wait3A_163, %dma_wait3A_164] : memref<10000x128xf32, #tpu.memory_space<hbm>> -> memref<80x128xf32, #tpu.memory_space<hbm>>
    tpu.wait_dma2 semaphore(%arg40 : memref<!tpu.dma_semaphore, #tpu.memory_space<semaphore_mem>>) src(%dma_wait3A_165 : memref<80x128xf32, #tpu.memory_space<hbm>>) dst(%arg26 : memref<80x128xf32, #tpu.memory_space<vmem>>)
    %dma_wait3A_166 = arith.constant 0 : i32
    %dma_wait3A_167 = arith.constant 0 : i32
    %dma_wait3A_168 = tpu.memref_slice %arg2[%dma_wait3A_166, %dma_wait3A_167] : memref<10000x128xf32, #tpu.memory_space<hbm>> -> memref<80x128xf32, #tpu.memory_space<hbm>>
    %dma_wait3A_169 = arith.constant 0 : i32
    %dma_wait3A_170 = arith.constant 0 : i32
    %dma_wait3A_171 = tpu.memref_slice %arg2[%dma_wait3A_169, %dma_wait3A_170] : memref<10000x128xf32, #tpu.memory_space<hbm>> -> memref<80x128xf32, #tpu.memory_space<hbm>>
    tpu.wait_dma2 semaphore(%arg43 : memref<!tpu.dma_semaphore, #tpu.memory_space<semaphore_mem>>) src(%dma_wait3A_171 : memref<80x128xf32, #tpu.memory_space<hbm>>) dst(%arg26 : memref<80x128xf32, #tpu.memory_space<vmem>>)
    %dma_start3A_172 = arith.constant 0 : i32
    %dma_start3A_173 = arith.constant 0 : i32
    %dma_start3A_174 = tpu.memref_slice %arg30[%dma_start3A_172, %dma_start3A_173] : memref<10000x128xf32, #tpu.memory_space<vmem_shared>> -> memref<10000x128xf32, #tpu.memory_space<vmem_shared>>
    tpu.enqueue_indirect_dma source(%arg26 : memref<80x128xf32, #tpu.memory_space<vmem>>) target(%dma_start3A_174 : memref<10000x128xf32, #tpu.memory_space<vmem_shared>>) offsets(%arg18 : memref<80xi32, #tpu.memory_space<vmem>>) semaphore(%arg43 : memref<!tpu.dma_semaphore, #tpu.memory_space<semaphore_mem>>) {add = true}
    "tpu.region"() ({
      %run_scoped3A = tpu.sem_alloc : memref<!tpu.dma_semaphore, #tpu.memory_space<semaphore_mem>>
      %dma_start3A_262 = arith.constant 0 : i32
      %dma_start3A_263 = tpu.memref_slice %arg47[%dma_start3A_262] : memref<10000xf32, #tpu.memory_space<vmem_shared>> -> memref<10000xf32, #tpu.memory_space<vmem_shared>>
      tpu.enqueue_indirect_dma source(%arg45 : memref<80xf32, #tpu.memory_space<vmem>>) target(%dma_start3A_263 : memref<10000xf32, #tpu.memory_space<vmem_shared>>) offsets(%arg18 : memref<80xi32, #tpu.memory_space<vmem>>) semaphore(%run_scoped3A : memref<!tpu.dma_semaphore, #tpu.memory_space<semaphore_mem>>) {add = true}
      %dma_wait3A_264 = arith.constant 0 : i32
      %dma_wait3A_265 = tpu.memref_slice %arg47[%dma_wait3A_264] : memref<10000xf32, #tpu.memory_space<vmem_shared>> -> memref<10000xf32, #tpu.memory_space<vmem_shared>>
      tpu.wait_indirect_dma semaphore(%run_scoped3A : memref<!tpu.dma_semaphore, #tpu.memory_space<semaphore_mem>>) src(%arg45 : memref<80xf32, #tpu.memory_space<vmem>>) dst(%dma_wait3A_265 : memref<10000xf32, #tpu.memory_space<vmem_shared>>)
      tpu.yield
    }) : () -> ()
    %dma_wait3A_175 = arith.constant 0 : i32
    %dma_wait3A_176 = tpu.memref_slice %arg3[%dma_wait3A_175] : memref<320000xi32, #tpu.memory_space<hbm>> -> memref<80xi32, #tpu.memory_space<hbm>>
    %dma_wait3A_177 = arith.constant 0 : i32
    %dma_wait3A_178 = tpu.memref_slice %arg3[%dma_wait3A_177] : memref<320000xi32, #tpu.memory_space<hbm>> -> memref<80xi32, #tpu.memory_space<hbm>>
    tpu.wait_dma2 semaphore(%arg35 : memref<!tpu.dma_semaphore, #tpu.memory_space<semaphore_mem>>) src(%dma_wait3A_178 : memref<80xi32, #tpu.memory_space<hbm>>) dst(%arg13 : memref<80xi32, #tpu.memory_space<vmem>>)
    %dma_wait3A_179 = arith.constant 0 : i32
    %dma_wait3A_180 = tpu.memref_slice %arg3[%dma_wait3A_179] : memref<320000xi32, #tpu.memory_space<hbm>> -> memref<80xi32, #tpu.memory_space<hbm>>
    %dma_wait3A_181 = arith.constant 0 : i32
    %dma_wait3A_182 = tpu.memref_slice %arg3[%dma_wait3A_181] : memref<320000xi32, #tpu.memory_space<hbm>> -> memref<80xi32, #tpu.memory_space<hbm>>
    tpu.wait_dma2 semaphore(%arg35 : memref<!tpu.dma_semaphore, #tpu.memory_space<semaphore_mem>>) src(%dma_wait3A_182 : memref<80xi32, #tpu.memory_space<hbm>>) dst(%arg21 : memref<80xi32, #tpu.memory_space<vmem>>)
    %dma_start3A_183 = arith.constant 0 : i32
    %dma_start3A_184 = arith.constant 0 : i32
    %dma_start3A_185 = tpu.memref_slice %arg2[%dma_start3A_183, %dma_start3A_184] : memref<10000x128xf32, #tpu.memory_space<hbm>> -> memref<10000x128xf32, #tpu.memory_space<hbm>>
    tpu.enqueue_indirect_dma source(%dma_start3A_185 : memref<10000x128xf32, #tpu.memory_space<hbm>>) target(%arg25 : memref<80x128xf32, #tpu.memory_space<vmem>>) offsets(%arg13 : memref<80xi32, #tpu.memory_space<vmem>>) semaphore(%arg39 : memref<!tpu.dma_semaphore, #tpu.memory_space<semaphore_mem>>)
    %dma_wait3A_186 = arith.constant 0 : i32
    %dma_wait3A_187 = arith.constant 0 : i32
    %dma_wait3A_188 = tpu.memref_slice %arg2[%dma_wait3A_186, %dma_wait3A_187] : memref<10000x128xf32, #tpu.memory_space<hbm>> -> memref<80x128xf32, #tpu.memory_space<hbm>>
    %dma_wait3A_189 = arith.constant 0 : i32
    %dma_wait3A_190 = arith.constant 0 : i32
    %dma_wait3A_191 = tpu.memref_slice %arg2[%dma_wait3A_189, %dma_wait3A_190] : memref<10000x128xf32, #tpu.memory_space<hbm>> -> memref<80x128xf32, #tpu.memory_space<hbm>>
    tpu.wait_dma2 semaphore(%arg41 : memref<!tpu.dma_semaphore, #tpu.memory_space<semaphore_mem>>) src(%dma_wait3A_191 : memref<80x128xf32, #tpu.memory_space<hbm>>) dst(%arg27 : memref<80x128xf32, #tpu.memory_space<vmem>>)
    %dma_wait3A_192 = arith.constant 0 : i32
    %dma_wait3A_193 = arith.constant 0 : i32
    %dma_wait3A_194 = tpu.memref_slice %arg2[%dma_wait3A_192, %dma_wait3A_193] : memref<10000x128xf32, #tpu.memory_space<hbm>> -> memref<80x128xf32, #tpu.memory_space<hbm>>
    %dma_wait3A_195 = arith.constant 0 : i32
    %dma_wait3A_196 = arith.constant 0 : i32
    %dma_wait3A_197 = tpu.memref_slice %arg2[%dma_wait3A_195, %dma_wait3A_196] : memref<10000x128xf32, #tpu.memory_space<hbm>> -> memref<80x128xf32, #tpu.memory_space<hbm>>
    tpu.wait_dma2 semaphore(%arg43 : memref<!tpu.dma_semaphore, #tpu.memory_space<semaphore_mem>>) src(%dma_wait3A_197 : memref<80x128xf32, #tpu.memory_space<hbm>>) dst(%arg27 : memref<80x128xf32, #tpu.memory_space<vmem>>)
    %dma_start3A_198 = arith.constant 0 : i32
    %dma_start3A_199 = arith.constant 0 : i32
    %dma_start3A_200 = tpu.memref_slice %arg30[%dma_start3A_198, %dma_start3A_199] : memref<10000x128xf32, #tpu.memory_space<vmem_shared>> -> memref<10000x128xf32, #tpu.memory_space<vmem_shared>>
    tpu.enqueue_indirect_dma source(%arg27 : memref<80x128xf32, #tpu.memory_space<vmem>>) target(%dma_start3A_200 : memref<10000x128xf32, #tpu.memory_space<vmem_shared>>) offsets(%arg19 : memref<80xi32, #tpu.memory_space<vmem>>) semaphore(%arg43 : memref<!tpu.dma_semaphore, #tpu.memory_space<semaphore_mem>>) {add = true}
    "tpu.region"() ({
      %run_scoped3A = tpu.sem_alloc : memref<!tpu.dma_semaphore, #tpu.memory_space<semaphore_mem>>
      %dma_start3A_262 = arith.constant 0 : i32
      %dma_start3A_263 = tpu.memref_slice %arg47[%dma_start3A_262] : memref<10000xf32, #tpu.memory_space<vmem_shared>> -> memref<10000xf32, #tpu.memory_space<vmem_shared>>
      tpu.enqueue_indirect_dma source(%arg45 : memref<80xf32, #tpu.memory_space<vmem>>) target(%dma_start3A_263 : memref<10000xf32, #tpu.memory_space<vmem_shared>>) offsets(%arg19 : memref<80xi32, #tpu.memory_space<vmem>>) semaphore(%run_scoped3A : memref<!tpu.dma_semaphore, #tpu.memory_space<semaphore_mem>>) {add = true}
      %dma_wait3A_264 = arith.constant 0 : i32
      %dma_wait3A_265 = tpu.memref_slice %arg47[%dma_wait3A_264] : memref<10000xf32, #tpu.memory_space<vmem_shared>> -> memref<10000xf32, #tpu.memory_space<vmem_shared>>
      tpu.wait_indirect_dma semaphore(%run_scoped3A : memref<!tpu.dma_semaphore, #tpu.memory_space<semaphore_mem>>) src(%arg45 : memref<80xf32, #tpu.memory_space<vmem>>) dst(%dma_wait3A_265 : memref<10000xf32, #tpu.memory_space<vmem_shared>>)
      tpu.yield
    }) : () -> ()
    %dma_wait3A_201 = arith.constant 0 : i32
    %dma_wait3A_202 = arith.constant 0 : i32
    %dma_wait3A_203 = tpu.memref_slice %arg2[%dma_wait3A_201, %dma_wait3A_202] : memref<10000x128xf32, #tpu.memory_space<hbm>> -> memref<80x128xf32, #tpu.memory_space<hbm>>
    %dma_wait3A_204 = arith.constant 0 : i32
    %dma_wait3A_205 = arith.constant 0 : i32
    %dma_wait3A_206 = tpu.memref_slice %arg2[%dma_wait3A_204, %dma_wait3A_205] : memref<10000x128xf32, #tpu.memory_space<hbm>> -> memref<80x128xf32, #tpu.memory_space<hbm>>
    tpu.wait_dma2 semaphore(%arg42 : memref<!tpu.dma_semaphore, #tpu.memory_space<semaphore_mem>>) src(%dma_wait3A_206 : memref<80x128xf32, #tpu.memory_space<hbm>>) dst(%arg28 : memref<80x128xf32, #tpu.memory_space<vmem>>)
    %dma_wait3A_207 = arith.constant 0 : i32
    %dma_wait3A_208 = arith.constant 0 : i32
    %dma_wait3A_209 = tpu.memref_slice %arg2[%dma_wait3A_207, %dma_wait3A_208] : memref<10000x128xf32, #tpu.memory_space<hbm>> -> memref<80x128xf32, #tpu.memory_space<hbm>>
    %dma_wait3A_210 = arith.constant 0 : i32
    %dma_wait3A_211 = arith.constant 0 : i32
    %dma_wait3A_212 = tpu.memref_slice %arg2[%dma_wait3A_210, %dma_wait3A_211] : memref<10000x128xf32, #tpu.memory_space<hbm>> -> memref<80x128xf32, #tpu.memory_space<hbm>>
    tpu.wait_dma2 semaphore(%arg43 : memref<!tpu.dma_semaphore, #tpu.memory_space<semaphore_mem>>) src(%dma_wait3A_212 : memref<80x128xf32, #tpu.memory_space<hbm>>) dst(%arg28 : memref<80x128xf32, #tpu.memory_space<vmem>>)
    %dma_start3A_213 = arith.constant 0 : i32
    %dma_start3A_214 = arith.constant 0 : i32
    %dma_start3A_215 = tpu.memref_slice %arg30[%dma_start3A_213, %dma_start3A_214] : memref<10000x128xf32, #tpu.memory_space<vmem_shared>> -> memref<10000x128xf32, #tpu.memory_space<vmem_shared>>
    tpu.enqueue_indirect_dma source(%arg28 : memref<80x128xf32, #tpu.memory_space<vmem>>) target(%dma_start3A_215 : memref<10000x128xf32, #tpu.memory_space<vmem_shared>>) offsets(%arg20 : memref<80xi32, #tpu.memory_space<vmem>>) semaphore(%arg43 : memref<!tpu.dma_semaphore, #tpu.memory_space<semaphore_mem>>) {add = true}
    "tpu.region"() ({
      %run_scoped3A = tpu.sem_alloc : memref<!tpu.dma_semaphore, #tpu.memory_space<semaphore_mem>>
      %dma_start3A_262 = arith.constant 0 : i32
      %dma_start3A_263 = tpu.memref_slice %arg47[%dma_start3A_262] : memref<10000xf32, #tpu.memory_space<vmem_shared>> -> memref<10000xf32, #tpu.memory_space<vmem_shared>>
      tpu.enqueue_indirect_dma source(%arg45 : memref<80xf32, #tpu.memory_space<vmem>>) target(%dma_start3A_263 : memref<10000xf32, #tpu.memory_space<vmem_shared>>) offsets(%arg20 : memref<80xi32, #tpu.memory_space<vmem>>) semaphore(%run_scoped3A : memref<!tpu.dma_semaphore, #tpu.memory_space<semaphore_mem>>) {add = true}
      %dma_wait3A_264 = arith.constant 0 : i32
      %dma_wait3A_265 = tpu.memref_slice %arg47[%dma_wait3A_264] : memref<10000xf32, #tpu.memory_space<vmem_shared>> -> memref<10000xf32, #tpu.memory_space<vmem_shared>>
      tpu.wait_indirect_dma semaphore(%run_scoped3A : memref<!tpu.dma_semaphore, #tpu.memory_space<semaphore_mem>>) src(%arg45 : memref<80xf32, #tpu.memory_space<vmem>>) dst(%dma_wait3A_265 : memref<10000xf32, #tpu.memory_space<vmem_shared>>)
      tpu.yield
    }) : () -> ()
    %dma_wait3A_216 = arith.constant 0 : i32
    %dma_wait3A_217 = arith.constant 0 : i32
    %dma_wait3A_218 = tpu.memref_slice %arg2[%dma_wait3A_216, %dma_wait3A_217] : memref<10000x128xf32, #tpu.memory_space<hbm>> -> memref<80x128xf32, #tpu.memory_space<hbm>>
    %dma_wait3A_219 = arith.constant 0 : i32
    %dma_wait3A_220 = arith.constant 0 : i32
    %dma_wait3A_221 = tpu.memref_slice %arg2[%dma_wait3A_219, %dma_wait3A_220] : memref<10000x128xf32, #tpu.memory_space<hbm>> -> memref<80x128xf32, #tpu.memory_space<hbm>>
    tpu.wait_dma2 semaphore(%arg39 : memref<!tpu.dma_semaphore, #tpu.memory_space<semaphore_mem>>) src(%dma_wait3A_221 : memref<80x128xf32, #tpu.memory_space<hbm>>) dst(%arg25 : memref<80x128xf32, #tpu.memory_space<vmem>>)
    %dma_wait3A_222 = arith.constant 0 : i32
    %dma_wait3A_223 = arith.constant 0 : i32
    %dma_wait3A_224 = tpu.memref_slice %arg2[%dma_wait3A_222, %dma_wait3A_223] : memref<10000x128xf32, #tpu.memory_space<hbm>> -> memref<80x128xf32, #tpu.memory_space<hbm>>
    %dma_wait3A_225 = arith.constant 0 : i32
    %dma_wait3A_226 = arith.constant 0 : i32
    %dma_wait3A_227 = tpu.memref_slice %arg2[%dma_wait3A_225, %dma_wait3A_226] : memref<10000x128xf32, #tpu.memory_space<hbm>> -> memref<80x128xf32, #tpu.memory_space<hbm>>
    tpu.wait_dma2 semaphore(%arg43 : memref<!tpu.dma_semaphore, #tpu.memory_space<semaphore_mem>>) src(%dma_wait3A_227 : memref<80x128xf32, #tpu.memory_space<hbm>>) dst(%arg25 : memref<80x128xf32, #tpu.memory_space<vmem>>)
    %dma_start3A_228 = arith.constant 0 : i32
    %dma_start3A_229 = arith.constant 0 : i32
    %dma_start3A_230 = tpu.memref_slice %arg30[%dma_start3A_228, %dma_start3A_229] : memref<10000x128xf32, #tpu.memory_space<vmem_shared>> -> memref<10000x128xf32, #tpu.memory_space<vmem_shared>>
    tpu.enqueue_indirect_dma source(%arg25 : memref<80x128xf32, #tpu.memory_space<vmem>>) target(%dma_start3A_230 : memref<10000x128xf32, #tpu.memory_space<vmem_shared>>) offsets(%arg21 : memref<80xi32, #tpu.memory_space<vmem>>) semaphore(%arg43 : memref<!tpu.dma_semaphore, #tpu.memory_space<semaphore_mem>>) {add = true}
    "tpu.region"() ({
      %run_scoped3A = tpu.sem_alloc : memref<!tpu.dma_semaphore, #tpu.memory_space<semaphore_mem>>
      %dma_start3A_262 = arith.constant 0 : i32
      %dma_start3A_263 = tpu.memref_slice %arg47[%dma_start3A_262] : memref<10000xf32, #tpu.memory_space<vmem_shared>> -> memref<10000xf32, #tpu.memory_space<vmem_shared>>
      tpu.enqueue_indirect_dma source(%arg45 : memref<80xf32, #tpu.memory_space<vmem>>) target(%dma_start3A_263 : memref<10000xf32, #tpu.memory_space<vmem_shared>>) offsets(%arg21 : memref<80xi32, #tpu.memory_space<vmem>>) semaphore(%run_scoped3A : memref<!tpu.dma_semaphore, #tpu.memory_space<semaphore_mem>>) {add = true}
      %dma_wait3A_264 = arith.constant 0 : i32
      %dma_wait3A_265 = tpu.memref_slice %arg47[%dma_wait3A_264] : memref<10000xf32, #tpu.memory_space<vmem_shared>> -> memref<10000xf32, #tpu.memory_space<vmem_shared>>
      tpu.wait_indirect_dma semaphore(%run_scoped3A : memref<!tpu.dma_semaphore, #tpu.memory_space<semaphore_mem>>) src(%arg45 : memref<80xf32, #tpu.memory_space<vmem>>) dst(%dma_wait3A_265 : memref<10000xf32, #tpu.memory_space<vmem_shared>>)
      tpu.yield
    }) : () -> ()
    %dma_wait3A_231 = arith.constant 0 : i32
    %dma_wait3A_232 = arith.constant 0 : i32
    %dma_wait3A_233 = tpu.memref_slice %arg2[%dma_wait3A_231, %dma_wait3A_232] : memref<10000x128xf32, #tpu.memory_space<hbm>> -> memref<80x128xf32, #tpu.memory_space<hbm>>
    %dma_wait3A_234 = arith.constant 0 : i32
    %dma_wait3A_235 = arith.constant 0 : i32
    %dma_wait3A_236 = tpu.memref_slice %arg2[%dma_wait3A_234, %dma_wait3A_235] : memref<10000x128xf32, #tpu.memory_space<hbm>> -> memref<80x128xf32, #tpu.memory_space<hbm>>
    tpu.wait_dma2 semaphore(%arg43 : memref<!tpu.dma_semaphore, #tpu.memory_space<semaphore_mem>>) src(%dma_wait3A_236 : memref<80x128xf32, #tpu.memory_space<hbm>>) dst(%arg25 : memref<80x128xf32, #tpu.memory_space<vmem>>)
    %barrier3A_237 = arith.constant 0 : index
    tpu.barrier barrier_id(%barrier3A_237)
    %eq3A = arith.constant 0 : i32
    %eq3A_238 = arith.cmpi eq, %arg0, %eq3A : i32
    %convert_element_type3A_239 = arith.extui %eq3A_238 : i1 to i32
    %cond3A_240 = arith.constant 0 : i32
    %cond3A_241 = arith.cmpi ne, %convert_element_type3A_239, %cond3A_240 : i32
    scf.if %cond3A_241 {
      %mul3A_262 = arith.constant 624 : i32
      %mul3A_263 = arith.muli %arg1, %mul3A_262 : i32
      %mul3A_264 = arith.constant 624 : i32
      %mul3A_265 = arith.muli %arg1, %mul3A_264 : i32
      "tpu.region"() ({
        %run_scoped3A = tpu.sem_alloc : memref<!tpu.dma_semaphore, #tpu.memory_space<semaphore_mem>>
        %dma_start3A_271 = arith.constant 0 : i32
        %dma_start3A_272 = tpu.memref_slice %arg5[%mul3A_265, %dma_start3A_271] : memref<10000x128xf32, #tpu.memory_space<hbm>> -> memref<624x128xf32, #tpu.memory_space<hbm>>
        %dma_start3A_273 = arith.constant 0 : i32
        %dma_start3A_274 = tpu.memref_slice %arg30[%mul3A_263, %dma_start3A_273] : memref<10000x128xf32, #tpu.memory_space<vmem_shared>> -> memref<624x128xf32, #tpu.memory_space<vmem_shared>>
        tpu.enqueue_dma source(%dma_start3A_274 : memref<624x128xf32, #tpu.memory_space<vmem_shared>>) target(%dma_start3A_272 : memref<624x128xf32, #tpu.memory_space<hbm>>) target_semaphore(%run_scoped3A : memref<!tpu.dma_semaphore, #tpu.memory_space<semaphore_mem>>)
        %dma_wait3A_275 = arith.constant 0 : i32
        %dma_wait3A_276 = tpu.memref_slice %arg5[%mul3A_265, %dma_wait3A_275] : memref<10000x128xf32, #tpu.memory_space<hbm>> -> memref<624x128xf32, #tpu.memory_space<hbm>>
        %dma_wait3A_277 = arith.constant 0 : i32
        %dma_wait3A_278 = tpu.memref_slice %arg30[%mul3A_263, %dma_wait3A_277] : memref<10000x128xf32, #tpu.memory_space<vmem_shared>> -> memref<624x128xf32, #tpu.memory_space<vmem_shared>>
        tpu.wait_dma2 semaphore(%run_scoped3A : memref<!tpu.dma_semaphore, #tpu.memory_space<semaphore_mem>>) src(%dma_wait3A_278 : memref<624x128xf32, #tpu.memory_space<vmem_shared>>) dst(%dma_wait3A_276 : memref<624x128xf32, #tpu.memory_space<hbm>>)
        tpu.yield
      }) : () -> ()
      %eq3A_266 = arith.constant 15 : i32
      %eq3A_267 = arith.cmpi eq, %arg1, %eq3A_266 : i32
      %convert_element_type3A_268 = arith.extui %eq3A_267 : i1 to i32
      %cond3A_269 = arith.constant 0 : i32
      %cond3A_270 = arith.cmpi ne, %convert_element_type3A_268, %cond3A_269 : i32
      scf.if %cond3A_270 {
        "tpu.region"() ({
          %run_scoped3A = tpu.sem_alloc : memref<!tpu.dma_semaphore, #tpu.memory_space<semaphore_mem>>
          %dma_start3A_271 = arith.constant 9984 : i32
          %dma_start3A_272 = arith.constant 0 : i32
          %dma_start3A_273 = tpu.memref_slice %arg5[%dma_start3A_271, %dma_start3A_272] : memref<10000x128xf32, #tpu.memory_space<hbm>> -> memref<16x128xf32, #tpu.memory_space<hbm>>
          %dma_start3A_274 = arith.constant 9984 : i32
          %dma_start3A_275 = arith.constant 0 : i32
          %dma_start3A_276 = tpu.memref_slice %arg30[%dma_start3A_274, %dma_start3A_275] : memref<10000x128xf32, #tpu.memory_space<vmem_shared>> -> memref<16x128xf32, #tpu.memory_space<vmem_shared>>
          tpu.enqueue_dma source(%dma_start3A_276 : memref<16x128xf32, #tpu.memory_space<vmem_shared>>) target(%dma_start3A_273 : memref<16x128xf32, #tpu.memory_space<hbm>>) target_semaphore(%run_scoped3A : memref<!tpu.dma_semaphore, #tpu.memory_space<semaphore_mem>>)
          %dma_wait3A_277 = arith.constant 9984 : i32
          %dma_wait3A_278 = arith.constant 0 : i32
          %dma_wait3A_279 = tpu.memref_slice %arg5[%dma_wait3A_277, %dma_wait3A_278] : memref<10000x128xf32, #tpu.memory_space<hbm>> -> memref<16x128xf32, #tpu.memory_space<hbm>>
          %dma_wait3A_280 = arith.constant 9984 : i32
          %dma_wait3A_281 = arith.constant 0 : i32
          %dma_wait3A_282 = tpu.memref_slice %arg30[%dma_wait3A_280, %dma_wait3A_281] : memref<10000x128xf32, #tpu.memory_space<vmem_shared>> -> memref<16x128xf32, #tpu.memory_space<vmem_shared>>
          tpu.wait_dma2 semaphore(%run_scoped3A : memref<!tpu.dma_semaphore, #tpu.memory_space<semaphore_mem>>) src(%dma_wait3A_282 : memref<16x128xf32, #tpu.memory_space<vmem_shared>>) dst(%dma_wait3A_279 : memref<16x128xf32, #tpu.memory_space<hbm>>)
          tpu.yield
        }) : () -> ()
      } else {
      }
    } else {
    }
    %eq3A_242 = arith.constant 1 : i32
    %eq3A_243 = arith.cmpi eq, %arg0, %eq3A_242 : i32
    %convert_element_type3A_244 = arith.extui %eq3A_243 : i1 to i32
    %cond3A_245 = arith.constant 0 : i32
    %cond3A_246 = arith.cmpi ne, %convert_element_type3A_244, %cond3A_245 : i32
    scf.if %cond3A_246 {
      %mul3A_262 = arith.constant 624 : i32
      %mul3A_263 = arith.muli %arg1, %mul3A_262 : i32
      %mul3A_264 = arith.constant 624 : i32
      %mul3A_265 = arith.muli %arg1, %mul3A_264 : i32
      "tpu.region"() ({
        %run_scoped3A = tpu.sem_alloc : memref<!tpu.dma_semaphore, #tpu.memory_space<semaphore_mem>>
        %dma_start3A_271 = arith.constant 0 : i32
        %dma_start3A_272 = tpu.memref_slice %arg6[%mul3A_265, %dma_start3A_271] : memref<10000x128xf32, #tpu.memory_space<hbm>> -> memref<624x128xf32, #tpu.memory_space<hbm>>
        %dma_start3A_273 = arith.constant 0 : i32
        %dma_start3A_274 = tpu.memref_slice %arg30[%mul3A_263, %dma_start3A_273] : memref<10000x128xf32, #tpu.memory_space<vmem_shared>> -> memref<624x128xf32, #tpu.memory_space<vmem_shared>>
        tpu.enqueue_dma source(%dma_start3A_274 : memref<624x128xf32, #tpu.memory_space<vmem_shared>>) target(%dma_start3A_272 : memref<624x128xf32, #tpu.memory_space<hbm>>) target_semaphore(%run_scoped3A : memref<!tpu.dma_semaphore, #tpu.memory_space<semaphore_mem>>)
        %dma_wait3A_275 = arith.constant 0 : i32
        %dma_wait3A_276 = tpu.memref_slice %arg6[%mul3A_265, %dma_wait3A_275] : memref<10000x128xf32, #tpu.memory_space<hbm>> -> memref<624x128xf32, #tpu.memory_space<hbm>>
        %dma_wait3A_277 = arith.constant 0 : i32
        %dma_wait3A_278 = tpu.memref_slice %arg30[%mul3A_263, %dma_wait3A_277] : memref<10000x128xf32, #tpu.memory_space<vmem_shared>> -> memref<624x128xf32, #tpu.memory_space<vmem_shared>>
        tpu.wait_dma2 semaphore(%run_scoped3A : memref<!tpu.dma_semaphore, #tpu.memory_space<semaphore_mem>>) src(%dma_wait3A_278 : memref<624x128xf32, #tpu.memory_space<vmem_shared>>) dst(%dma_wait3A_276 : memref<624x128xf32, #tpu.memory_space<hbm>>)
        tpu.yield
      }) : () -> ()
      %eq3A_266 = arith.constant 15 : i32
      %eq3A_267 = arith.cmpi eq, %arg1, %eq3A_266 : i32
      %convert_element_type3A_268 = arith.extui %eq3A_267 : i1 to i32
      %cond3A_269 = arith.constant 0 : i32
      %cond3A_270 = arith.cmpi ne, %convert_element_type3A_268, %cond3A_269 : i32
      scf.if %cond3A_270 {
        "tpu.region"() ({
          %run_scoped3A = tpu.sem_alloc : memref<!tpu.dma_semaphore, #tpu.memory_space<semaphore_mem>>
          %dma_start3A_271 = arith.constant 9984 : i32
          %dma_start3A_272 = arith.constant 0 : i32
          %dma_start3A_273 = tpu.memref_slice %arg6[%dma_start3A_271, %dma_start3A_272] : memref<10000x128xf32, #tpu.memory_space<hbm>> -> memref<16x128xf32, #tpu.memory_space<hbm>>
          %dma_start3A_274 = arith.constant 9984 : i32
          %dma_start3A_275 = arith.constant 0 : i32
          %dma_start3A_276 = tpu.memref_slice %arg30[%dma_start3A_274, %dma_start3A_275] : memref<10000x128xf32, #tpu.memory_space<vmem_shared>> -> memref<16x128xf32, #tpu.memory_space<vmem_shared>>
          tpu.enqueue_dma source(%dma_start3A_276 : memref<16x128xf32, #tpu.memory_space<vmem_shared>>) target(%dma_start3A_273 : memref<16x128xf32, #tpu.memory_space<hbm>>) target_semaphore(%run_scoped3A : memref<!tpu.dma_semaphore, #tpu.memory_space<semaphore_mem>>)
          %dma_wait3A_277 = arith.constant 9984 : i32
          %dma_wait3A_278 = arith.constant 0 : i32
          %dma_wait3A_279 = tpu.memref_slice %arg6[%dma_wait3A_277, %dma_wait3A_278] : memref<10000x128xf32, #tpu.memory_space<hbm>> -> memref<16x128xf32, #tpu.memory_space<hbm>>
          %dma_wait3A_280 = arith.constant 9984 : i32
          %dma_wait3A_281 = arith.constant 0 : i32
          %dma_wait3A_282 = tpu.memref_slice %arg30[%dma_wait3A_280, %dma_wait3A_281] : memref<10000x128xf32, #tpu.memory_space<vmem_shared>> -> memref<16x128xf32, #tpu.memory_space<vmem_shared>>
          tpu.wait_dma2 semaphore(%run_scoped3A : memref<!tpu.dma_semaphore, #tpu.memory_space<semaphore_mem>>) src(%dma_wait3A_282 : memref<16x128xf32, #tpu.memory_space<vmem_shared>>) dst(%dma_wait3A_279 : memref<16x128xf32, #tpu.memory_space<hbm>>)
          tpu.yield
        }) : () -> ()
      } else {
      }
    } else {
    }
    %eq3A_247 = arith.constant 0 : i32
    %eq3A_248 = arith.cmpi eq, %arg0, %eq3A_247 : i32
    %lt3A_249 = arith.constant 5 : i32
    %lt3A_250 = arith.cmpi slt, %arg1, %lt3A_249 : i32
    %and3A = arith.andi %eq3A_248, %lt3A_250 : i1
    %convert_element_type3A_251 = arith.extui %and3A : i1 to i32
    %cond3A_252 = arith.constant 0 : i32
    %cond3A_253 = arith.cmpi ne, %convert_element_type3A_251, %cond3A_252 : i32
    scf.if %cond3A_253 {
      %mul3A_262 = arith.constant 2000 : i32
      %mul3A_263 = arith.muli %arg1, %mul3A_262 : i32
      "tpu.region"() ({
        %run_scoped3A = tpu.sem_alloc : memref<!tpu.dma_semaphore, #tpu.memory_space<semaphore_mem>>
        %dma_start3A_266 = tpu.memref_slice %arg47[%mul3A_263] : memref<10000xf32, #tpu.memory_space<vmem_shared>> -> memref<2000xf32, #tpu.memory_space<vmem_shared>>
        %dma_start3A_267 = tpu.memref_slice %arg47[%mul3A_263] : memref<10000xf32, #tpu.memory_space<vmem_shared>> -> memref<2000xf32, #tpu.memory_space<vmem_shared>>
        tpu.enqueue_dma source(%dma_start3A_267 : memref<2000xf32, #tpu.memory_space<vmem_shared>>) target(%arg46 : memref<2000xf32, #tpu.memory_space<vmem>>) target_semaphore(%run_scoped3A : memref<!tpu.dma_semaphore, #tpu.memory_space<semaphore_mem>>)
        %dma_wait3A_268 = tpu.memref_slice %arg47[%mul3A_263] : memref<10000xf32, #tpu.memory_space<vmem_shared>> -> memref<2000xf32, #tpu.memory_space<vmem_shared>>
        %dma_wait3A_269 = tpu.memref_slice %arg47[%mul3A_263] : memref<10000xf32, #tpu.memory_space<vmem_shared>> -> memref<2000xf32, #tpu.memory_space<vmem_shared>>
        tpu.wait_dma2 semaphore(%run_scoped3A : memref<!tpu.dma_semaphore, #tpu.memory_space<semaphore_mem>>) src(%dma_wait3A_269 : memref<2000xf32, #tpu.memory_space<vmem_shared>>) dst(%arg46 : memref<2000xf32, #tpu.memory_space<vmem>>)
        tpu.yield
      }) : () -> ()
      %mul3A_264 = arith.constant 2000 : i32
      %mul3A_265 = arith.muli %arg1, %mul3A_264 : i32
      "tpu.region"() ({
        %run_scoped3A = tpu.sem_alloc : memref<!tpu.dma_semaphore, #tpu.memory_space<semaphore_mem>>
        %dma_start3A_266 = tpu.memref_slice %arg7[%mul3A_265] : memref<10000xf32, #tpu.memory_space<hbm>> -> memref<2000xf32, #tpu.memory_space<hbm>>
        %dma_start3A_267 = tpu.memref_slice %arg7[%mul3A_265] : memref<10000xf32, #tpu.memory_space<hbm>> -> memref<2000xf32, #tpu.memory_space<hbm>>
        tpu.enqueue_dma source(%arg46 : memref<2000xf32, #tpu.memory_space<vmem>>) target(%dma_start3A_267 : memref<2000xf32, #tpu.memory_space<hbm>>) target_semaphore(%run_scoped3A : memref<!tpu.dma_semaphore, #tpu.memory_space<semaphore_mem>>)
        %dma_wait3A_268 = tpu.memref_slice %arg7[%mul3A_265] : memref<10000xf32, #tpu.memory_space<hbm>> -> memref<2000xf32, #tpu.memory_space<hbm>>
        %dma_wait3A_269 = tpu.memref_slice %arg7[%mul3A_265] : memref<10000xf32, #tpu.memory_space<hbm>> -> memref<2000xf32, #tpu.memory_space<hbm>>
        tpu.wait_dma2 semaphore(%run_scoped3A : memref<!tpu.dma_semaphore, #tpu.memory_space<semaphore_mem>>) src(%arg46 : memref<2000xf32, #tpu.memory_space<vmem>>) dst(%dma_wait3A_269 : memref<2000xf32, #tpu.memory_space<hbm>>)
        tpu.yield
      }) : () -> ()
    } else {
    }
    %eq3A_254 = arith.constant 1 : i32
    %eq3A_255 = arith.cmpi eq, %arg0, %eq3A_254 : i32
    %lt3A_256 = arith.constant 5 : i32
    %lt3A_257 = arith.cmpi slt, %arg1, %lt3A_256 : i32
    %and3A_258 = arith.andi %eq3A_255, %lt3A_257 : i1
    %convert_element_type3A_259 = arith.extui %and3A_258 : i1 to i32
    %cond3A_260 = arith.constant 0 : i32
    %cond3A_261 = arith.cmpi ne, %convert_element_type3A_259, %cond3A_260 : i32
    scf.if %cond3A_261 {
      %mul3A_262 = arith.constant 2000 : i32
      %mul3A_263 = arith.muli %arg1, %mul3A_262 : i32
      "tpu.region"() ({
        %run_scoped3A = tpu.sem_alloc : memref<!tpu.dma_semaphore, #tpu.memory_space<semaphore_mem>>
        %dma_start3A_266 = tpu.memref_slice %arg47[%mul3A_263] : memref<10000xf32, #tpu.memory_space<vmem_shared>> -> memref<2000xf32, #tpu.memory_space<vmem_shared>>
        %dma_start3A_267 = tpu.memref_slice %arg47[%mul3A_263] : memref<10000xf32, #tpu.memory_space<vmem_shared>> -> memref<2000xf32, #tpu.memory_space<vmem_shared>>
        tpu.enqueue_dma source(%dma_start3A_267 : memref<2000xf32, #tpu.memory_space<vmem_shared>>) target(%arg46 : memref<2000xf32, #tpu.memory_space<vmem>>) target_semaphore(%run_scoped3A : memref<!tpu.dma_semaphore, #tpu.memory_space<semaphore_mem>>)
        %dma_wait3A_268 = tpu.memref_slice %arg47[%mul3A_263] : memref<10000xf32, #tpu.memory_space<vmem_shared>> -> memref<2000xf32, #tpu.memory_space<vmem_shared>>
        %dma_wait3A_269 = tpu.memref_slice %arg47[%mul3A_263] : memref<10000xf32, #tpu.memory_space<vmem_shared>> -> memref<2000xf32, #tpu.memory_space<vmem_shared>>
        tpu.wait_dma2 semaphore(%run_scoped3A : memref<!tpu.dma_semaphore, #tpu.memory_space<semaphore_mem>>) src(%dma_wait3A_269 : memref<2000xf32, #tpu.memory_space<vmem_shared>>) dst(%arg46 : memref<2000xf32, #tpu.memory_space<vmem>>)
        tpu.yield
      }) : () -> ()
      %mul3A_264 = arith.constant 2000 : i32
      %mul3A_265 = arith.muli %arg1, %mul3A_264 : i32
      "tpu.region"() ({
        %run_scoped3A = tpu.sem_alloc : memref<!tpu.dma_semaphore, #tpu.memory_space<semaphore_mem>>
        %dma_start3A_266 = tpu.memref_slice %arg8[%mul3A_265] : memref<10000xf32, #tpu.memory_space<hbm>> -> memref<2000xf32, #tpu.memory_space<hbm>>
        %dma_start3A_267 = tpu.memref_slice %arg8[%mul3A_265] : memref<10000xf32, #tpu.memory_space<hbm>> -> memref<2000xf32, #tpu.memory_space<hbm>>
        tpu.enqueue_dma source(%arg46 : memref<2000xf32, #tpu.memory_space<vmem>>) target(%dma_start3A_267 : memref<2000xf32, #tpu.memory_space<hbm>>) target_semaphore(%run_scoped3A : memref<!tpu.dma_semaphore, #tpu.memory_space<semaphore_mem>>)
        %dma_wait3A_268 = tpu.memref_slice %arg8[%mul3A_265] : memref<10000xf32, #tpu.memory_space<hbm>> -> memref<2000xf32, #tpu.memory_space<hbm>>
        %dma_wait3A_269 = tpu.memref_slice %arg8[%mul3A_265] : memref<10000xf32, #tpu.memory_space<hbm>> -> memref<2000xf32, #tpu.memory_space<hbm>>
        tpu.wait_dma2 semaphore(%run_scoped3A : memref<!tpu.dma_semaphore, #tpu.memory_space<semaphore_mem>>) src(%arg46 : memref<2000xf32, #tpu.memory_space<vmem>>) dst(%dma_wait3A_269 : memref<2000xf32, #tpu.memory_space<hbm>>)
        tpu.yield
      }) : () -> ()
    } else {
    }
    return
  }
}

#map = affine_map<(d0, d1) -> (0, 0)>
#map1 = affine_map<(d0, d1) -> (0)>
module attributes {stable_mosaic.version = 14 : i64} {
  func.func @body(%arg0: i32, %arg1: i32, %arg2: memref<10000x128xf32, #tpu.memory_space<hbm>>, %arg3: memref<320000xi32, #tpu.memory_space<hbm>>, %arg4: memref<320000xi32, #tpu.memory_space<hbm>>, %arg5: memref<10000x128xf32, #tpu.memory_space<hbm>>, %arg6: memref<10000x128xf32, #tpu.memory_space<hbm>>, %arg7: memref<80xi32, #tpu.memory_space<vmem>>, %arg8: memref<80xi32, #tpu.memory_space<vmem>>, %arg9: memref<80xi32, #tpu.memory_space<vmem>>, %arg10: memref<80xi32, #tpu.memory_space<vmem>>, %arg11: memref<80xi32, #tpu.memory_space<vmem>>, %arg12: memref<80xi32, #tpu.memory_space<vmem>>, %arg13: memref<80xi32, #tpu.memory_space<vmem>>, %arg14: memref<80xi32, #tpu.memory_space<vmem>>, %arg15: memref<80xi32, #tpu.memory_space<vmem>>, %arg16: memref<80xi32, #tpu.memory_space<vmem>>, %arg17: memref<80xi32, #tpu.memory_space<vmem>>, %arg18: memref<80xi32, #tpu.memory_space<vmem>>, %arg19: memref<80xi32, #tpu.memory_space<vmem>>, %arg20: memref<80xi32, #tpu.memory_space<vmem>>, %arg21: memref<80xi32, #tpu.memory_space<vmem>>, %arg22: memref<80xi32, #tpu.memory_space<vmem>>, %arg23: memref<80x128xf32, #tpu.memory_space<vmem>>, %arg24: memref<80x128xf32, #tpu.memory_space<vmem>>, %arg25: memref<80x128xf32, #tpu.memory_space<vmem>>, %arg26: memref<80x128xf32, #tpu.memory_space<vmem>>, %arg27: memref<16x128xf32, #tpu.memory_space<vmem>>, %arg28: memref<10000x128xf32, #tpu.memory_space<vmem_shared>>, %arg29: memref<!tpu.dma_semaphore, #tpu.memory_space<semaphore_mem>>, %arg30: memref<!tpu.dma_semaphore, #tpu.memory_space<semaphore_mem>>, %arg31: memref<!tpu.dma_semaphore, #tpu.memory_space<semaphore_mem>>, %arg32: memref<!tpu.dma_semaphore, #tpu.memory_space<semaphore_mem>>, %arg33: memref<!tpu.dma_semaphore, #tpu.memory_space<semaphore_mem>>, %arg34: memref<!tpu.dma_semaphore, #tpu.memory_space<semaphore_mem>>, %arg35: memref<!tpu.dma_semaphore, #tpu.memory_space<semaphore_mem>>, %arg36: memref<!tpu.dma_semaphore, #tpu.memory_space<semaphore_mem>>, %arg37: memref<!tpu.dma_semaphore, #tpu.memory_space<semaphore_mem>>, %arg38: memref<!tpu.dma_semaphore, #tpu.memory_space<semaphore_mem>>, %arg39: memref<!tpu.dma_semaphore, #tpu.memory_space<semaphore_mem>>, %arg40: memref<!tpu.dma_semaphore, #tpu.memory_space<semaphore_mem>>, %arg41: memref<!tpu.dma_semaphore, #tpu.memory_space<semaphore_mem>>, %arg42: memref<!tpu.dma_semaphore, #tpu.memory_space<semaphore_mem>>) attributes {dimension_semantics = [#tpu.dimension_semantics<core_parallel>, #tpu.dimension_semantics<subcore_parallel>], iteration_bounds = array<i64: 2, 16>, scalar_prefetch = 0 : i64, scratch_operands = 36 : i64, tpu.core_type = #tpu.core_type<sc_vector_subcore>, window_params = [{transform_indices = #map}, {transform_indices = #map1}, {transform_indices = #map1}, {transform_indices = #map}, {transform_indices = #map}]} {
    %mul3A = arith.constant 2 : i32
    %mul3A_0 = arith.muli %arg1, %mul3A : i32
    %add3A = arith.addi %mul3A_0, %arg0 : i32
    %mul3A_1 = arith.constant 10000 : i32
    %mul3A_2 = arith.muli %add3A, %mul3A_1 : i32
    %add3A_3 = arith.constant 0 : i32
    %add3A_4 = arith.addi %mul3A_2, %add3A_3 : i32
    %dma_start3A = tpu.memref_slice %arg3[%add3A_4] : memref<320000xi32, #tpu.memory_space<hbm>> -> memref<80xi32, #tpu.memory_space<hbm>>
    %dma_start3A_5 = tpu.memref_slice %arg3[%add3A_4] : memref<320000xi32, #tpu.memory_space<hbm>> -> memref<80xi32, #tpu.memory_space<hbm>>
    tpu.enqueue_dma source(%dma_start3A_5 : memref<80xi32, #tpu.memory_space<hbm>>) target(%arg7 : memref<80xi32, #tpu.memory_space<vmem>>) target_semaphore(%arg29 : memref<!tpu.dma_semaphore, #tpu.memory_space<semaphore_mem>>)
    %dma_start3A_6 = tpu.memref_slice %arg4[%add3A_4] : memref<320000xi32, #tpu.memory_space<hbm>> -> memref<80xi32, #tpu.memory_space<hbm>>
    %dma_start3A_7 = tpu.memref_slice %arg4[%add3A_4] : memref<320000xi32, #tpu.memory_space<hbm>> -> memref<80xi32, #tpu.memory_space<hbm>>
    tpu.enqueue_dma source(%dma_start3A_7 : memref<80xi32, #tpu.memory_space<hbm>>) target(%arg15 : memref<80xi32, #tpu.memory_space<vmem>>) target_semaphore(%arg29 : memref<!tpu.dma_semaphore, #tpu.memory_space<semaphore_mem>>)
    %add3A_8 = arith.constant 80 : i32
    %add3A_9 = arith.addi %mul3A_2, %add3A_8 : i32
    %dma_start3A_10 = tpu.memref_slice %arg3[%add3A_9] : memref<320000xi32, #tpu.memory_space<hbm>> -> memref<80xi32, #tpu.memory_space<hbm>>
    %dma_start3A_11 = tpu.memref_slice %arg3[%add3A_9] : memref<320000xi32, #tpu.memory_space<hbm>> -> memref<80xi32, #tpu.memory_space<hbm>>
    tpu.enqueue_dma source(%dma_start3A_11 : memref<80xi32, #tpu.memory_space<hbm>>) target(%arg8 : memref<80xi32, #tpu.memory_space<vmem>>) target_semaphore(%arg30 : memref<!tpu.dma_semaphore, #tpu.memory_space<semaphore_mem>>)
    %dma_start3A_12 = tpu.memref_slice %arg4[%add3A_9] : memref<320000xi32, #tpu.memory_space<hbm>> -> memref<80xi32, #tpu.memory_space<hbm>>
    %dma_start3A_13 = tpu.memref_slice %arg4[%add3A_9] : memref<320000xi32, #tpu.memory_space<hbm>> -> memref<80xi32, #tpu.memory_space<hbm>>
    tpu.enqueue_dma source(%dma_start3A_13 : memref<80xi32, #tpu.memory_space<hbm>>) target(%arg16 : memref<80xi32, #tpu.memory_space<vmem>>) target_semaphore(%arg30 : memref<!tpu.dma_semaphore, #tpu.memory_space<semaphore_mem>>)
    %add3A_14 = arith.constant 160 : i32
    %add3A_15 = arith.addi %mul3A_2, %add3A_14 : i32
    %dma_start3A_16 = tpu.memref_slice %arg3[%add3A_15] : memref<320000xi32, #tpu.memory_space<hbm>> -> memref<80xi32, #tpu.memory_space<hbm>>
    %dma_start3A_17 = tpu.memref_slice %arg3[%add3A_15] : memref<320000xi32, #tpu.memory_space<hbm>> -> memref<80xi32, #tpu.memory_space<hbm>>
    tpu.enqueue_dma source(%dma_start3A_17 : memref<80xi32, #tpu.memory_space<hbm>>) target(%arg9 : memref<80xi32, #tpu.memory_space<vmem>>) target_semaphore(%arg31 : memref<!tpu.dma_semaphore, #tpu.memory_space<semaphore_mem>>)
    %dma_start3A_18 = tpu.memref_slice %arg4[%add3A_15] : memref<320000xi32, #tpu.memory_space<hbm>> -> memref<80xi32, #tpu.memory_space<hbm>>
    %dma_start3A_19 = tpu.memref_slice %arg4[%add3A_15] : memref<320000xi32, #tpu.memory_space<hbm>> -> memref<80xi32, #tpu.memory_space<hbm>>
    tpu.enqueue_dma source(%dma_start3A_19 : memref<80xi32, #tpu.memory_space<hbm>>) target(%arg17 : memref<80xi32, #tpu.memory_space<vmem>>) target_semaphore(%arg31 : memref<!tpu.dma_semaphore, #tpu.memory_space<semaphore_mem>>)
    %add3A_20 = arith.constant 240 : i32
    %add3A_21 = arith.addi %mul3A_2, %add3A_20 : i32
    %dma_start3A_22 = tpu.memref_slice %arg3[%add3A_21] : memref<320000xi32, #tpu.memory_space<hbm>> -> memref<80xi32, #tpu.memory_space<hbm>>
    %dma_start3A_23 = tpu.memref_slice %arg3[%add3A_21] : memref<320000xi32, #tpu.memory_space<hbm>> -> memref<80xi32, #tpu.memory_space<hbm>>
    tpu.enqueue_dma source(%dma_start3A_23 : memref<80xi32, #tpu.memory_space<hbm>>) target(%arg10 : memref<80xi32, #tpu.memory_space<vmem>>) target_semaphore(%arg32 : memref<!tpu.dma_semaphore, #tpu.memory_space<semaphore_mem>>)
    %dma_start3A_24 = tpu.memref_slice %arg4[%add3A_21] : memref<320000xi32, #tpu.memory_space<hbm>> -> memref<80xi32, #tpu.memory_space<hbm>>
    %dma_start3A_25 = tpu.memref_slice %arg4[%add3A_21] : memref<320000xi32, #tpu.memory_space<hbm>> -> memref<80xi32, #tpu.memory_space<hbm>>
    tpu.enqueue_dma source(%dma_start3A_25 : memref<80xi32, #tpu.memory_space<hbm>>) target(%arg18 : memref<80xi32, #tpu.memory_space<vmem>>) target_semaphore(%arg32 : memref<!tpu.dma_semaphore, #tpu.memory_space<semaphore_mem>>)
    %add3A_26 = arith.constant 320 : i32
    %add3A_27 = arith.addi %mul3A_2, %add3A_26 : i32
    %dma_start3A_28 = tpu.memref_slice %arg3[%add3A_27] : memref<320000xi32, #tpu.memory_space<hbm>> -> memref<80xi32, #tpu.memory_space<hbm>>
    %dma_start3A_29 = tpu.memref_slice %arg3[%add3A_27] : memref<320000xi32, #tpu.memory_space<hbm>> -> memref<80xi32, #tpu.memory_space<hbm>>
    tpu.enqueue_dma source(%dma_start3A_29 : memref<80xi32, #tpu.memory_space<hbm>>) target(%arg11 : memref<80xi32, #tpu.memory_space<vmem>>) target_semaphore(%arg33 : memref<!tpu.dma_semaphore, #tpu.memory_space<semaphore_mem>>)
    %dma_start3A_30 = tpu.memref_slice %arg4[%add3A_27] : memref<320000xi32, #tpu.memory_space<hbm>> -> memref<80xi32, #tpu.memory_space<hbm>>
    %dma_start3A_31 = tpu.memref_slice %arg4[%add3A_27] : memref<320000xi32, #tpu.memory_space<hbm>> -> memref<80xi32, #tpu.memory_space<hbm>>
    tpu.enqueue_dma source(%dma_start3A_31 : memref<80xi32, #tpu.memory_space<hbm>>) target(%arg19 : memref<80xi32, #tpu.memory_space<vmem>>) target_semaphore(%arg33 : memref<!tpu.dma_semaphore, #tpu.memory_space<semaphore_mem>>)
    %add3A_32 = arith.constant 400 : i32
    %add3A_33 = arith.addi %mul3A_2, %add3A_32 : i32
    %dma_start3A_34 = tpu.memref_slice %arg3[%add3A_33] : memref<320000xi32, #tpu.memory_space<hbm>> -> memref<80xi32, #tpu.memory_space<hbm>>
    %dma_start3A_35 = tpu.memref_slice %arg3[%add3A_33] : memref<320000xi32, #tpu.memory_space<hbm>> -> memref<80xi32, #tpu.memory_space<hbm>>
    tpu.enqueue_dma source(%dma_start3A_35 : memref<80xi32, #tpu.memory_space<hbm>>) target(%arg12 : memref<80xi32, #tpu.memory_space<vmem>>) target_semaphore(%arg34 : memref<!tpu.dma_semaphore, #tpu.memory_space<semaphore_mem>>)
    %dma_start3A_36 = tpu.memref_slice %arg4[%add3A_33] : memref<320000xi32, #tpu.memory_space<hbm>> -> memref<80xi32, #tpu.memory_space<hbm>>
    %dma_start3A_37 = tpu.memref_slice %arg4[%add3A_33] : memref<320000xi32, #tpu.memory_space<hbm>> -> memref<80xi32, #tpu.memory_space<hbm>>
    tpu.enqueue_dma source(%dma_start3A_37 : memref<80xi32, #tpu.memory_space<hbm>>) target(%arg20 : memref<80xi32, #tpu.memory_space<vmem>>) target_semaphore(%arg34 : memref<!tpu.dma_semaphore, #tpu.memory_space<semaphore_mem>>)
    %scan3A = arith.constant 0 : i32
    %scan3A_38 = arith.constant 0 : i32
    %scan3A_39 = arith.constant 128 : i32
    %scan3A_40 = arith.addi %scan3A_38, %scan3A_39 : i32
    %scan3A_41 = arith.constant 1 : i32
    %scan3A_42 = scf.for %scan3A_208 = %scan3A_38 to %scan3A_40 step %scan3A_41 iter_args(%scan3A_209 = %scan3A) -> (i32)  : i32 {
      %jit3A = arith.constant 8 : i32
      %div3A = arith.divsi %scan3A_208, %jit3A : i32
      %sign3A = arith.constant 0 : i32
      %sign3A_210 = arith.cmpi sgt, %scan3A_208, %sign3A : i32
      %sign3A_211 = arith.extui %sign3A_210 : i1 to i32
      %sign3A_212 = arith.constant 0 : i32
      %sign3A_213 = arith.cmpi slt, %scan3A_208, %sign3A_212 : i32
      %sign3A_214 = arith.extui %sign3A_213 : i1 to i32
      %sign3A_215 = arith.subi %sign3A_211, %sign3A_214 : i32
      %sign3A_216 = arith.constant 0 : i32
      %sign3A_217 = arith.cmpi sgt, %jit3A, %sign3A_216 : i32
      %sign3A_218 = arith.extui %sign3A_217 : i1 to i32
      %sign3A_219 = arith.constant 0 : i32
      %sign3A_220 = arith.cmpi slt, %jit3A, %sign3A_219 : i32
      %sign3A_221 = arith.extui %sign3A_220 : i1 to i32
      %sign3A_222 = arith.subi %sign3A_218, %sign3A_221 : i32
      %ne3A = arith.cmpi ne, %sign3A_215, %sign3A_222 : i32
      %rem3A = arith.remsi %scan3A_208, %jit3A : i32
      %ne3A_223 = arith.constant 0 : i32
      %ne3A_224 = arith.cmpi ne, %rem3A, %ne3A_223 : i32
      %and3A = arith.andi %ne3A, %ne3A_224 : i1
      %sub3A = arith.constant 1 : i32
      %sub3A_225 = arith.subi %div3A, %sub3A : i32
      %select_n3A = arith.select %and3A, %sub3A_225, %div3A : i32
      %jit3A_226 = arith.constant 8 : i32
      %eq3A_227 = arith.constant 0 : i32
      %eq3A_228 = arith.cmpi eq, %jit3A_226, %eq3A_227 : i32
      %jit3A_229 = arith.constant 1 : i32
      %select_n3A_230 = arith.select %eq3A_228, %jit3A_229, %jit3A_226 : i32
      %rem3A_231 = arith.remsi %scan3A_208, %select_n3A_230 : i32
      %ne3A_232 = arith.constant 0 : i32
      %ne3A_233 = arith.cmpi ne, %rem3A_231, %ne3A_232 : i32
      %lt3A = arith.constant 0 : i32
      %lt3A_234 = arith.cmpi slt, %rem3A_231, %lt3A : i32
      %lt3A_235 = arith.constant 0 : i32
      %lt3A_236 = arith.cmpi slt, %select_n3A_230, %lt3A_235 : i32
      %ne3A_237 = arith.xori %lt3A_234, %lt3A_236 : i1
      %and3A_238 = arith.andi %ne3A_237, %ne3A_233 : i1
      %add3A_239 = arith.addi %rem3A_231, %select_n3A_230 : i32
      %select_n3A_240 = arith.select %and3A_238, %add3A_239, %rem3A_231 : i32
      %mul3A_241 = arith.constant 16 : i32
      %mul3A_242 = arith.muli %select_n3A_240, %mul3A_241 : i32
      %broadcast_in_dim3A = arith.constant 0.000000e+00 : f32
      %broadcast_in_dim3A_243 = vector.broadcast %broadcast_in_dim3A : f32 to vector<16xf32>
      %swap3A = arith.index_cast %select_n3A : i32 to index
      %swap3A_244 = arith.index_cast %mul3A_242 : i32 to index
      %swap3A_245 = tpu.vector_load %arg27[%swap3A, %swap3A_244] {strides = array<i32>} : memref<16x128xf32, #tpu.memory_space<vmem>>, vector<1x16xf32>,
      %swap3A_246 = vector.shape_cast %swap3A_245 : vector<1x16xf32> to vector<16xf32>
      %swap3A_247 = vector.shape_cast %broadcast_in_dim3A_243 : vector<16xf32> to vector<1x16xf32>
      tpu.vector_store %arg27[%swap3A, %swap3A_244], %swap3A_247 {strides = array<i32>} : memref<16x128xf32, #tpu.memory_space<vmem>>, vector<1x16xf32>,
      %scan3A_248 = arith.constant 0 : i32
      scf.yield %scan3A_248 : i32
    }
    %scan3A_43 = arith.constant 128 : i32
    %scan3A_44 = arith.constant 0 : i32
    %scan3A_45 = arith.constant 0 : i32
    %scan3A_46 = arith.constant 40 : i32
    %scan3A_47 = arith.addi %scan3A_45, %scan3A_46 : i32
    %scan3A_48 = arith.constant 1 : i32
    %scan3A_49 = scf.for %scan3A_208 = %scan3A_45 to %scan3A_47 step %scan3A_48 iter_args(%scan3A_209 = %scan3A_44) -> (i32)  : i32 {
      %mul3A_210 = arith.constant 624 : i32
      %mul3A_211 = arith.muli %arg1, %mul3A_210 : i32
      %mul3A_212 = arith.constant 16 : i32
      %mul3A_213 = arith.muli %scan3A_208, %mul3A_212 : i32
      %add3A_214 = arith.addi %mul3A_211, %mul3A_213 : i32
      %dma_start3A_215 = arith.constant 0 : i32
      %dma_start3A_216 = tpu.memref_slice %arg28[%add3A_214, %dma_start3A_215] : memref<10000x128xf32, #tpu.memory_space<vmem_shared>> -> memref<16x128xf32, #tpu.memory_space<vmem_shared>>
      %dma_start3A_217 = arith.constant 0 : i32
      %dma_start3A_218 = tpu.memref_slice %arg28[%add3A_214, %dma_start3A_217] : memref<10000x128xf32, #tpu.memory_space<vmem_shared>> -> memref<16x128xf32, #tpu.memory_space<vmem_shared>>
      tpu.enqueue_dma source(%arg27 : memref<16x128xf32, #tpu.memory_space<vmem>>) target(%dma_start3A_218 : memref<16x128xf32, #tpu.memory_space<vmem_shared>>) target_semaphore(%arg42 : memref<!tpu.dma_semaphore, #tpu.memory_space<semaphore_mem>>)
      %scan3A_219 = arith.constant 0 : i32
      scf.yield %scan3A_219 : i32
    }
    %scan3A_50 = arith.constant 40 : i32
    %scan3A_51 = arith.constant 0 : i32
    %scan3A_52 = arith.constant 0 : i32
    %scan3A_53 = arith.constant 40 : i32
    %scan3A_54 = arith.addi %scan3A_52, %scan3A_53 : i32
    %scan3A_55 = arith.constant 1 : i32
    %scan3A_56 = scf.for %scan3A_208 = %scan3A_52 to %scan3A_54 step %scan3A_55 iter_args(%scan3A_209 = %scan3A_51) -> (i32)  : i32 {
      %dma_wait3A_210 = arith.constant 0 : i32
      %dma_wait3A_211 = arith.constant 0 : i32
      %dma_wait3A_212 = tpu.memref_slice %arg2[%dma_wait3A_210, %dma_wait3A_211] : memref<10000x128xf32, #tpu.memory_space<hbm>> -> memref<16x128xf32, #tpu.memory_space<hbm>>
      %dma_wait3A_213 = arith.constant 0 : i32
      %dma_wait3A_214 = arith.constant 0 : i32
      %dma_wait3A_215 = tpu.memref_slice %arg2[%dma_wait3A_213, %dma_wait3A_214] : memref<10000x128xf32, #tpu.memory_space<hbm>> -> memref<16x128xf32, #tpu.memory_space<hbm>>
      tpu.wait_dma2 semaphore(%arg42 : memref<!tpu.dma_semaphore, #tpu.memory_space<semaphore_mem>>) src(%dma_wait3A_215 : memref<16x128xf32, #tpu.memory_space<hbm>>) dst(%arg27 : memref<16x128xf32, #tpu.memory_space<vmem>>)
      %scan3A_216 = arith.constant 0 : i32
      scf.yield %scan3A_216 : i32
    }
    %scan3A_57 = arith.constant 40 : i32
    %barrier3A = arith.constant 0 : index
    tpu.barrier barrier_id(%barrier3A)
    %dma_wait3A = arith.constant 0 : i32
    %dma_wait3A_58 = tpu.memref_slice %arg3[%dma_wait3A] : memref<320000xi32, #tpu.memory_space<hbm>> -> memref<80xi32, #tpu.memory_space<hbm>>
    %dma_wait3A_59 = arith.constant 0 : i32
    %dma_wait3A_60 = tpu.memref_slice %arg3[%dma_wait3A_59] : memref<320000xi32, #tpu.memory_space<hbm>> -> memref<80xi32, #tpu.memory_space<hbm>>
    tpu.wait_dma2 semaphore(%arg29 : memref<!tpu.dma_semaphore, #tpu.memory_space<semaphore_mem>>) src(%dma_wait3A_60 : memref<80xi32, #tpu.memory_space<hbm>>) dst(%arg7 : memref<80xi32, #tpu.memory_space<vmem>>)
    %dma_wait3A_61 = arith.constant 0 : i32
    %dma_wait3A_62 = tpu.memref_slice %arg3[%dma_wait3A_61] : memref<320000xi32, #tpu.memory_space<hbm>> -> memref<80xi32, #tpu.memory_space<hbm>>
    %dma_wait3A_63 = arith.constant 0 : i32
    %dma_wait3A_64 = tpu.memref_slice %arg3[%dma_wait3A_63] : memref<320000xi32, #tpu.memory_space<hbm>> -> memref<80xi32, #tpu.memory_space<hbm>>
    tpu.wait_dma2 semaphore(%arg29 : memref<!tpu.dma_semaphore, #tpu.memory_space<semaphore_mem>>) src(%dma_wait3A_64 : memref<80xi32, #tpu.memory_space<hbm>>) dst(%arg15 : memref<80xi32, #tpu.memory_space<vmem>>)
    %dma_start3A_65 = arith.constant 0 : i32
    %dma_start3A_66 = arith.constant 0 : i32
    %dma_start3A_67 = tpu.memref_slice %arg2[%dma_start3A_65, %dma_start3A_66] : memref<10000x128xf32, #tpu.memory_space<hbm>> -> memref<10000x128xf32, #tpu.memory_space<hbm>>
    tpu.enqueue_indirect_dma source(%dma_start3A_67 : memref<10000x128xf32, #tpu.memory_space<hbm>>) target(%arg23 : memref<80x128xf32, #tpu.memory_space<vmem>>) offsets(%arg7 : memref<80xi32, #tpu.memory_space<vmem>>) semaphore(%arg37 : memref<!tpu.dma_semaphore, #tpu.memory_space<semaphore_mem>>)
    %dma_wait3A_68 = arith.constant 0 : i32
    %dma_wait3A_69 = tpu.memref_slice %arg3[%dma_wait3A_68] : memref<320000xi32, #tpu.memory_space<hbm>> -> memref<80xi32, #tpu.memory_space<hbm>>
    %dma_wait3A_70 = arith.constant 0 : i32
    %dma_wait3A_71 = tpu.memref_slice %arg3[%dma_wait3A_70] : memref<320000xi32, #tpu.memory_space<hbm>> -> memref<80xi32, #tpu.memory_space<hbm>>
    tpu.wait_dma2 semaphore(%arg30 : memref<!tpu.dma_semaphore, #tpu.memory_space<semaphore_mem>>) src(%dma_wait3A_71 : memref<80xi32, #tpu.memory_space<hbm>>) dst(%arg8 : memref<80xi32, #tpu.memory_space<vmem>>)
    %dma_wait3A_72 = arith.constant 0 : i32
    %dma_wait3A_73 = tpu.memref_slice %arg3[%dma_wait3A_72] : memref<320000xi32, #tpu.memory_space<hbm>> -> memref<80xi32, #tpu.memory_space<hbm>>
    %dma_wait3A_74 = arith.constant 0 : i32
    %dma_wait3A_75 = tpu.memref_slice %arg3[%dma_wait3A_74] : memref<320000xi32, #tpu.memory_space<hbm>> -> memref<80xi32, #tpu.memory_space<hbm>>
    tpu.wait_dma2 semaphore(%arg30 : memref<!tpu.dma_semaphore, #tpu.memory_space<semaphore_mem>>) src(%dma_wait3A_75 : memref<80xi32, #tpu.memory_space<hbm>>) dst(%arg16 : memref<80xi32, #tpu.memory_space<vmem>>)
    %dma_start3A_76 = arith.constant 0 : i32
    %dma_start3A_77 = arith.constant 0 : i32
    %dma_start3A_78 = tpu.memref_slice %arg2[%dma_start3A_76, %dma_start3A_77] : memref<10000x128xf32, #tpu.memory_space<hbm>> -> memref<10000x128xf32, #tpu.memory_space<hbm>>
    tpu.enqueue_indirect_dma source(%dma_start3A_78 : memref<10000x128xf32, #tpu.memory_space<hbm>>) target(%arg24 : memref<80x128xf32, #tpu.memory_space<vmem>>) offsets(%arg8 : memref<80xi32, #tpu.memory_space<vmem>>) semaphore(%arg38 : memref<!tpu.dma_semaphore, #tpu.memory_space<semaphore_mem>>)
    %scan3A_79 = arith.constant 0 : i32
    %scan3A_80 = arith.constant 0 : i32
    %scan3A_81 = arith.constant 15 : i32
    %scan3A_82 = arith.addi %scan3A_80, %scan3A_81 : i32
    %scan3A_83 = arith.constant 1 : i32
    %scan3A_84 = scf.for %scan3A_208 = %scan3A_80 to %scan3A_82 step %scan3A_83 iter_args(%scan3A_209 = %scan3A_79) -> (i32)  : i32 {
      %mul3A_210 = arith.constant 8 : i32
      %mul3A_211 = arith.muli %scan3A_208, %mul3A_210 : i32
      %add3A_212 = arith.constant 0 : i32
      %add3A_213 = arith.addi %mul3A_211, %add3A_212 : i32
      %add3A_214 = arith.constant 6 : i32
      %add3A_215 = arith.addi %add3A_213, %add3A_214 : i32
      %lt3A = arith.constant 125 : i32
      %lt3A_216 = arith.cmpi slt, %add3A_215, %lt3A : i32
      %convert_element_type3A_217 = arith.extui %lt3A_216 : i1 to i32
      %cond3A_218 = arith.constant 0 : i32
      %cond3A_219 = arith.cmpi ne, %convert_element_type3A_217, %cond3A_218 : i32
      scf.if %cond3A_219 {
        %add3A_465 = arith.constant 6 : i32
        %add3A_466 = arith.addi %add3A_213, %add3A_465 : i32
        %mul3A_467 = arith.constant 80 : i32
        %mul3A_468 = arith.muli %add3A_466, %mul3A_467 : i32
        %add3A_469 = arith.addi %mul3A_2, %mul3A_468 : i32
        %dma_start3A_470 = tpu.memref_slice %arg3[%add3A_469] : memref<320000xi32, #tpu.memory_space<hbm>> -> memref<80xi32, #tpu.memory_space<hbm>>
        %dma_start3A_471 = tpu.memref_slice %arg3[%add3A_469] : memref<320000xi32, #tpu.memory_space<hbm>> -> memref<80xi32, #tpu.memory_space<hbm>>
        tpu.enqueue_dma source(%dma_start3A_471 : memref<80xi32, #tpu.memory_space<hbm>>) target(%arg13 : memref<80xi32, #tpu.memory_space<vmem>>) target_semaphore(%arg35 : memref<!tpu.dma_semaphore, #tpu.memory_space<semaphore_mem>>)
        %dma_start3A_472 = tpu.memref_slice %arg4[%add3A_469] : memref<320000xi32, #tpu.memory_space<hbm>> -> memref<80xi32, #tpu.memory_space<hbm>>
        %dma_start3A_473 = tpu.memref_slice %arg4[%add3A_469] : memref<320000xi32, #tpu.memory_space<hbm>> -> memref<80xi32, #tpu.memory_space<hbm>>
        tpu.enqueue_dma source(%dma_start3A_473 : memref<80xi32, #tpu.memory_space<hbm>>) target(%arg21 : memref<80xi32, #tpu.memory_space<vmem>>) target_semaphore(%arg35 : memref<!tpu.dma_semaphore, #tpu.memory_space<semaphore_mem>>)
      } else {
      }
      %add3A_220 = arith.constant 2 : i32
      %add3A_221 = arith.addi %add3A_213, %add3A_220 : i32
      %lt3A_222 = arith.constant 125 : i32
      %lt3A_223 = arith.cmpi slt, %add3A_221, %lt3A_222 : i32
      %convert_element_type3A_224 = arith.extui %lt3A_223 : i1 to i32
      %cond3A_225 = arith.constant 0 : i32
      %cond3A_226 = arith.cmpi ne, %convert_element_type3A_224, %cond3A_225 : i32
      scf.if %cond3A_226 {
        %dma_wait3A_465 = arith.constant 0 : i32
        %dma_wait3A_466 = tpu.memref_slice %arg3[%dma_wait3A_465] : memref<320000xi32, #tpu.memory_space<hbm>> -> memref<80xi32, #tpu.memory_space<hbm>>
        %dma_wait3A_467 = arith.constant 0 : i32
        %dma_wait3A_468 = tpu.memref_slice %arg3[%dma_wait3A_467] : memref<320000xi32, #tpu.memory_space<hbm>> -> memref<80xi32, #tpu.memory_space<hbm>>
        tpu.wait_dma2 semaphore(%arg31 : memref<!tpu.dma_semaphore, #tpu.memory_space<semaphore_mem>>) src(%dma_wait3A_468 : memref<80xi32, #tpu.memory_space<hbm>>) dst(%arg9 : memref<80xi32, #tpu.memory_space<vmem>>)
        %dma_wait3A_469 = arith.constant 0 : i32
        %dma_wait3A_470 = tpu.memref_slice %arg3[%dma_wait3A_469] : memref<320000xi32, #tpu.memory_space<hbm>> -> memref<80xi32, #tpu.memory_space<hbm>>
        %dma_wait3A_471 = arith.constant 0 : i32
        %dma_wait3A_472 = tpu.memref_slice %arg3[%dma_wait3A_471] : memref<320000xi32, #tpu.memory_space<hbm>> -> memref<80xi32, #tpu.memory_space<hbm>>
        tpu.wait_dma2 semaphore(%arg31 : memref<!tpu.dma_semaphore, #tpu.memory_space<semaphore_mem>>) src(%dma_wait3A_472 : memref<80xi32, #tpu.memory_space<hbm>>) dst(%arg17 : memref<80xi32, #tpu.memory_space<vmem>>)
        %dma_start3A_473 = arith.constant 0 : i32
        %dma_start3A_474 = arith.constant 0 : i32
        %dma_start3A_475 = tpu.memref_slice %arg2[%dma_start3A_473, %dma_start3A_474] : memref<10000x128xf32, #tpu.memory_space<hbm>> -> memref<10000x128xf32, #tpu.memory_space<hbm>>
        tpu.enqueue_indirect_dma source(%dma_start3A_475 : memref<10000x128xf32, #tpu.memory_space<hbm>>) target(%arg25 : memref<80x128xf32, #tpu.memory_space<vmem>>) offsets(%arg9 : memref<80xi32, #tpu.memory_space<vmem>>) semaphore(%arg39 : memref<!tpu.dma_semaphore, #tpu.memory_space<semaphore_mem>>)
      } else {
      }
      %dma_wait3A_227 = arith.constant 0 : i32
      %dma_wait3A_228 = arith.constant 0 : i32
      %dma_wait3A_229 = tpu.memref_slice %arg2[%dma_wait3A_227, %dma_wait3A_228] : memref<10000x128xf32, #tpu.memory_space<hbm>> -> memref<80x128xf32, #tpu.memory_space<hbm>>
      %dma_wait3A_230 = arith.constant 0 : i32
      %dma_wait3A_231 = arith.constant 0 : i32
      %dma_wait3A_232 = tpu.memref_slice %arg2[%dma_wait3A_230, %dma_wait3A_231] : memref<10000x128xf32, #tpu.memory_space<hbm>> -> memref<80x128xf32, #tpu.memory_space<hbm>>
      tpu.wait_dma2 semaphore(%arg37 : memref<!tpu.dma_semaphore, #tpu.memory_space<semaphore_mem>>) src(%dma_wait3A_232 : memref<80x128xf32, #tpu.memory_space<hbm>>) dst(%arg23 : memref<80x128xf32, #tpu.memory_space<vmem>>)
      %gt3A = arith.constant 0 : i32
      %gt3A_233 = arith.cmpi sgt, %add3A_213, %gt3A : i32
      %convert_element_type3A_234 = arith.extui %gt3A_233 : i1 to i32
      %cond3A_235 = arith.constant 0 : i32
      %cond3A_236 = arith.cmpi ne, %convert_element_type3A_234, %cond3A_235 : i32
      scf.if %cond3A_236 {
        %dma_wait3A_465 = arith.constant 0 : i32
        %dma_wait3A_466 = arith.constant 0 : i32
        %dma_wait3A_467 = tpu.memref_slice %arg2[%dma_wait3A_465, %dma_wait3A_466] : memref<10000x128xf32, #tpu.memory_space<hbm>> -> memref<80x128xf32, #tpu.memory_space<hbm>>
        %dma_wait3A_468 = arith.constant 0 : i32
        %dma_wait3A_469 = arith.constant 0 : i32
        %dma_wait3A_470 = tpu.memref_slice %arg2[%dma_wait3A_468, %dma_wait3A_469] : memref<10000x128xf32, #tpu.memory_space<hbm>> -> memref<80x128xf32, #tpu.memory_space<hbm>>
        tpu.wait_dma2 semaphore(%arg41 : memref<!tpu.dma_semaphore, #tpu.memory_space<semaphore_mem>>) src(%dma_wait3A_470 : memref<80x128xf32, #tpu.memory_space<hbm>>) dst(%arg23 : memref<80x128xf32, #tpu.memory_space<vmem>>)
      } else {
      }
      %dma_start3A_237 = arith.constant 0 : i32
      %dma_start3A_238 = arith.constant 0 : i32
      %dma_start3A_239 = tpu.memref_slice %arg28[%dma_start3A_237, %dma_start3A_238] : memref<10000x128xf32, #tpu.memory_space<vmem_shared>> -> memref<10000x128xf32, #tpu.memory_space<vmem_shared>>
      tpu.enqueue_indirect_dma source(%arg23 : memref<80x128xf32, #tpu.memory_space<vmem>>) target(%dma_start3A_239 : memref<10000x128xf32, #tpu.memory_space<vmem_shared>>) offsets(%arg15 : memref<80xi32, #tpu.memory_space<vmem>>) semaphore(%arg41 : memref<!tpu.dma_semaphore, #tpu.memory_space<semaphore_mem>>) {add = true}
      %mul3A_240 = arith.constant 8 : i32
      %mul3A_241 = arith.muli %scan3A_208, %mul3A_240 : i32
      %add3A_242 = arith.constant 1 : i32
      %add3A_243 = arith.addi %mul3A_241, %add3A_242 : i32
      %add3A_244 = arith.constant 6 : i32
      %add3A_245 = arith.addi %add3A_243, %add3A_244 : i32
      %lt3A_246 = arith.constant 125 : i32
      %lt3A_247 = arith.cmpi slt, %add3A_245, %lt3A_246 : i32
      %convert_element_type3A_248 = arith.extui %lt3A_247 : i1 to i32
      %cond3A_249 = arith.constant 0 : i32
      %cond3A_250 = arith.cmpi ne, %convert_element_type3A_248, %cond3A_249 : i32
      scf.if %cond3A_250 {
        %add3A_465 = arith.constant 6 : i32
        %add3A_466 = arith.addi %add3A_243, %add3A_465 : i32
        %mul3A_467 = arith.constant 80 : i32
        %mul3A_468 = arith.muli %add3A_466, %mul3A_467 : i32
        %add3A_469 = arith.addi %mul3A_2, %mul3A_468 : i32
        %dma_start3A_470 = tpu.memref_slice %arg3[%add3A_469] : memref<320000xi32, #tpu.memory_space<hbm>> -> memref<80xi32, #tpu.memory_space<hbm>>
        %dma_start3A_471 = tpu.memref_slice %arg3[%add3A_469] : memref<320000xi32, #tpu.memory_space<hbm>> -> memref<80xi32, #tpu.memory_space<hbm>>
        tpu.enqueue_dma source(%dma_start3A_471 : memref<80xi32, #tpu.memory_space<hbm>>) target(%arg14 : memref<80xi32, #tpu.memory_space<vmem>>) target_semaphore(%arg36 : memref<!tpu.dma_semaphore, #tpu.memory_space<semaphore_mem>>)
        %dma_start3A_472 = tpu.memref_slice %arg4[%add3A_469] : memref<320000xi32, #tpu.memory_space<hbm>> -> memref<80xi32, #tpu.memory_space<hbm>>
        %dma_start3A_473 = tpu.memref_slice %arg4[%add3A_469] : memref<320000xi32, #tpu.memory_space<hbm>> -> memref<80xi32, #tpu.memory_space<hbm>>
        tpu.enqueue_dma source(%dma_start3A_473 : memref<80xi32, #tpu.memory_space<hbm>>) target(%arg22 : memref<80xi32, #tpu.memory_space<vmem>>) target_semaphore(%arg36 : memref<!tpu.dma_semaphore, #tpu.memory_space<semaphore_mem>>)
      } else {
      }
      %add3A_251 = arith.constant 2 : i32
      %add3A_252 = arith.addi %add3A_243, %add3A_251 : i32
      %lt3A_253 = arith.constant 125 : i32
      %lt3A_254 = arith.cmpi slt, %add3A_252, %lt3A_253 : i32
      %convert_element_type3A_255 = arith.extui %lt3A_254 : i1 to i32
      %cond3A_256 = arith.constant 0 : i32
      %cond3A_257 = arith.cmpi ne, %convert_element_type3A_255, %cond3A_256 : i32
      scf.if %cond3A_257 {
        %dma_wait3A_465 = arith.constant 0 : i32
        %dma_wait3A_466 = tpu.memref_slice %arg3[%dma_wait3A_465] : memref<320000xi32, #tpu.memory_space<hbm>> -> memref<80xi32, #tpu.memory_space<hbm>>
        %dma_wait3A_467 = arith.constant 0 : i32
        %dma_wait3A_468 = tpu.memref_slice %arg3[%dma_wait3A_467] : memref<320000xi32, #tpu.memory_space<hbm>> -> memref<80xi32, #tpu.memory_space<hbm>>
        tpu.wait_dma2 semaphore(%arg32 : memref<!tpu.dma_semaphore, #tpu.memory_space<semaphore_mem>>) src(%dma_wait3A_468 : memref<80xi32, #tpu.memory_space<hbm>>) dst(%arg10 : memref<80xi32, #tpu.memory_space<vmem>>)
        %dma_wait3A_469 = arith.constant 0 : i32
        %dma_wait3A_470 = tpu.memref_slice %arg3[%dma_wait3A_469] : memref<320000xi32, #tpu.memory_space<hbm>> -> memref<80xi32, #tpu.memory_space<hbm>>
        %dma_wait3A_471 = arith.constant 0 : i32
        %dma_wait3A_472 = tpu.memref_slice %arg3[%dma_wait3A_471] : memref<320000xi32, #tpu.memory_space<hbm>> -> memref<80xi32, #tpu.memory_space<hbm>>
        tpu.wait_dma2 semaphore(%arg32 : memref<!tpu.dma_semaphore, #tpu.memory_space<semaphore_mem>>) src(%dma_wait3A_472 : memref<80xi32, #tpu.memory_space<hbm>>) dst(%arg18 : memref<80xi32, #tpu.memory_space<vmem>>)
        %dma_start3A_473 = arith.constant 0 : i32
        %dma_start3A_474 = arith.constant 0 : i32
        %dma_start3A_475 = tpu.memref_slice %arg2[%dma_start3A_473, %dma_start3A_474] : memref<10000x128xf32, #tpu.memory_space<hbm>> -> memref<10000x128xf32, #tpu.memory_space<hbm>>
        tpu.enqueue_indirect_dma source(%dma_start3A_475 : memref<10000x128xf32, #tpu.memory_space<hbm>>) target(%arg26 : memref<80x128xf32, #tpu.memory_space<vmem>>) offsets(%arg10 : memref<80xi32, #tpu.memory_space<vmem>>) semaphore(%arg40 : memref<!tpu.dma_semaphore, #tpu.memory_space<semaphore_mem>>)
      } else {
      }
      %dma_wait3A_258 = arith.constant 0 : i32
      %dma_wait3A_259 = arith.constant 0 : i32
      %dma_wait3A_260 = tpu.memref_slice %arg2[%dma_wait3A_258, %dma_wait3A_259] : memref<10000x128xf32, #tpu.memory_space<hbm>> -> memref<80x128xf32, #tpu.memory_space<hbm>>
      %dma_wait3A_261 = arith.constant 0 : i32
      %dma_wait3A_262 = arith.constant 0 : i32
      %dma_wait3A_263 = tpu.memref_slice %arg2[%dma_wait3A_261, %dma_wait3A_262] : memref<10000x128xf32, #tpu.memory_space<hbm>> -> memref<80x128xf32, #tpu.memory_space<hbm>>
      tpu.wait_dma2 semaphore(%arg38 : memref<!tpu.dma_semaphore, #tpu.memory_space<semaphore_mem>>) src(%dma_wait3A_263 : memref<80x128xf32, #tpu.memory_space<hbm>>) dst(%arg24 : memref<80x128xf32, #tpu.memory_space<vmem>>)
      %gt3A_264 = arith.constant 0 : i32
      %gt3A_265 = arith.cmpi sgt, %add3A_243, %gt3A_264 : i32
      %convert_element_type3A_266 = arith.extui %gt3A_265 : i1 to i32
      %cond3A_267 = arith.constant 0 : i32
      %cond3A_268 = arith.cmpi ne, %convert_element_type3A_266, %cond3A_267 : i32
      scf.if %cond3A_268 {
        %dma_wait3A_465 = arith.constant 0 : i32
        %dma_wait3A_466 = arith.constant 0 : i32
        %dma_wait3A_467 = tpu.memref_slice %arg2[%dma_wait3A_465, %dma_wait3A_466] : memref<10000x128xf32, #tpu.memory_space<hbm>> -> memref<80x128xf32, #tpu.memory_space<hbm>>
        %dma_wait3A_468 = arith.constant 0 : i32
        %dma_wait3A_469 = arith.constant 0 : i32
        %dma_wait3A_470 = tpu.memref_slice %arg2[%dma_wait3A_468, %dma_wait3A_469] : memref<10000x128xf32, #tpu.memory_space<hbm>> -> memref<80x128xf32, #tpu.memory_space<hbm>>
        tpu.wait_dma2 semaphore(%arg41 : memref<!tpu.dma_semaphore, #tpu.memory_space<semaphore_mem>>) src(%dma_wait3A_470 : memref<80x128xf32, #tpu.memory_space<hbm>>) dst(%arg24 : memref<80x128xf32, #tpu.memory_space<vmem>>)
      } else {
      }
      %dma_start3A_269 = arith.constant 0 : i32
      %dma_start3A_270 = arith.constant 0 : i32
      %dma_start3A_271 = tpu.memref_slice %arg28[%dma_start3A_269, %dma_start3A_270] : memref<10000x128xf32, #tpu.memory_space<vmem_shared>> -> memref<10000x128xf32, #tpu.memory_space<vmem_shared>>
      tpu.enqueue_indirect_dma source(%arg24 : memref<80x128xf32, #tpu.memory_space<vmem>>) target(%dma_start3A_271 : memref<10000x128xf32, #tpu.memory_space<vmem_shared>>) offsets(%arg16 : memref<80xi32, #tpu.memory_space<vmem>>) semaphore(%arg41 : memref<!tpu.dma_semaphore, #tpu.memory_space<semaphore_mem>>) {add = true}
      %mul3A_272 = arith.constant 8 : i32
      %mul3A_273 = arith.muli %scan3A_208, %mul3A_272 : i32
      %add3A_274 = arith.constant 2 : i32
      %add3A_275 = arith.addi %mul3A_273, %add3A_274 : i32
      %add3A_276 = arith.constant 6 : i32
      %add3A_277 = arith.addi %add3A_275, %add3A_276 : i32
      %lt3A_278 = arith.constant 125 : i32
      %lt3A_279 = arith.cmpi slt, %add3A_277, %lt3A_278 : i32
      %convert_element_type3A_280 = arith.extui %lt3A_279 : i1 to i32
      %cond3A_281 = arith.constant 0 : i32
      %cond3A_282 = arith.cmpi ne, %convert_element_type3A_280, %cond3A_281 : i32
      scf.if %cond3A_282 {
        %add3A_465 = arith.constant 6 : i32
        %add3A_466 = arith.addi %add3A_275, %add3A_465 : i32
        %mul3A_467 = arith.constant 80 : i32
        %mul3A_468 = arith.muli %add3A_466, %mul3A_467 : i32
        %add3A_469 = arith.addi %mul3A_2, %mul3A_468 : i32
        %dma_start3A_470 = tpu.memref_slice %arg3[%add3A_469] : memref<320000xi32, #tpu.memory_space<hbm>> -> memref<80xi32, #tpu.memory_space<hbm>>
        %dma_start3A_471 = tpu.memref_slice %arg3[%add3A_469] : memref<320000xi32, #tpu.memory_space<hbm>> -> memref<80xi32, #tpu.memory_space<hbm>>
        tpu.enqueue_dma source(%dma_start3A_471 : memref<80xi32, #tpu.memory_space<hbm>>) target(%arg7 : memref<80xi32, #tpu.memory_space<vmem>>) target_semaphore(%arg29 : memref<!tpu.dma_semaphore, #tpu.memory_space<semaphore_mem>>)
        %dma_start3A_472 = tpu.memref_slice %arg4[%add3A_469] : memref<320000xi32, #tpu.memory_space<hbm>> -> memref<80xi32, #tpu.memory_space<hbm>>
        %dma_start3A_473 = tpu.memref_slice %arg4[%add3A_469] : memref<320000xi32, #tpu.memory_space<hbm>> -> memref<80xi32, #tpu.memory_space<hbm>>
        tpu.enqueue_dma source(%dma_start3A_473 : memref<80xi32, #tpu.memory_space<hbm>>) target(%arg15 : memref<80xi32, #tpu.memory_space<vmem>>) target_semaphore(%arg29 : memref<!tpu.dma_semaphore, #tpu.memory_space<semaphore_mem>>)
      } else {
      }
      %add3A_283 = arith.constant 2 : i32
      %add3A_284 = arith.addi %add3A_275, %add3A_283 : i32
      %lt3A_285 = arith.constant 125 : i32
      %lt3A_286 = arith.cmpi slt, %add3A_284, %lt3A_285 : i32
      %convert_element_type3A_287 = arith.extui %lt3A_286 : i1 to i32
      %cond3A_288 = arith.constant 0 : i32
      %cond3A_289 = arith.cmpi ne, %convert_element_type3A_287, %cond3A_288 : i32
      scf.if %cond3A_289 {
        %dma_wait3A_465 = arith.constant 0 : i32
        %dma_wait3A_466 = tpu.memref_slice %arg3[%dma_wait3A_465] : memref<320000xi32, #tpu.memory_space<hbm>> -> memref<80xi32, #tpu.memory_space<hbm>>
        %dma_wait3A_467 = arith.constant 0 : i32
        %dma_wait3A_468 = tpu.memref_slice %arg3[%dma_wait3A_467] : memref<320000xi32, #tpu.memory_space<hbm>> -> memref<80xi32, #tpu.memory_space<hbm>>
        tpu.wait_dma2 semaphore(%arg33 : memref<!tpu.dma_semaphore, #tpu.memory_space<semaphore_mem>>) src(%dma_wait3A_468 : memref<80xi32, #tpu.memory_space<hbm>>) dst(%arg11 : memref<80xi32, #tpu.memory_space<vmem>>)
        %dma_wait3A_469 = arith.constant 0 : i32
        %dma_wait3A_470 = tpu.memref_slice %arg3[%dma_wait3A_469] : memref<320000xi32, #tpu.memory_space<hbm>> -> memref<80xi32, #tpu.memory_space<hbm>>
        %dma_wait3A_471 = arith.constant 0 : i32
        %dma_wait3A_472 = tpu.memref_slice %arg3[%dma_wait3A_471] : memref<320000xi32, #tpu.memory_space<hbm>> -> memref<80xi32, #tpu.memory_space<hbm>>
        tpu.wait_dma2 semaphore(%arg33 : memref<!tpu.dma_semaphore, #tpu.memory_space<semaphore_mem>>) src(%dma_wait3A_472 : memref<80xi32, #tpu.memory_space<hbm>>) dst(%arg19 : memref<80xi32, #tpu.memory_space<vmem>>)
        %dma_start3A_473 = arith.constant 0 : i32
        %dma_start3A_474 = arith.constant 0 : i32
        %dma_start3A_475 = tpu.memref_slice %arg2[%dma_start3A_473, %dma_start3A_474] : memref<10000x128xf32, #tpu.memory_space<hbm>> -> memref<10000x128xf32, #tpu.memory_space<hbm>>
        tpu.enqueue_indirect_dma source(%dma_start3A_475 : memref<10000x128xf32, #tpu.memory_space<hbm>>) target(%arg23 : memref<80x128xf32, #tpu.memory_space<vmem>>) offsets(%arg11 : memref<80xi32, #tpu.memory_space<vmem>>) semaphore(%arg37 : memref<!tpu.dma_semaphore, #tpu.memory_space<semaphore_mem>>)
      } else {
      }
      %dma_wait3A_290 = arith.constant 0 : i32
      %dma_wait3A_291 = arith.constant 0 : i32
      %dma_wait3A_292 = tpu.memref_slice %arg2[%dma_wait3A_290, %dma_wait3A_291] : memref<10000x128xf32, #tpu.memory_space<hbm>> -> memref<80x128xf32, #tpu.memory_space<hbm>>
      %dma_wait3A_293 = arith.constant 0 : i32
      %dma_wait3A_294 = arith.constant 0 : i32
      %dma_wait3A_295 = tpu.memref_slice %arg2[%dma_wait3A_293, %dma_wait3A_294] : memref<10000x128xf32, #tpu.memory_space<hbm>> -> memref<80x128xf32, #tpu.memory_space<hbm>>
      tpu.wait_dma2 semaphore(%arg39 : memref<!tpu.dma_semaphore, #tpu.memory_space<semaphore_mem>>) src(%dma_wait3A_295 : memref<80x128xf32, #tpu.memory_space<hbm>>) dst(%arg25 : memref<80x128xf32, #tpu.memory_space<vmem>>)
      %gt3A_296 = arith.constant 0 : i32
      %gt3A_297 = arith.cmpi sgt, %add3A_275, %gt3A_296 : i32
      %convert_element_type3A_298 = arith.extui %gt3A_297 : i1 to i32
      %cond3A_299 = arith.constant 0 : i32
      %cond3A_300 = arith.cmpi ne, %convert_element_type3A_298, %cond3A_299 : i32
      scf.if %cond3A_300 {
        %dma_wait3A_465 = arith.constant 0 : i32
        %dma_wait3A_466 = arith.constant 0 : i32
        %dma_wait3A_467 = tpu.memref_slice %arg2[%dma_wait3A_465, %dma_wait3A_466] : memref<10000x128xf32, #tpu.memory_space<hbm>> -> memref<80x128xf32, #tpu.memory_space<hbm>>
        %dma_wait3A_468 = arith.constant 0 : i32
        %dma_wait3A_469 = arith.constant 0 : i32
        %dma_wait3A_470 = tpu.memref_slice %arg2[%dma_wait3A_468, %dma_wait3A_469] : memref<10000x128xf32, #tpu.memory_space<hbm>> -> memref<80x128xf32, #tpu.memory_space<hbm>>
        tpu.wait_dma2 semaphore(%arg41 : memref<!tpu.dma_semaphore, #tpu.memory_space<semaphore_mem>>) src(%dma_wait3A_470 : memref<80x128xf32, #tpu.memory_space<hbm>>) dst(%arg25 : memref<80x128xf32, #tpu.memory_space<vmem>>)
      } else {
      }
      %dma_start3A_301 = arith.constant 0 : i32
      %dma_start3A_302 = arith.constant 0 : i32
      %dma_start3A_303 = tpu.memref_slice %arg28[%dma_start3A_301, %dma_start3A_302] : memref<10000x128xf32, #tpu.memory_space<vmem_shared>> -> memref<10000x128xf32, #tpu.memory_space<vmem_shared>>
      tpu.enqueue_indirect_dma source(%arg25 : memref<80x128xf32, #tpu.memory_space<vmem>>) target(%dma_start3A_303 : memref<10000x128xf32, #tpu.memory_space<vmem_shared>>) offsets(%arg17 : memref<80xi32, #tpu.memory_space<vmem>>) semaphore(%arg41 : memref<!tpu.dma_semaphore, #tpu.memory_space<semaphore_mem>>) {add = true}
      %mul3A_304 = arith.constant 8 : i32
      %mul3A_305 = arith.muli %scan3A_208, %mul3A_304 : i32
      %add3A_306 = arith.constant 3 : i32
      %add3A_307 = arith.addi %mul3A_305, %add3A_306 : i32
      %add3A_308 = arith.constant 6 : i32
      %add3A_309 = arith.addi %add3A_307, %add3A_308 : i32
      %lt3A_310 = arith.constant 125 : i32
      %lt3A_311 = arith.cmpi slt, %add3A_309, %lt3A_310 : i32
      %convert_element_type3A_312 = arith.extui %lt3A_311 : i1 to i32
      %cond3A_313 = arith.constant 0 : i32
      %cond3A_314 = arith.cmpi ne, %convert_element_type3A_312, %cond3A_313 : i32
      scf.if %cond3A_314 {
        %add3A_465 = arith.constant 6 : i32
        %add3A_466 = arith.addi %add3A_307, %add3A_465 : i32
        %mul3A_467 = arith.constant 80 : i32
        %mul3A_468 = arith.muli %add3A_466, %mul3A_467 : i32
        %add3A_469 = arith.addi %mul3A_2, %mul3A_468 : i32
        %dma_start3A_470 = tpu.memref_slice %arg3[%add3A_469] : memref<320000xi32, #tpu.memory_space<hbm>> -> memref<80xi32, #tpu.memory_space<hbm>>
        %dma_start3A_471 = tpu.memref_slice %arg3[%add3A_469] : memref<320000xi32, #tpu.memory_space<hbm>> -> memref<80xi32, #tpu.memory_space<hbm>>
        tpu.enqueue_dma source(%dma_start3A_471 : memref<80xi32, #tpu.memory_space<hbm>>) target(%arg8 : memref<80xi32, #tpu.memory_space<vmem>>) target_semaphore(%arg30 : memref<!tpu.dma_semaphore, #tpu.memory_space<semaphore_mem>>)
        %dma_start3A_472 = tpu.memref_slice %arg4[%add3A_469] : memref<320000xi32, #tpu.memory_space<hbm>> -> memref<80xi32, #tpu.memory_space<hbm>>
        %dma_start3A_473 = tpu.memref_slice %arg4[%add3A_469] : memref<320000xi32, #tpu.memory_space<hbm>> -> memref<80xi32, #tpu.memory_space<hbm>>
        tpu.enqueue_dma source(%dma_start3A_473 : memref<80xi32, #tpu.memory_space<hbm>>) target(%arg16 : memref<80xi32, #tpu.memory_space<vmem>>) target_semaphore(%arg30 : memref<!tpu.dma_semaphore, #tpu.memory_space<semaphore_mem>>)
      } else {
      }
      %add3A_315 = arith.constant 2 : i32
      %add3A_316 = arith.addi %add3A_307, %add3A_315 : i32
      %lt3A_317 = arith.constant 125 : i32
      %lt3A_318 = arith.cmpi slt, %add3A_316, %lt3A_317 : i32
      %convert_element_type3A_319 = arith.extui %lt3A_318 : i1 to i32
      %cond3A_320 = arith.constant 0 : i32
      %cond3A_321 = arith.cmpi ne, %convert_element_type3A_319, %cond3A_320 : i32
      scf.if %cond3A_321 {
        %dma_wait3A_465 = arith.constant 0 : i32
        %dma_wait3A_466 = tpu.memref_slice %arg3[%dma_wait3A_465] : memref<320000xi32, #tpu.memory_space<hbm>> -> memref<80xi32, #tpu.memory_space<hbm>>
        %dma_wait3A_467 = arith.constant 0 : i32
        %dma_wait3A_468 = tpu.memref_slice %arg3[%dma_wait3A_467] : memref<320000xi32, #tpu.memory_space<hbm>> -> memref<80xi32, #tpu.memory_space<hbm>>
        tpu.wait_dma2 semaphore(%arg34 : memref<!tpu.dma_semaphore, #tpu.memory_space<semaphore_mem>>) src(%dma_wait3A_468 : memref<80xi32, #tpu.memory_space<hbm>>) dst(%arg12 : memref<80xi32, #tpu.memory_space<vmem>>)
        %dma_wait3A_469 = arith.constant 0 : i32
        %dma_wait3A_470 = tpu.memref_slice %arg3[%dma_wait3A_469] : memref<320000xi32, #tpu.memory_space<hbm>> -> memref<80xi32, #tpu.memory_space<hbm>>
        %dma_wait3A_471 = arith.constant 0 : i32
        %dma_wait3A_472 = tpu.memref_slice %arg3[%dma_wait3A_471] : memref<320000xi32, #tpu.memory_space<hbm>> -> memref<80xi32, #tpu.memory_space<hbm>>
        tpu.wait_dma2 semaphore(%arg34 : memref<!tpu.dma_semaphore, #tpu.memory_space<semaphore_mem>>) src(%dma_wait3A_472 : memref<80xi32, #tpu.memory_space<hbm>>) dst(%arg20 : memref<80xi32, #tpu.memory_space<vmem>>)
        %dma_start3A_473 = arith.constant 0 : i32
        %dma_start3A_474 = arith.constant 0 : i32
        %dma_start3A_475 = tpu.memref_slice %arg2[%dma_start3A_473, %dma_start3A_474] : memref<10000x128xf32, #tpu.memory_space<hbm>> -> memref<10000x128xf32, #tpu.memory_space<hbm>>
        tpu.enqueue_indirect_dma source(%dma_start3A_475 : memref<10000x128xf32, #tpu.memory_space<hbm>>) target(%arg24 : memref<80x128xf32, #tpu.memory_space<vmem>>) offsets(%arg12 : memref<80xi32, #tpu.memory_space<vmem>>) semaphore(%arg38 : memref<!tpu.dma_semaphore, #tpu.memory_space<semaphore_mem>>)
      } else {
      }
      %dma_wait3A_322 = arith.constant 0 : i32
      %dma_wait3A_323 = arith.constant 0 : i32
      %dma_wait3A_324 = tpu.memref_slice %arg2[%dma_wait3A_322, %dma_wait3A_323] : memref<10000x128xf32, #tpu.memory_space<hbm>> -> memref<80x128xf32, #tpu.memory_space<hbm>>
      %dma_wait3A_325 = arith.constant 0 : i32
      %dma_wait3A_326 = arith.constant 0 : i32
      %dma_wait3A_327 = tpu.memref_slice %arg2[%dma_wait3A_325, %dma_wait3A_326] : memref<10000x128xf32, #tpu.memory_space<hbm>> -> memref<80x128xf32, #tpu.memory_space<hbm>>
      tpu.wait_dma2 semaphore(%arg40 : memref<!tpu.dma_semaphore, #tpu.memory_space<semaphore_mem>>) src(%dma_wait3A_327 : memref<80x128xf32, #tpu.memory_space<hbm>>) dst(%arg26 : memref<80x128xf32, #tpu.memory_space<vmem>>)
      %gt3A_328 = arith.constant 0 : i32
      %gt3A_329 = arith.cmpi sgt, %add3A_307, %gt3A_328 : i32
      %convert_element_type3A_330 = arith.extui %gt3A_329 : i1 to i32
      %cond3A_331 = arith.constant 0 : i32
      %cond3A_332 = arith.cmpi ne, %convert_element_type3A_330, %cond3A_331 : i32
      scf.if %cond3A_332 {
        %dma_wait3A_465 = arith.constant 0 : i32
        %dma_wait3A_466 = arith.constant 0 : i32
        %dma_wait3A_467 = tpu.memref_slice %arg2[%dma_wait3A_465, %dma_wait3A_466] : memref<10000x128xf32, #tpu.memory_space<hbm>> -> memref<80x128xf32, #tpu.memory_space<hbm>>
        %dma_wait3A_468 = arith.constant 0 : i32
        %dma_wait3A_469 = arith.constant 0 : i32
        %dma_wait3A_470 = tpu.memref_slice %arg2[%dma_wait3A_468, %dma_wait3A_469] : memref<10000x128xf32, #tpu.memory_space<hbm>> -> memref<80x128xf32, #tpu.memory_space<hbm>>
        tpu.wait_dma2 semaphore(%arg41 : memref<!tpu.dma_semaphore, #tpu.memory_space<semaphore_mem>>) src(%dma_wait3A_470 : memref<80x128xf32, #tpu.memory_space<hbm>>) dst(%arg26 : memref<80x128xf32, #tpu.memory_space<vmem>>)
      } else {
      }
      %dma_start3A_333 = arith.constant 0 : i32
      %dma_start3A_334 = arith.constant 0 : i32
      %dma_start3A_335 = tpu.memref_slice %arg28[%dma_start3A_333, %dma_start3A_334] : memref<10000x128xf32, #tpu.memory_space<vmem_shared>> -> memref<10000x128xf32, #tpu.memory_space<vmem_shared>>
      tpu.enqueue_indirect_dma source(%arg26 : memref<80x128xf32, #tpu.memory_space<vmem>>) target(%dma_start3A_335 : memref<10000x128xf32, #tpu.memory_space<vmem_shared>>) offsets(%arg18 : memref<80xi32, #tpu.memory_space<vmem>>) semaphore(%arg41 : memref<!tpu.dma_semaphore, #tpu.memory_space<semaphore_mem>>) {add = true}
      %mul3A_336 = arith.constant 8 : i32
      %mul3A_337 = arith.muli %scan3A_208, %mul3A_336 : i32
      %add3A_338 = arith.constant 4 : i32
      %add3A_339 = arith.addi %mul3A_337, %add3A_338 : i32
      %add3A_340 = arith.constant 6 : i32
      %add3A_341 = arith.addi %add3A_339, %add3A_340 : i32
      %lt3A_342 = arith.constant 125 : i32
      %lt3A_343 = arith.cmpi slt, %add3A_341, %lt3A_342 : i32
      %convert_element_type3A_344 = arith.extui %lt3A_343 : i1 to i32
      %cond3A_345 = arith.constant 0 : i32
      %cond3A_346 = arith.cmpi ne, %convert_element_type3A_344, %cond3A_345 : i32
      scf.if %cond3A_346 {
        %add3A_465 = arith.constant 6 : i32
        %add3A_466 = arith.addi %add3A_339, %add3A_465 : i32
        %mul3A_467 = arith.constant 80 : i32
        %mul3A_468 = arith.muli %add3A_466, %mul3A_467 : i32
        %add3A_469 = arith.addi %mul3A_2, %mul3A_468 : i32
        %dma_start3A_470 = tpu.memref_slice %arg3[%add3A_469] : memref<320000xi32, #tpu.memory_space<hbm>> -> memref<80xi32, #tpu.memory_space<hbm>>
        %dma_start3A_471 = tpu.memref_slice %arg3[%add3A_469] : memref<320000xi32, #tpu.memory_space<hbm>> -> memref<80xi32, #tpu.memory_space<hbm>>
        tpu.enqueue_dma source(%dma_start3A_471 : memref<80xi32, #tpu.memory_space<hbm>>) target(%arg9 : memref<80xi32, #tpu.memory_space<vmem>>) target_semaphore(%arg31 : memref<!tpu.dma_semaphore, #tpu.memory_space<semaphore_mem>>)
        %dma_start3A_472 = tpu.memref_slice %arg4[%add3A_469] : memref<320000xi32, #tpu.memory_space<hbm>> -> memref<80xi32, #tpu.memory_space<hbm>>
        %dma_start3A_473 = tpu.memref_slice %arg4[%add3A_469] : memref<320000xi32, #tpu.memory_space<hbm>> -> memref<80xi32, #tpu.memory_space<hbm>>
        tpu.enqueue_dma source(%dma_start3A_473 : memref<80xi32, #tpu.memory_space<hbm>>) target(%arg17 : memref<80xi32, #tpu.memory_space<vmem>>) target_semaphore(%arg31 : memref<!tpu.dma_semaphore, #tpu.memory_space<semaphore_mem>>)
      } else {
      }
      %add3A_347 = arith.constant 2 : i32
      %add3A_348 = arith.addi %add3A_339, %add3A_347 : i32
      %lt3A_349 = arith.constant 125 : i32
      %lt3A_350 = arith.cmpi slt, %add3A_348, %lt3A_349 : i32
      %convert_element_type3A_351 = arith.extui %lt3A_350 : i1 to i32
      %cond3A_352 = arith.constant 0 : i32
      %cond3A_353 = arith.cmpi ne, %convert_element_type3A_351, %cond3A_352 : i32
      scf.if %cond3A_353 {
        %dma_wait3A_465 = arith.constant 0 : i32
        %dma_wait3A_466 = tpu.memref_slice %arg3[%dma_wait3A_465] : memref<320000xi32, #tpu.memory_space<hbm>> -> memref<80xi32, #tpu.memory_space<hbm>>
        %dma_wait3A_467 = arith.constant 0 : i32
        %dma_wait3A_468 = tpu.memref_slice %arg3[%dma_wait3A_467] : memref<320000xi32, #tpu.memory_space<hbm>> -> memref<80xi32, #tpu.memory_space<hbm>>
        tpu.wait_dma2 semaphore(%arg35 : memref<!tpu.dma_semaphore, #tpu.memory_space<semaphore_mem>>) src(%dma_wait3A_468 : memref<80xi32, #tpu.memory_space<hbm>>) dst(%arg13 : memref<80xi32, #tpu.memory_space<vmem>>)
        %dma_wait3A_469 = arith.constant 0 : i32
        %dma_wait3A_470 = tpu.memref_slice %arg3[%dma_wait3A_469] : memref<320000xi32, #tpu.memory_space<hbm>> -> memref<80xi32, #tpu.memory_space<hbm>>
        %dma_wait3A_471 = arith.constant 0 : i32
        %dma_wait3A_472 = tpu.memref_slice %arg3[%dma_wait3A_471] : memref<320000xi32, #tpu.memory_space<hbm>> -> memref<80xi32, #tpu.memory_space<hbm>>
        tpu.wait_dma2 semaphore(%arg35 : memref<!tpu.dma_semaphore, #tpu.memory_space<semaphore_mem>>) src(%dma_wait3A_472 : memref<80xi32, #tpu.memory_space<hbm>>) dst(%arg21 : memref<80xi32, #tpu.memory_space<vmem>>)
        %dma_start3A_473 = arith.constant 0 : i32
        %dma_start3A_474 = arith.constant 0 : i32
        %dma_start3A_475 = tpu.memref_slice %arg2[%dma_start3A_473, %dma_start3A_474] : memref<10000x128xf32, #tpu.memory_space<hbm>> -> memref<10000x128xf32, #tpu.memory_space<hbm>>
        tpu.enqueue_indirect_dma source(%dma_start3A_475 : memref<10000x128xf32, #tpu.memory_space<hbm>>) target(%arg25 : memref<80x128xf32, #tpu.memory_space<vmem>>) offsets(%arg13 : memref<80xi32, #tpu.memory_space<vmem>>) semaphore(%arg39 : memref<!tpu.dma_semaphore, #tpu.memory_space<semaphore_mem>>)
      } else {
      }
      %dma_wait3A_354 = arith.constant 0 : i32
      %dma_wait3A_355 = arith.constant 0 : i32
      %dma_wait3A_356 = tpu.memref_slice %arg2[%dma_wait3A_354, %dma_wait3A_355] : memref<10000x128xf32, #tpu.memory_space<hbm>> -> memref<80x128xf32, #tpu.memory_space<hbm>>
      %dma_wait3A_357 = arith.constant 0 : i32
      %dma_wait3A_358 = arith.constant 0 : i32
      %dma_wait3A_359 = tpu.memref_slice %arg2[%dma_wait3A_357, %dma_wait3A_358] : memref<10000x128xf32, #tpu.memory_space<hbm>> -> memref<80x128xf32, #tpu.memory_space<hbm>>
      tpu.wait_dma2 semaphore(%arg37 : memref<!tpu.dma_semaphore, #tpu.memory_space<semaphore_mem>>) src(%dma_wait3A_359 : memref<80x128xf32, #tpu.memory_space<hbm>>) dst(%arg23 : memref<80x128xf32, #tpu.memory_space<vmem>>)
      %gt3A_360 = arith.constant 0 : i32
      %gt3A_361 = arith.cmpi sgt, %add3A_339, %gt3A_360 : i32
      %convert_element_type3A_362 = arith.extui %gt3A_361 : i1 to i32
      %cond3A_363 = arith.constant 0 : i32
      %cond3A_364 = arith.cmpi ne, %convert_element_type3A_362, %cond3A_363 : i32
      scf.if %cond3A_364 {
        %dma_wait3A_465 = arith.constant 0 : i32
        %dma_wait3A_466 = arith.constant 0 : i32
        %dma_wait3A_467 = tpu.memref_slice %arg2[%dma_wait3A_465, %dma_wait3A_466] : memref<10000x128xf32, #tpu.memory_space<hbm>> -> memref<80x128xf32, #tpu.memory_space<hbm>>
        %dma_wait3A_468 = arith.constant 0 : i32
        %dma_wait3A_469 = arith.constant 0 : i32
        %dma_wait3A_470 = tpu.memref_slice %arg2[%dma_wait3A_468, %dma_wait3A_469] : memref<10000x128xf32, #tpu.memory_space<hbm>> -> memref<80x128xf32, #tpu.memory_space<hbm>>
        tpu.wait_dma2 semaphore(%arg41 : memref<!tpu.dma_semaphore, #tpu.memory_space<semaphore_mem>>) src(%dma_wait3A_470 : memref<80x128xf32, #tpu.memory_space<hbm>>) dst(%arg23 : memref<80x128xf32, #tpu.memory_space<vmem>>)
      } else {
      }
      %dma_start3A_365 = arith.constant 0 : i32
      %dma_start3A_366 = arith.constant 0 : i32
      %dma_start3A_367 = tpu.memref_slice %arg28[%dma_start3A_365, %dma_start3A_366] : memref<10000x128xf32, #tpu.memory_space<vmem_shared>> -> memref<10000x128xf32, #tpu.memory_space<vmem_shared>>
      tpu.enqueue_indirect_dma source(%arg23 : memref<80x128xf32, #tpu.memory_space<vmem>>) target(%dma_start3A_367 : memref<10000x128xf32, #tpu.memory_space<vmem_shared>>) offsets(%arg19 : memref<80xi32, #tpu.memory_space<vmem>>) semaphore(%arg41 : memref<!tpu.dma_semaphore, #tpu.memory_space<semaphore_mem>>) {add = true}
      %mul3A_368 = arith.constant 8 : i32
      %mul3A_369 = arith.muli %scan3A_208, %mul3A_368 : i32
      %add3A_370 = arith.constant 5 : i32
      %add3A_371 = arith.addi %mul3A_369, %add3A_370 : i32
      %add3A_372 = arith.constant 6 : i32
      %add3A_373 = arith.addi %add3A_371, %add3A_372 : i32
      %lt3A_374 = arith.constant 125 : i32
      %lt3A_375 = arith.cmpi slt, %add3A_373, %lt3A_374 : i32
      %convert_element_type3A_376 = arith.extui %lt3A_375 : i1 to i32
      %cond3A_377 = arith.constant 0 : i32
      %cond3A_378 = arith.cmpi ne, %convert_element_type3A_376, %cond3A_377 : i32
      scf.if %cond3A_378 {
        %add3A_465 = arith.constant 6 : i32
        %add3A_466 = arith.addi %add3A_371, %add3A_465 : i32
        %mul3A_467 = arith.constant 80 : i32
        %mul3A_468 = arith.muli %add3A_466, %mul3A_467 : i32
        %add3A_469 = arith.addi %mul3A_2, %mul3A_468 : i32
        %dma_start3A_470 = tpu.memref_slice %arg3[%add3A_469] : memref<320000xi32, #tpu.memory_space<hbm>> -> memref<80xi32, #tpu.memory_space<hbm>>
        %dma_start3A_471 = tpu.memref_slice %arg3[%add3A_469] : memref<320000xi32, #tpu.memory_space<hbm>> -> memref<80xi32, #tpu.memory_space<hbm>>
        tpu.enqueue_dma source(%dma_start3A_471 : memref<80xi32, #tpu.memory_space<hbm>>) target(%arg10 : memref<80xi32, #tpu.memory_space<vmem>>) target_semaphore(%arg32 : memref<!tpu.dma_semaphore, #tpu.memory_space<semaphore_mem>>)
        %dma_start3A_472 = tpu.memref_slice %arg4[%add3A_469] : memref<320000xi32, #tpu.memory_space<hbm>> -> memref<80xi32, #tpu.memory_space<hbm>>
        %dma_start3A_473 = tpu.memref_slice %arg4[%add3A_469] : memref<320000xi32, #tpu.memory_space<hbm>> -> memref<80xi32, #tpu.memory_space<hbm>>
        tpu.enqueue_dma source(%dma_start3A_473 : memref<80xi32, #tpu.memory_space<hbm>>) target(%arg18 : memref<80xi32, #tpu.memory_space<vmem>>) target_semaphore(%arg32 : memref<!tpu.dma_semaphore, #tpu.memory_space<semaphore_mem>>)
      } else {
      }
      %add3A_379 = arith.constant 2 : i32
      %add3A_380 = arith.addi %add3A_371, %add3A_379 : i32
      %lt3A_381 = arith.constant 125 : i32
      %lt3A_382 = arith.cmpi slt, %add3A_380, %lt3A_381 : i32
      %convert_element_type3A_383 = arith.extui %lt3A_382 : i1 to i32
      %cond3A_384 = arith.constant 0 : i32
      %cond3A_385 = arith.cmpi ne, %convert_element_type3A_383, %cond3A_384 : i32
      scf.if %cond3A_385 {
        %dma_wait3A_465 = arith.constant 0 : i32
        %dma_wait3A_466 = tpu.memref_slice %arg3[%dma_wait3A_465] : memref<320000xi32, #tpu.memory_space<hbm>> -> memref<80xi32, #tpu.memory_space<hbm>>
        %dma_wait3A_467 = arith.constant 0 : i32
        %dma_wait3A_468 = tpu.memref_slice %arg3[%dma_wait3A_467] : memref<320000xi32, #tpu.memory_space<hbm>> -> memref<80xi32, #tpu.memory_space<hbm>>
        tpu.wait_dma2 semaphore(%arg36 : memref<!tpu.dma_semaphore, #tpu.memory_space<semaphore_mem>>) src(%dma_wait3A_468 : memref<80xi32, #tpu.memory_space<hbm>>) dst(%arg14 : memref<80xi32, #tpu.memory_space<vmem>>)
        %dma_wait3A_469 = arith.constant 0 : i32
        %dma_wait3A_470 = tpu.memref_slice %arg3[%dma_wait3A_469] : memref<320000xi32, #tpu.memory_space<hbm>> -> memref<80xi32, #tpu.memory_space<hbm>>
        %dma_wait3A_471 = arith.constant 0 : i32
        %dma_wait3A_472 = tpu.memref_slice %arg3[%dma_wait3A_471] : memref<320000xi32, #tpu.memory_space<hbm>> -> memref<80xi32, #tpu.memory_space<hbm>>
        tpu.wait_dma2 semaphore(%arg36 : memref<!tpu.dma_semaphore, #tpu.memory_space<semaphore_mem>>) src(%dma_wait3A_472 : memref<80xi32, #tpu.memory_space<hbm>>) dst(%arg22 : memref<80xi32, #tpu.memory_space<vmem>>)
        %dma_start3A_473 = arith.constant 0 : i32
        %dma_start3A_474 = arith.constant 0 : i32
        %dma_start3A_475 = tpu.memref_slice %arg2[%dma_start3A_473, %dma_start3A_474] : memref<10000x128xf32, #tpu.memory_space<hbm>> -> memref<10000x128xf32, #tpu.memory_space<hbm>>
        tpu.enqueue_indirect_dma source(%dma_start3A_475 : memref<10000x128xf32, #tpu.memory_space<hbm>>) target(%arg26 : memref<80x128xf32, #tpu.memory_space<vmem>>) offsets(%arg14 : memref<80xi32, #tpu.memory_space<vmem>>) semaphore(%arg40 : memref<!tpu.dma_semaphore, #tpu.memory_space<semaphore_mem>>)
      } else {
      }
      %dma_wait3A_386 = arith.constant 0 : i32
      %dma_wait3A_387 = arith.constant 0 : i32
      %dma_wait3A_388 = tpu.memref_slice %arg2[%dma_wait3A_386, %dma_wait3A_387] : memref<10000x128xf32, #tpu.memory_space<hbm>> -> memref<80x128xf32, #tpu.memory_space<hbm>>
      %dma_wait3A_389 = arith.constant 0 : i32
      %dma_wait3A_390 = arith.constant 0 : i32
      %dma_wait3A_391 = tpu.memref_slice %arg2[%dma_wait3A_389, %dma_wait3A_390] : memref<10000x128xf32, #tpu.memory_space<hbm>> -> memref<80x128xf32, #tpu.memory_space<hbm>>
      tpu.wait_dma2 semaphore(%arg38 : memref<!tpu.dma_semaphore, #tpu.memory_space<semaphore_mem>>) src(%dma_wait3A_391 : memref<80x128xf32, #tpu.memory_space<hbm>>) dst(%arg24 : memref<80x128xf32, #tpu.memory_space<vmem>>)
      %gt3A_392 = arith.constant 0 : i32
      %gt3A_393 = arith.cmpi sgt, %add3A_371, %gt3A_392 : i32
      %convert_element_type3A_394 = arith.extui %gt3A_393 : i1 to i32
      %cond3A_395 = arith.constant 0 : i32
      %cond3A_396 = arith.cmpi ne, %convert_element_type3A_394, %cond3A_395 : i32
      scf.if %cond3A_396 {
        %dma_wait3A_465 = arith.constant 0 : i32
        %dma_wait3A_466 = arith.constant 0 : i32
        %dma_wait3A_467 = tpu.memref_slice %arg2[%dma_wait3A_465, %dma_wait3A_466] : memref<10000x128xf32, #tpu.memory_space<hbm>> -> memref<80x128xf32, #tpu.memory_space<hbm>>
        %dma_wait3A_468 = arith.constant 0 : i32
        %dma_wait3A_469 = arith.constant 0 : i32
        %dma_wait3A_470 = tpu.memref_slice %arg2[%dma_wait3A_468, %dma_wait3A_469] : memref<10000x128xf32, #tpu.memory_space<hbm>> -> memref<80x128xf32, #tpu.memory_space<hbm>>
        tpu.wait_dma2 semaphore(%arg41 : memref<!tpu.dma_semaphore, #tpu.memory_space<semaphore_mem>>) src(%dma_wait3A_470 : memref<80x128xf32, #tpu.memory_space<hbm>>) dst(%arg24 : memref<80x128xf32, #tpu.memory_space<vmem>>)
      } else {
      }
      %dma_start3A_397 = arith.constant 0 : i32
      %dma_start3A_398 = arith.constant 0 : i32
      %dma_start3A_399 = tpu.memref_slice %arg28[%dma_start3A_397, %dma_start3A_398] : memref<10000x128xf32, #tpu.memory_space<vmem_shared>> -> memref<10000x128xf32, #tpu.memory_space<vmem_shared>>
      tpu.enqueue_indirect_dma source(%arg24 : memref<80x128xf32, #tpu.memory_space<vmem>>) target(%dma_start3A_399 : memref<10000x128xf32, #tpu.memory_space<vmem_shared>>) offsets(%arg20 : memref<80xi32, #tpu.memory_space<vmem>>) semaphore(%arg41 : memref<!tpu.dma_semaphore, #tpu.memory_space<semaphore_mem>>) {add = true}
      %mul3A_400 = arith.constant 8 : i32
      %mul3A_401 = arith.muli %scan3A_208, %mul3A_400 : i32
      %add3A_402 = arith.constant 6 : i32
      %add3A_403 = arith.addi %mul3A_401, %add3A_402 : i32
      %add3A_404 = arith.constant 6 : i32
      %add3A_405 = arith.addi %add3A_403, %add3A_404 : i32
      %lt3A_406 = arith.constant 125 : i32
      %lt3A_407 = arith.cmpi slt, %add3A_405, %lt3A_406 : i32
      %convert_element_type3A_408 = arith.extui %lt3A_407 : i1 to i32
      %cond3A_409 = arith.constant 0 : i32
      %cond3A_410 = arith.cmpi ne, %convert_element_type3A_408, %cond3A_409 : i32
      scf.if %cond3A_410 {
        %add3A_465 = arith.constant 6 : i32
        %add3A_466 = arith.addi %add3A_403, %add3A_465 : i32
        %mul3A_467 = arith.constant 80 : i32
        %mul3A_468 = arith.muli %add3A_466, %mul3A_467 : i32
        %add3A_469 = arith.addi %mul3A_2, %mul3A_468 : i32
        %dma_start3A_470 = tpu.memref_slice %arg3[%add3A_469] : memref<320000xi32, #tpu.memory_space<hbm>> -> memref<80xi32, #tpu.memory_space<hbm>>
        %dma_start3A_471 = tpu.memref_slice %arg3[%add3A_469] : memref<320000xi32, #tpu.memory_space<hbm>> -> memref<80xi32, #tpu.memory_space<hbm>>
        tpu.enqueue_dma source(%dma_start3A_471 : memref<80xi32, #tpu.memory_space<hbm>>) target(%arg11 : memref<80xi32, #tpu.memory_space<vmem>>) target_semaphore(%arg33 : memref<!tpu.dma_semaphore, #tpu.memory_space<semaphore_mem>>)
        %dma_start3A_472 = tpu.memref_slice %arg4[%add3A_469] : memref<320000xi32, #tpu.memory_space<hbm>> -> memref<80xi32, #tpu.memory_space<hbm>>
        %dma_start3A_473 = tpu.memref_slice %arg4[%add3A_469] : memref<320000xi32, #tpu.memory_space<hbm>> -> memref<80xi32, #tpu.memory_space<hbm>>
        tpu.enqueue_dma source(%dma_start3A_473 : memref<80xi32, #tpu.memory_space<hbm>>) target(%arg19 : memref<80xi32, #tpu.memory_space<vmem>>) target_semaphore(%arg33 : memref<!tpu.dma_semaphore, #tpu.memory_space<semaphore_mem>>)
      } else {
      }
      %add3A_411 = arith.constant 2 : i32
      %add3A_412 = arith.addi %add3A_403, %add3A_411 : i32
      %lt3A_413 = arith.constant 125 : i32
      %lt3A_414 = arith.cmpi slt, %add3A_412, %lt3A_413 : i32
      %convert_element_type3A_415 = arith.extui %lt3A_414 : i1 to i32
      %cond3A_416 = arith.constant 0 : i32
      %cond3A_417 = arith.cmpi ne, %convert_element_type3A_415, %cond3A_416 : i32
      scf.if %cond3A_417 {
        %dma_wait3A_465 = arith.constant 0 : i32
        %dma_wait3A_466 = tpu.memref_slice %arg3[%dma_wait3A_465] : memref<320000xi32, #tpu.memory_space<hbm>> -> memref<80xi32, #tpu.memory_space<hbm>>
        %dma_wait3A_467 = arith.constant 0 : i32
        %dma_wait3A_468 = tpu.memref_slice %arg3[%dma_wait3A_467] : memref<320000xi32, #tpu.memory_space<hbm>> -> memref<80xi32, #tpu.memory_space<hbm>>
        tpu.wait_dma2 semaphore(%arg29 : memref<!tpu.dma_semaphore, #tpu.memory_space<semaphore_mem>>) src(%dma_wait3A_468 : memref<80xi32, #tpu.memory_space<hbm>>) dst(%arg7 : memref<80xi32, #tpu.memory_space<vmem>>)
        %dma_wait3A_469 = arith.constant 0 : i32
        %dma_wait3A_470 = tpu.memref_slice %arg3[%dma_wait3A_469] : memref<320000xi32, #tpu.memory_space<hbm>> -> memref<80xi32, #tpu.memory_space<hbm>>
        %dma_wait3A_471 = arith.constant 0 : i32
        %dma_wait3A_472 = tpu.memref_slice %arg3[%dma_wait3A_471] : memref<320000xi32, #tpu.memory_space<hbm>> -> memref<80xi32, #tpu.memory_space<hbm>>
        tpu.wait_dma2 semaphore(%arg29 : memref<!tpu.dma_semaphore, #tpu.memory_space<semaphore_mem>>) src(%dma_wait3A_472 : memref<80xi32, #tpu.memory_space<hbm>>) dst(%arg15 : memref<80xi32, #tpu.memory_space<vmem>>)
        %dma_start3A_473 = arith.constant 0 : i32
        %dma_start3A_474 = arith.constant 0 : i32
        %dma_start3A_475 = tpu.memref_slice %arg2[%dma_start3A_473, %dma_start3A_474] : memref<10000x128xf32, #tpu.memory_space<hbm>> -> memref<10000x128xf32, #tpu.memory_space<hbm>>
        tpu.enqueue_indirect_dma source(%dma_start3A_475 : memref<10000x128xf32, #tpu.memory_space<hbm>>) target(%arg23 : memref<80x128xf32, #tpu.memory_space<vmem>>) offsets(%arg7 : memref<80xi32, #tpu.memory_space<vmem>>) semaphore(%arg37 : memref<!tpu.dma_semaphore, #tpu.memory_space<semaphore_mem>>)
      } else {
      }
      %dma_wait3A_418 = arith.constant 0 : i32
      %dma_wait3A_419 = arith.constant 0 : i32
      %dma_wait3A_420 = tpu.memref_slice %arg2[%dma_wait3A_418, %dma_wait3A_419] : memref<10000x128xf32, #tpu.memory_space<hbm>> -> memref<80x128xf32, #tpu.memory_space<hbm>>
      %dma_wait3A_421 = arith.constant 0 : i32
      %dma_wait3A_422 = arith.constant 0 : i32
      %dma_wait3A_423 = tpu.memref_slice %arg2[%dma_wait3A_421, %dma_wait3A_422] : memref<10000x128xf32, #tpu.memory_space<hbm>> -> memref<80x128xf32, #tpu.memory_space<hbm>>
      tpu.wait_dma2 semaphore(%arg39 : memref<!tpu.dma_semaphore, #tpu.memory_space<semaphore_mem>>) src(%dma_wait3A_423 : memref<80x128xf32, #tpu.memory_space<hbm>>) dst(%arg25 : memref<80x128xf32, #tpu.memory_space<vmem>>)
      %gt3A_424 = arith.constant 0 : i32
      %gt3A_425 = arith.cmpi sgt, %add3A_403, %gt3A_424 : i32
      %convert_element_type3A_426 = arith.extui %gt3A_425 : i1 to i32
      %cond3A_427 = arith.constant 0 : i32
      %cond3A_428 = arith.cmpi ne, %convert_element_type3A_426, %cond3A_427 : i32
      scf.if %cond3A_428 {
        %dma_wait3A_465 = arith.constant 0 : i32
        %dma_wait3A_466 = arith.constant 0 : i32
        %dma_wait3A_467 = tpu.memref_slice %arg2[%dma_wait3A_465, %dma_wait3A_466] : memref<10000x128xf32, #tpu.memory_space<hbm>> -> memref<80x128xf32, #tpu.memory_space<hbm>>
        %dma_wait3A_468 = arith.constant 0 : i32
        %dma_wait3A_469 = arith.constant 0 : i32
        %dma_wait3A_470 = tpu.memref_slice %arg2[%dma_wait3A_468, %dma_wait3A_469] : memref<10000x128xf32, #tpu.memory_space<hbm>> -> memref<80x128xf32, #tpu.memory_space<hbm>>
        tpu.wait_dma2 semaphore(%arg41 : memref<!tpu.dma_semaphore, #tpu.memory_space<semaphore_mem>>) src(%dma_wait3A_470 : memref<80x128xf32, #tpu.memory_space<hbm>>) dst(%arg25 : memref<80x128xf32, #tpu.memory_space<vmem>>)
      } else {
      }
      %dma_start3A_429 = arith.constant 0 : i32
      %dma_start3A_430 = arith.constant 0 : i32
      %dma_start3A_431 = tpu.memref_slice %arg28[%dma_start3A_429, %dma_start3A_430] : memref<10000x128xf32, #tpu.memory_space<vmem_shared>> -> memref<10000x128xf32, #tpu.memory_space<vmem_shared>>
      tpu.enqueue_indirect_dma source(%arg25 : memref<80x128xf32, #tpu.memory_space<vmem>>) target(%dma_start3A_431 : memref<10000x128xf32, #tpu.memory_space<vmem_shared>>) offsets(%arg21 : memref<80xi32, #tpu.memory_space<vmem>>) semaphore(%arg41 : memref<!tpu.dma_semaphore, #tpu.memory_space<semaphore_mem>>) {add = true}
      %mul3A_432 = arith.constant 8 : i32
      %mul3A_433 = arith.muli %scan3A_208, %mul3A_432 : i32
      %add3A_434 = arith.constant 7 : i32
      %add3A_435 = arith.addi %mul3A_433, %add3A_434 : i32
      %add3A_436 = arith.constant 6 : i32
      %add3A_437 = arith.addi %add3A_435, %add3A_436 : i32
      %lt3A_438 = arith.constant 125 : i32
      %lt3A_439 = arith.cmpi slt, %add3A_437, %lt3A_438 : i32
      %convert_element_type3A_440 = arith.extui %lt3A_439 : i1 to i32
      %cond3A_441 = arith.constant 0 : i32
      %cond3A_442 = arith.cmpi ne, %convert_element_type3A_440, %cond3A_441 : i32
      scf.if %cond3A_442 {
        %add3A_465 = arith.constant 6 : i32
        %add3A_466 = arith.addi %add3A_435, %add3A_465 : i32
        %mul3A_467 = arith.constant 80 : i32
        %mul3A_468 = arith.muli %add3A_466, %mul3A_467 : i32
        %add3A_469 = arith.addi %mul3A_2, %mul3A_468 : i32
        %dma_start3A_470 = tpu.memref_slice %arg3[%add3A_469] : memref<320000xi32, #tpu.memory_space<hbm>> -> memref<80xi32, #tpu.memory_space<hbm>>
        %dma_start3A_471 = tpu.memref_slice %arg3[%add3A_469] : memref<320000xi32, #tpu.memory_space<hbm>> -> memref<80xi32, #tpu.memory_space<hbm>>
        tpu.enqueue_dma source(%dma_start3A_471 : memref<80xi32, #tpu.memory_space<hbm>>) target(%arg12 : memref<80xi32, #tpu.memory_space<vmem>>) target_semaphore(%arg34 : memref<!tpu.dma_semaphore, #tpu.memory_space<semaphore_mem>>)
        %dma_start3A_472 = tpu.memref_slice %arg4[%add3A_469] : memref<320000xi32, #tpu.memory_space<hbm>> -> memref<80xi32, #tpu.memory_space<hbm>>
        %dma_start3A_473 = tpu.memref_slice %arg4[%add3A_469] : memref<320000xi32, #tpu.memory_space<hbm>> -> memref<80xi32, #tpu.memory_space<hbm>>
        tpu.enqueue_dma source(%dma_start3A_473 : memref<80xi32, #tpu.memory_space<hbm>>) target(%arg20 : memref<80xi32, #tpu.memory_space<vmem>>) target_semaphore(%arg34 : memref<!tpu.dma_semaphore, #tpu.memory_space<semaphore_mem>>)
      } else {
      }
      %add3A_443 = arith.constant 2 : i32
      %add3A_444 = arith.addi %add3A_435, %add3A_443 : i32
      %lt3A_445 = arith.constant 125 : i32
      %lt3A_446 = arith.cmpi slt, %add3A_444, %lt3A_445 : i32
      %convert_element_type3A_447 = arith.extui %lt3A_446 : i1 to i32
      %cond3A_448 = arith.constant 0 : i32
      %cond3A_449 = arith.cmpi ne, %convert_element_type3A_447, %cond3A_448 : i32
      scf.if %cond3A_449 {
        %dma_wait3A_465 = arith.constant 0 : i32
        %dma_wait3A_466 = tpu.memref_slice %arg3[%dma_wait3A_465] : memref<320000xi32, #tpu.memory_space<hbm>> -> memref<80xi32, #tpu.memory_space<hbm>>
        %dma_wait3A_467 = arith.constant 0 : i32
        %dma_wait3A_468 = tpu.memref_slice %arg3[%dma_wait3A_467] : memref<320000xi32, #tpu.memory_space<hbm>> -> memref<80xi32, #tpu.memory_space<hbm>>
        tpu.wait_dma2 semaphore(%arg30 : memref<!tpu.dma_semaphore, #tpu.memory_space<semaphore_mem>>) src(%dma_wait3A_468 : memref<80xi32, #tpu.memory_space<hbm>>) dst(%arg8 : memref<80xi32, #tpu.memory_space<vmem>>)
        %dma_wait3A_469 = arith.constant 0 : i32
        %dma_wait3A_470 = tpu.memref_slice %arg3[%dma_wait3A_469] : memref<320000xi32, #tpu.memory_space<hbm>> -> memref<80xi32, #tpu.memory_space<hbm>>
        %dma_wait3A_471 = arith.constant 0 : i32
        %dma_wait3A_472 = tpu.memref_slice %arg3[%dma_wait3A_471] : memref<320000xi32, #tpu.memory_space<hbm>> -> memref<80xi32, #tpu.memory_space<hbm>>
        tpu.wait_dma2 semaphore(%arg30 : memref<!tpu.dma_semaphore, #tpu.memory_space<semaphore_mem>>) src(%dma_wait3A_472 : memref<80xi32, #tpu.memory_space<hbm>>) dst(%arg16 : memref<80xi32, #tpu.memory_space<vmem>>)
        %dma_start3A_473 = arith.constant 0 : i32
        %dma_start3A_474 = arith.constant 0 : i32
        %dma_start3A_475 = tpu.memref_slice %arg2[%dma_start3A_473, %dma_start3A_474] : memref<10000x128xf32, #tpu.memory_space<hbm>> -> memref<10000x128xf32, #tpu.memory_space<hbm>>
        tpu.enqueue_indirect_dma source(%dma_start3A_475 : memref<10000x128xf32, #tpu.memory_space<hbm>>) target(%arg24 : memref<80x128xf32, #tpu.memory_space<vmem>>) offsets(%arg8 : memref<80xi32, #tpu.memory_space<vmem>>) semaphore(%arg38 : memref<!tpu.dma_semaphore, #tpu.memory_space<semaphore_mem>>)
      } else {
      }
      %dma_wait3A_450 = arith.constant 0 : i32
      %dma_wait3A_451 = arith.constant 0 : i32
      %dma_wait3A_452 = tpu.memref_slice %arg2[%dma_wait3A_450, %dma_wait3A_451] : memref<10000x128xf32, #tpu.memory_space<hbm>> -> memref<80x128xf32, #tpu.memory_space<hbm>>
      %dma_wait3A_453 = arith.constant 0 : i32
      %dma_wait3A_454 = arith.constant 0 : i32
      %dma_wait3A_455 = tpu.memref_slice %arg2[%dma_wait3A_453, %dma_wait3A_454] : memref<10000x128xf32, #tpu.memory_space<hbm>> -> memref<80x128xf32, #tpu.memory_space<hbm>>
      tpu.wait_dma2 semaphore(%arg40 : memref<!tpu.dma_semaphore, #tpu.memory_space<semaphore_mem>>) src(%dma_wait3A_455 : memref<80x128xf32, #tpu.memory_space<hbm>>) dst(%arg26 : memref<80x128xf32, #tpu.memory_space<vmem>>)
      %gt3A_456 = arith.constant 0 : i32
      %gt3A_457 = arith.cmpi sgt, %add3A_435, %gt3A_456 : i32
      %convert_element_type3A_458 = arith.extui %gt3A_457 : i1 to i32
      %cond3A_459 = arith.constant 0 : i32
      %cond3A_460 = arith.cmpi ne, %convert_element_type3A_458, %cond3A_459 : i32
      scf.if %cond3A_460 {
        %dma_wait3A_465 = arith.constant 0 : i32
        %dma_wait3A_466 = arith.constant 0 : i32
        %dma_wait3A_467 = tpu.memref_slice %arg2[%dma_wait3A_465, %dma_wait3A_466] : memref<10000x128xf32, #tpu.memory_space<hbm>> -> memref<80x128xf32, #tpu.memory_space<hbm>>
        %dma_wait3A_468 = arith.constant 0 : i32
        %dma_wait3A_469 = arith.constant 0 : i32
        %dma_wait3A_470 = tpu.memref_slice %arg2[%dma_wait3A_468, %dma_wait3A_469] : memref<10000x128xf32, #tpu.memory_space<hbm>> -> memref<80x128xf32, #tpu.memory_space<hbm>>
        tpu.wait_dma2 semaphore(%arg41 : memref<!tpu.dma_semaphore, #tpu.memory_space<semaphore_mem>>) src(%dma_wait3A_470 : memref<80x128xf32, #tpu.memory_space<hbm>>) dst(%arg26 : memref<80x128xf32, #tpu.memory_space<vmem>>)
      } else {
      }
      %dma_start3A_461 = arith.constant 0 : i32
      %dma_start3A_462 = arith.constant 0 : i32
      %dma_start3A_463 = tpu.memref_slice %arg28[%dma_start3A_461, %dma_start3A_462] : memref<10000x128xf32, #tpu.memory_space<vmem_shared>> -> memref<10000x128xf32, #tpu.memory_space<vmem_shared>>
      tpu.enqueue_indirect_dma source(%arg26 : memref<80x128xf32, #tpu.memory_space<vmem>>) target(%dma_start3A_463 : memref<10000x128xf32, #tpu.memory_space<vmem_shared>>) offsets(%arg22 : memref<80xi32, #tpu.memory_space<vmem>>) semaphore(%arg41 : memref<!tpu.dma_semaphore, #tpu.memory_space<semaphore_mem>>) {add = true}
      %scan3A_464 = arith.constant 0 : i32
      scf.yield %scan3A_464 : i32
    }
    %scan3A_85 = arith.constant 15 : i32
    %dma_wait3A_86 = arith.constant 0 : i32
    %dma_wait3A_87 = tpu.memref_slice %arg3[%dma_wait3A_86] : memref<320000xi32, #tpu.memory_space<hbm>> -> memref<80xi32, #tpu.memory_space<hbm>>
    %dma_wait3A_88 = arith.constant 0 : i32
    %dma_wait3A_89 = tpu.memref_slice %arg3[%dma_wait3A_88] : memref<320000xi32, #tpu.memory_space<hbm>> -> memref<80xi32, #tpu.memory_space<hbm>>
    tpu.wait_dma2 semaphore(%arg31 : memref<!tpu.dma_semaphore, #tpu.memory_space<semaphore_mem>>) src(%dma_wait3A_89 : memref<80xi32, #tpu.memory_space<hbm>>) dst(%arg9 : memref<80xi32, #tpu.memory_space<vmem>>)
    %dma_wait3A_90 = arith.constant 0 : i32
    %dma_wait3A_91 = tpu.memref_slice %arg3[%dma_wait3A_90] : memref<320000xi32, #tpu.memory_space<hbm>> -> memref<80xi32, #tpu.memory_space<hbm>>
    %dma_wait3A_92 = arith.constant 0 : i32
    %dma_wait3A_93 = tpu.memref_slice %arg3[%dma_wait3A_92] : memref<320000xi32, #tpu.memory_space<hbm>> -> memref<80xi32, #tpu.memory_space<hbm>>
    tpu.wait_dma2 semaphore(%arg31 : memref<!tpu.dma_semaphore, #tpu.memory_space<semaphore_mem>>) src(%dma_wait3A_93 : memref<80xi32, #tpu.memory_space<hbm>>) dst(%arg17 : memref<80xi32, #tpu.memory_space<vmem>>)
    %dma_start3A_94 = arith.constant 0 : i32
    %dma_start3A_95 = arith.constant 0 : i32
    %dma_start3A_96 = tpu.memref_slice %arg2[%dma_start3A_94, %dma_start3A_95] : memref<10000x128xf32, #tpu.memory_space<hbm>> -> memref<10000x128xf32, #tpu.memory_space<hbm>>
    tpu.enqueue_indirect_dma source(%dma_start3A_96 : memref<10000x128xf32, #tpu.memory_space<hbm>>) target(%arg25 : memref<80x128xf32, #tpu.memory_space<vmem>>) offsets(%arg9 : memref<80xi32, #tpu.memory_space<vmem>>) semaphore(%arg39 : memref<!tpu.dma_semaphore, #tpu.memory_space<semaphore_mem>>)
    %dma_wait3A_97 = arith.constant 0 : i32
    %dma_wait3A_98 = arith.constant 0 : i32
    %dma_wait3A_99 = tpu.memref_slice %arg2[%dma_wait3A_97, %dma_wait3A_98] : memref<10000x128xf32, #tpu.memory_space<hbm>> -> memref<80x128xf32, #tpu.memory_space<hbm>>
    %dma_wait3A_100 = arith.constant 0 : i32
    %dma_wait3A_101 = arith.constant 0 : i32
    %dma_wait3A_102 = tpu.memref_slice %arg2[%dma_wait3A_100, %dma_wait3A_101] : memref<10000x128xf32, #tpu.memory_space<hbm>> -> memref<80x128xf32, #tpu.memory_space<hbm>>
    tpu.wait_dma2 semaphore(%arg37 : memref<!tpu.dma_semaphore, #tpu.memory_space<semaphore_mem>>) src(%dma_wait3A_102 : memref<80x128xf32, #tpu.memory_space<hbm>>) dst(%arg23 : memref<80x128xf32, #tpu.memory_space<vmem>>)
    %dma_wait3A_103 = arith.constant 0 : i32
    %dma_wait3A_104 = arith.constant 0 : i32
    %dma_wait3A_105 = tpu.memref_slice %arg2[%dma_wait3A_103, %dma_wait3A_104] : memref<10000x128xf32, #tpu.memory_space<hbm>> -> memref<80x128xf32, #tpu.memory_space<hbm>>
    %dma_wait3A_106 = arith.constant 0 : i32
    %dma_wait3A_107 = arith.constant 0 : i32
    %dma_wait3A_108 = tpu.memref_slice %arg2[%dma_wait3A_106, %dma_wait3A_107] : memref<10000x128xf32, #tpu.memory_space<hbm>> -> memref<80x128xf32, #tpu.memory_space<hbm>>
    tpu.wait_dma2 semaphore(%arg41 : memref<!tpu.dma_semaphore, #tpu.memory_space<semaphore_mem>>) src(%dma_wait3A_108 : memref<80x128xf32, #tpu.memory_space<hbm>>) dst(%arg23 : memref<80x128xf32, #tpu.memory_space<vmem>>)
    %dma_start3A_109 = arith.constant 0 : i32
    %dma_start3A_110 = arith.constant 0 : i32
    %dma_start3A_111 = tpu.memref_slice %arg28[%dma_start3A_109, %dma_start3A_110] : memref<10000x128xf32, #tpu.memory_space<vmem_shared>> -> memref<10000x128xf32, #tpu.memory_space<vmem_shared>>
    tpu.enqueue_indirect_dma source(%arg23 : memref<80x128xf32, #tpu.memory_space<vmem>>) target(%dma_start3A_111 : memref<10000x128xf32, #tpu.memory_space<vmem_shared>>) offsets(%arg15 : memref<80xi32, #tpu.memory_space<vmem>>) semaphore(%arg41 : memref<!tpu.dma_semaphore, #tpu.memory_space<semaphore_mem>>) {add = true}
    %dma_wait3A_112 = arith.constant 0 : i32
    %dma_wait3A_113 = tpu.memref_slice %arg3[%dma_wait3A_112] : memref<320000xi32, #tpu.memory_space<hbm>> -> memref<80xi32, #tpu.memory_space<hbm>>
    %dma_wait3A_114 = arith.constant 0 : i32
    %dma_wait3A_115 = tpu.memref_slice %arg3[%dma_wait3A_114] : memref<320000xi32, #tpu.memory_space<hbm>> -> memref<80xi32, #tpu.memory_space<hbm>>
    tpu.wait_dma2 semaphore(%arg32 : memref<!tpu.dma_semaphore, #tpu.memory_space<semaphore_mem>>) src(%dma_wait3A_115 : memref<80xi32, #tpu.memory_space<hbm>>) dst(%arg10 : memref<80xi32, #tpu.memory_space<vmem>>)
    %dma_wait3A_116 = arith.constant 0 : i32
    %dma_wait3A_117 = tpu.memref_slice %arg3[%dma_wait3A_116] : memref<320000xi32, #tpu.memory_space<hbm>> -> memref<80xi32, #tpu.memory_space<hbm>>
    %dma_wait3A_118 = arith.constant 0 : i32
    %dma_wait3A_119 = tpu.memref_slice %arg3[%dma_wait3A_118] : memref<320000xi32, #tpu.memory_space<hbm>> -> memref<80xi32, #tpu.memory_space<hbm>>
    tpu.wait_dma2 semaphore(%arg32 : memref<!tpu.dma_semaphore, #tpu.memory_space<semaphore_mem>>) src(%dma_wait3A_119 : memref<80xi32, #tpu.memory_space<hbm>>) dst(%arg18 : memref<80xi32, #tpu.memory_space<vmem>>)
    %dma_start3A_120 = arith.constant 0 : i32
    %dma_start3A_121 = arith.constant 0 : i32
    %dma_start3A_122 = tpu.memref_slice %arg2[%dma_start3A_120, %dma_start3A_121] : memref<10000x128xf32, #tpu.memory_space<hbm>> -> memref<10000x128xf32, #tpu.memory_space<hbm>>
    tpu.enqueue_indirect_dma source(%dma_start3A_122 : memref<10000x128xf32, #tpu.memory_space<hbm>>) target(%arg26 : memref<80x128xf32, #tpu.memory_space<vmem>>) offsets(%arg10 : memref<80xi32, #tpu.memory_space<vmem>>) semaphore(%arg40 : memref<!tpu.dma_semaphore, #tpu.memory_space<semaphore_mem>>)
    %dma_wait3A_123 = arith.constant 0 : i32
    %dma_wait3A_124 = arith.constant 0 : i32
    %dma_wait3A_125 = tpu.memref_slice %arg2[%dma_wait3A_123, %dma_wait3A_124] : memref<10000x128xf32, #tpu.memory_space<hbm>> -> memref<80x128xf32, #tpu.memory_space<hbm>>
    %dma_wait3A_126 = arith.constant 0 : i32
    %dma_wait3A_127 = arith.constant 0 : i32
    %dma_wait3A_128 = tpu.memref_slice %arg2[%dma_wait3A_126, %dma_wait3A_127] : memref<10000x128xf32, #tpu.memory_space<hbm>> -> memref<80x128xf32, #tpu.memory_space<hbm>>
    tpu.wait_dma2 semaphore(%arg38 : memref<!tpu.dma_semaphore, #tpu.memory_space<semaphore_mem>>) src(%dma_wait3A_128 : memref<80x128xf32, #tpu.memory_space<hbm>>) dst(%arg24 : memref<80x128xf32, #tpu.memory_space<vmem>>)
    %dma_wait3A_129 = arith.constant 0 : i32
    %dma_wait3A_130 = arith.constant 0 : i32
    %dma_wait3A_131 = tpu.memref_slice %arg2[%dma_wait3A_129, %dma_wait3A_130] : memref<10000x128xf32, #tpu.memory_space<hbm>> -> memref<80x128xf32, #tpu.memory_space<hbm>>
    %dma_wait3A_132 = arith.constant 0 : i32
    %dma_wait3A_133 = arith.constant 0 : i32
    %dma_wait3A_134 = tpu.memref_slice %arg2[%dma_wait3A_132, %dma_wait3A_133] : memref<10000x128xf32, #tpu.memory_space<hbm>> -> memref<80x128xf32, #tpu.memory_space<hbm>>
    tpu.wait_dma2 semaphore(%arg41 : memref<!tpu.dma_semaphore, #tpu.memory_space<semaphore_mem>>) src(%dma_wait3A_134 : memref<80x128xf32, #tpu.memory_space<hbm>>) dst(%arg24 : memref<80x128xf32, #tpu.memory_space<vmem>>)
    %dma_start3A_135 = arith.constant 0 : i32
    %dma_start3A_136 = arith.constant 0 : i32
    %dma_start3A_137 = tpu.memref_slice %arg28[%dma_start3A_135, %dma_start3A_136] : memref<10000x128xf32, #tpu.memory_space<vmem_shared>> -> memref<10000x128xf32, #tpu.memory_space<vmem_shared>>
    tpu.enqueue_indirect_dma source(%arg24 : memref<80x128xf32, #tpu.memory_space<vmem>>) target(%dma_start3A_137 : memref<10000x128xf32, #tpu.memory_space<vmem_shared>>) offsets(%arg16 : memref<80xi32, #tpu.memory_space<vmem>>) semaphore(%arg41 : memref<!tpu.dma_semaphore, #tpu.memory_space<semaphore_mem>>) {add = true}
    %dma_wait3A_138 = arith.constant 0 : i32
    %dma_wait3A_139 = tpu.memref_slice %arg3[%dma_wait3A_138] : memref<320000xi32, #tpu.memory_space<hbm>> -> memref<80xi32, #tpu.memory_space<hbm>>
    %dma_wait3A_140 = arith.constant 0 : i32
    %dma_wait3A_141 = tpu.memref_slice %arg3[%dma_wait3A_140] : memref<320000xi32, #tpu.memory_space<hbm>> -> memref<80xi32, #tpu.memory_space<hbm>>
    tpu.wait_dma2 semaphore(%arg33 : memref<!tpu.dma_semaphore, #tpu.memory_space<semaphore_mem>>) src(%dma_wait3A_141 : memref<80xi32, #tpu.memory_space<hbm>>) dst(%arg11 : memref<80xi32, #tpu.memory_space<vmem>>)
    %dma_wait3A_142 = arith.constant 0 : i32
    %dma_wait3A_143 = tpu.memref_slice %arg3[%dma_wait3A_142] : memref<320000xi32, #tpu.memory_space<hbm>> -> memref<80xi32, #tpu.memory_space<hbm>>
    %dma_wait3A_144 = arith.constant 0 : i32
    %dma_wait3A_145 = tpu.memref_slice %arg3[%dma_wait3A_144] : memref<320000xi32, #tpu.memory_space<hbm>> -> memref<80xi32, #tpu.memory_space<hbm>>
    tpu.wait_dma2 semaphore(%arg33 : memref<!tpu.dma_semaphore, #tpu.memory_space<semaphore_mem>>) src(%dma_wait3A_145 : memref<80xi32, #tpu.memory_space<hbm>>) dst(%arg19 : memref<80xi32, #tpu.memory_space<vmem>>)
    %dma_start3A_146 = arith.constant 0 : i32
    %dma_start3A_147 = arith.constant 0 : i32
    %dma_start3A_148 = tpu.memref_slice %arg2[%dma_start3A_146, %dma_start3A_147] : memref<10000x128xf32, #tpu.memory_space<hbm>> -> memref<10000x128xf32, #tpu.memory_space<hbm>>
    tpu.enqueue_indirect_dma source(%dma_start3A_148 : memref<10000x128xf32, #tpu.memory_space<hbm>>) target(%arg23 : memref<80x128xf32, #tpu.memory_space<vmem>>) offsets(%arg11 : memref<80xi32, #tpu.memory_space<vmem>>) semaphore(%arg37 : memref<!tpu.dma_semaphore, #tpu.memory_space<semaphore_mem>>)
    %dma_wait3A_149 = arith.constant 0 : i32
    %dma_wait3A_150 = arith.constant 0 : i32
    %dma_wait3A_151 = tpu.memref_slice %arg2[%dma_wait3A_149, %dma_wait3A_150] : memref<10000x128xf32, #tpu.memory_space<hbm>> -> memref<80x128xf32, #tpu.memory_space<hbm>>
    %dma_wait3A_152 = arith.constant 0 : i32
    %dma_wait3A_153 = arith.constant 0 : i32
    %dma_wait3A_154 = tpu.memref_slice %arg2[%dma_wait3A_152, %dma_wait3A_153] : memref<10000x128xf32, #tpu.memory_space<hbm>> -> memref<80x128xf32, #tpu.memory_space<hbm>>
    tpu.wait_dma2 semaphore(%arg39 : memref<!tpu.dma_semaphore, #tpu.memory_space<semaphore_mem>>) src(%dma_wait3A_154 : memref<80x128xf32, #tpu.memory_space<hbm>>) dst(%arg25 : memref<80x128xf32, #tpu.memory_space<vmem>>)
    %dma_wait3A_155 = arith.constant 0 : i32
    %dma_wait3A_156 = arith.constant 0 : i32
    %dma_wait3A_157 = tpu.memref_slice %arg2[%dma_wait3A_155, %dma_wait3A_156] : memref<10000x128xf32, #tpu.memory_space<hbm>> -> memref<80x128xf32, #tpu.memory_space<hbm>>
    %dma_wait3A_158 = arith.constant 0 : i32
    %dma_wait3A_159 = arith.constant 0 : i32
    %dma_wait3A_160 = tpu.memref_slice %arg2[%dma_wait3A_158, %dma_wait3A_159] : memref<10000x128xf32, #tpu.memory_space<hbm>> -> memref<80x128xf32, #tpu.memory_space<hbm>>
    tpu.wait_dma2 semaphore(%arg41 : memref<!tpu.dma_semaphore, #tpu.memory_space<semaphore_mem>>) src(%dma_wait3A_160 : memref<80x128xf32, #tpu.memory_space<hbm>>) dst(%arg25 : memref<80x128xf32, #tpu.memory_space<vmem>>)
    %dma_start3A_161 = arith.constant 0 : i32
    %dma_start3A_162 = arith.constant 0 : i32
    %dma_start3A_163 = tpu.memref_slice %arg28[%dma_start3A_161, %dma_start3A_162] : memref<10000x128xf32, #tpu.memory_space<vmem_shared>> -> memref<10000x128xf32, #tpu.memory_space<vmem_shared>>
    tpu.enqueue_indirect_dma source(%arg25 : memref<80x128xf32, #tpu.memory_space<vmem>>) target(%dma_start3A_163 : memref<10000x128xf32, #tpu.memory_space<vmem_shared>>) offsets(%arg17 : memref<80xi32, #tpu.memory_space<vmem>>) semaphore(%arg41 : memref<!tpu.dma_semaphore, #tpu.memory_space<semaphore_mem>>) {add = true}
    %dma_wait3A_164 = arith.constant 0 : i32
    %dma_wait3A_165 = arith.constant 0 : i32
    %dma_wait3A_166 = tpu.memref_slice %arg2[%dma_wait3A_164, %dma_wait3A_165] : memref<10000x128xf32, #tpu.memory_space<hbm>> -> memref<80x128xf32, #tpu.memory_space<hbm>>
    %dma_wait3A_167 = arith.constant 0 : i32
    %dma_wait3A_168 = arith.constant 0 : i32
    %dma_wait3A_169 = tpu.memref_slice %arg2[%dma_wait3A_167, %dma_wait3A_168] : memref<10000x128xf32, #tpu.memory_space<hbm>> -> memref<80x128xf32, #tpu.memory_space<hbm>>
    tpu.wait_dma2 semaphore(%arg40 : memref<!tpu.dma_semaphore, #tpu.memory_space<semaphore_mem>>) src(%dma_wait3A_169 : memref<80x128xf32, #tpu.memory_space<hbm>>) dst(%arg26 : memref<80x128xf32, #tpu.memory_space<vmem>>)
    %dma_wait3A_170 = arith.constant 0 : i32
    %dma_wait3A_171 = arith.constant 0 : i32
    %dma_wait3A_172 = tpu.memref_slice %arg2[%dma_wait3A_170, %dma_wait3A_171] : memref<10000x128xf32, #tpu.memory_space<hbm>> -> memref<80x128xf32, #tpu.memory_space<hbm>>
    %dma_wait3A_173 = arith.constant 0 : i32
    %dma_wait3A_174 = arith.constant 0 : i32
    %dma_wait3A_175 = tpu.memref_slice %arg2[%dma_wait3A_173, %dma_wait3A_174] : memref<10000x128xf32, #tpu.memory_space<hbm>> -> memref<80x128xf32, #tpu.memory_space<hbm>>
    tpu.wait_dma2 semaphore(%arg41 : memref<!tpu.dma_semaphore, #tpu.memory_space<semaphore_mem>>) src(%dma_wait3A_175 : memref<80x128xf32, #tpu.memory_space<hbm>>) dst(%arg26 : memref<80x128xf32, #tpu.memory_space<vmem>>)
    %dma_start3A_176 = arith.constant 0 : i32
    %dma_start3A_177 = arith.constant 0 : i32
    %dma_start3A_178 = tpu.memref_slice %arg28[%dma_start3A_176, %dma_start3A_177] : memref<10000x128xf32, #tpu.memory_space<vmem_shared>> -> memref<10000x128xf32, #tpu.memory_space<vmem_shared>>
    tpu.enqueue_indirect_dma source(%arg26 : memref<80x128xf32, #tpu.memory_space<vmem>>) target(%dma_start3A_178 : memref<10000x128xf32, #tpu.memory_space<vmem_shared>>) offsets(%arg18 : memref<80xi32, #tpu.memory_space<vmem>>) semaphore(%arg41 : memref<!tpu.dma_semaphore, #tpu.memory_space<semaphore_mem>>) {add = true}
    %dma_wait3A_179 = arith.constant 0 : i32
    %dma_wait3A_180 = arith.constant 0 : i32
    %dma_wait3A_181 = tpu.memref_slice %arg2[%dma_wait3A_179, %dma_wait3A_180] : memref<10000x128xf32, #tpu.memory_space<hbm>> -> memref<80x128xf32, #tpu.memory_space<hbm>>
    %dma_wait3A_182 = arith.constant 0 : i32
    %dma_wait3A_183 = arith.constant 0 : i32
    %dma_wait3A_184 = tpu.memref_slice %arg2[%dma_wait3A_182, %dma_wait3A_183] : memref<10000x128xf32, #tpu.memory_space<hbm>> -> memref<80x128xf32, #tpu.memory_space<hbm>>
    tpu.wait_dma2 semaphore(%arg37 : memref<!tpu.dma_semaphore, #tpu.memory_space<semaphore_mem>>) src(%dma_wait3A_184 : memref<80x128xf32, #tpu.memory_space<hbm>>) dst(%arg23 : memref<80x128xf32, #tpu.memory_space<vmem>>)
    %dma_wait3A_185 = arith.constant 0 : i32
    %dma_wait3A_186 = arith.constant 0 : i32
    %dma_wait3A_187 = tpu.memref_slice %arg2[%dma_wait3A_185, %dma_wait3A_186] : memref<10000x128xf32, #tpu.memory_space<hbm>> -> memref<80x128xf32, #tpu.memory_space<hbm>>
    %dma_wait3A_188 = arith.constant 0 : i32
    %dma_wait3A_189 = arith.constant 0 : i32
    %dma_wait3A_190 = tpu.memref_slice %arg2[%dma_wait3A_188, %dma_wait3A_189] : memref<10000x128xf32, #tpu.memory_space<hbm>> -> memref<80x128xf32, #tpu.memory_space<hbm>>
    tpu.wait_dma2 semaphore(%arg41 : memref<!tpu.dma_semaphore, #tpu.memory_space<semaphore_mem>>) src(%dma_wait3A_190 : memref<80x128xf32, #tpu.memory_space<hbm>>) dst(%arg23 : memref<80x128xf32, #tpu.memory_space<vmem>>)
    %dma_start3A_191 = arith.constant 0 : i32
    %dma_start3A_192 = arith.constant 0 : i32
    %dma_start3A_193 = tpu.memref_slice %arg28[%dma_start3A_191, %dma_start3A_192] : memref<10000x128xf32, #tpu.memory_space<vmem_shared>> -> memref<10000x128xf32, #tpu.memory_space<vmem_shared>>
    tpu.enqueue_indirect_dma source(%arg23 : memref<80x128xf32, #tpu.memory_space<vmem>>) target(%dma_start3A_193 : memref<10000x128xf32, #tpu.memory_space<vmem_shared>>) offsets(%arg19 : memref<80xi32, #tpu.memory_space<vmem>>) semaphore(%arg41 : memref<!tpu.dma_semaphore, #tpu.memory_space<semaphore_mem>>) {add = true}
    %dma_wait3A_194 = arith.constant 0 : i32
    %dma_wait3A_195 = arith.constant 0 : i32
    %dma_wait3A_196 = tpu.memref_slice %arg2[%dma_wait3A_194, %dma_wait3A_195] : memref<10000x128xf32, #tpu.memory_space<hbm>> -> memref<80x128xf32, #tpu.memory_space<hbm>>
    %dma_wait3A_197 = arith.constant 0 : i32
    %dma_wait3A_198 = arith.constant 0 : i32
    %dma_wait3A_199 = tpu.memref_slice %arg2[%dma_wait3A_197, %dma_wait3A_198] : memref<10000x128xf32, #tpu.memory_space<hbm>> -> memref<80x128xf32, #tpu.memory_space<hbm>>
    tpu.wait_dma2 semaphore(%arg41 : memref<!tpu.dma_semaphore, #tpu.memory_space<semaphore_mem>>) src(%dma_wait3A_199 : memref<80x128xf32, #tpu.memory_space<hbm>>) dst(%arg23 : memref<80x128xf32, #tpu.memory_space<vmem>>)
    %barrier3A_200 = arith.constant 0 : index
    tpu.barrier barrier_id(%barrier3A_200)
    %eq3A = arith.constant 0 : i32
    %eq3A_201 = arith.cmpi eq, %arg0, %eq3A : i32
    %convert_element_type3A = arith.extui %eq3A_201 : i1 to i32
    %cond3A = arith.constant 0 : i32
    %cond3A_202 = arith.cmpi ne, %convert_element_type3A, %cond3A : i32
    scf.if %cond3A_202 {
      %mul3A_208 = arith.constant 624 : i32
      %mul3A_209 = arith.muli %arg1, %mul3A_208 : i32
      %mul3A_210 = arith.constant 624 : i32
      %mul3A_211 = arith.muli %arg1, %mul3A_210 : i32
      "tpu.region"() ({
        %run_scoped3A = tpu.sem_alloc : memref<!tpu.dma_semaphore, #tpu.memory_space<semaphore_mem>>
        %dma_start3A_217 = arith.constant 0 : i32
        %dma_start3A_218 = tpu.memref_slice %arg5[%mul3A_211, %dma_start3A_217] : memref<10000x128xf32, #tpu.memory_space<hbm>> -> memref<624x128xf32, #tpu.memory_space<hbm>>
        %dma_start3A_219 = arith.constant 0 : i32
        %dma_start3A_220 = tpu.memref_slice %arg28[%mul3A_209, %dma_start3A_219] : memref<10000x128xf32, #tpu.memory_space<vmem_shared>> -> memref<624x128xf32, #tpu.memory_space<vmem_shared>>
        tpu.enqueue_dma source(%dma_start3A_220 : memref<624x128xf32, #tpu.memory_space<vmem_shared>>) target(%dma_start3A_218 : memref<624x128xf32, #tpu.memory_space<hbm>>) target_semaphore(%run_scoped3A : memref<!tpu.dma_semaphore, #tpu.memory_space<semaphore_mem>>)
        %dma_wait3A_221 = arith.constant 0 : i32
        %dma_wait3A_222 = tpu.memref_slice %arg5[%mul3A_211, %dma_wait3A_221] : memref<10000x128xf32, #tpu.memory_space<hbm>> -> memref<624x128xf32, #tpu.memory_space<hbm>>
        %dma_wait3A_223 = arith.constant 0 : i32
        %dma_wait3A_224 = tpu.memref_slice %arg28[%mul3A_209, %dma_wait3A_223] : memref<10000x128xf32, #tpu.memory_space<vmem_shared>> -> memref<624x128xf32, #tpu.memory_space<vmem_shared>>
        tpu.wait_dma2 semaphore(%run_scoped3A : memref<!tpu.dma_semaphore, #tpu.memory_space<semaphore_mem>>) src(%dma_wait3A_224 : memref<624x128xf32, #tpu.memory_space<vmem_shared>>) dst(%dma_wait3A_222 : memref<624x128xf32, #tpu.memory_space<hbm>>)
        tpu.yield
      }) : () -> ()
      %eq3A_212 = arith.constant 15 : i32
      %eq3A_213 = arith.cmpi eq, %arg1, %eq3A_212 : i32
      %convert_element_type3A_214 = arith.extui %eq3A_213 : i1 to i32
      %cond3A_215 = arith.constant 0 : i32
      %cond3A_216 = arith.cmpi ne, %convert_element_type3A_214, %cond3A_215 : i32
      scf.if %cond3A_216 {
        "tpu.region"() ({
          %run_scoped3A = tpu.sem_alloc : memref<!tpu.dma_semaphore, #tpu.memory_space<semaphore_mem>>
          %dma_start3A_217 = arith.constant 9984 : i32
          %dma_start3A_218 = arith.constant 0 : i32
          %dma_start3A_219 = tpu.memref_slice %arg5[%dma_start3A_217, %dma_start3A_218] : memref<10000x128xf32, #tpu.memory_space<hbm>> -> memref<16x128xf32, #tpu.memory_space<hbm>>
          %dma_start3A_220 = arith.constant 9984 : i32
          %dma_start3A_221 = arith.constant 0 : i32
          %dma_start3A_222 = tpu.memref_slice %arg28[%dma_start3A_220, %dma_start3A_221] : memref<10000x128xf32, #tpu.memory_space<vmem_shared>> -> memref<16x128xf32, #tpu.memory_space<vmem_shared>>
          tpu.enqueue_dma source(%dma_start3A_222 : memref<16x128xf32, #tpu.memory_space<vmem_shared>>) target(%dma_start3A_219 : memref<16x128xf32, #tpu.memory_space<hbm>>) target_semaphore(%run_scoped3A : memref<!tpu.dma_semaphore, #tpu.memory_space<semaphore_mem>>)
          %dma_wait3A_223 = arith.constant 9984 : i32
          %dma_wait3A_224 = arith.constant 0 : i32
          %dma_wait3A_225 = tpu.memref_slice %arg5[%dma_wait3A_223, %dma_wait3A_224] : memref<10000x128xf32, #tpu.memory_space<hbm>> -> memref<16x128xf32, #tpu.memory_space<hbm>>
          %dma_wait3A_226 = arith.constant 9984 : i32
          %dma_wait3A_227 = arith.constant 0 : i32
          %dma_wait3A_228 = tpu.memref_slice %arg28[%dma_wait3A_226, %dma_wait3A_227] : memref<10000x128xf32, #tpu.memory_space<vmem_shared>> -> memref<16x128xf32, #tpu.memory_space<vmem_shared>>
          tpu.wait_dma2 semaphore(%run_scoped3A : memref<!tpu.dma_semaphore, #tpu.memory_space<semaphore_mem>>) src(%dma_wait3A_228 : memref<16x128xf32, #tpu.memory_space<vmem_shared>>) dst(%dma_wait3A_225 : memref<16x128xf32, #tpu.memory_space<hbm>>)
          tpu.yield
        }) : () -> ()
      } else {
      }
    } else {
    }
    %eq3A_203 = arith.constant 1 : i32
    %eq3A_204 = arith.cmpi eq, %arg0, %eq3A_203 : i32
    %convert_element_type3A_205 = arith.extui %eq3A_204 : i1 to i32
    %cond3A_206 = arith.constant 0 : i32
    %cond3A_207 = arith.cmpi ne, %convert_element_type3A_205, %cond3A_206 : i32
    scf.if %cond3A_207 {
      %mul3A_208 = arith.constant 624 : i32
      %mul3A_209 = arith.muli %arg1, %mul3A_208 : i32
      %mul3A_210 = arith.constant 624 : i32
      %mul3A_211 = arith.muli %arg1, %mul3A_210 : i32
      "tpu.region"() ({
        %run_scoped3A = tpu.sem_alloc : memref<!tpu.dma_semaphore, #tpu.memory_space<semaphore_mem>>
        %dma_start3A_217 = arith.constant 0 : i32
        %dma_start3A_218 = tpu.memref_slice %arg6[%mul3A_211, %dma_start3A_217] : memref<10000x128xf32, #tpu.memory_space<hbm>> -> memref<624x128xf32, #tpu.memory_space<hbm>>
        %dma_start3A_219 = arith.constant 0 : i32
        %dma_start3A_220 = tpu.memref_slice %arg28[%mul3A_209, %dma_start3A_219] : memref<10000x128xf32, #tpu.memory_space<vmem_shared>> -> memref<624x128xf32, #tpu.memory_space<vmem_shared>>
        tpu.enqueue_dma source(%dma_start3A_220 : memref<624x128xf32, #tpu.memory_space<vmem_shared>>) target(%dma_start3A_218 : memref<624x128xf32, #tpu.memory_space<hbm>>) target_semaphore(%run_scoped3A : memref<!tpu.dma_semaphore, #tpu.memory_space<semaphore_mem>>)
        %dma_wait3A_221 = arith.constant 0 : i32
        %dma_wait3A_222 = tpu.memref_slice %arg6[%mul3A_211, %dma_wait3A_221] : memref<10000x128xf32, #tpu.memory_space<hbm>> -> memref<624x128xf32, #tpu.memory_space<hbm>>
        %dma_wait3A_223 = arith.constant 0 : i32
        %dma_wait3A_224 = tpu.memref_slice %arg28[%mul3A_209, %dma_wait3A_223] : memref<10000x128xf32, #tpu.memory_space<vmem_shared>> -> memref<624x128xf32, #tpu.memory_space<vmem_shared>>
        tpu.wait_dma2 semaphore(%run_scoped3A : memref<!tpu.dma_semaphore, #tpu.memory_space<semaphore_mem>>) src(%dma_wait3A_224 : memref<624x128xf32, #tpu.memory_space<vmem_shared>>) dst(%dma_wait3A_222 : memref<624x128xf32, #tpu.memory_space<hbm>>)
        tpu.yield
      }) : () -> ()
      %eq3A_212 = arith.constant 15 : i32
      %eq3A_213 = arith.cmpi eq, %arg1, %eq3A_212 : i32
      %convert_element_type3A_214 = arith.extui %eq3A_213 : i1 to i32
      %cond3A_215 = arith.constant 0 : i32
      %cond3A_216 = arith.cmpi ne, %convert_element_type3A_214, %cond3A_215 : i32
      scf.if %cond3A_216 {
        "tpu.region"() ({
          %run_scoped3A = tpu.sem_alloc : memref<!tpu.dma_semaphore, #tpu.memory_space<semaphore_mem>>
          %dma_start3A_217 = arith.constant 9984 : i32
          %dma_start3A_218 = arith.constant 0 : i32
          %dma_start3A_219 = tpu.memref_slice %arg6[%dma_start3A_217, %dma_start3A_218] : memref<10000x128xf32, #tpu.memory_space<hbm>> -> memref<16x128xf32, #tpu.memory_space<hbm>>
          %dma_start3A_220 = arith.constant 9984 : i32
          %dma_start3A_221 = arith.constant 0 : i32
          %dma_start3A_222 = tpu.memref_slice %arg28[%dma_start3A_220, %dma_start3A_221] : memref<10000x128xf32, #tpu.memory_space<vmem_shared>> -> memref<16x128xf32, #tpu.memory_space<vmem_shared>>
          tpu.enqueue_dma source(%dma_start3A_222 : memref<16x128xf32, #tpu.memory_space<vmem_shared>>) target(%dma_start3A_219 : memref<16x128xf32, #tpu.memory_space<hbm>>) target_semaphore(%run_scoped3A : memref<!tpu.dma_semaphore, #tpu.memory_space<semaphore_mem>>)
          %dma_wait3A_223 = arith.constant 9984 : i32
          %dma_wait3A_224 = arith.constant 0 : i32
          %dma_wait3A_225 = tpu.memref_slice %arg6[%dma_wait3A_223, %dma_wait3A_224] : memref<10000x128xf32, #tpu.memory_space<hbm>> -> memref<16x128xf32, #tpu.memory_space<hbm>>
          %dma_wait3A_226 = arith.constant 9984 : i32
          %dma_wait3A_227 = arith.constant 0 : i32
          %dma_wait3A_228 = tpu.memref_slice %arg28[%dma_wait3A_226, %dma_wait3A_227] : memref<10000x128xf32, #tpu.memory_space<vmem_shared>> -> memref<16x128xf32, #tpu.memory_space<vmem_shared>>
          tpu.wait_dma2 semaphore(%run_scoped3A : memref<!tpu.dma_semaphore, #tpu.memory_space<semaphore_mem>>) src(%dma_wait3A_228 : memref<16x128xf32, #tpu.memory_space<vmem_shared>>) dst(%dma_wait3A_225 : memref<16x128xf32, #tpu.memory_space<hbm>>)
          tpu.yield
        }) : () -> ()
      } else {
      }
    } else {
    }
    return
  }
}

module attributes {stable_mosaic.version = 14 : i64} {
  func.func @_tc_body(%arg0: i32, %arg1: memref<5000x128xf32, #tpu.memory_space<vmem>>, %arg2: memref<5000x128xf32, #tpu.memory_space<vmem>>, %arg3: memref<5000x1xf32, #tpu.memory_space<vmem>>, %arg4: memref<5000x1xf32, #tpu.memory_space<vmem>>, %arg5: memref<5000x128xf32, #tpu.memory_space<vmem>>, %arg6: memref<128x128xf32, #tpu.memory_space<vmem>>, %arg7: memref<128x128xf32, #tpu.memory_space<vmem>>, %arg8: memref<1x128xf32, #tpu.memory_space<vmem>>, %arg9: memref<5000x128xf32, #tpu.memory_space<vmem>>) attributes {dimension_semantics = [#tpu.dimension_semantics<arbitrary>], iteration_bounds = array<i64: 2>, scalar_prefetch = 0 : i64, scratch_operands = 0 : i64, tpu.core_type = #tpu.core_type<tc>, window_params = [{transform_indices = @transform_0, window_bounds = array<i64: 5000, 128>}, {transform_indices = @transform_1, window_bounds = array<i64: 5000, 128>}, {transform_indices = @transform_2, window_bounds = array<i64: 5000, 1>}, {transform_indices = @transform_3, window_bounds = array<i64: 5000, 1>}, {transform_indices = @transform_4, window_bounds = array<i64: 5000, 128>}, {pipeline_mode = #tpu.pipeline_mode<synchronous>, transform_indices = @transform_5, window_bounds = array<i64: 128, 128>}, {pipeline_mode = #tpu.pipeline_mode<synchronous>, transform_indices = @transform_6, window_bounds = array<i64: 128, 128>}, {pipeline_mode = #tpu.pipeline_mode<synchronous>, transform_indices = @transform_7, window_bounds = array<i64: 1, 128>}, {transform_indices = @transform_8, window_bounds = array<i64: 5000, 128>}]} {
    %get3A = arith.constant 0 : index
    %get3A_0 = arith.constant 0 : index
    %get3A_1 = vector.load %arg3[%get3A, %get3A_0] : memref<5000x1xf32, #tpu.memory_space<vmem>>, vector<5000x1xf32>
    %get3A_2 = arith.constant 0 : index
    %get3A_3 = arith.constant 0 : index
    %get3A_4 = vector.load %arg4[%get3A_2, %get3A_3] : memref<5000x1xf32, #tpu.memory_space<vmem>>, vector<5000x1xf32>
    %add3A = arith.addf %get3A_1, %get3A_4 : vector<5000x1xf32>
    %get3A_5 = arith.constant 0 : index
    %get3A_6 = arith.constant 0 : index
    %get3A_7 = vector.load %arg1[%get3A_5, %get3A_6] : memref<5000x128xf32, #tpu.memory_space<vmem>>, vector<5000x128xf32>
    %get3A_8 = arith.constant 0 : index
    %get3A_9 = arith.constant 0 : index
    %get3A_10 = vector.load %arg2[%get3A_8, %get3A_9] : memref<5000x128xf32, #tpu.memory_space<vmem>>, vector<5000x128xf32>
    %add3A_11 = arith.addf %get3A_7, %get3A_10 : vector<5000x128xf32>
    %max3A = arith.constant 1.000000e+00 : f32
    %max3A_12 = vector.broadcast %max3A : f32 to vector<5000x1xf32>
    %max3A_13 = arith.maximumf %add3A, %max3A_12 : vector<5000x1xf32>
    %div3A = vector.broadcast %max3A_13 : vector<5000x1xf32> to vector<5000x128xf32>
    %div3A_14 = arith.divf %add3A_11, %div3A : vector<5000x128xf32>
    %get3A_15 = arith.constant 0 : index
    %get3A_16 = arith.constant 0 : index
    %get3A_17 = vector.load %arg6[%get3A_15, %get3A_16] : memref<128x128xf32, #tpu.memory_space<vmem>>, vector<128x128xf32>
    %dot_general3A = arith.constant dense<0.000000e+00> : vector<5000x128xf32>
    %dot_general3A_18 = tpu.matmul %div3A_14, %get3A_17, %dot_general3A {dimension_numbers = #tpu.dot_dimension_numbers<[1], [0], [0], [1], [0, 0, 1, 1], [], []>, transpose_lhs_hint = false} : vector<5000x128xf32>, vector<128x128xf32>, vector<5000x128xf32> -> vector<5000x128xf32>
    %get3A_19 = arith.constant 0 : index
    %get3A_20 = arith.constant 0 : index
    %get3A_21 = vector.load %arg5[%get3A_19, %get3A_20] : memref<5000x128xf32, #tpu.memory_space<vmem>>, vector<5000x128xf32>
    %get3A_22 = arith.constant 0 : index
    %get3A_23 = arith.constant 0 : index
    %get3A_24 = vector.load %arg7[%get3A_22, %get3A_23] : memref<128x128xf32, #tpu.memory_space<vmem>>, vector<128x128xf32>
    %dot_general3A_25 = arith.constant dense<0.000000e+00> : vector<5000x128xf32>
    %dot_general3A_26 = tpu.matmul %get3A_21, %get3A_24, %dot_general3A_25 {dimension_numbers = #tpu.dot_dimension_numbers<[1], [0], [0], [1], [0, 0, 1, 1], [], []>, transpose_lhs_hint = false} : vector<5000x128xf32>, vector<128x128xf32>, vector<5000x128xf32> -> vector<5000x128xf32>
    %add3A_27 = arith.addf %dot_general3A_18, %dot_general3A_26 : vector<5000x128xf32>
    %get3A_28 = arith.constant 0 : index
    %get3A_29 = arith.constant 0 : index
    %get3A_30 = vector.load %arg8[%get3A_28, %get3A_29] : memref<1x128xf32, #tpu.memory_space<vmem>>, vector<1x128xf32>
    %add3A_31 = vector.broadcast %get3A_30 : vector<1x128xf32> to vector<5000x128xf32>
    %add3A_32 = arith.addf %add3A_27, %add3A_31 : vector<5000x128xf32>
    %max3A_33 = arith.constant 0.000000e+00 : f32
    %max3A_34 = vector.broadcast %max3A_33 : f32 to vector<5000x128xf32>
    %max3A_35 = arith.maximumf %add3A_32, %max3A_34 : vector<5000x128xf32>
    %swap3A = arith.constant 0 : index
    %swap3A_36 = arith.constant 0 : index
    %swap3A_37 = vector.load %arg9[%swap3A, %swap3A_36] : memref<5000x128xf32, #tpu.memory_space<vmem>>, vector<5000x128xf32>
    tpu.vector_store %arg9[%swap3A, %swap3A_36], %max3A_35 {strides = array<i32>} : memref<5000x128xf32, #tpu.memory_space<vmem>>, vector<5000x128xf32>,
    return
  }
  func.func @transform_0(%arg0: i32) -> (i32, i32) {
    %c0_i32 = arith.constant 0 : i32
    %c0_i32_0 = arith.constant 0 : i32
    return %arg0, %c0_i32 : i32, i32
  }
  func.func @transform_1(%arg0: i32) -> (i32, i32) {
    %c0_i32 = arith.constant 0 : i32
    %c0_i32_0 = arith.constant 0 : i32
    return %arg0, %c0_i32 : i32, i32
  }
  func.func @transform_2(%arg0: i32) -> (i32, i32) {
    %c0_i32 = arith.constant 0 : i32
    %c0_i32_0 = arith.constant 0 : i32
    return %arg0, %c0_i32 : i32, i32
  }
  func.func @transform_3(%arg0: i32) -> (i32, i32) {
    %c0_i32 = arith.constant 0 : i32
    %c0_i32_0 = arith.constant 0 : i32
    return %arg0, %c0_i32 : i32, i32
  }
  func.func @transform_4(%arg0: i32) -> (i32, i32) {
    %c0_i32 = arith.constant 0 : i32
    %c0_i32_0 = arith.constant 0 : i32
    return %arg0, %c0_i32 : i32, i32
  }
  func.func @transform_5(%arg0: i32) -> (i32, i32) {
    %c0_i32 = arith.constant 0 : i32
    %c0_i32_0 = arith.constant 0 : i32
    %c0_i32_1 = arith.constant 0 : i32
    return %c0_i32, %c0_i32_0 : i32, i32
  }
  func.func @transform_6(%arg0: i32) -> (i32, i32) {
    %c0_i32 = arith.constant 0 : i32
    %c0_i32_0 = arith.constant 0 : i32
    %c0_i32_1 = arith.constant 0 : i32
    return %c0_i32, %c0_i32_0 : i32, i32
  }
  func.func @transform_7(%arg0: i32) -> (i32, i32) {
    %c0_i32 = arith.constant 0 : i32
    %c0_i32_0 = arith.constant 0 : i32
    %c0_i32_1 = arith.constant 0 : i32
    return %c0_i32, %c0_i32_0 : i32, i32
  }
  func.func @transform_8(%arg0: i32) -> (i32, i32) {
    %c0_i32 = arith.constant 0 : i32
    %c0_i32_0 = arith.constant 0 : i32
    return %arg0, %c0_i32 : i32, i32
  }
}

module attributes {stable_mosaic.version = 14 : i64} {
  func.func @_tc_body(%arg0: i32, %arg1: memref<5000x128xf32, #tpu.memory_space<vmem>>, %arg2: memref<5000x128xf32, #tpu.memory_space<vmem>>, %arg3: memref<5000x1xf32, #tpu.memory_space<vmem>>, %arg4: memref<5000x1xf32, #tpu.memory_space<vmem>>, %arg5: memref<5000x128xf32, #tpu.memory_space<vmem>>, %arg6: memref<128x128xf32, #tpu.memory_space<vmem>>, %arg7: memref<128x128xf32, #tpu.memory_space<vmem>>, %arg8: memref<1x128xf32, #tpu.memory_space<vmem>>, %arg9: memref<5000x128xf32, #tpu.memory_space<vmem>>) attributes {dimension_semantics = [#tpu.dimension_semantics<arbitrary>], iteration_bounds = array<i64: 2>, scalar_prefetch = 0 : i64, scratch_operands = 0 : i64, tpu.core_type = #tpu.core_type<tc>, window_params = [{transform_indices = @transform_0, window_bounds = array<i64: 5000, 128>}, {transform_indices = @transform_1, window_bounds = array<i64: 5000, 128>}, {transform_indices = @transform_2, window_bounds = array<i64: 5000, 1>}, {transform_indices = @transform_3, window_bounds = array<i64: 5000, 1>}, {transform_indices = @transform_4, window_bounds = array<i64: 5000, 128>}, {pipeline_mode = #tpu.pipeline_mode<synchronous>, transform_indices = @transform_5, window_bounds = array<i64: 128, 128>}, {pipeline_mode = #tpu.pipeline_mode<synchronous>, transform_indices = @transform_6, window_bounds = array<i64: 128, 128>}, {pipeline_mode = #tpu.pipeline_mode<synchronous>, transform_indices = @transform_7, window_bounds = array<i64: 1, 128>}, {transform_indices = @transform_8, window_bounds = array<i64: 5000, 128>}]} {
    %get3A = arith.constant 0 : index
    %get3A_0 = arith.constant 0 : index
    %get3A_1 = vector.load %arg3[%get3A, %get3A_0] : memref<5000x1xf32, #tpu.memory_space<vmem>>, vector<5000x1xf32>
    %get3A_2 = arith.constant 0 : index
    %get3A_3 = arith.constant 0 : index
    %get3A_4 = vector.load %arg4[%get3A_2, %get3A_3] : memref<5000x1xf32, #tpu.memory_space<vmem>>, vector<5000x1xf32>
    %add3A = arith.addf %get3A_1, %get3A_4 : vector<5000x1xf32>
    %get3A_5 = arith.constant 0 : index
    %get3A_6 = arith.constant 0 : index
    %get3A_7 = vector.load %arg1[%get3A_5, %get3A_6] : memref<5000x128xf32, #tpu.memory_space<vmem>>, vector<5000x128xf32>
    %get3A_8 = arith.constant 0 : index
    %get3A_9 = arith.constant 0 : index
    %get3A_10 = vector.load %arg2[%get3A_8, %get3A_9] : memref<5000x128xf32, #tpu.memory_space<vmem>>, vector<5000x128xf32>
    %add3A_11 = arith.addf %get3A_7, %get3A_10 : vector<5000x128xf32>
    %max3A = arith.constant 1.000000e+00 : f32
    %max3A_12 = vector.broadcast %max3A : f32 to vector<5000x1xf32>
    %max3A_13 = arith.maximumf %add3A, %max3A_12 : vector<5000x1xf32>
    %div3A = vector.broadcast %max3A_13 : vector<5000x1xf32> to vector<5000x128xf32>
    %div3A_14 = arith.divf %add3A_11, %div3A : vector<5000x128xf32>
    %get3A_15 = arith.constant 0 : index
    %get3A_16 = arith.constant 0 : index
    %get3A_17 = vector.load %arg6[%get3A_15, %get3A_16] : memref<128x128xf32, #tpu.memory_space<vmem>>, vector<128x128xf32>
    %dot_general3A = arith.constant dense<0.000000e+00> : vector<5000x128xf32>
    %dot_general3A_18 = tpu.matmul %div3A_14, %get3A_17, %dot_general3A {dimension_numbers = #tpu.dot_dimension_numbers<[1], [0], [0], [1], [0, 0, 1, 1], [], []>, transpose_lhs_hint = false} : vector<5000x128xf32>, vector<128x128xf32>, vector<5000x128xf32> -> vector<5000x128xf32>
    %get3A_19 = arith.constant 0 : index
    %get3A_20 = arith.constant 0 : index
    %get3A_21 = vector.load %arg5[%get3A_19, %get3A_20] : memref<5000x128xf32, #tpu.memory_space<vmem>>, vector<5000x128xf32>
    %get3A_22 = arith.constant 0 : index
    %get3A_23 = arith.constant 0 : index
    %get3A_24 = vector.load %arg7[%get3A_22, %get3A_23] : memref<128x128xf32, #tpu.memory_space<vmem>>, vector<128x128xf32>
    %dot_general3A_25 = arith.constant dense<0.000000e+00> : vector<5000x128xf32>
    %dot_general3A_26 = tpu.matmul %get3A_21, %get3A_24, %dot_general3A_25 {dimension_numbers = #tpu.dot_dimension_numbers<[1], [0], [0], [1], [0, 0, 1, 1], [], []>, transpose_lhs_hint = false} : vector<5000x128xf32>, vector<128x128xf32>, vector<5000x128xf32> -> vector<5000x128xf32>
    %add3A_27 = arith.addf %dot_general3A_18, %dot_general3A_26 : vector<5000x128xf32>
    %get3A_28 = arith.constant 0 : index
    %get3A_29 = arith.constant 0 : index
    %get3A_30 = vector.load %arg8[%get3A_28, %get3A_29] : memref<1x128xf32, #tpu.memory_space<vmem>>, vector<1x128xf32>
    %add3A_31 = vector.broadcast %get3A_30 : vector<1x128xf32> to vector<5000x128xf32>
    %add3A_32 = arith.addf %add3A_27, %add3A_31 : vector<5000x128xf32>
    %reduce_max3A = arith.constant dense<0xFF800000> : vector<5000xf32>
    %reduce_max3A_33 = vector.multi_reduction <maximumf>, %add3A_32, %reduce_max3A [1] : vector<5000x128xf32> to vector<5000xf32>
    %broadcast_in_dim3A = vector.shape_cast %reduce_max3A_33 : vector<5000xf32> to vector<5000x1xf32>
    %sub3A = vector.broadcast %broadcast_in_dim3A : vector<5000x1xf32> to vector<5000x128xf32>
    %sub3A_34 = arith.subf %add3A_32, %sub3A : vector<5000x128xf32>
    %exp3A = math.exp %sub3A_34 : vector<5000x128xf32>
    %reduce_sum3A = arith.constant dense<0.000000e+00> : vector<5000xf32>
    %reduce_sum3A_35 = vector.multi_reduction <add>, %exp3A, %reduce_sum3A [1] : vector<5000x128xf32> to vector<5000xf32>
    %broadcast_in_dim3A_36 = vector.shape_cast %reduce_sum3A_35 : vector<5000xf32> to vector<5000x1xf32>
    %log3A = math.log %broadcast_in_dim3A_36 : vector<5000x1xf32>
    %add3A_37 = arith.addf %log3A, %broadcast_in_dim3A : vector<5000x1xf32>
    %sub3A_38 = vector.broadcast %add3A_37 : vector<5000x1xf32> to vector<5000x128xf32>
    %sub3A_39 = arith.subf %add3A_32, %sub3A_38 : vector<5000x128xf32>
    %swap3A = arith.constant 0 : index
    %swap3A_40 = arith.constant 0 : index
    %swap3A_41 = vector.load %arg9[%swap3A, %swap3A_40] : memref<5000x128xf32, #tpu.memory_space<vmem>>, vector<5000x128xf32>
    tpu.vector_store %arg9[%swap3A, %swap3A_40], %sub3A_39 {strides = array<i32>} : memref<5000x128xf32, #tpu.memory_space<vmem>>, vector<5000x128xf32>,
    return
  }
  func.func @transform_0(%arg0: i32) -> (i32, i32) {
    %c0_i32 = arith.constant 0 : i32
    %c0_i32_0 = arith.constant 0 : i32
    return %arg0, %c0_i32 : i32, i32
  }
  func.func @transform_1(%arg0: i32) -> (i32, i32) {
    %c0_i32 = arith.constant 0 : i32
    %c0_i32_0 = arith.constant 0 : i32
    return %arg0, %c0_i32 : i32, i32
  }
  func.func @transform_2(%arg0: i32) -> (i32, i32) {
    %c0_i32 = arith.constant 0 : i32
    %c0_i32_0 = arith.constant 0 : i32
    return %arg0, %c0_i32 : i32, i32
  }
  func.func @transform_3(%arg0: i32) -> (i32, i32) {
    %c0_i32 = arith.constant 0 : i32
    %c0_i32_0 = arith.constant 0 : i32
    return %arg0, %c0_i32 : i32, i32
  }
  func.func @transform_4(%arg0: i32) -> (i32, i32) {
    %c0_i32 = arith.constant 0 : i32
    %c0_i32_0 = arith.constant 0 : i32
    return %arg0, %c0_i32 : i32, i32
  }
  func.func @transform_5(%arg0: i32) -> (i32, i32) {
    %c0_i32 = arith.constant 0 : i32
    %c0_i32_0 = arith.constant 0 : i32
    %c0_i32_1 = arith.constant 0 : i32
    return %c0_i32, %c0_i32_0 : i32, i32
  }
  func.func @transform_6(%arg0: i32) -> (i32, i32) {
    %c0_i32 = arith.constant 0 : i32
    %c0_i32_0 = arith.constant 0 : i32
    %c0_i32_1 = arith.constant 0 : i32
    return %c0_i32, %c0_i32_0 : i32, i32
  }
  func.func @transform_7(%arg0: i32) -> (i32, i32) {
    %c0_i32 = arith.constant 0 : i32
    %c0_i32_0 = arith.constant 0 : i32
    %c0_i32_1 = arith.constant 0 : i32
    return %c0_i32, %c0_i32_0 : i32, i32
  }
  func.func @transform_8(%arg0: i32) -> (i32, i32) {
    %c0_i32 = arith.constant 0 : i32
    %c0_i32_0 = arith.constant 0 : i32
    return %arg0, %c0_i32 : i32, i32
  }
}

</mosaic_0001>

<sc_bundles>
// kernel: kernel.6.cloned.1.call-start
scs
__scs_entry_jumppad:
0x0: {  	(pc) =	sbr.rel $0x88, $3  }
0x1: {  	(tag) =	ssettag $0x0;
	lr =	simm.s32 $0x1  }
0x2: {  	[smem:$0x3F99] =	sst lr;
	_ =	strace $0xD0000000  }
0x3: {  	_ = 	snop  }
0x4: {  	_ = 	snop  }
0x5: {  	_ = 	snop  }
0x6: {  	_ = 	snop  }
0x7: {  	_ = 	snop  }
__scs_overlays_trampoline_lowered:
0x8: {  	[smem:$0x3FA8] =	sst s0  }
0x9: {  	[smem:$0x3FA9] =	sst s1  }
0xa: {  	[smem:$0x3FAA] =	sst s2  }
0xb: {  	[smem:$0x3FAB] =	sst s3  }
0xc: {  	[smem:$0x3FAC] =	sst s4  }
0xd: {  	[smem:$0x3FAD] =	sst s5  }
0xe: {  	[smem:$0x3FAE] =	sst s6  }
0xf: {  	[smem:$0x3FAF] =	sst s7  }
0x10: {  	[smem:$0x3FB0] =	sst s8  }
0x11: {  	[smem:$0x3FB1] =	sst s9;
	s0 =	simm.s32 @!p0 $0x0  }
0x12: {  	s1 =	sld [smem:$0x3F97];
	s0 =	simm.s32 @p0 $0x1  }
0x13: {  	[smem:$0x3FB2] =	sst s0;
	s0 =	simm.s32 @!p1 $0x0  }
0x14: {  	s2 =	sld [smem:$0x3F96];
	s0 =	simm.s32 @p1 $0x1  }
0x15: {  	[smem:$0x3FB3] =	sst s0;
	s0 =	simm.s32 @!p2 $0x0  }
0x16: {  	s3 =	sld [smem:$0x3FDB];
	s0 =	simm.s32 @p2 $0x1  }
0x17: {  	s4 =	simm.s32 $0x1BF5;
	[smem:$0x3FB5] =	sst s0  }
0x18: {  	s0 =	sld [smem:$0x3F98];
	_ =	swait.ge [sflag:s4], $0x0  }
0x19: {  	s7 =	sld [smem:$0x3F99]  }
0x1a: {  	s8 =	sadd.s32 $0xFFFFE003, lr  }
0x1b: {  	s9 =	sadd.s32 $0xFFFFFEF7, lr;
	s5 =	simm.s32 $0xFFFFFFFF;
	p2 =	slt.u32 s8, $0xFFFFF086  }
0x1c: {  	p1 =	slt.u32 s9, $0xF7A;
	s5 =	simm.s32 @!p2 $0x0  }
0x1d: {  	s5 =	simm.s32 @p1 $0x1;
	p0 =	seq.s32 s7, s2  }
0x1e: {  	s7 =	smul.u32 @!p0 $0xF7A, s2;
	p2 =	seq.s32 @!p0 s5, $0x0  }
0x1f: {  	s9 =	smul.u32 $0xF7A, s1;
	s8 =	simm.s32 @!p0 $0x1BF5;
	p2 =	por !p2, p0  }
0x20: {  	[sflag:s8] =	ssyncset.s32 @!p0 $0xFFFFF086;
	s6 =	sadd.s32 @!p0 s3, s7;
	s7 =	simm.s32 @!p0 $0x108  }
0x21: {  	s3 =	sadd.s32 s3, s9;
	s6 =	sadd.s32 @!p0 $0x88, s6;
	s7 =	simm.s32 @p2 $0x1082  }
0x22: {  	[simem:s7], [sflag:s8] =	dma.local @!p0 [hbm:s6], $0xF7A  }
0x23: {  	s9 =	sor.u32 $0xD0000000, s2;
	s6 =	simm.s32 $0x108;
	_ =	swait.ge @!p0 [sflag:s8], $0x0  }
0x24: {  	s3 =	sadd.s32 $0x88, s3;
	s6 =	simm.s32 @!p1 $0x1082;
	[sflag:s4] =	ssyncset.s32 $0xFFFFF086  }
0x25: {  	[simem:s6], [sflag:s4] =	dma.local [hbm:s3], $0xF7A  }
0x26: {  	[smem:$0x3F99] =	sst s1;
	(tag) =	ssettag s2;
	_ =	strace s9  }
0x27: {  	s1 =	sld [smem:$0x3FA9]  }
0x28: {  	s2 =	sld [smem:$0x3FAA]  }
0x29: {  	s4 =	sld [smem:$0x3FAC]  }
0x2a: {  	p0 =	seq.s32 s5, $0x0;
	s5 =	sld [smem:$0x3FAD]  }
0x2b: {  	s6 =	sld [smem:$0x3FAE]  }
0x2c: {  	s7 =	sld [smem:$0x3FAF]  }
0x2d: {  	s3 =	simm.s32 $0x108;
	s8 =	sld [smem:$0x3FB0]  }
0x2e: {  	s3 =	simm.s32 @!p0 $0x1082;
	s9 =	sld [smem:$0x3FB1]  }
0x2f: {  	lr =	sadd.s32 s0, s3;
	s0 =	sld [smem:$0x3FA8]  }
0x30: {  	s3 =	sld [smem:$0x3FAB]  }
0x31: {  	[smem:$0x3FB4] =	sst s10  }
0x32: {  	s10 =	sld [smem:$0x3FB2];
	_ =	sdelay $0x3  }
0x33: {  	p0 =	seq.s32 s10, $0x1;
	s10 =	sld [smem:$0x3FB4];
	_ =	sdelay $0x3  }
0x34: {  	[smem:$0x3FB4] =	sst s10  }
0x35: {  	s10 =	sld [smem:$0x3FB3];
	_ =	sdelay $0x3  }
0x36: {  	p1 =	seq.s32 s10, $0x1;
	s10 =	sld [smem:$0x3FB4];
	_ =	sdelay $0x3  }
0x37: {  	[smem:$0x3FB4] =	sst s10  }
0x38: {  	s10 =	sld [smem:$0x3FB5]  }
0x39: {  	_ = 	snop;
	(pc) =	sbr.ind lr, $3  }
0x3a: {  	_ = 	snop  }
0x3b: {  	_ = 	snop  }
0x3c: {  	p2 =	seq.s32 s10, $0x1;
	s10 =	sld [smem:$0x3FB4]  }
0x3d: {  	_ =	shalt  }
0x3e: {  	_ =	shalt  }
0x3f: {  	_ =	shalt  }
0x40: {  	_ =	shalt  }
0x41: {  	_ =	shalt  }
0x42: {  	_ =	shalt  }
0x43: {  	_ =	shalt  }
0x44: {  	_ =	shalt  }
0x45: {  	_ =	shalt  }
0x46: {  	_ =	shalt  }
0x47: {  	_ =	shalt  }
0x48: {  	_ =	shalt  }
0x49: {  	_ =	shalt  }
0x4a: {  	_ =	shalt  }
0x4b: {  	_ =	shalt  }
0x4c: {  	_ =	shalt  }
0x4d: {  	_ =	shalt  }
0x4e: {  	_ =	shalt  }
0x4f: {  	_ =	shalt  }
0x50: {  	_ =	shalt  }
0x51: {  	_ =	shalt  }
0x52: {  	_ =	shalt  }
0x53: {  	_ =	shalt  }
0x54: {  	_ =	shalt  }
0x55: {  	_ =	shalt  }
0x56: {  	_ =	shalt  }
0x57: {  	_ =	shalt  }
0x58: {  	_ =	shalt  }
0x59: {  	_ =	shalt  }
0x5a: {  	_ =	shalt  }
0x5b: {  	_ =	shalt  }
0x5c: {  	_ =	shalt  }
0x5d: {  	_ =	shalt  }
0x5e: {  	_ =	shalt  }
0x5f: {  	_ =	shalt  }
0x60: {  	_ =	shalt  }
0x61: {  	_ =	shalt  }
0x62: {  	_ =	shalt  }
0x63: {  	_ =	shalt  }
0x64: {  	_ =	shalt  }
0x65: {  	_ =	shalt  }
0x66: {  	_ =	shalt  }
0x67: {  	_ =	shalt  }
0x68: {  	_ =	shalt  }
0x69: {  	_ =	shalt  }
0x6a: {  	_ =	shalt  }
0x6b: {  	_ =	shalt  }
0x6c: {  	_ =	shalt  }
0x6d: {  	_ =	shalt  }
0x6e: {  	_ =	shalt  }
0x6f: {  	_ =	shalt  }
0x70: {  	_ =	shalt  }
0x71: {  	_ =	shalt  }
0x72: {  	_ =	shalt  }
0x73: {  	_ =	shalt  }
0x74: {  	_ =	shalt  }
0x75: {  	_ =	shalt  }
0x76: {  	_ =	shalt  }
0x77: {  	_ =	shalt  }
0x78: {  	_ =	shalt  }
0x79: {  	_ =	shalt  }
0x7a: {  	_ =	shalt  }
0x7b: {  	_ =	shalt  }
0x7c: {  	_ =	shalt  }
0x7d: {  	_ =	shalt  }
0x7e: {  	_ =	shalt  }
0x7f: {  	_ =	shalt  }
0x80: {  	_ =	shalt  }
0x81: {  	_ =	shalt  }
0x82: {  	_ =	shalt  }
0x83: {  	_ =	shalt  }
0x84: {  	_ =	shalt  }
0x85: {  	_ =	shalt  }
0x86: {  	_ =	shalt  }
0x87: {  	_ =	shalt  }
.Lfunc_end0:
.L_simem_size_0:
called_computation_lowered:
.L_overlay_start_0:
0x88: {  	s2 =	sld [smem:$0x3FD9]  }
0x89: {  	s3 =	sld [smem:$0x3FFE];
	_ =	sdelay $0x1  }
0x8a: {  	s1 =	srdreg.scid  }
0x8b: {  	s0 =	sand.u32 $0x1, s1  }
0x8c: {  	s17 =	sshll.u32 s0, $0xA;
	s2 =	sadd.s32 s3, s2  }
0x8d: {  	s2 =	sadd.s32 s2, s17  }
0x8e: {  	[smem:$0x3FC0] =	sst s2  }
0x8f: {  	_ = 	snop  }
0x90: {  	s2 =	sld [smem:$0x3FC9]  }
0x91: {  	s18 =	sld [smem:$0x3FD0];
	(tm) =	ssettm $0x1  }
0x92: {  	s4 =	sld [smem:$0x3FFB];
	_ =	sdelay $0x3  }
0x93: {  	_ =	strace s4  }
0x94: {  	s4 =	sld [smem:$0x3FFC];
	_ =	sdelay $0x3  }
0x95: {  	_ =	strace s4  }
0x96: {  	s4 =	sld [smem:$0x3FFD];
	_ =	sdelay $0x3  }
0x97: {  	_ =	strace s4  }
0x98: {  	_ =	strace $0x8FFFFFFF  }
0x99: {  	s19 =	sld [smem:$0x3FDB];
	_ =	sdelay $0x1  }
0x9a: {  	s5 =	simm.s32 $_scs_section_size  }
0x9b: {  	s6 =	simm.s32 $_size__tile_overlayer_lowered;
	s7 =	simm.s32 $_tile_overlayer_lowered  }
0x9c: {  	s22 =	simm.s32 $0x1BFF;
	s21 =	sshll.u32 s7, $0x1;
	s4 =	sadd.s32 s5, s19  }
0x9d: {  	s8 =	simm.s32 $0x0;
	s20 =	sshll.u32 s6, $0x1;
	s6 =	sadd.s32 s21, s4  }
0x9e: {  	[timem:s8], [sflag:s22] =	dma.local [hbm:s6], s20  }
0x9f: {  	_ =	swait.ge [sflag:s22], s20  }
0xa0: {  	s5 =	ssub.s32 $0x0, s20;
	[sflag:s22] =	ssyncset.done $0x0  }
0xa1: {  	[sflag:s22] =	ssyncadd.s32 s5;
	_ =	sdelay $0x1  }
0xa2: {  	s23 =	simm.s32 $0x1B8B  }
0xa3: {  	_ =	swait.ge [sflag:s23], $0x1  }
0xa4: {  	[sflag:s23] =	ssyncset.done $0x0  }
0xa5: {  	s25 =	simm.s32 $0x1B8E;
	s24 =	sld [smem:$0x3FFE];
	[sflag:s23] =	ssyncadd.s32 $0xFFFFFFFF  }
0xa6: {  	s26 =	simm.s32 $execute0_lowered;
	[smem:$0x3FD2] =	sst s25  }
0xa7: {  	s6 =	sshll.u32 s26, $0x1;
	_ =	strace $0x80000046;
	[dreg:$0x1] =	wrdreg $0xFFFFFFFF  }
0xa8: {  	s28 =	simm.s32 $_size_execute0_lowered;
	s4 =	sadd.s32 s4, s6;
	[dreg:$0x0] =	wrdreg $0x0  }
0xa9: {  	s6 =	sshll.u32 s28, $0x1;
	[dreg:$0x2] =	wrdreg s4  }
0xaa: {  	[dreg:$0x3] =	wrdreg s6  }
0xab: {  	[dreg:$0x4] =	wrdreg $0xC0  }
0xac: {  	_ =	task [dreg:s8], $0x5FFFF  }
0xad: {  	[dreg:$0x1] =	wrdreg $0xFFFFFFFF  }
0xae: {  	[dreg:$0x0] =	wrdreg $0x60  }
0xaf: {  	[dreg:$0x2] =	wrdreg s2  }
0xb0: {  	[dreg:$0x3] =	wrdreg s24  }
0xb1: {  	[dreg:$0x4] =	wrdreg s18  }
0xb2: {  	[dreg:$0x5] =	wrdreg $0xB0000  }
0xb3: {  	[dreg:$0x6] =	wrdreg $0x1F1000  }
0xb4: {  	[dreg:$0x7] =	wrdreg $0x9  }
0xb5: {  	_ =	task.clear_ibuf [dreg:s8], $0x8FFFF;
	_ =	strace $0x90000046  }
0xb6: {  	s29 =	simm.s32 $0x9;
	_ =	strace $0x80000048  }
0xb7: {  	_ =	swait.ge [sflag:s29], $0x1  }
0xb8: {  	[sflag:s29] =	ssyncadd.s32 $0xFFFFFFFF  }
0xb9: {  	_ =	strace $0x90000048  }
0xba: {  	_ =	sfence  }
0xbb: {  	s30 =	sld [smem:$0x0];
	_ =	sdelay $0x2  }
0xbc: {  	s31 =	sshll.u32 s1, $0xD;
	s1 =	sshrl.u32 s1, $0x2  }
0xbd: {  	s3 =	sand.u32 $0x4000, s31;
	s1 =	sadd.s32 s1, s30  }
0xbe: {  	s0 =	sor.u32 s3, s0;
	s1 =	sshll.u32 s1, $0x11  }
0xbf: {  	s0 =	sor.u32 s1, s0  }
0xc0: {  	s0 =	sadd.s32 $0x8F2B, s0  }
0xc1: {  	[sflag:s0] =	ssyncadd.remote.s32 $0x1  }
0xc2: {  	_ =	sfence.sel $0xFFFF  }
0xc3: {  	[dreg:$0x0] =	wrdreg $0xFFFFFFFF;
	(pc) =	sbr.abs _section_cstart, $3  }
0xc4: {  	[dreg:$0x1] =	wrdreg $0xFFFFFFFF  }
0xc5: {  	_ =	task.clear_ibuf [dreg:s8], $0x2FFFF;
	_ =	strace $0x9FFFFFFF  }
0xc6: {  	(tm) =	ssettm $0x7FFFFFFF  }
0xc7: {  	_ =	shalt  }
tec
execute0_lowered:
.L_overlay_start_1:
0x0: {  	(tag) =	ssettag $0x1  }
0x1: {  	s3 =	rddreg [dreg:$0x0]  }
0x2: {  	s0 =	rddreg [dreg:$0x1]  }
0x3: {  	s9 =	rddreg [dreg:$0x2]  }
0x4: {  	s4 =	rddreg [dreg:$0x3]  }
0x5: {  	s20 =	rddreg [dreg:$0x4]  }
0x6: {  	s12 =	simm.s32 $0x0;
	s18 =	stileid.u32;
	s2 =	srdreg.scid  }
0x7: {  	s6 =	smul.u32 $0x2700, s18;
	s11 =	sand.u32 $0x1, s2;
	s7 =	sshll.u32 s18, $0x1  }
0x8: {  	[smem:$0x7FF] =	sst s12;
	s2 =	smul.u32 $0x7D0, s18;
	s21 =	sadd.s32 $0xBE00, s0  }
0x9: {  	s19 =	sadd.s32 $0x2000, s0;
	s13 =	smul.u32 $0x4E20, s18;
	p3 =	slt.u32 s18, $0x5  }
0xa: {  	s7 =	sor.u32 s11, s7;
	_ =	strace $0x80000047;
	s1 =	ssub.s32 $0x2, s11  }
0xb: {  	s15 =	smul.u32 $0x2710, s11;
	p2 =	seq.s32 s11, $0x0;
	p0 =	seq.s32 s11, $0x1  }
0xc: {  	p1 =	sne.s32 s11, $0x0;
	s8 =	smul.u32 $0x2710, s7;
	s14 =	sshrl.u32 s2, $0x3  }
0xd: {  	s10 =	sadd.s32 s6, s0;
	s17 =	sshrl.u32 s1, $0x1;
	s2 =	sadd.s32 s2, s20  }
0xe: {  	s7 =	sadd.s32 s14, s0;
	s9 =	sadd.s32 s9, s14;
	[smem:$0x7CE] =	sst s2  }
0xf: {  	s6 =	ssub.s32 s1, s17;
	[dreg:$0x1c] =	wrdreg s9;
	s7 =	sadd.s32 $0x15C00, s7  }
0x10: {  	s1 =	sshrl.u32 s8, $0x3;
	s2 =	smax.u32 s6, $0x1;
	[smem:$0x7CF] =	sst s7  }
0x11: {  	s8 =	sadd.s32 s15, s13;
	s22 =	sadd.s32 s21, s1;
	[smem:$0x7D2] =	sst s2  }
0x12: {  	s23 =	sadd.s32 $0xA, s1;
	s6 =	sadd.s32 $0x280, s8;
	[dreg:$0x15] =	wrdreg s22  }
0x13: {  	s15 =	sadd.s32 $0x2D0, s8;
	s16 =	sadd.s32 s21, s23;
	[smem:$0x7D3] =	sst s6  }
0x14: {  	s13 =	sadd.s32 s19, s23;
	s24 =	sshrl.u32 s15, $0x3;
	[dreg:$0x16] =	wrdreg s16  }
0x15: {  	s17 =	sadd.s32 $0x320, s8;
	[dreg:$0x17] =	wrdreg s13;
	s25 =	sadd.s32 s24, s19  }
0x16: {  	s26 =	sshrl.u32 s17, $0x3;
	s13 =	sadd.s32 s24, s21;
	[dreg:$0x6] =	wrdreg s25  }
0x17: {  	s29 =	sadd.s32 $0x370, s8;
	s28 =	sadd.s32 s26, s19;
	[dreg:$0x7] =	wrdreg s13  }
0x18: {  	s5 =	sshrl.u32 s29, $0x3;
	s31 =	sadd.s32 s26, s21;
	[dreg:$0x8] =	wrdreg s28  }
0x19: {  	s22 =	sadd.s32 $0x3C0, s8;
	s17 =	sadd.s32 s5, s19;
	[dreg:$0x9] =	wrdreg s31  }
0x1a: {  	s23 =	sadd.s32 s5, s21;
	s24 =	sshrl.u32 s22, $0x3;
	[dreg:$0xa] =	wrdreg s17  }
0x1b: {  	s15 =	sadd.s32 $0x14, s1;
	[dreg:$0xb] =	wrdreg s23;
	s25 =	sadd.s32 s24, s19  }
0x1c: {  	s26 =	sadd.s32 $0x410, s8;
	s28 =	sadd.s32 s24, s21;
	[dreg:$0xc] =	wrdreg s25  }
0x1d: {  	s29 =	sshrl.u32 s26, $0x3;
	s26 =	sadd.s32 s21, s15;
	[dreg:$0xd] =	wrdreg s28  }
0x1e: {  	p2 =	por !p2, !p3;
	s15 =	sadd.s32 s19, s15;
	[dreg:$0x18] =	wrdreg s26  }
0x1f: {  	s5 =	sadd.s32 $0x230, s8;
	s31 =	sadd.s32 s29, s19;
	[dreg:$0x19] =	wrdreg s15  }
0x20: {  	s17 =	sshrl.u32 s5, $0x3;
	s16 =	sadd.s32 s29, s21;
	[dreg:$0xe] =	wrdreg s31  }
0x21: {  	p6 =	por !p3, !p0;
	s22 =	sadd.s32 s17, s19;
	[dreg:$0xf] =	wrdreg s16  }
0x22: {  	s23 =	sadd.s32 $0x1E0, s8;
	s24 =	sadd.s32 s17, s21;
	[dreg:$0x10] =	wrdreg s22  }
0x23: {  	s25 =	sshrl.u32 s23, $0x3;
	s23 =	sadd.s32 s19, s1;
	[dreg:$0x11] =	wrdreg s24  }
0x24: {  	s29 =	sadd.s32 $0x1E, s1;
	s28 =	sadd.s32 s25, s19;
	[dreg:$0x1f] =	wrdreg s23  }
0x25: {  	p2 =	por !p2, !p2;
	s31 =	sadd.s32 s21, s29;
	[dreg:$0x12] =	wrdreg s28  }
0x26: {  	p3 =	por !p6, !p6;
	s5 =	sadd.s32 s19, s29;
	[dreg:$0x1a] =	wrdreg s31  }
0x27: {  	p6 =	sne.s32 @p0 s18, $0xF;
	s15 =	sadd.s32 s25, s21;
	[dreg:$0x1b] =	wrdreg s5  }
0x28: {  	s16 =	sadd.s32 $0x28, s1;
	s29 =	sadd.s32 $0x16200, s10;
	[dreg:$0x13] =	wrdreg s15  }
0x29: {  	s22 =	smul.u32 $0x4E000, s18;
	s17 =	sadd.s32 s21, s16;
	[smem:$0x7CB] =	sst s29  }
0x2a: {  	s24 =	sadd.s32 $0x32, s1;
	s9 =	sadd.s32 s19, s16;
	[dreg:$0x1d] =	wrdreg s17  }
0x2b: {  	s25 =	smul.u32 $0x1F40, s18;
	s26 =	sadd.s32 s21, s24;
	[dreg:$0x1e] =	wrdreg s9  }
0x2c: {  	s1 =	simm.s32 @!p2 $0x0;
	s11 =	sadd.s32 s19, s24;
	[smem:$0x7C8] =	sst s26  }
0x2d: {  	s31 =	sadd.s32 $0x3D400, s10;
	s1 =	simm.s32 @p2 $0x1;
	[smem:$0x7C9] =	sst s11  }
0x2e: {  	p2 =	sne.s32 @!p1 s18, $0xF;
	s9 =	sshrl.u32 s22, $0x2;
	[smem:$0x7CC] =	sst s31  }
0x2f: {  	s28 =	sshrl.u32 s25, $0x2;
	[smem:$0x7CD] =	sst s1;
	s1 =	sadd.s32 $0x3D200, s0  }
0x30: {  	s0 =	sadd.s32 $0x64400, s0;
	p5 =	por p2, p1;
	[smem:$0x7D0] =	sst s1  }
0x31: {  	p2 =	por !p0, p6;
	s26 =	sadd.s32 $0x138000, s4;
	[smem:$0x7D1] =	sst s0  }
0x32: {  	s23 =	sadd.s32 s9, s4;
	s9 =	sadd.s32 s28, s20;
	[smem:$0x7FD] =	sst s26  }
0x33: {  	s0 =	simm.s32 @!p2 $0x0;
	[smem:$0x7CA] =	sst s9  }
0x34: {  	s0 =	simm.s32 @p2 $0x1;
	[smem:$0x7FC] =	sst s23  }
0x35: {  	s7 =	sadd.s32 $0x800, s23;
	[smem:$0x7D4] =	sst s0  }
0x36: {  	s8 =	sadd.s32 $0x1000, s23;
	[smem:$0x7D5] =	sst s7  }
0x37: {  	s9 =	sadd.s32 $0x1800, s23;
	[smem:$0x7D6] =	sst s8  }
0x38: {  	s10 =	sadd.s32 $0x2000, s23;
	[smem:$0x7D7] =	sst s9  }
0x39: {  	s11 =	sadd.s32 $0x2800, s23;
	[smem:$0x7D8] =	sst s10  }
0x3a: {  	s14 =	sadd.s32 $0x3000, s23;
	[smem:$0x7D9] =	sst s11  }
0x3b: {  	s15 =	sadd.s32 $0x3800, s23;
	[smem:$0x7DA] =	sst s14  }
0x3c: {  	s16 =	sadd.s32 $0x4000, s23;
	[smem:$0x7DB] =	sst s15  }
0x3d: {  	s17 =	sadd.s32 $0x4800, s23;
	[smem:$0x7DC] =	sst s16  }
0x3e: {  	p4 =	sgt.u32 s18, $0x4;
	s18 =	sadd.s32 $0x5000, s23;
	[smem:$0x7DD] =	sst s17  }
0x3f: {  	s13 =	smov.u32 s19;
	s19 =	sadd.s32 $0x5800, s23;
	[smem:$0x7DE] =	sst s18  }
0x40: {  	s5 =	smov.u32 s21;
	s21 =	sadd.s32 $0x6000, s23;
	[smem:$0x7DF] =	sst s19  }
0x41: {  	s22 =	sadd.s32 $0x6800, s23;
	[smem:$0x7E0] =	sst s21  }
0x42: {  	s24 =	sadd.s32 $0x7000, s23;
	[smem:$0x7E1] =	sst s22  }
0x43: {  	s25 =	sadd.s32 $0x7800, s23;
	[smem:$0x7E2] =	sst s24  }
0x44: {  	s28 =	sadd.s32 $0x8000, s23;
	[smem:$0x7E3] =	sst s25  }
0x45: {  	s29 =	sadd.s32 $0x8800, s23;
	[smem:$0x7E4] =	sst s28  }
0x46: {  	s31 =	sadd.s32 $0x9000, s23;
	[smem:$0x7E5] =	sst s29  }
0x47: {  	s1 =	sadd.s32 $0x9800, s23;
	[smem:$0x7E6] =	sst s31  }
0x48: {  	s2 =	sadd.s32 $0xA000, s23;
	[smem:$0x7E7] =	sst s1  }
0x49: {  	s6 =	sadd.s32 $0xA800, s23;
	[smem:$0x7E8] =	sst s2  }
0x4a: {  	[smem:$0x7E9] =	sst s6;
	s7 =	sadd.s32 $0xB000, s23  }
0x4b: {  	s8 =	sadd.s32 $0xB800, s23;
	[smem:$0x7EA] =	sst s7  }
0x4c: {  	s9 =	sadd.s32 $0xC000, s23;
	[smem:$0x7EB] =	sst s8  }
0x4d: {  	s10 =	sadd.s32 $0xC800, s23;
	[smem:$0x7EC] =	sst s9  }
0x4e: {  	s11 =	sadd.s32 $0xD000, s23;
	[smem:$0x7ED] =	sst s10  }
0x4f: {  	s14 =	sadd.s32 $0xD800, s23;
	[smem:$0x7EE] =	sst s11  }
0x50: {  	s15 =	sadd.s32 $0xE000, s23;
	[smem:$0x7EF] =	sst s14  }
0x51: {  	s16 =	sadd.s32 $0xE800, s23;
	[smem:$0x7F0] =	sst s15  }
0x52: {  	s17 =	sadd.s32 $0xF000, s23;
	[smem:$0x7F1] =	sst s16  }
0x53: {  	s18 =	sadd.s32 $0xF800, s23;
	[smem:$0x7F2] =	sst s17  }
0x54: {  	s19 =	sadd.s32 $0x10000, s23;
	[smem:$0x7F3] =	sst s18  }
0x55: {  	s21 =	sadd.s32 $0x10800, s23;
	[smem:$0x7F4] =	sst s19  }
0x56: {  	s22 =	sadd.s32 $0x11000, s23;
	[smem:$0x7F5] =	sst s21  }
0x57: {  	s24 =	sadd.s32 $0x11800, s23;
	[smem:$0x7F6] =	sst s22  }
0x58: {  	s25 =	sadd.s32 $0x12000, s23;
	[smem:$0x7F7] =	sst s24  }
0x59: {  	s28 =	sadd.s32 $0x12800, s23;
	[smem:$0x7F8] =	sst s25  }
0x5a: {  	s30 =	simm.s32 $0x480;
	s29 =	sadd.s32 $0x13000, s23;
	[smem:$0x7F9] =	sst s28  }
.Ltmp0:
0x5b: {  	s31 =	sadd.s32 $0x13800, s23;
	[smem:$0x7FA] =	sst s29;
	(pc) =	sbr.rel .LBB2_1-.Ltmp0, $4  }
0x5c: {  	s0 =	simm.s32 $0x1E880;
	[smem:$0x7FB] =	sst s31;
	s18 =	simm.s32 $0x400  }
0x5d: {  	s11 =	simm.s32 $0x80;
	s8 =	simm.s32 $0x100;
	s10 =	simm.s32 $0x500  }
0x5e: {  	s14 =	simm.s32 $0x580;
	s16 =	simm.s32 $0x1;
	s17 =	simm.s32 $0x50  }
0x5f: {  	v0 =	vimm.f32 $0.0e+00;
	v1 =	vimm.f32 $1.000000000e+00;
	s21 =	simm.s32 $0xF;
	s15 =	simm.s32 $0xD;
	s7 =	simm.s32 $0x0  }
.LBB2_11:
0x60: {  	s1 =	sld [smem:$0x7CD];
	_ =	sdelay $0x1  }
0x61: {  	s18 =	sld [smem:$0x7CE]  }
0x62: {  	p2 =	seq.s32 s1, $0x1  }
0x63: {  	s8 =	simm.s32 @p2 $0x1E900;
	s10 =	simm.s32 @p2 $0xF  }
0x64: {  	[tilespmem:s8], [sflag:$0xF] =	stream.linear.gather @p2 [spmem:s18], $0x7D0, $0x38;
	[tilespmem:$0x1F378] =	vst v63  }
0x65: {  	_ =	swait.ge @p2 [sflag:s10], $0x7D0  }
0x66: {  	[sflag:s10] =	ssyncset.done @p2 $0x0  }
0x67: {  	s11 =	simm.s32 @p2 $0x0;
	s7 =	rddreg [dreg:$0x1c];
	[sflag:s10] =	ssyncadd.s32 @p2 $0xFFFFF830  }
0x68: {  	[hbm4b:s7+s11] =	stream.linear.scatter @p2 [tilespmem:s8], [sflag:$0xF], $0x7D0, $0x38;
	[tilespmem:$0x1F378] =	vst v63  }
0x69: {  	_ =	swait.ge @p2 [sflag:s10], $0x7D0  }
0x6a: {  	[sflag:s10] =	ssyncset.done @p2 $0x0  }
0x6b: {  	s8 =	simm.s32 @p3 $0x1E900;
	[sflag:s10] =	ssyncadd.s32 @p2 $0xFFFFF830;
	s10 =	simm.s32 @p3 $0xF  }
0x6c: {  	[tilespmem:s8], [sflag:$0xF] =	stream.linear.gather @p3 [spmem:s18], $0x7D0, $0x38;
	[tilespmem:$0x1F378] =	vst v63  }
0x6d: {  	_ =	swait.ge @p3 [sflag:s10], $0x7D0  }
0x6e: {  	s7 =	sld [smem:$0x7CF]  }
0x6f: {  	[sflag:s10] =	ssyncset.done @p3 $0x0  }
0x70: {  	s11 =	simm.s32 @p3 $0x0;
	[sflag:s10] =	ssyncadd.s32 @p3 $0xFFFFF830  }
0x71: {  	[hbm4b:s7+s11] =	stream.linear.scatter @p3 [tilespmem:s8], [sflag:$0xF], $0x7D0, $0x38;
	[tilespmem:$0x1F378] =	vst v63  }
0x72: {  	_ =	swait.ge @p3 [sflag:s10], $0x7D0  }
0x73: {  	[sflag:s10] =	ssyncset.done @p3 $0x0  }
0x74: {  	s18 =	simm.s32 $0x400;
	s8 =	sld [smem:$0x7C7];
	[sflag:s10] =	ssyncadd.s32 @p3 $0xFFFFF830  }
.LBB2_12:
0x75: {  	s7 =	sld [smem:$0x7D2];
	_ =	sdelay $0x1  }
0x76: {  	s8 =	sadd.s32 $0x1, s8  }
0x77: {  	p2 =	sne.s32 s8, s7  }
.Ltmp1:
0x78: {  	_ = 	snop;
	(pc) =	sbr.rel @!p2 .LBB2_13-.Ltmp1, $3  }
0x79: {  	_ =	sdelay $0x1  }
0x7a: {  	s11 =	simm.s32 $0x80;
	s10 =	simm.s32 $0x500  }
0x7b: {  	s16 =	simm.s32 $0x1;
	s7 =	smov.u32 s8;
	s8 =	simm.s32 $0x100  }
.LBB2_1:
0x7c: {  	[smem:$0x7C7] =	sst s7  }
0x7d: {  	s28 =	rddreg [dreg:$0x15]  }
0x7e: {  	s29 =	rddreg [dreg:$0x1f]  }
0x7f: {  	[tilespmem:s12], [sflag:$0x1] =	stream.linear.gather [hbm4b:s28+s12], $0x50, $0x38;
	[tilespmem:$0x1F378] =	vst v63  }
0x80: {  	s31 =	rddreg [dreg:$0x16]  }
0x81: {  	[tilespmem:s18], [sflag:$0x1] =	stream.linear.gather [hbm4b:s29+s12], $0x50, $0x38;
	[tilespmem:$0x1F378] =	vst v63  }
0x82: {  	s1 =	rddreg [dreg:$0x17]  }
0x83: {  	[tilespmem:s11], [sflag:$0x2] =	stream.linear.gather [hbm4b:s31+s12], $0x50, $0x38;
	[tilespmem:$0x1F378] =	vst v63  }
0x84: {  	s2 =	rddreg [dreg:$0x18]  }
0x85: {  	[tilespmem:s30], [sflag:$0x2] =	stream.linear.gather [hbm4b:s1+s12], $0x50, $0x38;
	[tilespmem:$0x1F378] =	vst v63  }
0x86: {  	s6 =	rddreg [dreg:$0x19]  }
0x87: {  	[tilespmem:s8], [sflag:$0x3] =	stream.linear.gather [hbm4b:s2+s12], $0x50, $0x38;
	[tilespmem:$0x1F378] =	vst v63  }
0x88: {  	s22 =	rddreg [dreg:$0x1e]  }
0x89: {  	[tilespmem:s10], [sflag:$0x3] =	stream.linear.gather [hbm4b:s6+s12], $0x50, $0x38;
	[tilespmem:$0x1F378] =	vst v63  }
0x8a: {  	s9 =	simm.s32 $0x180;
	s8 =	rddreg [dreg:$0x1a]  }
0x8b: {  	[tilespmem:s9], [sflag:$0x4] =	stream.linear.gather [hbm4b:s8+s12], $0x50, $0x38;
	[tilespmem:$0x1F378] =	vst v63  }
0x8c: {  	s10 =	rddreg [dreg:$0x1b]  }
0x8d: {  	[tilespmem:s14], [sflag:$0x4] =	stream.linear.gather [hbm4b:s10+s12], $0x50, $0x38;
	[tilespmem:$0x1F378] =	vst v63  }
0x8e: {  	s19 =	simm.s32 $0x200;
	s14 =	rddreg [dreg:$0x1d]  }
0x8f: {  	[tilespmem:s19], [sflag:$0x5] =	stream.linear.gather [hbm4b:s14+s12], $0x50, $0x38;
	[tilespmem:$0x1F378] =	vst v63  }
0x90: {  	s24 =	simm.s32 $0x600;
	s25 =	sld [smem:$0x7C8]  }
0x91: {  	[tilespmem:s24], [sflag:$0x5] =	stream.linear.gather [hbm4b:s22+s12], $0x50, $0x38;
	[tilespmem:$0x1F378] =	vst v63  }
0x92: {  	s26 =	simm.s32 $0x280;
	s28 =	sld [smem:$0x7C9];
	s30 =	sand.u32 $0x1E00, s12  }
0x93: {  	[tilespmem:s26], [sflag:$0x6] =	stream.linear.gather [hbm4b:s25+s12], $0x50, $0x38;
	[tilespmem:$0x1F378] =	vst v63  }
0x94: {  	s29 =	simm.s32 $0x680;
	s31 =	sand.u32 $0x70, s12;
	s26 =	sshrl.u32 s30, $0x2  }
0x95: {  	s8 =	simm.s32 $0x40;
	s10 =	simm.s32 $0x0;
	s26 =	sor.u32 s31, s26  }
0x96: {  	[tilespmem:s29], [sflag:$0x6] =	stream.linear.gather [hbm4b:s28+s12], $0x50, $0x38;
	[tilespmem:$0x1F378] =	vst v63  }
.LBB2_2:
0x97: {  	p2 =	sne.s32 s8, $0x1FC0  }
0x98: {  	[tilespmem:s26+$0xA800] =	vst v0;
	s10 =	sadd.s32 $0x10, s10;
	s26 =	smov.u32 s8;
	s8 =	sadd.s32 $0x40, s8  }
.Ltmp2:
0x99: {  	(pc) =	sbr.rel @p2 .LBB2_2-.Ltmp2, $4  }
0x9a: {  	_ = 	snop  }
0x9b: {  	s26 =	sand.u32 $0x1E00, s26  }
0x9c: {  	s30 =	sand.u32 $0x70, s10;
	s26 =	sshrl.u32 s26, $0x2  }
0x9d: {  	s26 =	sor.u32 s30, s26  }
0x9e: {  	[tilespmem:s26+$0xA800] =	vst v0;
	s8 =	simm.s32 $0xA800;
	s7 =	sld [smem:$0x7D5]  }
0x9f: {  	[spmem:s23] =	stream.linear.scatter [tilespmem:s8], [sflag:$0xE], $0x800, $0x38;
	[tilespmem:$0x1F378] =	vst v63  }
0xa0: {  	s25 =	sld [smem:$0x7D6]  }
0xa1: {  	[spmem:s7] =	stream.linear.scatter [tilespmem:s8], [sflag:$0xE], $0x800, $0x38;
	[tilespmem:$0x1F378] =	vst v63  }
0xa2: {  	s26 =	sld [smem:$0x7D7]  }
0xa3: {  	[spmem:s25] =	stream.linear.scatter [tilespmem:s8], [sflag:$0xE], $0x800, $0x38;
	[tilespmem:$0x1F378] =	vst v63  }
0xa4: {  	s28 =	sld [smem:$0x7D8]  }
0xa5: {  	[spmem:s26] =	stream.linear.scatter [tilespmem:s8], [sflag:$0xE], $0x800, $0x38;
	[tilespmem:$0x1F378] =	vst v63  }
0xa6: {  	s29 =	sld [smem:$0x7D9]  }
0xa7: {  	[spmem:s28] =	stream.linear.scatter [tilespmem:s8], [sflag:$0xE], $0x800, $0x38;
	[tilespmem:$0x1F378] =	vst v63  }
0xa8: {  	s30 =	sld [smem:$0x7DA]  }
0xa9: {  	[spmem:s29] =	stream.linear.scatter [tilespmem:s8], [sflag:$0xE], $0x800, $0x38;
	[tilespmem:$0x1F378] =	vst v63  }
0xaa: {  	s31 =	sld [smem:$0x7DB]  }
0xab: {  	[spmem:s30] =	stream.linear.scatter [tilespmem:s8], [sflag:$0xE], $0x800, $0x38;
	[tilespmem:$0x1F378] =	vst v63  }
0xac: {  	s1 =	sld [smem:$0x7DC]  }
0xad: {  	[spmem:s31] =	stream.linear.scatter [tilespmem:s8], [sflag:$0xE], $0x800, $0x38;
	[tilespmem:$0x1F378] =	vst v63  }
0xae: {  	s2 =	sld [smem:$0x7DD]  }
0xaf: {  	[spmem:s1] =	stream.linear.scatter [tilespmem:s8], [sflag:$0xE], $0x800, $0x38;
	[tilespmem:$0x1F378] =	vst v63  }
0xb0: {  	s6 =	sld [smem:$0x7DE]  }
0xb1: {  	[spmem:s2] =	stream.linear.scatter [tilespmem:s8], [sflag:$0xE], $0x800, $0x38;
	[tilespmem:$0x1F378] =	vst v63  }
0xb2: {  	s9 =	sld [smem:$0x7DF]  }
0xb3: {  	[spmem:s6] =	stream.linear.scatter [tilespmem:s8], [sflag:$0xE], $0x800, $0x38;
	[tilespmem:$0x1F378] =	vst v63  }
0xb4: {  	s10 =	sld [smem:$0x7E0]  }
0xb5: {  	[spmem:s9] =	stream.linear.scatter [tilespmem:s8], [sflag:$0xE], $0x800, $0x38;
	[tilespmem:$0x1F378] =	vst v63  }
0xb6: {  	s14 =	sld [smem:$0x7E1]  }
0xb7: {  	[spmem:s10] =	stream.linear.scatter [tilespmem:s8], [sflag:$0xE], $0x800, $0x38;
	[tilespmem:$0x1F378] =	vst v63  }
0xb8: {  	s19 =	sld [smem:$0x7E2]  }
0xb9: {  	[spmem:s14] =	stream.linear.scatter [tilespmem:s8], [sflag:$0xE], $0x800, $0x38;
	[tilespmem:$0x1F378] =	vst v63  }
0xba: {  	s22 =	sld [smem:$0x7E3]  }
0xbb: {  	[spmem:s19] =	stream.linear.scatter [tilespmem:s8], [sflag:$0xE], $0x800, $0x38;
	[tilespmem:$0x1F378] =	vst v63  }
0xbc: {  	s23 =	sld [smem:$0x7E4]  }
0xbd: {  	[spmem:s22] =	stream.linear.scatter [tilespmem:s8], [sflag:$0xE], $0x800, $0x38;
	[tilespmem:$0x1F378] =	vst v63  }
0xbe: {  	s24 =	sld [smem:$0x7E5]  }
0xbf: {  	[spmem:s23] =	stream.linear.scatter [tilespmem:s8], [sflag:$0xE], $0x800, $0x38;
	[tilespmem:$0x1F378] =	vst v63  }
0xc0: {  	s25 =	sld [smem:$0x7E6]  }
0xc1: {  	[spmem:s24] =	stream.linear.scatter [tilespmem:s8], [sflag:$0xE], $0x800, $0x38;
	[tilespmem:$0x1F378] =	vst v63  }
0xc2: {  	s26 =	sld [smem:$0x7E7]  }
0xc3: {  	[spmem:s25] =	stream.linear.scatter [tilespmem:s8], [sflag:$0xE], $0x800, $0x38;
	[tilespmem:$0x1F378] =	vst v63  }
0xc4: {  	s28 =	sld [smem:$0x7E8]  }
0xc5: {  	[spmem:s26] =	stream.linear.scatter [tilespmem:s8], [sflag:$0xE], $0x800, $0x38;
	[tilespmem:$0x1F378] =	vst v63  }
0xc6: {  	s29 =	sld [smem:$0x7E9]  }
0xc7: {  	[spmem:s28] =	stream.linear.scatter [tilespmem:s8], [sflag:$0xE], $0x800, $0x38;
	[tilespmem:$0x1F378] =	vst v63  }
0xc8: {  	s30 =	sld [smem:$0x7EA]  }
0xc9: {  	[spmem:s29] =	stream.linear.scatter [tilespmem:s8], [sflag:$0xE], $0x800, $0x38;
	[tilespmem:$0x1F378] =	vst v63  }
0xca: {  	s31 =	sld [smem:$0x7EB]  }
0xcb: {  	[spmem:s30] =	stream.linear.scatter [tilespmem:s8], [sflag:$0xE], $0x800, $0x38;
	[tilespmem:$0x1F378] =	vst v63  }
0xcc: {  	s1 =	sld [smem:$0x7EC]  }
0xcd: {  	[spmem:s31] =	stream.linear.scatter [tilespmem:s8], [sflag:$0xE], $0x800, $0x38;
	[tilespmem:$0x1F378] =	vst v63  }
0xce: {  	s2 =	sld [smem:$0x7ED]  }
0xcf: {  	[spmem:s1] =	stream.linear.scatter [tilespmem:s8], [sflag:$0xE], $0x800, $0x38;
	[tilespmem:$0x1F378] =	vst v63  }
0xd0: {  	s6 =	sld [smem:$0x7EE]  }
0xd1: {  	[spmem:s2] =	stream.linear.scatter [tilespmem:s8], [sflag:$0xE], $0x800, $0x38;
	[tilespmem:$0x1F378] =	vst v63  }
0xd2: {  	s9 =	sld [smem:$0x7EF]  }
0xd3: {  	[spmem:s6] =	stream.linear.scatter [tilespmem:s8], [sflag:$0xE], $0x800, $0x38;
	[tilespmem:$0x1F378] =	vst v63  }
0xd4: {  	s10 =	sld [smem:$0x7F0]  }
0xd5: {  	[spmem:s9] =	stream.linear.scatter [tilespmem:s8], [sflag:$0xE], $0x800, $0x38;
	[tilespmem:$0x1F378] =	vst v63  }
0xd6: {  	s14 =	sld [smem:$0x7F1]  }
0xd7: {  	[spmem:s10] =	stream.linear.scatter [tilespmem:s8], [sflag:$0xE], $0x800, $0x38;
	[tilespmem:$0x1F378] =	vst v63  }
0xd8: {  	s19 =	sld [smem:$0x7F2]  }
0xd9: {  	[spmem:s14] =	stream.linear.scatter [tilespmem:s8], [sflag:$0xE], $0x800, $0x38;
	[tilespmem:$0x1F378] =	vst v63  }
0xda: {  	s22 =	sld [smem:$0x7F3]  }
0xdb: {  	[spmem:s19] =	stream.linear.scatter [tilespmem:s8], [sflag:$0xE], $0x800, $0x38;
	[tilespmem:$0x1F378] =	vst v63  }
0xdc: {  	s23 =	sld [smem:$0x7F4]  }
0xdd: {  	[spmem:s22] =	stream.linear.scatter [tilespmem:s8], [sflag:$0xE], $0x800, $0x38;
	[tilespmem:$0x1F378] =	vst v63  }
0xde: {  	s24 =	sld [smem:$0x7F5]  }
0xdf: {  	[spmem:s23] =	stream.linear.scatter [tilespmem:s8], [sflag:$0xE], $0x800, $0x38;
	[tilespmem:$0x1F378] =	vst v63  }
0xe0: {  	s25 =	sld [smem:$0x7F6]  }
0xe1: {  	[spmem:s24] =	stream.linear.scatter [tilespmem:s8], [sflag:$0xE], $0x800, $0x38;
	[tilespmem:$0x1F378] =	vst v63  }
0xe2: {  	s26 =	sld [smem:$0x7F7]  }
0xe3: {  	[spmem:s25] =	stream.linear.scatter [tilespmem:s8], [sflag:$0xE], $0x800, $0x38;
	[tilespmem:$0x1F378] =	vst v63  }
0xe4: {  	s28 =	sld [smem:$0x7F8]  }
0xe5: {  	[spmem:s26] =	stream.linear.scatter [tilespmem:s8], [sflag:$0xE], $0x800, $0x38;
	[tilespmem:$0x1F378] =	vst v63  }
0xe6: {  	s29 =	sld [smem:$0x7F9]  }
0xe7: {  	[spmem:s28] =	stream.linear.scatter [tilespmem:s8], [sflag:$0xE], $0x800, $0x38;
	[tilespmem:$0x1F378] =	vst v63  }
0xe8: {  	s30 =	sld [smem:$0x7FA]  }
0xe9: {  	[spmem:s29] =	stream.linear.scatter [tilespmem:s8], [sflag:$0xE], $0x800, $0x38;
	[tilespmem:$0x1F378] =	vst v63  }
0xea: {  	s31 =	sld [smem:$0x7FB]  }
0xeb: {  	[spmem:s30] =	stream.linear.scatter [tilespmem:s8], [sflag:$0xE], $0x800, $0x38;
	[tilespmem:$0x1F378] =	vst v63  }
0xec: {  	_ = 	snop  }
0xed: {  	[spmem:s31] =	stream.linear.scatter [tilespmem:s8], [sflag:$0xE], $0x800, $0x38;
	[tilespmem:$0x1F378] =	vst v63  }
0xee: {  	[tilespmem:$0x1E880] =	vst v1  }
0xef: {  	[tilespmem:$0x1E890] =	vst v1  }
0xf0: {  	[tilespmem:$0x1E8A0] =	vst v1  }
0xf1: {  	[tilespmem:$0x1E8B0] =	vst v1  }
0xf2: {  	s10 =	simm.s32 $0x0;
	s8 =	simm.s32 $0x40;
	[tilespmem:$0x1E8C0] =	vst v1  }
.LBB2_4:
0xf3: {  	p2 =	sne.s32 s8, $0x1F00;
	[tilespmem:s10+$0x1E900] =	vst v0;
	s10 =	smov.u32 s8;
	s8 =	sadd.s32 $0x40, s8  }
.Ltmp3:
0xf4: {  	(pc) =	sbr.rel @p2 .LBB2_4-.Ltmp3, $2  }
0xf5: {  	_ =	sdelay $0x2  }
0xf6: {  	s10 =	sshra.s32 s10, $0x2  }
0xf7: {  	s7 =	sld [smem:$0x7CA];
	_ =	sdelay $0x1  }
0xf8: {  	[tilespmem:s10+$0x1E900] =	vst v0;
	s8 =	simm.s32 @!p4 $0x1E900  }
0xf9: {  	[spmem:s7] =	stream.linear.scatter @!p4 [tilespmem:s8], [sflag:$0xF], $0x7D0, $0x38;
	[tilespmem:$0x1F378] =	vst v63  }
0xfa: {  	s8 =	simm.s32 @!p4 $0xF  }
0xfb: {  	_ =	swait.ge @!p4 [sflag:s8], $0x7D0  }
0xfc: {  	[sflag:s8] =	ssyncset.done @!p4 $0x0  }
0xfd: {  	s7 =	simm.s32 $0xE;
	[sflag:s8] =	ssyncadd.s32 @!p4 $0xFFFFF830  }
0xfe: {  	s14 =	simm.s32 $0x480;
	s9 =	simm.s32 $0x180;
	_ =	swait.ge [sflag:s7], $0x800  }
0xff: {  	s2 =	simm.s32 $0x200;
	s8 =	simm.s32 $0x27;
	[sflag:s7] =	ssyncset.done $0x0  }
.LBB2_6:
0x100: {  	p2 =	sne.s32 s8, $0x1;
	s8 =	sadd.s32 $0xFFFFFFFF, s8;
	[sflag:s7] =	ssyncadd.s32 $0xFFFFF800  }
.Ltmp4:
0x101: {  	(pc) =	sbr.rel @p2 .LBB2_6-.Ltmp4, $3  }
0x102: {  	_ =	sdelay $0x1  }
0x103: {  	_ =	swait.ge [sflag:s7], $0x800  }
0x104: {  	[sflag:s7] =	ssyncset.done $0x0  }
0x105: {  	[sflag:s7] =	ssyncadd.s32 $0xFFFFF800  }
0x106: {  	[bflag:$0x0] =	sbarrier.arrive $0xFFFF  }
0x107: {  	_ =	swait.ge [sflag:s16], $0x50  }
0x108: {  	[sflag:s16] =	ssyncset.done $0x0  }
0x109: {  	[sflag:s16] =	ssyncadd.s32 $0xFFFFFFB0  }
0x10a: {  	_ =	swait.ge [sflag:s16], $0x50  }
0x10b: {  	s8 =	simm.s32 $0x0;
	[sflag:s16] =	ssyncset.done $0x0  }
0x10c: {  	s19 =	simm.s32 $0x800;
	s29 =	simm.s32 $0x2;
	[sflag:s16] =	ssyncadd.s32 $0xFFFFFFB0  }
0x10d: {  	[tilespmem:s19], [sflag:$0x9] =	stream.indirect.gather [hbm4b:s3+s17], $0x80, s8, s17, $0xb8;
	[tilespmem:$0x1F378] =	vst v63  }
0x10e: {  	_ =	swait.ge [sflag:s29], $0x50  }
0x10f: {  	[sflag:s29] =	ssyncset.done $0x0  }
0x110: {  	[sflag:s29] =	ssyncadd.s32 $0xFFFFFFB0  }
0x111: {  	_ =	swait.ge [sflag:s29], $0x50  }
0x112: {  	[sflag:s29] =	ssyncset.done $0x0  }
0x113: {  	s23 =	simm.s32 $0x3000;
	s28 =	rddreg [dreg:$0x13];
	[sflag:s29] =	ssyncadd.s32 $0xFFFFFFB0  }
0x114: {  	[tilespmem:s23], [sflag:$0xA] =	stream.indirect.gather [hbm4b:s3+s17], $0x80, s11, s17, $0xb8;
	[tilespmem:$0x1F378] =	vst v63  }
0x115: {  	s26 =	simm.s32 $0x300;
	s10 =	rddreg [dreg:$0x12];
	s8 =	sadd.s32 $0x0, s28  }
0x116: {  	[tilespmem:s26], [sflag:$0x7] =	stream.linear.gather [hbm4b:s8+s12], $0x50, $0x38;
	[tilespmem:$0x1F378] =	vst v63  }
0x117: {  	s1 =	simm.s32 $0x700;
	s6 =	simm.s32 $0x3;
	s31 =	sadd.s32 $0x0, s10  }
0x118: {  	[tilespmem:s1], [sflag:$0x7] =	stream.linear.gather [hbm4b:s31+s12], $0x50, $0x38;
	[tilespmem:$0x1F378] =	vst v63  }
0x119: {  	_ =	swait.ge [sflag:s6], $0x50  }
0x11a: {  	[sflag:s6] =	ssyncset.done $0x0  }
0x11b: {  	[sflag:s6] =	ssyncadd.s32 $0xFFFFFFB0  }
0x11c: {  	_ =	swait.ge [sflag:s6], $0x50  }
0x11d: {  	s25 =	simm.s32 $0x100;
	[sflag:s6] =	ssyncset.done $0x0  }
0x11e: {  	s24 =	simm.s32 $0x5800;
	[sflag:s6] =	ssyncadd.s32 $0xFFFFFFB0;
	s6 =	simm.s32 $0x9  }
0x11f: {  	[tilespmem:s24], [sflag:$0xB] =	stream.indirect.gather [hbm4b:s3+s17], $0x80, s25, s17, $0xb8;
	[tilespmem:$0x1F378] =	vst v63  }
0x120: {  	_ =	swait.ge [sflag:s6], $0x2800  }
0x121: {  	p2 =	por $0x1, $0x1;
	[sflag:s6] =	ssyncset.done $0x0  }
0x122: {  	s8 =	simm.s32 @!p2 $0xD;
	[sflag:s6] =	ssyncadd.s32 $0xFFFFD800  }
0x123: {  	_ =	swait.ge @!p2 [sflag:s8], $0x2800  }
0x124: {  	[sflag:s8] =	ssyncset.done @!p2 $0x0  }
0x125: {  	[sflag:s8] =	ssyncadd.s32 @!p2 $0xFFFFD800  }
0x126: {  	[spmem:s4] =	stream.indirect.scatter.add.f32 [tilespmem:s19], [sflag:$0xD], $0x80, s18, s17, $0xb8;
	[tilespmem:$0x1F378] =	vst v63  }
0x127: {  	_ = 	snop  }
0x128: {  	[spmem:s20] =	stream.indirect.scatter.add.f32 [tilespmem:s0], [sflag:$0xF], $0x1, s18, s17, $0xb8;
	[tilespmem:$0x1F378] =	vst v63  }
0x129: {  	_ =	swait.ge [sflag:s21], $0x50  }
0x12a: {  	s30 =	simm.s32 $0x380;
	s1 =	rddreg [dreg:$0x11];
	[sflag:s21] =	ssyncset.done $0x0  }
0x12b: {  	s7 =	rddreg [dreg:$0x10];
	[sflag:s21] =	ssyncadd.s32 $0xFFFFFFB0;
	s8 =	sadd.s32 $0x0, s1  }
0x12c: {  	[tilespmem:s30], [sflag:$0x8] =	stream.linear.gather [hbm4b:s8+s12], $0x50, $0x38;
	[tilespmem:$0x1F378] =	vst v63  }
0x12d: {  	s22 =	simm.s32 $0x780;
	s28 =	simm.s32 $0x4;
	s10 =	sadd.s32 $0x0, s7  }
0x12e: {  	[tilespmem:s22], [sflag:$0x8] =	stream.linear.gather [hbm4b:s10+s12], $0x50, $0x38;
	[tilespmem:$0x1F378] =	vst v63  }
0x12f: {  	_ =	swait.ge [sflag:s28], $0x50  }
0x130: {  	[sflag:s28] =	ssyncset.done $0x0  }
0x131: {  	[sflag:s28] =	ssyncadd.s32 $0xFFFFFFB0  }
0x132: {  	_ =	swait.ge [sflag:s28], $0x50  }
0x133: {  	[sflag:s28] =	ssyncset.done $0x0  }
0x134: {  	[sflag:s28] =	ssyncadd.s32 $0xFFFFFFB0;
	s28 =	simm.s32 $0x8000  }
0x135: {  	[tilespmem:s28], [sflag:$0xC] =	stream.indirect.gather [hbm4b:s3+s17], $0x80, s9, s17, $0xb8;
	[tilespmem:$0x1F378] =	vst v63  }
0x136: {  	s9 =	simm.s32 $0xA  }
0x137: {  	_ =	swait.ge [sflag:s9], $0x2800  }
0x138: {  	[sflag:s9] =	ssyncset.done $0x0  }
0x139: {  	[sflag:s9] =	ssyncadd.s32 $0xFFFFD800  }
0x13a: {  	_ =	swait.ge [sflag:s15], $0x2800  }
0x13b: {  	[sflag:s15] =	ssyncset.done $0x0  }
0x13c: {  	[sflag:s15] =	ssyncadd.s32 $0xFFFFD800  }
0x13d: {  	[spmem:s4] =	stream.indirect.scatter.add.f32 [tilespmem:s23], [sflag:$0xD], $0x80, s14, s17, $0xb8;
	[tilespmem:$0x1F378] =	vst v63  }
0x13e: {  	_ = 	snop  }
0x13f: {  	[spmem:s20] =	stream.indirect.scatter.add.f32 [tilespmem:s0], [sflag:$0xF], $0x1, s14, s17, $0xb8;
	[tilespmem:$0x1F378] =	vst v63  }
0x140: {  	_ =	swait.ge [sflag:s21], $0x50  }
0x141: {  	s7 =	sld [smem:$0x7D3];
	_ =	sdelay $0x2  }
0x142: {  	[sflag:s21] =	ssyncset.done $0x0;
	s31 =	sshrl.u32 s7, $0x3  }
0x143: {  	[sflag:s21] =	ssyncadd.s32 $0xFFFFFFB0;
	s0 =	sadd.s32 s5, s31  }
0x144: {  	[tilespmem:s12], [sflag:$0x1] =	stream.linear.gather [hbm4b:s0+s12], $0x50, $0x38;
	[tilespmem:$0x1F378] =	vst v63  }
0x145: {  	s1 =	simm.s32 $0x5;
	s8 =	sadd.s32 s13, s31  }
0x146: {  	[tilespmem:s18], [sflag:$0x1] =	stream.linear.gather [hbm4b:s8+s12], $0x50, $0x38;
	[tilespmem:$0x1F378] =	vst v63  }
0x147: {  	_ =	swait.ge [sflag:s1], $0x50  }
0x148: {  	[sflag:s1] =	ssyncset.done $0x0  }
0x149: {  	[sflag:s1] =	ssyncadd.s32 $0xFFFFFFB0  }
0x14a: {  	_ =	swait.ge [sflag:s1], $0x50  }
0x14b: {  	[sflag:s1] =	ssyncset.done $0x0  }
0x14c: {  	[sflag:s1] =	ssyncadd.s32 $0xFFFFFFB0  }
0x14d: {  	[tilespmem:s19], [sflag:$0x9] =	stream.indirect.gather [hbm4b:s3+s17], $0x80, s2, s17, $0xb8;
	[tilespmem:$0x1F378] =	vst v63  }
0x14e: {  	s2 =	simm.s32 $0xB  }
0x14f: {  	_ =	swait.ge [sflag:s2], $0x2800  }
0x150: {  	[sflag:s2] =	ssyncset.done $0x0  }
0x151: {  	[sflag:s2] =	ssyncadd.s32 $0xFFFFD800  }
0x152: {  	_ =	swait.ge [sflag:s15], $0x2800  }
0x153: {  	[sflag:s15] =	ssyncset.done $0x0  }
0x154: {  	s31 =	simm.s32 $0x500;
	[sflag:s15] =	ssyncadd.s32 $0xFFFFD800  }
0x155: {  	[spmem:s4] =	stream.indirect.scatter.add.f32 [tilespmem:s24], [sflag:$0xD], $0x80, s31, s17, $0xb8;
	[tilespmem:$0x1F378] =	vst v63  }
0x156: {  	s0 =	simm.s32 $0x1E880  }
0x157: {  	[spmem:s20] =	stream.indirect.scatter.add.f32 [tilespmem:s0], [sflag:$0xF], $0x1, s31, s17, $0xb8;
	[tilespmem:$0x1F378] =	vst v63  }
0x158: {  	_ =	swait.ge [sflag:s21], $0x50  }
0x159: {  	s10 =	rddreg [dreg:$0x7];
	[sflag:s21] =	ssyncset.done $0x0  }
0x15a: {  	s22 =	rddreg [dreg:$0x6];
	[sflag:s21] =	ssyncadd.s32 $0xFFFFFFB0;
	s8 =	sadd.s32 $0x0, s10  }
0x15b: {  	[tilespmem:s11], [sflag:$0x2] =	stream.linear.gather [hbm4b:s8+s12], $0x50, $0x38;
	[tilespmem:$0x1F378] =	vst v63  }
0x15c: {  	s1 =	sadd.s32 $0x0, s22;
	s10 =	simm.s32 $0x6  }
0x15d: {  	[tilespmem:s14], [sflag:$0x2] =	stream.linear.gather [hbm4b:s1+s12], $0x50, $0x38;
	[tilespmem:$0x1F378] =	vst v63  }
0x15e: {  	_ =	swait.ge [sflag:s10], $0x50  }
0x15f: {  	[sflag:s10] =	ssyncset.done $0x0  }
0x160: {  	[sflag:s10] =	ssyncadd.s32 $0xFFFFFFB0  }
0x161: {  	_ =	swait.ge [sflag:s10], $0x50  }
0x162: {  	[sflag:s10] =	ssyncset.done $0x0  }
0x163: {  	s22 =	simm.s32 $0x280;
	s1 =	simm.s32 $0xC;
	[sflag:s10] =	ssyncadd.s32 $0xFFFFFFB0  }
0x164: {  	[tilespmem:s23], [sflag:$0xA] =	stream.indirect.gather [hbm4b:s3+s17], $0x80, s22, s17, $0xb8;
	[tilespmem:$0x1F378] =	vst v63  }
0x165: {  	_ =	swait.ge [sflag:s1], $0x2800  }
0x166: {  	[sflag:s1] =	ssyncset.done $0x0  }
0x167: {  	[sflag:s1] =	ssyncadd.s32 $0xFFFFD800  }
0x168: {  	_ =	swait.ge [sflag:s15], $0x2800  }
0x169: {  	[sflag:s15] =	ssyncset.done $0x0  }
0x16a: {  	s22 =	simm.s32 $0x580;
	[sflag:s15] =	ssyncadd.s32 $0xFFFFD800  }
0x16b: {  	[spmem:s4] =	stream.indirect.scatter.add.f32 [tilespmem:s28], [sflag:$0xD], $0x80, s22, s17, $0xb8;
	[tilespmem:$0x1F378] =	vst v63  }
0x16c: {  	_ = 	snop  }
0x16d: {  	[spmem:s20] =	stream.indirect.scatter.add.f32 [tilespmem:s0], [sflag:$0xF], $0x1, s22, s17, $0xb8;
	[tilespmem:$0x1F378] =	vst v63  }
0x16e: {  	_ =	swait.ge [sflag:s21], $0x50  }
0x16f: {  	s8 =	rddreg [dreg:$0x9];
	[sflag:s21] =	ssyncset.done $0x0  }
0x170: {  	s10 =	rddreg [dreg:$0x8];
	[sflag:s21] =	ssyncadd.s32 $0xFFFFFFB0;
	s8 =	sadd.s32 $0x0, s8  }
0x171: {  	[tilespmem:s25], [sflag:$0x3] =	stream.linear.gather [hbm4b:s8+s12], $0x50, $0x38;
	[tilespmem:$0x1F378] =	vst v63  }
0x172: {  	s25 =	sadd.s32 $0x0, s10  }
0x173: {  	[tilespmem:s31], [sflag:$0x3] =	stream.linear.gather [hbm4b:s25+s12], $0x50, $0x38;
	[tilespmem:$0x1F378] =	vst v63  }
0x174: {  	s31 =	simm.s32 $0x7  }
0x175: {  	_ =	swait.ge [sflag:s31], $0x50  }
0x176: {  	[sflag:s31] =	ssyncset.done $0x0  }
0x177: {  	[sflag:s31] =	ssyncadd.s32 $0xFFFFFFB0  }
0x178: {  	_ =	swait.ge [sflag:s31], $0x50  }
0x179: {  	[sflag:s31] =	ssyncset.done $0x0  }
0x17a: {  	[sflag:s31] =	ssyncadd.s32 $0xFFFFFFB0  }
0x17b: {  	[tilespmem:s24], [sflag:$0xB] =	stream.indirect.gather [hbm4b:s3+s17], $0x80, s26, s17, $0xb8;
	[tilespmem:$0x1F378] =	vst v63  }
0x17c: {  	_ =	swait.ge [sflag:s6], $0x2800  }
0x17d: {  	[sflag:s6] =	ssyncset.done $0x0  }
0x17e: {  	[sflag:s6] =	ssyncadd.s32 $0xFFFFD800  }
0x17f: {  	_ =	swait.ge [sflag:s15], $0x2800  }
0x180: {  	[sflag:s15] =	ssyncset.done $0x0  }
0x181: {  	s31 =	simm.s32 $0x600;
	[sflag:s15] =	ssyncadd.s32 $0xFFFFD800  }
0x182: {  	[spmem:s4] =	stream.indirect.scatter.add.f32 [tilespmem:s19], [sflag:$0xD], $0x80, s31, s17, $0xb8;
	[tilespmem:$0x1F378] =	vst v63  }
0x183: {  	_ = 	snop  }
0x184: {  	[spmem:s20] =	stream.indirect.scatter.add.f32 [tilespmem:s0], [sflag:$0xF], $0x1, s31, s17, $0xb8;
	[tilespmem:$0x1F378] =	vst v63  }
0x185: {  	_ =	swait.ge [sflag:s21], $0x50  }
0x186: {  	s26 =	simm.s32 $0x180;
	s10 =	rddreg [dreg:$0xb];
	[sflag:s21] =	ssyncset.done $0x0  }
0x187: {  	s25 =	rddreg [dreg:$0xa];
	[sflag:s21] =	ssyncadd.s32 $0xFFFFFFB0;
	s8 =	sadd.s32 $0x0, s10  }
0x188: {  	[tilespmem:s26], [sflag:$0x4] =	stream.linear.gather [hbm4b:s8+s12], $0x50, $0x38;
	[tilespmem:$0x1F378] =	vst v63  }
0x189: {  	s25 =	sadd.s32 $0x0, s25;
	s26 =	simm.s32 $0x8  }
0x18a: {  	[tilespmem:s22], [sflag:$0x4] =	stream.linear.gather [hbm4b:s25+s12], $0x50, $0x38;
	[tilespmem:$0x1F378] =	vst v63  }
0x18b: {  	_ =	swait.ge [sflag:s26], $0x50  }
0x18c: {  	[sflag:s26] =	ssyncset.done $0x0  }
0x18d: {  	[sflag:s26] =	ssyncadd.s32 $0xFFFFFFB0  }
0x18e: {  	_ =	swait.ge [sflag:s26], $0x50  }
0x18f: {  	[sflag:s26] =	ssyncset.done $0x0  }
0x190: {  	[sflag:s26] =	ssyncadd.s32 $0xFFFFFFB0  }
0x191: {  	[tilespmem:s28], [sflag:$0xC] =	stream.indirect.gather [hbm4b:s3+s17], $0x80, s30, s17, $0xb8;
	[tilespmem:$0x1F378] =	vst v63  }
0x192: {  	_ =	swait.ge [sflag:s9], $0x2800  }
0x193: {  	[sflag:s9] =	ssyncset.done $0x0  }
0x194: {  	[sflag:s9] =	ssyncadd.s32 $0xFFFFD800  }
0x195: {  	_ =	swait.ge [sflag:s15], $0x2800  }
0x196: {  	[sflag:s15] =	ssyncset.done $0x0  }
0x197: {  	s9 =	simm.s32 $0x680;
	[sflag:s15] =	ssyncadd.s32 $0xFFFFD800  }
0x198: {  	[spmem:s4] =	stream.indirect.scatter.add.f32 [tilespmem:s23], [sflag:$0xD], $0x80, s9, s17, $0xb8;
	[tilespmem:$0x1F378] =	vst v63  }
0x199: {  	_ = 	snop  }
0x19a: {  	[spmem:s20] =	stream.indirect.scatter.add.f32 [tilespmem:s0], [sflag:$0xF], $0x1, s9, s17, $0xb8;
	[tilespmem:$0x1F378] =	vst v63  }
0x19b: {  	_ =	swait.ge [sflag:s21], $0x50  }
0x19c: {  	s25 =	simm.s32 $0x200;
	s10 =	rddreg [dreg:$0xd];
	[sflag:s21] =	ssyncset.done $0x0  }
0x19d: {  	s22 =	rddreg [dreg:$0xc];
	[sflag:s21] =	ssyncadd.s32 $0xFFFFFFB0;
	s8 =	sadd.s32 $0x0, s10  }
0x19e: {  	[tilespmem:s25], [sflag:$0x5] =	stream.linear.gather [hbm4b:s8+s12], $0x50, $0x38;
	[tilespmem:$0x1F378] =	vst v63  }
0x19f: {  	s26 =	sadd.s32 $0x0, s22  }
0x1a0: {  	[tilespmem:s31], [sflag:$0x5] =	stream.linear.gather [hbm4b:s26+s12], $0x50, $0x38;
	[tilespmem:$0x1F378] =	vst v63  }
0x1a1: {  	_ =	swait.ge [sflag:s16], $0x50  }
0x1a2: {  	[sflag:s16] =	ssyncset.done $0x0  }
0x1a3: {  	[sflag:s16] =	ssyncadd.s32 $0xFFFFFFB0  }
0x1a4: {  	_ =	swait.ge [sflag:s16], $0x50  }
0x1a5: {  	[sflag:s16] =	ssyncset.done $0x0  }
0x1a6: {  	[sflag:s16] =	ssyncadd.s32 $0xFFFFFFB0  }
0x1a7: {  	[tilespmem:s19], [sflag:$0x9] =	stream.indirect.gather [hbm4b:s3+s17], $0x80, s12, s17, $0xb8;
	[tilespmem:$0x1F378] =	vst v63  }
0x1a8: {  	_ =	swait.ge [sflag:s2], $0x2800  }
0x1a9: {  	[sflag:s2] =	ssyncset.done $0x0  }
0x1aa: {  	[sflag:s2] =	ssyncadd.s32 $0xFFFFD800  }
0x1ab: {  	_ =	swait.ge [sflag:s15], $0x2800  }
0x1ac: {  	[sflag:s15] =	ssyncset.done $0x0  }
0x1ad: {  	s31 =	simm.s32 $0x700;
	[sflag:s15] =	ssyncadd.s32 $0xFFFFD800  }
0x1ae: {  	[spmem:s4] =	stream.indirect.scatter.add.f32 [tilespmem:s24], [sflag:$0xD], $0x80, s31, s17, $0xb8;
	[tilespmem:$0x1F378] =	vst v63  }
0x1af: {  	p2 =	por $0x0, $0x0  }
0x1b0: {  	[spmem:s20] =	stream.indirect.scatter.add.f32 [tilespmem:s0], [sflag:$0xF], $0x1, s31, s17, $0xb8;
	[tilespmem:$0x1F378] =	vst v63  }
0x1b1: {  	s30 =	simm.s32 @!p2 $0x280;
	_ =	swait.ge [sflag:s21], $0x50  }
0x1b2: {  	s26 =	simm.s32 @!p2 $0x0;
	s8 =	rddreg [dreg:$0xf];
	[sflag:s21] =	ssyncset.done $0x0  }
0x1b3: {  	s10 =	rddreg [dreg:$0xe];
	[sflag:s21] =	ssyncadd.s32 $0xFFFFFFB0;
	s8 =	sadd.s32 @!p2 $0x0, s8  }
0x1b4: {  	[tilespmem:s30], [sflag:$0x6] =	stream.linear.gather @!p2 [hbm4b:s8+s26], $0x50, $0x38;
	[tilespmem:$0x1F378] =	vst v63  }
0x1b5: {  	s10 =	sadd.s32 @!p2 $0x0, s10;
	s8 =	simm.s32 @!p2 $0x680  }
0x1b6: {  	[tilespmem:s8], [sflag:$0x6] =	stream.linear.gather @!p2 [hbm4b:s10+s26], $0x50, $0x38;
	[tilespmem:$0x1F378] =	vst v63  }
0x1b7: {  	_ =	swait.ge [sflag:s29], $0x50  }
0x1b8: {  	[sflag:s29] =	ssyncset.done $0x0  }
0x1b9: {  	[sflag:s29] =	ssyncadd.s32 $0xFFFFFFB0  }
0x1ba: {  	_ =	swait.ge [sflag:s29], $0x50  }
0x1bb: {  	[sflag:s29] =	ssyncset.done $0x0  }
0x1bc: {  	[sflag:s29] =	ssyncadd.s32 $0xFFFFFFB0  }
0x1bd: {  	[tilespmem:s23], [sflag:$0xA] =	stream.indirect.gather [hbm4b:s3+s17], $0x80, s11, s17, $0xb8;
	[tilespmem:$0x1F378] =	vst v63  }
0x1be: {  	_ =	swait.ge [sflag:s1], $0x2800  }
0x1bf: {  	[sflag:s1] =	ssyncset.done $0x0  }
0x1c0: {  	[sflag:s1] =	ssyncadd.s32 $0xFFFFD800  }
0x1c1: {  	_ =	swait.ge [sflag:s15], $0x2800  }
0x1c2: {  	[sflag:s15] =	ssyncset.done $0x0  }
0x1c3: {  	s14 =	simm.s32 $0x780;
	[sflag:s15] =	ssyncadd.s32 $0xFFFFD800  }
0x1c4: {  	[spmem:s4] =	stream.indirect.scatter.add.f32 [tilespmem:s28], [sflag:$0xD], $0x80, s14, s17, $0xb8;
	[tilespmem:$0x1F378] =	vst v63  }
0x1c5: {  	s6 =	smov.u32 s20;
	s30 =	simm.s32 $0x50;
	s8 =	simm.s32 $0xA0  }
0x1c6: {  	[spmem:s20] =	stream.indirect.scatter.add.f32 [tilespmem:s0], [sflag:$0xF], $0x1, s14, s17, $0xb8;
	[tilespmem:$0x1F378] =	vst v63  }
0x1c7: {  	s26 =	sadd.s32 $0x280, s7;
	s7 =	simm.s32 $0x3000;
	_ =	swait.ge [sflag:s21], $0x50  }
.LBB2_8:
0x1c8: {  	s14 =	rddreg [dreg:$0x13];
	[sflag:s21] =	ssyncset.done $0x0  }
0x1c9: {  	s0 =	smov.u32 s8;
	s23 =	rddreg [dreg:$0x12];
	s31 =	simm.s32 $0x300  }
0x1ca: {  	s2 =	simm.s32 $0x700;
	[sflag:s21] =	ssyncadd.s32 $0xFFFFFFB0;
	s14 =	sadd.s32 s30, s14  }
0x1cb: {  	[tilespmem:s31], [sflag:$0x7] =	stream.linear.gather [hbm4b:s14+s12], $0x50, $0x38;
	[tilespmem:$0x1F378] =	vst v63  }
0x1cc: {  	s9 =	simm.s32 $0x3;
	[dreg:$0x14] =	wrdreg s0;
	s1 =	sadd.s32 s30, s23  }
0x1cd: {  	[tilespmem:s2], [sflag:$0x7] =	stream.linear.gather [hbm4b:s1+s12], $0x50, $0x38;
	[tilespmem:$0x1F378] =	vst v63  }
0x1ce: {  	_ =	swait.ge [sflag:s9], $0x50  }
0x1cf: {  	[sflag:s9] =	ssyncset.done $0x0  }
0x1d0: {  	[sflag:s9] =	ssyncadd.s32 $0xFFFFFFB0  }
0x1d1: {  	_ =	swait.ge [sflag:s9], $0x50  }
0x1d2: {  	s24 =	simm.s32 $0x5800;
	[sflag:s9] =	ssyncset.done $0x0  }
0x1d3: {  	s29 =	simm.s32 $0x100;
	s31 =	simm.s32 $0x9;
	[sflag:s9] =	ssyncadd.s32 $0xFFFFFFB0  }
0x1d4: {  	[tilespmem:s24], [sflag:$0xB] =	stream.indirect.gather [hbm4b:s3+s17], $0x80, s29, s17, $0xb8;
	[tilespmem:$0x1F378] =	vst v63  }
0x1d5: {  	_ =	swait.ge [sflag:s31], $0x2800  }
0x1d6: {  	p2 =	seq.s32 s30, $0x0;
	[sflag:s31] =	ssyncset.done $0x0  }
0x1d7: {  	s14 =	simm.s32 @!p2 $0xD;
	[sflag:s31] =	ssyncadd.s32 $0xFFFFD800  }
0x1d8: {  	_ =	swait.ge @!p2 [sflag:s14], $0x2800  }
0x1d9: {  	[sflag:s14] =	ssyncset.done @!p2 $0x0  }
0x1da: {  	s19 =	simm.s32 $0x800;
	[sflag:s14] =	ssyncadd.s32 @!p2 $0xFFFFD800  }
0x1db: {  	[spmem:s4] =	stream.indirect.scatter.add.f32 [tilespmem:s19], [sflag:$0xD], $0x80, s18, s17, $0xb8;
	[tilespmem:$0x1F378] =	vst v63  }
0x1dc: {  	s22 =	simm.s32 $0x1E880  }
0x1dd: {  	[spmem:s6] =	stream.indirect.scatter.add.f32 [tilespmem:s22], [sflag:$0xF], $0x1, s18, s17, $0xb8;
	[tilespmem:$0x1F378] =	vst v63  }
0x1de: {  	_ =	swait.ge [sflag:s21], $0x50  }
0x1df: {  	s25 =	simm.s32 $0x380;
	s10 =	rddreg [dreg:$0x11];
	[sflag:s21] =	ssyncset.done $0x0  }
0x1e0: {  	s20 =	rddreg [dreg:$0x10];
	[sflag:s21] =	ssyncadd.s32 $0xFFFFFFB0;
	s14 =	sadd.s32 s30, s10  }
0x1e1: {  	[tilespmem:s25], [sflag:$0x8] =	stream.linear.gather [hbm4b:s14+s12], $0x50, $0x38;
	[tilespmem:$0x1F378] =	vst v63  }
0x1e2: {  	s16 =	simm.s32 $0x780;
	s28 =	simm.s32 $0x4;
	s23 =	sadd.s32 s30, s20  }
0x1e3: {  	[tilespmem:s16], [sflag:$0x8] =	stream.linear.gather [hbm4b:s23+s12], $0x50, $0x38;
	[tilespmem:$0x1F378] =	vst v63  }
0x1e4: {  	_ =	swait.ge [sflag:s28], $0x50  }
0x1e5: {  	[sflag:s28] =	ssyncset.done $0x0  }
0x1e6: {  	[sflag:s28] =	ssyncadd.s32 $0xFFFFFFB0  }
0x1e7: {  	_ =	swait.ge [sflag:s28], $0x50  }
0x1e8: {  	s9 =	simm.s32 $0xA;
	[sflag:s28] =	ssyncset.done $0x0  }
0x1e9: {  	s10 =	simm.s32 $0x180;
	[sflag:s28] =	ssyncadd.s32 $0xFFFFFFB0;
	s28 =	simm.s32 $0x8000  }
0x1ea: {  	[tilespmem:s28], [sflag:$0xC] =	stream.indirect.gather [hbm4b:s3+s17], $0x80, s10, s17, $0xb8;
	[tilespmem:$0x1F378] =	vst v63  }
0x1eb: {  	_ =	swait.ge [sflag:s9], $0x2800  }
0x1ec: {  	[sflag:s9] =	ssyncset.done $0x0  }
0x1ed: {  	[sflag:s9] =	ssyncadd.s32 $0xFFFFD800  }
0x1ee: {  	_ =	swait.ge [sflag:s15], $0x2800  }
0x1ef: {  	[sflag:s15] =	ssyncset.done $0x0  }
0x1f0: {  	s1 =	simm.s32 $0x480;
	[sflag:s15] =	ssyncadd.s32 $0xFFFFD800  }
0x1f1: {  	[spmem:s4] =	stream.indirect.scatter.add.f32 [tilespmem:s7], [sflag:$0xD], $0x80, s1, s17, $0xb8;
	[tilespmem:$0x1F378] =	vst v63  }
0x1f2: {  	_ = 	snop  }
0x1f3: {  	[spmem:s6] =	stream.indirect.scatter.add.f32 [tilespmem:s22], [sflag:$0xF], $0x1, s1, s17, $0xb8;
	[tilespmem:$0x1F378] =	vst v63  }
0x1f4: {  	_ =	swait.ge [sflag:s21], $0x50  }
0x1f5: {  	s0 =	sshrl.u32 s26, $0x3;
	[sflag:s21] =	ssyncset.done $0x0  }
0x1f6: {  	s20 =	smov.u32 s5;
	s5 =	sadd.s32 s5, s0;
	[sflag:s21] =	ssyncadd.s32 $0xFFFFFFB0  }
0x1f7: {  	[tilespmem:s12], [sflag:$0x1] =	stream.linear.gather [hbm4b:s5+s12], $0x50, $0x38;
	[tilespmem:$0x1F378] =	vst v63  }
0x1f8: {  	s14 =	sadd.s32 s13, s0  }
0x1f9: {  	[tilespmem:s18], [sflag:$0x1] =	stream.linear.gather [hbm4b:s14+s12], $0x50, $0x38;
	[tilespmem:$0x1F378] =	vst v63  }
0x1fa: {  	s18 =	simm.s32 $0x5  }
0x1fb: {  	_ =	swait.ge [sflag:s18], $0x50  }
0x1fc: {  	[sflag:s18] =	ssyncset.done $0x0  }
0x1fd: {  	[sflag:s18] =	ssyncadd.s32 $0xFFFFFFB0  }
0x1fe: {  	_ =	swait.ge [sflag:s18], $0x50  }
0x1ff: {  	s2 =	smov.u32 s13;
	[sflag:s18] =	ssyncset.done $0x0  }
0x200: {  	s13 =	simm.s32 $0xB;
	s12 =	simm.s32 $0x200;
	[sflag:s18] =	ssyncadd.s32 $0xFFFFFFB0  }
0x201: {  	[tilespmem:s19], [sflag:$0x9] =	stream.indirect.gather [hbm4b:s3+s17], $0x80, s12, s17, $0xb8;
	[tilespmem:$0x1F378] =	vst v63  }
0x202: {  	_ =	swait.ge [sflag:s13], $0x2800  }
0x203: {  	[sflag:s13] =	ssyncset.done $0x0  }
0x204: {  	[sflag:s13] =	ssyncadd.s32 $0xFFFFD800  }
0x205: {  	_ =	swait.ge [sflag:s15], $0x2800  }
0x206: {  	[sflag:s15] =	ssyncset.done $0x0  }
0x207: {  	s18 =	simm.s32 $0x500;
	[sflag:s15] =	ssyncadd.s32 $0xFFFFD800  }
0x208: {  	[spmem:s4] =	stream.indirect.scatter.add.f32 [tilespmem:s24], [sflag:$0xD], $0x80, s18, s17, $0xb8;
	[tilespmem:$0x1F378] =	vst v63  }
0x209: {  	_ = 	snop  }
0x20a: {  	[spmem:s6] =	stream.indirect.scatter.add.f32 [tilespmem:s22], [sflag:$0xF], $0x1, s18, s17, $0xb8;
	[tilespmem:$0x1F378] =	vst v63  }
0x20b: {  	_ =	swait.ge [sflag:s21], $0x50  }
0x20c: {  	s0 =	simm.s32 $0x0;
	s23 =	rddreg [dreg:$0x7];
	[sflag:s21] =	ssyncset.done $0x0  }
0x20d: {  	s5 =	rddreg [dreg:$0x6];
	[sflag:s21] =	ssyncadd.s32 $0xFFFFFFB0;
	s14 =	sadd.s32 s30, s23  }
0x20e: {  	[tilespmem:s11], [sflag:$0x2] =	stream.linear.gather [hbm4b:s14+s0], $0x50, $0x38;
	[tilespmem:$0x1F378] =	vst v63  }
0x20f: {  	s5 =	sadd.s32 s30, s5;
	s11 =	simm.s32 $0x6  }
0x210: {  	[tilespmem:s1], [sflag:$0x2] =	stream.linear.gather [hbm4b:s5+s0], $0x50, $0x38;
	[tilespmem:$0x1F378] =	vst v63  }
0x211: {  	_ =	swait.ge [sflag:s11], $0x50  }
0x212: {  	[sflag:s11] =	ssyncset.done $0x0  }
0x213: {  	[sflag:s11] =	ssyncadd.s32 $0xFFFFFFB0  }
0x214: {  	_ =	swait.ge [sflag:s11], $0x50  }
0x215: {  	[sflag:s11] =	ssyncset.done $0x0  }
0x216: {  	s14 =	simm.s32 $0x280;
	s1 =	simm.s32 $0xC;
	[sflag:s11] =	ssyncadd.s32 $0xFFFFFFB0  }
0x217: {  	[tilespmem:s7], [sflag:$0xA] =	stream.indirect.gather [hbm4b:s3+s17], $0x80, s14, s17, $0xb8;
	[tilespmem:$0x1F378] =	vst v63  }
0x218: {  	_ =	swait.ge [sflag:s1], $0x2800  }
0x219: {  	[sflag:s1] =	ssyncset.done $0x0  }
0x21a: {  	[sflag:s1] =	ssyncadd.s32 $0xFFFFD800  }
0x21b: {  	_ =	swait.ge [sflag:s15], $0x2800  }
0x21c: {  	[sflag:s15] =	ssyncset.done $0x0  }
0x21d: {  	s5 =	simm.s32 $0x580;
	[sflag:s15] =	ssyncadd.s32 $0xFFFFD800  }
0x21e: {  	[spmem:s4] =	stream.indirect.scatter.add.f32 [tilespmem:s28], [sflag:$0xD], $0x80, s5, s17, $0xb8;
	[tilespmem:$0x1F378] =	vst v63  }
0x21f: {  	_ = 	snop  }
0x220: {  	[spmem:s6] =	stream.indirect.scatter.add.f32 [tilespmem:s22], [sflag:$0xF], $0x1, s5, s17, $0xb8;
	[tilespmem:$0x1F378] =	vst v63  }
0x221: {  	_ =	swait.ge [sflag:s21], $0x50  }
0x222: {  	s23 =	rddreg [dreg:$0x9];
	[sflag:s21] =	ssyncset.done $0x0  }
0x223: {  	s11 =	rddreg [dreg:$0x8];
	[sflag:s21] =	ssyncadd.s32 $0xFFFFFFB0;
	s14 =	sadd.s32 s30, s23  }
0x224: {  	[tilespmem:s29], [sflag:$0x3] =	stream.linear.gather [hbm4b:s14+s0], $0x50, $0x38;
	[tilespmem:$0x1F378] =	vst v63  }
0x225: {  	s11 =	sadd.s32 s30, s11;
	s23 =	simm.s32 $0x7  }
0x226: {  	[tilespmem:s18], [sflag:$0x3] =	stream.linear.gather [hbm4b:s11+s0], $0x50, $0x38;
	[tilespmem:$0x1F378] =	vst v63  }
0x227: {  	_ =	swait.ge [sflag:s23], $0x50  }
0x228: {  	[sflag:s23] =	ssyncset.done $0x0  }
0x229: {  	[sflag:s23] =	ssyncadd.s32 $0xFFFFFFB0  }
0x22a: {  	_ =	swait.ge [sflag:s23], $0x50  }
0x22b: {  	[sflag:s23] =	ssyncset.done $0x0  }
0x22c: {  	s29 =	simm.s32 $0x300;
	[sflag:s23] =	ssyncadd.s32 $0xFFFFFFB0  }
0x22d: {  	[tilespmem:s24], [sflag:$0xB] =	stream.indirect.gather [hbm4b:s3+s17], $0x80, s29, s17, $0xb8;
	[tilespmem:$0x1F378] =	vst v63  }
0x22e: {  	_ =	swait.ge [sflag:s31], $0x2800  }
0x22f: {  	[sflag:s31] =	ssyncset.done $0x0  }
0x230: {  	[sflag:s31] =	ssyncadd.s32 $0xFFFFD800  }
0x231: {  	_ =	swait.ge [sflag:s15], $0x2800  }
0x232: {  	[sflag:s15] =	ssyncset.done $0x0  }
0x233: {  	s11 =	simm.s32 $0x600;
	[sflag:s15] =	ssyncadd.s32 $0xFFFFD800  }
0x234: {  	[spmem:s4] =	stream.indirect.scatter.add.f32 [tilespmem:s19], [sflag:$0xD], $0x80, s11, s17, $0xb8;
	[tilespmem:$0x1F378] =	vst v63  }
0x235: {  	_ = 	snop  }
0x236: {  	[spmem:s6] =	stream.indirect.scatter.add.f32 [tilespmem:s22], [sflag:$0xF], $0x1, s11, s17, $0xb8;
	[tilespmem:$0x1F378] =	vst v63  }
0x237: {  	_ =	swait.ge [sflag:s21], $0x50  }
0x238: {  	s31 =	rddreg [dreg:$0xb];
	[sflag:s21] =	ssyncset.done $0x0  }
0x239: {  	s18 =	rddreg [dreg:$0xa];
	[sflag:s21] =	ssyncadd.s32 $0xFFFFFFB0;
	s14 =	sadd.s32 s30, s31  }
0x23a: {  	[tilespmem:s10], [sflag:$0x4] =	stream.linear.gather [hbm4b:s14+s0], $0x50, $0x38;
	[tilespmem:$0x1F378] =	vst v63  }
0x23b: {  	s29 =	sadd.s32 s30, s18;
	s31 =	simm.s32 $0x8  }
0x23c: {  	[tilespmem:s5], [sflag:$0x4] =	stream.linear.gather [hbm4b:s29+s0], $0x50, $0x38;
	[tilespmem:$0x1F378] =	vst v63  }
0x23d: {  	_ =	swait.ge [sflag:s31], $0x50  }
0x23e: {  	[sflag:s31] =	ssyncset.done $0x0  }
0x23f: {  	[sflag:s31] =	ssyncadd.s32 $0xFFFFFFB0  }
0x240: {  	_ =	swait.ge [sflag:s31], $0x50  }
0x241: {  	[sflag:s31] =	ssyncset.done $0x0  }
0x242: {  	[sflag:s31] =	ssyncadd.s32 $0xFFFFFFB0  }
0x243: {  	[tilespmem:s28], [sflag:$0xC] =	stream.indirect.gather [hbm4b:s3+s17], $0x80, s25, s17, $0xb8;
	[tilespmem:$0x1F378] =	vst v63  }
0x244: {  	_ =	swait.ge [sflag:s9], $0x2800  }
0x245: {  	[sflag:s9] =	ssyncset.done $0x0  }
0x246: {  	[sflag:s9] =	ssyncadd.s32 $0xFFFFD800  }
0x247: {  	_ =	swait.ge [sflag:s15], $0x2800  }
0x248: {  	[sflag:s15] =	ssyncset.done $0x0  }
0x249: {  	s9 =	simm.s32 $0x680;
	[sflag:s15] =	ssyncadd.s32 $0xFFFFD800  }
0x24a: {  	[spmem:s4] =	stream.indirect.scatter.add.f32 [tilespmem:s7], [sflag:$0xD], $0x80, s9, s17, $0xb8;
	[tilespmem:$0x1F378] =	vst v63  }
0x24b: {  	_ = 	snop  }
0x24c: {  	[spmem:s6] =	stream.indirect.scatter.add.f32 [tilespmem:s22], [sflag:$0xF], $0x1, s9, s17, $0xb8;
	[tilespmem:$0x1F378] =	vst v63  }
0x24d: {  	_ =	swait.ge [sflag:s21], $0x50  }
0x24e: {  	s10 =	rddreg [dreg:$0xd];
	[sflag:s21] =	ssyncset.done $0x0  }
0x24f: {  	s18 =	rddreg [dreg:$0xc];
	[sflag:s21] =	ssyncadd.s32 $0xFFFFFFB0;
	s14 =	sadd.s32 s30, s10  }
0x250: {  	[tilespmem:s12], [sflag:$0x5] =	stream.linear.gather [hbm4b:s14+s0], $0x50, $0x38;
	[tilespmem:$0x1F378] =	vst v63  }
0x251: {  	s16 =	simm.s32 $0x1;
	s23 =	sadd.s32 s30, s18;
	s12 =	simm.s32 $0x0  }
0x252: {  	[tilespmem:s11], [sflag:$0x5] =	stream.linear.gather [hbm4b:s23+s12], $0x50, $0x38;
	[tilespmem:$0x1F378] =	vst v63  }
0x253: {  	_ =	swait.ge [sflag:s16], $0x50  }
0x254: {  	[sflag:s16] =	ssyncset.done $0x0  }
0x255: {  	[sflag:s16] =	ssyncadd.s32 $0xFFFFFFB0  }
0x256: {  	_ =	swait.ge [sflag:s16], $0x50  }
0x257: {  	[sflag:s16] =	ssyncset.done $0x0  }
0x258: {  	[sflag:s16] =	ssyncadd.s32 $0xFFFFFFB0  }
0x259: {  	[tilespmem:s19], [sflag:$0x9] =	stream.indirect.gather [hbm4b:s3+s17], $0x80, s12, s17, $0xb8;
	[tilespmem:$0x1F378] =	vst v63  }
0x25a: {  	_ =	swait.ge [sflag:s13], $0x2800  }
0x25b: {  	[sflag:s13] =	ssyncset.done $0x0  }
0x25c: {  	[sflag:s13] =	ssyncadd.s32 $0xFFFFD800  }
0x25d: {  	_ =	swait.ge [sflag:s15], $0x2800  }
0x25e: {  	[sflag:s15] =	ssyncset.done $0x0  }
0x25f: {  	s25 =	simm.s32 $0x700;
	[sflag:s15] =	ssyncadd.s32 $0xFFFFD800  }
0x260: {  	[spmem:s4] =	stream.indirect.scatter.add.f32 [tilespmem:s24], [sflag:$0xD], $0x80, s25, s17, $0xb8;
	[tilespmem:$0x1F378] =	vst v63  }
0x261: {  	p2 =	seq.s32 s30, $0x460  }
0x262: {  	[spmem:s6] =	stream.indirect.scatter.add.f32 [tilespmem:s22], [sflag:$0xF], $0x1, s25, s17, $0xb8;
	[tilespmem:$0x1F378] =	vst v63  }
0x263: {  	s18 =	simm.s32 @!p2 $0x280;
	_ =	swait.ge [sflag:s21], $0x50  }
0x264: {  	s11 =	simm.s32 @!p2 $0x0;
	s14 =	rddreg [dreg:$0xf];
	[sflag:s21] =	ssyncset.done $0x0  }
0x265: {  	s23 =	rddreg [dreg:$0xe];
	[sflag:s21] =	ssyncadd.s32 $0xFFFFFFB0;
	s14 =	sadd.s32 @!p2 s30, s14  }
0x266: {  	[tilespmem:s18], [sflag:$0x6] =	stream.linear.gather @!p2 [hbm4b:s14+s11], $0x50, $0x38;
	[tilespmem:$0x1F378] =	vst v63  }
0x267: {  	s31 =	simm.s32 $0x2;
	s7 =	simm.s32 @!p2 $0x680;
	s14 =	sadd.s32 @!p2 s30, s23  }
0x268: {  	[tilespmem:s7], [sflag:$0x6] =	stream.linear.gather @!p2 [hbm4b:s14+s11], $0x50, $0x38;
	[tilespmem:$0x1F378] =	vst v63  }
0x269: {  	s29 =	rddreg [dreg:$0x14];
	_ =	swait.ge [sflag:s31], $0x50  }
0x26a: {  	[sflag:s31] =	ssyncset.done $0x0  }
0x26b: {  	[sflag:s31] =	ssyncadd.s32 $0xFFFFFFB0  }
0x26c: {  	_ =	swait.ge [sflag:s31], $0x50  }
0x26d: {  	[sflag:s31] =	ssyncset.done $0x0  }
0x26e: {  	s7 =	simm.s32 $0x3000;
	s11 =	simm.s32 $0x80;
	[sflag:s31] =	ssyncadd.s32 $0xFFFFFFB0  }
0x26f: {  	[tilespmem:s7], [sflag:$0xA] =	stream.indirect.gather [hbm4b:s3+s17], $0x80, s11, s17, $0xb8;
	[tilespmem:$0x1F378] =	vst v63  }
0x270: {  	_ =	swait.ge [sflag:s1], $0x2800  }
0x271: {  	[sflag:s1] =	ssyncset.done $0x0  }
0x272: {  	[sflag:s1] =	ssyncadd.s32 $0xFFFFD800  }
0x273: {  	s8 =	sadd.s32 $0x50, s8;
	_ =	swait.ge [sflag:s15], $0x2800  }
0x274: {  	p6 =	sne.s32 s8, $0x4B0;
	[sflag:s15] =	ssyncset.done $0x0  }
.Ltmp5:
0x275: {  	s14 =	simm.s32 $0x780;
	[sflag:s15] =	ssyncadd.s32 $0xFFFFD800;
	(pc) =	sbr.rel @p6 .LBB2_8-.Ltmp5, $4  }
0x276: {  	[spmem:s4] =	stream.indirect.scatter.add.f32 [tilespmem:s28], [sflag:$0xD], $0x80, s14, s17, $0xb8;
	[tilespmem:$0x1F378] =	vst v63  }
0x277: {  	s26 =	sadd.s32 $0x280, s26;
	s5 =	smov.u32 s20;
	s13 =	smov.u32 s2  }
0x278: {  	[spmem:s6] =	stream.indirect.scatter.add.f32 [tilespmem:s22], [sflag:$0xF], $0x1, s14, s17, $0xb8;
	[tilespmem:$0x1F378] =	vst v63  }
0x279: {  	s18 =	simm.s32 $0x400;
	s30 =	smov.u32 s29;
	_ =	swait.ge [sflag:s21], $0x50  }
0x27a: {  	s8 =	rddreg [dreg:$0x13]  }
0x27b: {  	[sflag:s21] =	ssyncset.done $0x0;
	s10 =	rddreg [dreg:$0x12]  }
0x27c: {  	s25 =	simm.s32 $0x300;
	[sflag:s21] =	ssyncadd.s32 $0xFFFFFFB0;
	s8 =	sadd.s32 s30, s8  }
0x27d: {  	[tilespmem:s25], [sflag:$0x7] =	stream.linear.gather [hbm4b:s8+s12], $0x50, $0x38;
	[tilespmem:$0x1F378] =	vst v63  }
0x27e: {  	s0 =	simm.s32 $0x700;
	s31 =	simm.s32 $0x3;
	s24 =	sadd.s32 s30, s10  }
0x27f: {  	[tilespmem:s0], [sflag:$0x7] =	stream.linear.gather [hbm4b:s24+s12], $0x50, $0x38;
	[tilespmem:$0x1F378] =	vst v63  }
0x280: {  	_ =	swait.ge [sflag:s31], $0x50  }
0x281: {  	[sflag:s31] =	ssyncset.done $0x0  }
0x282: {  	[sflag:s31] =	ssyncadd.s32 $0xFFFFFFB0  }
0x283: {  	_ =	swait.ge [sflag:s31], $0x50  }
0x284: {  	s28 =	simm.s32 $0x5800;
	[sflag:s31] =	ssyncset.done $0x0  }
0x285: {  	s1 =	simm.s32 $0x100;
	s19 =	simm.s32 $0x9;
	[sflag:s31] =	ssyncadd.s32 $0xFFFFFFB0  }
0x286: {  	[tilespmem:s28], [sflag:$0xB] =	stream.indirect.gather [hbm4b:s3+s17], $0x80, s1, s17, $0xb8;
	[tilespmem:$0x1F378] =	vst v63  }
0x287: {  	_ =	swait.ge [sflag:s19], $0x2800  }
0x288: {  	p2 =	seq.s32 s30, $0x0;
	[sflag:s19] =	ssyncset.done $0x0  }
0x289: {  	s8 =	simm.s32 @!p2 $0xD;
	[sflag:s19] =	ssyncadd.s32 $0xFFFFD800  }
0x28a: {  	_ =	swait.ge @!p2 [sflag:s8], $0x2800  }
0x28b: {  	[sflag:s8] =	ssyncset.done @!p2 $0x0  }
0x28c: {  	s29 =	simm.s32 $0x800;
	[sflag:s8] =	ssyncadd.s32 @!p2 $0xFFFFD800  }
0x28d: {  	[spmem:s4] =	stream.indirect.scatter.add.f32 [tilespmem:s29], [sflag:$0xD], $0x80, s18, s17, $0xb8;
	[tilespmem:$0x1F378] =	vst v63  }
0x28e: {  	s2 =	simm.s32 $0x1E880  }
0x28f: {  	[spmem:s6] =	stream.indirect.scatter.add.f32 [tilespmem:s2], [sflag:$0xF], $0x1, s18, s17, $0xb8;
	[tilespmem:$0x1F378] =	vst v63  }
0x290: {  	_ =	swait.ge [sflag:s21], $0x50  }
0x291: {  	s9 =	simm.s32 $0x380;
	s0 =	rddreg [dreg:$0x11];
	[sflag:s21] =	ssyncset.done $0x0  }
0x292: {  	s1 =	rddreg [dreg:$0x10];
	[sflag:s21] =	ssyncadd.s32 $0xFFFFFFB0;
	s8 =	sadd.s32 s30, s0  }
0x293: {  	[tilespmem:s9], [sflag:$0x8] =	stream.linear.gather [hbm4b:s8+s12], $0x50, $0x38;
	[tilespmem:$0x1F378] =	vst v63  }
0x294: {  	s29 =	simm.s32 $0x4;
	s20 =	sadd.s32 s30, s1  }
0x295: {  	[tilespmem:s14], [sflag:$0x8] =	stream.linear.gather [hbm4b:s20+s12], $0x50, $0x38;
	[tilespmem:$0x1F378] =	vst v63  }
0x296: {  	_ =	swait.ge [sflag:s29], $0x50  }
0x297: {  	[sflag:s29] =	ssyncset.done $0x0  }
0x298: {  	[sflag:s29] =	ssyncadd.s32 $0xFFFFFFB0  }
0x299: {  	_ =	swait.ge [sflag:s29], $0x50  }
0x29a: {  	s22 =	simm.s32 $0x8000;
	[sflag:s29] =	ssyncset.done $0x0  }
0x29b: {  	s24 =	simm.s32 $0x180;
	s9 =	simm.s32 $0xA;
	[sflag:s29] =	ssyncadd.s32 $0xFFFFFFB0  }
0x29c: {  	[tilespmem:s22], [sflag:$0xC] =	stream.indirect.gather [hbm4b:s3+s17], $0x80, s24, s17, $0xb8;
	[tilespmem:$0x1F378] =	vst v63  }
0x29d: {  	_ =	swait.ge [sflag:s9], $0x2800  }
0x29e: {  	[sflag:s9] =	ssyncset.done $0x0  }
0x29f: {  	[sflag:s9] =	ssyncadd.s32 $0xFFFFD800  }
0x2a0: {  	_ =	swait.ge [sflag:s15], $0x2800  }
0x2a1: {  	[sflag:s15] =	ssyncset.done $0x0  }
0x2a2: {  	s28 =	simm.s32 $0x480;
	[sflag:s15] =	ssyncadd.s32 $0xFFFFD800  }
0x2a3: {  	[spmem:s4] =	stream.indirect.scatter.add.f32 [tilespmem:s7], [sflag:$0xD], $0x80, s28, s17, $0xb8;
	[tilespmem:$0x1F378] =	vst v63  }
0x2a4: {  	_ = 	snop  }
0x2a5: {  	[spmem:s6] =	stream.indirect.scatter.add.f32 [tilespmem:s2], [sflag:$0xF], $0x1, s28, s17, $0xb8;
	[tilespmem:$0x1F378] =	vst v63  }
0x2a6: {  	_ =	swait.ge [sflag:s21], $0x50  }
0x2a7: {  	s26 =	sshrl.u32 s26, $0x3;
	[sflag:s21] =	ssyncset.done $0x0  }
0x2a8: {  	s0 =	sadd.s32 s5, s26;
	[sflag:s21] =	ssyncadd.s32 $0xFFFFFFB0  }
0x2a9: {  	[tilespmem:s12], [sflag:$0x1] =	stream.linear.gather [hbm4b:s0+s12], $0x50, $0x38;
	[tilespmem:$0x1F378] =	vst v63  }
0x2aa: {  	s8 =	sadd.s32 s13, s26;
	s26 =	simm.s32 $0x5  }
0x2ab: {  	[tilespmem:s18], [sflag:$0x1] =	stream.linear.gather [hbm4b:s8+s12], $0x50, $0x38;
	[tilespmem:$0x1F378] =	vst v63  }
0x2ac: {  	_ =	swait.ge [sflag:s26], $0x50  }
0x2ad: {  	[sflag:s26] =	ssyncset.done $0x0  }
0x2ae: {  	[sflag:s26] =	ssyncadd.s32 $0xFFFFFFB0  }
0x2af: {  	_ =	swait.ge [sflag:s26], $0x50  }
0x2b0: {  	s23 =	simm.s32 $0x800;
	[sflag:s26] =	ssyncset.done $0x0  }
0x2b1: {  	s20 =	simm.s32 $0xB;
	s8 =	simm.s32 $0x200;
	[sflag:s26] =	ssyncadd.s32 $0xFFFFFFB0  }
0x2b2: {  	[tilespmem:s23], [sflag:$0x9] =	stream.indirect.gather [hbm4b:s3+s17], $0x80, s8, s17, $0xb8;
	[tilespmem:$0x1F378] =	vst v63  }
0x2b3: {  	_ =	swait.ge [sflag:s20], $0x2800  }
0x2b4: {  	[sflag:s20] =	ssyncset.done $0x0  }
0x2b5: {  	[sflag:s20] =	ssyncadd.s32 $0xFFFFD800  }
0x2b6: {  	_ =	swait.ge [sflag:s15], $0x2800  }
0x2b7: {  	[sflag:s15] =	ssyncset.done $0x0  }
0x2b8: {  	s14 =	simm.s32 $0x5800;
	s24 =	simm.s32 $0x500;
	[sflag:s15] =	ssyncadd.s32 $0xFFFFD800  }
0x2b9: {  	[spmem:s4] =	stream.indirect.scatter.add.f32 [tilespmem:s14], [sflag:$0xD], $0x80, s24, s17, $0xb8;
	[tilespmem:$0x1F378] =	vst v63  }
0x2ba: {  	_ = 	snop  }
0x2bb: {  	[spmem:s6] =	stream.indirect.scatter.add.f32 [tilespmem:s2], [sflag:$0xF], $0x1, s24, s17, $0xb8;
	[tilespmem:$0x1F378] =	vst v63  }
0x2bc: {  	_ =	swait.ge [sflag:s21], $0x50  }
0x2bd: {  	s10 =	rddreg [dreg:$0x7];
	[sflag:s21] =	ssyncset.done $0x0  }
0x2be: {  	s22 =	rddreg [dreg:$0x6];
	[sflag:s21] =	ssyncadd.s32 $0xFFFFFFB0;
	s8 =	sadd.s32 s30, s10  }
0x2bf: {  	[tilespmem:s11], [sflag:$0x2] =	stream.linear.gather [hbm4b:s8+s12], $0x50, $0x38;
	[tilespmem:$0x1F378] =	vst v63  }
0x2c0: {  	s0 =	sadd.s32 s30, s22;
	s8 =	simm.s32 $0x6  }
0x2c1: {  	[tilespmem:s28], [sflag:$0x2] =	stream.linear.gather [hbm4b:s0+s12], $0x50, $0x38;
	[tilespmem:$0x1F378] =	vst v63  }
0x2c2: {  	_ =	swait.ge [sflag:s8], $0x50  }
0x2c3: {  	[sflag:s8] =	ssyncset.done $0x0  }
0x2c4: {  	[sflag:s8] =	ssyncadd.s32 $0xFFFFFFB0  }
0x2c5: {  	_ =	swait.ge [sflag:s8], $0x50  }
0x2c6: {  	[sflag:s8] =	ssyncset.done $0x0  }
0x2c7: {  	s10 =	simm.s32 $0x280;
	s22 =	simm.s32 $0xC;
	[sflag:s8] =	ssyncadd.s32 $0xFFFFFFB0  }
0x2c8: {  	[tilespmem:s7], [sflag:$0xA] =	stream.indirect.gather [hbm4b:s3+s17], $0x80, s10, s17, $0xb8;
	[tilespmem:$0x1F378] =	vst v63  }
0x2c9: {  	_ =	swait.ge [sflag:s22], $0x2800  }
0x2ca: {  	[sflag:s22] =	ssyncset.done $0x0  }
0x2cb: {  	[sflag:s22] =	ssyncadd.s32 $0xFFFFD800  }
0x2cc: {  	_ =	swait.ge [sflag:s15], $0x2800  }
0x2cd: {  	[sflag:s15] =	ssyncset.done $0x0  }
0x2ce: {  	s1 =	simm.s32 $0x8000;
	s0 =	simm.s32 $0x580;
	[sflag:s15] =	ssyncadd.s32 $0xFFFFD800  }
0x2cf: {  	[spmem:s4] =	stream.indirect.scatter.add.f32 [tilespmem:s1], [sflag:$0xD], $0x80, s0, s17, $0xb8;
	[tilespmem:$0x1F378] =	vst v63  }
0x2d0: {  	_ = 	snop  }
0x2d1: {  	[spmem:s6] =	stream.indirect.scatter.add.f32 [tilespmem:s2], [sflag:$0xF], $0x1, s0, s17, $0xb8;
	[tilespmem:$0x1F378] =	vst v63  }
0x2d2: {  	_ =	swait.ge [sflag:s21], $0x50  }
0x2d3: {  	s11 =	rddreg [dreg:$0x9]  }
0x2d4: {  	[sflag:s21] =	ssyncset.done $0x0;
	s10 =	rddreg [dreg:$0x8]  }
0x2d5: {  	[sflag:s21] =	ssyncadd.s32 $0xFFFFFFB0;
	s8 =	sadd.s32 s30, s11;
	s11 =	simm.s32 $0x100  }
0x2d6: {  	[tilespmem:s11], [sflag:$0x3] =	stream.linear.gather [hbm4b:s8+s12], $0x50, $0x38;
	[tilespmem:$0x1F378] =	vst v63  }
0x2d7: {  	s11 =	sadd.s32 s30, s10;
	s10 =	simm.s32 $0x7  }
0x2d8: {  	[tilespmem:s24], [sflag:$0x3] =	stream.linear.gather [hbm4b:s11+s12], $0x50, $0x38;
	[tilespmem:$0x1F378] =	vst v63  }
0x2d9: {  	_ =	swait.ge [sflag:s10], $0x50  }
0x2da: {  	[sflag:s10] =	ssyncset.done $0x0  }
0x2db: {  	[sflag:s10] =	ssyncadd.s32 $0xFFFFFFB0  }
0x2dc: {  	_ =	swait.ge [sflag:s10], $0x50  }
0x2dd: {  	[sflag:s10] =	ssyncset.done $0x0  }
0x2de: {  	[sflag:s10] =	ssyncadd.s32 $0xFFFFFFB0  }
0x2df: {  	[tilespmem:s14], [sflag:$0xB] =	stream.indirect.gather [hbm4b:s3+s17], $0x80, s25, s17, $0xb8;
	[tilespmem:$0x1F378] =	vst v63  }
0x2e0: {  	_ =	swait.ge [sflag:s19], $0x2800  }
0x2e1: {  	[sflag:s19] =	ssyncset.done $0x0  }
0x2e2: {  	[sflag:s19] =	ssyncadd.s32 $0xFFFFD800  }
0x2e3: {  	_ =	swait.ge [sflag:s15], $0x2800  }
0x2e4: {  	[sflag:s15] =	ssyncset.done $0x0  }
0x2e5: {  	s25 =	simm.s32 $0x600;
	[sflag:s15] =	ssyncadd.s32 $0xFFFFD800  }
0x2e6: {  	[spmem:s4] =	stream.indirect.scatter.add.f32 [tilespmem:s23], [sflag:$0xD], $0x80, s25, s17, $0xb8;
	[tilespmem:$0x1F378] =	vst v63  }
0x2e7: {  	_ = 	snop  }
0x2e8: {  	[spmem:s6] =	stream.indirect.scatter.add.f32 [tilespmem:s2], [sflag:$0xF], $0x1, s25, s17, $0xb8;
	[tilespmem:$0x1F378] =	vst v63  }
0x2e9: {  	_ =	swait.ge [sflag:s21], $0x50  }
0x2ea: {  	s11 =	rddreg [dreg:$0xb]  }
0x2eb: {  	[sflag:s21] =	ssyncset.done $0x0;
	s10 =	rddreg [dreg:$0xa]  }
0x2ec: {  	[sflag:s21] =	ssyncadd.s32 $0xFFFFFFB0;
	s8 =	sadd.s32 s30, s11;
	s11 =	simm.s32 $0x180  }
0x2ed: {  	[tilespmem:s11], [sflag:$0x4] =	stream.linear.gather [hbm4b:s8+s12], $0x50, $0x38;
	[tilespmem:$0x1F378] =	vst v63  }
0x2ee: {  	s11 =	sadd.s32 s30, s10;
	s10 =	simm.s32 $0x8  }
0x2ef: {  	[tilespmem:s0], [sflag:$0x4] =	stream.linear.gather [hbm4b:s11+s12], $0x50, $0x38;
	[tilespmem:$0x1F378] =	vst v63  }
0x2f0: {  	_ =	swait.ge [sflag:s10], $0x50  }
0x2f1: {  	[sflag:s10] =	ssyncset.done $0x0  }
0x2f2: {  	[sflag:s10] =	ssyncadd.s32 $0xFFFFFFB0  }
0x2f3: {  	_ =	swait.ge [sflag:s10], $0x50  }
0x2f4: {  	[sflag:s10] =	ssyncset.done $0x0  }
0x2f5: {  	s11 =	simm.s32 $0x380;
	[sflag:s10] =	ssyncadd.s32 $0xFFFFFFB0  }
0x2f6: {  	[tilespmem:s1], [sflag:$0xC] =	stream.indirect.gather [hbm4b:s3+s17], $0x80, s11, s17, $0xb8;
	[tilespmem:$0x1F378] =	vst v63  }
0x2f7: {  	_ =	swait.ge [sflag:s9], $0x2800  }
0x2f8: {  	[sflag:s9] =	ssyncset.done $0x0  }
0x2f9: {  	[sflag:s9] =	ssyncadd.s32 $0xFFFFD800  }
0x2fa: {  	_ =	swait.ge [sflag:s15], $0x2800  }
0x2fb: {  	[sflag:s15] =	ssyncset.done $0x0  }
0x2fc: {  	s8 =	simm.s32 $0x680;
	[sflag:s15] =	ssyncadd.s32 $0xFFFFD800  }
0x2fd: {  	[spmem:s4] =	stream.indirect.scatter.add.f32 [tilespmem:s7], [sflag:$0xD], $0x80, s8, s17, $0xb8;
	[tilespmem:$0x1F378] =	vst v63  }
0x2fe: {  	_ = 	snop  }
0x2ff: {  	[spmem:s6] =	stream.indirect.scatter.add.f32 [tilespmem:s2], [sflag:$0xF], $0x1, s8, s17, $0xb8;
	[tilespmem:$0x1F378] =	vst v63  }
0x300: {  	_ =	swait.ge [sflag:s21], $0x50  }
0x301: {  	s7 =	simm.s32 $0x200;
	s10 =	rddreg [dreg:$0xd];
	[sflag:s21] =	ssyncset.done $0x0  }
0x302: {  	s11 =	rddreg [dreg:$0xc];
	[sflag:s21] =	ssyncadd.s32 $0xFFFFFFB0;
	s8 =	sadd.s32 s30, s10  }
0x303: {  	[tilespmem:s7], [sflag:$0x5] =	stream.linear.gather [hbm4b:s8+s12], $0x50, $0x38;
	[tilespmem:$0x1F378] =	vst v63  }
0x304: {  	s10 =	sadd.s32 s30, s11  }
0x305: {  	[tilespmem:s25], [sflag:$0x5] =	stream.linear.gather [hbm4b:s10+s12], $0x50, $0x38;
	[tilespmem:$0x1F378] =	vst v63  }
0x306: {  	_ =	swait.ge [sflag:s16], $0x50  }
0x307: {  	[sflag:s16] =	ssyncset.done $0x0  }
0x308: {  	[sflag:s16] =	ssyncadd.s32 $0xFFFFFFB0  }
0x309: {  	_ =	swait.ge [sflag:s16], $0x50  }
0x30a: {  	[sflag:s16] =	ssyncset.done $0x0  }
0x30b: {  	[sflag:s16] =	ssyncadd.s32 $0xFFFFFFB0  }
0x30c: {  	[tilespmem:s23], [sflag:$0x9] =	stream.indirect.gather [hbm4b:s3+s17], $0x80, s12, s17, $0xb8;
	[tilespmem:$0x1F378] =	vst v63  }
0x30d: {  	_ =	swait.ge [sflag:s20], $0x2800  }
0x30e: {  	[sflag:s20] =	ssyncset.done $0x0  }
0x30f: {  	[sflag:s20] =	ssyncadd.s32 $0xFFFFD800  }
0x310: {  	_ =	swait.ge [sflag:s15], $0x2800  }
0x311: {  	[sflag:s15] =	ssyncset.done $0x0  }
0x312: {  	s14 =	simm.s32 $0x5800;
	s11 =	simm.s32 $0x700;
	[sflag:s15] =	ssyncadd.s32 $0xFFFFD800  }
0x313: {  	[spmem:s4] =	stream.indirect.scatter.add.f32 [tilespmem:s14], [sflag:$0xD], $0x80, s11, s17, $0xb8;
	[tilespmem:$0x1F378] =	vst v63  }
0x314: {  	p2 =	seq.s32 s30, $0x460  }
0x315: {  	[spmem:s6] =	stream.indirect.scatter.add.f32 [tilespmem:s2], [sflag:$0xF], $0x1, s11, s17, $0xb8;
	[tilespmem:$0x1F378] =	vst v63  }
0x316: {  	s14 =	simm.s32 @!p2 $0x280;
	_ =	swait.ge [sflag:s21], $0x50  }
0x317: {  	s11 =	simm.s32 @!p2 $0x0;
	s8 =	rddreg [dreg:$0xf];
	[sflag:s21] =	ssyncset.done $0x0  }
0x318: {  	s10 =	rddreg [dreg:$0xe];
	[sflag:s21] =	ssyncadd.s32 $0xFFFFFFB0;
	s8 =	sadd.s32 @!p2 s30, s8  }
0x319: {  	[tilespmem:s14], [sflag:$0x6] =	stream.linear.gather @!p2 [hbm4b:s8+s11], $0x50, $0x38;
	[tilespmem:$0x1F378] =	vst v63  }
0x31a: {  	s8 =	sadd.s32 @!p2 s30, s10;
	s10 =	simm.s32 @!p2 $0x680;
	s14 =	simm.s32 $0x2  }
0x31b: {  	[tilespmem:s10], [sflag:$0x6] =	stream.linear.gather @!p2 [hbm4b:s8+s11], $0x50, $0x38;
	[tilespmem:$0x1F378] =	vst v63  }
0x31c: {  	_ =	swait.ge [sflag:s14], $0x50  }
0x31d: {  	[sflag:s14] =	ssyncset.done $0x0  }
0x31e: {  	[sflag:s14] =	ssyncadd.s32 $0xFFFFFFB0  }
0x31f: {  	_ =	swait.ge [sflag:s14], $0x50  }
0x320: {  	[sflag:s14] =	ssyncset.done $0x0  }
0x321: {  	s7 =	simm.s32 $0x80;
	s23 =	simm.s32 $0x3000;
	[sflag:s14] =	ssyncadd.s32 $0xFFFFFFB0  }
0x322: {  	[tilespmem:s23], [sflag:$0xA] =	stream.indirect.gather [hbm4b:s3+s17], $0x80, s7, s17, $0xb8;
	[tilespmem:$0x1F378] =	vst v63  }
0x323: {  	_ =	swait.ge [sflag:s22], $0x2800  }
0x324: {  	[sflag:s22] =	ssyncset.done $0x0  }
0x325: {  	[sflag:s22] =	ssyncadd.s32 $0xFFFFD800  }
0x326: {  	_ =	swait.ge [sflag:s15], $0x2800  }
0x327: {  	[sflag:s15] =	ssyncset.done $0x0  }
0x328: {  	s16 =	simm.s32 $0x780;
	s8 =	simm.s32 $0x8000;
	[sflag:s15] =	ssyncadd.s32 $0xFFFFD800  }
0x329: {  	[spmem:s4] =	stream.indirect.scatter.add.f32 [tilespmem:s8], [sflag:$0xD], $0x80, s16, s17, $0xb8;
	[tilespmem:$0x1F378] =	vst v63  }
0x32a: {  	_ = 	snop  }
0x32b: {  	[spmem:s6] =	stream.indirect.scatter.add.f32 [tilespmem:s2], [sflag:$0xF], $0x1, s16, s17, $0xb8;
	[tilespmem:$0x1F378] =	vst v63  }
0x32c: {  	_ =	swait.ge [sflag:s21], $0x50  }
0x32d: {  	[sflag:s21] =	ssyncset.done $0x0  }
0x32e: {  	[sflag:s21] =	ssyncadd.s32 $0xFFFFFFB0  }
0x32f: {  	_ =	swait.ge [sflag:s31], $0x50  }
0x330: {  	[sflag:s31] =	ssyncset.done $0x0  }
0x331: {  	[sflag:s31] =	ssyncadd.s32 $0xFFFFFFB0  }
0x332: {  	_ =	swait.ge [sflag:s31], $0x50  }
0x333: {  	[sflag:s31] =	ssyncset.done $0x0  }
0x334: {  	s10 =	simm.s32 $0x100;
	[sflag:s31] =	ssyncadd.s32 $0xFFFFFFB0;
	s31 =	simm.s32 $0x5800  }
0x335: {  	[tilespmem:s31], [sflag:$0xB] =	stream.indirect.gather [hbm4b:s3+s17], $0x80, s10, s17, $0xb8;
	[tilespmem:$0x1F378] =	vst v63  }
0x336: {  	_ =	swait.ge [sflag:s19], $0x2800  }
0x337: {  	[sflag:s19] =	ssyncset.done $0x0  }
0x338: {  	[sflag:s19] =	ssyncadd.s32 $0xFFFFD800  }
0x339: {  	_ =	swait.ge [sflag:s15], $0x2800  }
0x33a: {  	[sflag:s15] =	ssyncset.done $0x0  }
0x33b: {  	s11 =	simm.s32 $0x800;
	[sflag:s15] =	ssyncadd.s32 $0xFFFFD800  }
0x33c: {  	[spmem:s4] =	stream.indirect.scatter.add.f32 [tilespmem:s11], [sflag:$0xD], $0x80, s18, s17, $0xb8;
	[tilespmem:$0x1F378] =	vst v63  }
0x33d: {  	_ = 	snop  }
0x33e: {  	[spmem:s6] =	stream.indirect.scatter.add.f32 [tilespmem:s2], [sflag:$0xF], $0x1, s18, s17, $0xb8;
	[tilespmem:$0x1F378] =	vst v63  }
0x33f: {  	_ =	swait.ge [sflag:s21], $0x50  }
0x340: {  	[sflag:s21] =	ssyncset.done $0x0  }
0x341: {  	[sflag:s21] =	ssyncadd.s32 $0xFFFFFFB0  }
0x342: {  	_ =	swait.ge [sflag:s29], $0x50  }
0x343: {  	[sflag:s29] =	ssyncset.done $0x0  }
0x344: {  	[sflag:s29] =	ssyncadd.s32 $0xFFFFFFB0  }
0x345: {  	_ =	swait.ge [sflag:s29], $0x50  }
0x346: {  	[sflag:s29] =	ssyncset.done $0x0  }
0x347: {  	s14 =	simm.s32 $0x180;
	[sflag:s29] =	ssyncadd.s32 $0xFFFFFFB0  }
0x348: {  	[tilespmem:s8], [sflag:$0xC] =	stream.indirect.gather [hbm4b:s3+s17], $0x80, s14, s17, $0xb8;
	[tilespmem:$0x1F378] =	vst v63  }
0x349: {  	_ =	swait.ge [sflag:s9], $0x2800  }
0x34a: {  	[sflag:s9] =	ssyncset.done $0x0  }
0x34b: {  	[sflag:s9] =	ssyncadd.s32 $0xFFFFD800  }
0x34c: {  	_ =	swait.ge [sflag:s15], $0x2800  }
0x34d: {  	[sflag:s15] =	ssyncset.done $0x0  }
0x34e: {  	[sflag:s15] =	ssyncadd.s32 $0xFFFFD800  }
0x34f: {  	[spmem:s4] =	stream.indirect.scatter.add.f32 [tilespmem:s23], [sflag:$0xD], $0x80, s28, s17, $0xb8;
	[tilespmem:$0x1F378] =	vst v63  }
0x350: {  	_ = 	snop  }
0x351: {  	[spmem:s6] =	stream.indirect.scatter.add.f32 [tilespmem:s2], [sflag:$0xF], $0x1, s28, s17, $0xb8;
	[tilespmem:$0x1F378] =	vst v63  }
0x352: {  	_ =	swait.ge [sflag:s21], $0x50  }
0x353: {  	[sflag:s21] =	ssyncset.done $0x0  }
0x354: {  	[sflag:s21] =	ssyncadd.s32 $0xFFFFFFB0  }
0x355: {  	_ =	swait.ge [sflag:s26], $0x50  }
0x356: {  	[sflag:s26] =	ssyncset.done $0x0  }
0x357: {  	[sflag:s26] =	ssyncadd.s32 $0xFFFFFFB0  }
0x358: {  	_ =	swait.ge [sflag:s26], $0x50  }
0x359: {  	[sflag:s26] =	ssyncset.done $0x0  }
0x35a: {  	s28 =	simm.s32 $0x200;
	[sflag:s26] =	ssyncadd.s32 $0xFFFFFFB0  }
0x35b: {  	[tilespmem:s11], [sflag:$0x9] =	stream.indirect.gather [hbm4b:s3+s17], $0x80, s28, s17, $0xb8;
	[tilespmem:$0x1F378] =	vst v63  }
0x35c: {  	_ =	swait.ge [sflag:s20], $0x2800  }
0x35d: {  	[sflag:s20] =	ssyncset.done $0x0  }
0x35e: {  	[sflag:s20] =	ssyncadd.s32 $0xFFFFD800  }
0x35f: {  	_ =	swait.ge [sflag:s15], $0x2800  }
0x360: {  	[sflag:s15] =	ssyncset.done $0x0  }
0x361: {  	[sflag:s15] =	ssyncadd.s32 $0xFFFFD800  }
0x362: {  	[spmem:s4] =	stream.indirect.scatter.add.f32 [tilespmem:s31], [sflag:$0xD], $0x80, s24, s17, $0xb8;
	[tilespmem:$0x1F378] =	vst v63  }
0x363: {  	_ = 	snop  }
0x364: {  	[spmem:s6] =	stream.indirect.scatter.add.f32 [tilespmem:s2], [sflag:$0xF], $0x1, s24, s17, $0xb8;
	[tilespmem:$0x1F378] =	vst v63  }
0x365: {  	_ =	swait.ge [sflag:s21], $0x50  }
0x366: {  	[sflag:s21] =	ssyncset.done $0x0  }
0x367: {  	[sflag:s21] =	ssyncadd.s32 $0xFFFFFFB0  }
0x368: {  	_ =	swait.ge [sflag:s22], $0x2800  }
0x369: {  	[sflag:s22] =	ssyncset.done $0x0  }
0x36a: {  	[sflag:s22] =	ssyncadd.s32 $0xFFFFD800  }
0x36b: {  	_ =	swait.ge [sflag:s15], $0x2800  }
0x36c: {  	[sflag:s15] =	ssyncset.done $0x0  }
0x36d: {  	s16 =	simm.s32 $0x8000;
	[sflag:s15] =	ssyncadd.s32 $0xFFFFD800  }
0x36e: {  	[spmem:s4] =	stream.indirect.scatter.add.f32 [tilespmem:s16], [sflag:$0xD], $0x80, s0, s17, $0xb8;
	[tilespmem:$0x1F378] =	vst v63  }
0x36f: {  	_ = 	snop  }
0x370: {  	[spmem:s6] =	stream.indirect.scatter.add.f32 [tilespmem:s2], [sflag:$0xF], $0x1, s0, s17, $0xb8;
	[tilespmem:$0x1F378] =	vst v63  }
0x371: {  	_ =	swait.ge [sflag:s21], $0x50  }
0x372: {  	[sflag:s21] =	ssyncset.done $0x0  }
0x373: {  	[sflag:s21] =	ssyncadd.s32 $0xFFFFFFB0  }
0x374: {  	_ =	swait.ge [sflag:s19], $0x2800  }
0x375: {  	[sflag:s19] =	ssyncset.done $0x0  }
0x376: {  	[sflag:s19] =	ssyncadd.s32 $0xFFFFD800  }
0x377: {  	_ =	swait.ge [sflag:s15], $0x2800  }
0x378: {  	[sflag:s15] =	ssyncset.done $0x0  }
0x379: {  	s29 =	simm.s32 $0x800;
	[sflag:s15] =	ssyncadd.s32 $0xFFFFD800  }
0x37a: {  	[spmem:s4] =	stream.indirect.scatter.add.f32 [tilespmem:s29], [sflag:$0xD], $0x80, s25, s17, $0xb8;
	[tilespmem:$0x1F378] =	vst v63  }
0x37b: {  	_ = 	snop  }
0x37c: {  	[spmem:s6] =	stream.indirect.scatter.add.f32 [tilespmem:s2], [sflag:$0xF], $0x1, s25, s17, $0xb8;
	[tilespmem:$0x1F378] =	vst v63  }
0x37d: {  	_ =	swait.ge [sflag:s21], $0x50  }
0x37e: {  	[sflag:s21] =	ssyncset.done $0x0  }
0x37f: {  	[sflag:s21] =	ssyncadd.s32 $0xFFFFFFB0  }
0x380: {  	_ =	swait.ge [sflag:s15], $0x2800  }
0x381: {  	[sflag:s15] =	ssyncset.done $0x0  }
0x382: {  	[sflag:s15] =	ssyncadd.s32 $0xFFFFD800  }
0x383: {  	[bflag:$0x0] =	sbarrier.arrive $0xFFFF  }
0x384: {  	s23 =	sld [smem:$0x7FC]  }
0x385: {  	s11 =	stileid.u32;
	s7 =	sld [smem:$0x7CB]  }
0x386: {  	s8 =	sshll.u32 @!p1 s11, $0x6  }
0x387: {  	s8 =	sor.u32 @!p1 $0x1C0F, s8;
	s10 =	sshrl.u32 @!p1 s23, $0x3  }
0x388: {  	[hbm:s7], [sflag:s8] =	dma.local @!p1 [spmem:s10], $0x2700  }
0x389: {  	s10 =	simm.s32 @!p1 $0xF  }
0x38a: {  	_ =	swait.ge @!p1 [sflag:s10], $0x2700  }
0x38b: {  	s26 =	sld [smem:$0x7FD]  }
0x38c: {  	s7 =	sld [smem:$0x7D0]  }
0x38d: {  	[sflag:s10] =	ssyncset.done @!p1 $0x0  }
0x38e: {  	[sflag:s10] =	ssyncadd.s32 @!p1 $0xFFFFD900;
	s10 =	sshrl.u32 @!p5 s26, $0x3  }
0x38f: {  	[hbm:s7], [sflag:s8] =	dma.local @!p5 [spmem:s10], $0x100  }
0x390: {  	s8 =	simm.s32 @!p5 $0xF  }
0x391: {  	_ =	swait.ge @!p5 [sflag:s8], $0x100  }
0x392: {  	s7 =	sld [smem:$0x7CC]  }
0x393: {  	s10 =	sshll.u32 @p0 s11, $0x6;
	[sflag:s8] =	ssyncset.done @!p5 $0x0  }
0x394: {  	[sflag:s8] =	ssyncadd.s32 @!p5 $0xFFFFFF00;
	s8 =	sor.u32 @p0 $0x1C0F, s10;
	s10 =	sshrl.u32 @p0 s23, $0x3  }
0x395: {  	[hbm:s7], [sflag:s8] =	dma.local @p0 [spmem:s10], $0x2700  }
0x396: {  	s10 =	simm.s32 @p0 $0xF  }
0x397: {  	_ =	swait.ge @p0 [sflag:s10], $0x2700  }
0x398: {  	s31 =	sld [smem:$0x7D4];
	_ =	sdelay $0x2  }
0x399: {  	p2 =	seq.s32 s31, $0x1  }
.Ltmp6:
0x39a: {  	_ = 	snop;
	(pc) =	sbr.rel @p2 .LBB2_11-.Ltmp6, $3  }
0x39b: {  	_ =	sdelay $0x1  }
0x39c: {  	s30 =	simm.s32 $0x480;
	s14 =	simm.s32 $0x580;
	[sflag:s10] =	ssyncset.done @p0 $0x0  }
0x39d: {  	s20 =	smov.u32 s6;
	s0 =	simm.s32 $0x1E880;
	[sflag:s10] =	ssyncadd.s32 @p0 $0xFFFFD900  }
0x39e: {  	s7 =	sld [smem:$0x7D1];
	_ =	sdelay $0x1  }
.Ltmp7:
0x39f: {  	s10 =	sshrl.u32 s26, $0x3;
	(pc) =	sbr.rel .LBB2_12-.Ltmp7, $4  }
0x3a0: {  	[hbm:s7], [sflag:s8] =	dma.local [spmem:s10], $0x100  }
0x3a1: {  	_ =	swait.ge [sflag:s21], $0x100  }
0x3a2: {  	[sflag:s21] =	ssyncset.done $0x0  }
0x3a3: {  	s8 =	sld [smem:$0x7C7];
	[sflag:s21] =	ssyncadd.s32 $0xFFFFFF00  }
.LBB2_13:
0x3a4: {  	_ =	sfence.sel $0x180000  }
0x3a5: {  	[bflag:$0x0] =	sbarrier.arrive $0xFFFF  }
0x3a6: {  	_ =	strace $0x90000047  }
0x3a7: {  	s0 =	stileid.u32;
	[bflag:$0x2] =	sbarrier.arrive $0xFFFF  }
0x3a8: {  	p0 =	sne.s32 s0, $0x0;
	s0 =	rddreg [dreg:$0x5]  }
0x3a9: {  	s0 =	sadd.s32 @!p0 $0x100000, s0  }
0x3aa: {  	[sflag:s0] =	ssyncadd.tile.s32 @!p0 $0x1;
	_ =	shalt  }
.Lfunc_end2:
_tile_overlayer_lowered:
.L_overlay_start_2:
0x3ab: {  	(tag) =	ssettag $0x2  }
0x3ac: {  	s0 =	rddreg [dreg:$0x0];
	s2 =	stileid.u32  }
0x3ad: {  	s1 =	rddreg [dreg:$0x1];
	p0 =	sne.s32 s2, $0x0  }
0x3ae: {  	s3 =	rddreg [dreg:$0x2];
	[bflag:$0x3] =	sbarrier.arrive $0xFFFF;
	s2 =	simm.s32 @!p0 $0x1C0F  }
0x3af: {  	[timem:s3], [sflag:s2] =	dma.local @!p0 [hbm:s0], s1  }
0x3b0: {  	s0 =	simm.s32 @!p0 $0xF  }
0x3b1: {  	_ =	swait.ge @!p0 [sflag:s0], s1  }
0x3b2: {  	s1 =	ssub.s32 @!p0 $0x0, s1;
	[sflag:s0] =	ssyncset.done @!p0 $0x0  }
0x3b3: {  	[sflag:s0] =	ssyncadd.s32 @!p0 s1  }
0x3b4: {  	[bflag:$0x3] =	sbarrier.arrive $0xFFFF  }
0x3b5: {  	_ =	shalt  }

// kernel: kernel.9.cloned.1.call-start
scs
__scs_entry_jumppad:
0x0: {  	(pc) =	sbr.rel $0x88, $3  }
0x1: {  	(tag) =	ssettag $0x0;
	lr =	simm.s32 $0x1  }
0x2: {  	[smem:$0x3F99] =	sst lr;
	_ =	strace $0xD0000000  }
0x3: {  	_ = 	snop  }
0x4: {  	_ = 	snop  }
0x5: {  	_ = 	snop  }
0x6: {  	_ = 	snop  }
0x7: {  	_ = 	snop  }
__scs_overlays_trampoline_lowered:
0x8: {  	[smem:$0x3FA8] =	sst s0  }
0x9: {  	[smem:$0x3FA9] =	sst s1  }
0xa: {  	[smem:$0x3FAA] =	sst s2  }
0xb: {  	[smem:$0x3FAB] =	sst s3  }
0xc: {  	[smem:$0x3FAC] =	sst s4  }
0xd: {  	[smem:$0x3FAD] =	sst s5  }
0xe: {  	[smem:$0x3FAE] =	sst s6  }
0xf: {  	[smem:$0x3FAF] =	sst s7  }
0x10: {  	[smem:$0x3FB0] =	sst s8  }
0x11: {  	[smem:$0x3FB1] =	sst s9;
	s0 =	simm.s32 @!p0 $0x0  }
0x12: {  	s1 =	sld [smem:$0x3F97];
	s0 =	simm.s32 @p0 $0x1  }
0x13: {  	[smem:$0x3FB2] =	sst s0;
	s0 =	simm.s32 @!p1 $0x0  }
0x14: {  	s2 =	sld [smem:$0x3F96];
	s0 =	simm.s32 @p1 $0x1  }
0x15: {  	[smem:$0x3FB3] =	sst s0;
	s0 =	simm.s32 @!p2 $0x0  }
0x16: {  	s3 =	sld [smem:$0x3FDB];
	s0 =	simm.s32 @p2 $0x1  }
0x17: {  	s4 =	simm.s32 $0x1BF5;
	[smem:$0x3FB5] =	sst s0  }
0x18: {  	s0 =	sld [smem:$0x3F98];
	_ =	swait.ge [sflag:s4], $0x0  }
0x19: {  	s7 =	sld [smem:$0x3F99]  }
0x1a: {  	s8 =	sadd.s32 $0xFFFFE003, lr  }
0x1b: {  	s9 =	sadd.s32 $0xFFFFFEF7, lr;
	s5 =	simm.s32 $0xFFFFFFFF;
	p2 =	slt.u32 s8, $0xFFFFF086  }
0x1c: {  	p1 =	slt.u32 s9, $0xF7A;
	s5 =	simm.s32 @!p2 $0x0  }
0x1d: {  	s5 =	simm.s32 @p1 $0x1;
	p0 =	seq.s32 s7, s2  }
0x1e: {  	s7 =	smul.u32 @!p0 $0xF7A, s2;
	p2 =	seq.s32 @!p0 s5, $0x0  }
0x1f: {  	s9 =	smul.u32 $0xF7A, s1;
	s8 =	simm.s32 @!p0 $0x1BF5;
	p2 =	por !p2, p0  }
0x20: {  	[sflag:s8] =	ssyncset.s32 @!p0 $0xFFFFF086;
	s6 =	sadd.s32 @!p0 s3, s7;
	s7 =	simm.s32 @!p0 $0x108  }
0x21: {  	s3 =	sadd.s32 s3, s9;
	s6 =	sadd.s32 @!p0 $0x88, s6;
	s7 =	simm.s32 @p2 $0x1082  }
0x22: {  	[simem:s7], [sflag:s8] =	dma.local @!p0 [hbm:s6], $0xF7A  }
0x23: {  	s9 =	sor.u32 $0xD0000000, s2;
	s6 =	simm.s32 $0x108;
	_ =	swait.ge @!p0 [sflag:s8], $0x0  }
0x24: {  	s3 =	sadd.s32 $0x88, s3;
	s6 =	simm.s32 @!p1 $0x1082;
	[sflag:s4] =	ssyncset.s32 $0xFFFFF086  }
0x25: {  	[simem:s6], [sflag:s4] =	dma.local [hbm:s3], $0xF7A  }
0x26: {  	[smem:$0x3F99] =	sst s1;
	(tag) =	ssettag s2;
	_ =	strace s9  }
0x27: {  	s1 =	sld [smem:$0x3FA9]  }
0x28: {  	s2 =	sld [smem:$0x3FAA]  }
0x29: {  	s4 =	sld [smem:$0x3FAC]  }
0x2a: {  	p0 =	seq.s32 s5, $0x0;
	s5 =	sld [smem:$0x3FAD]  }
0x2b: {  	s6 =	sld [smem:$0x3FAE]  }
0x2c: {  	s7 =	sld [smem:$0x3FAF]  }
0x2d: {  	s3 =	simm.s32 $0x108;
	s8 =	sld [smem:$0x3FB0]  }
0x2e: {  	s3 =	simm.s32 @!p0 $0x1082;
	s9 =	sld [smem:$0x3FB1]  }
0x2f: {  	lr =	sadd.s32 s0, s3;
	s0 =	sld [smem:$0x3FA8]  }
0x30: {  	s3 =	sld [smem:$0x3FAB]  }
0x31: {  	[smem:$0x3FB4] =	sst s10  }
0x32: {  	s10 =	sld [smem:$0x3FB2];
	_ =	sdelay $0x3  }
0x33: {  	p0 =	seq.s32 s10, $0x1;
	s10 =	sld [smem:$0x3FB4];
	_ =	sdelay $0x3  }
0x34: {  	[smem:$0x3FB4] =	sst s10  }
0x35: {  	s10 =	sld [smem:$0x3FB3];
	_ =	sdelay $0x3  }
0x36: {  	p1 =	seq.s32 s10, $0x1;
	s10 =	sld [smem:$0x3FB4];
	_ =	sdelay $0x3  }
0x37: {  	[smem:$0x3FB4] =	sst s10  }
0x38: {  	s10 =	sld [smem:$0x3FB5]  }
0x39: {  	_ = 	snop;
	(pc) =	sbr.ind lr, $3  }
0x3a: {  	_ = 	snop  }
0x3b: {  	_ = 	snop  }
0x3c: {  	p2 =	seq.s32 s10, $0x1;
	s10 =	sld [smem:$0x3FB4]  }
0x3d: {  	_ =	shalt  }
0x3e: {  	_ =	shalt  }
0x3f: {  	_ =	shalt  }
0x40: {  	_ =	shalt  }
0x41: {  	_ =	shalt  }
0x42: {  	_ =	shalt  }
0x43: {  	_ =	shalt  }
0x44: {  	_ =	shalt  }
0x45: {  	_ =	shalt  }
0x46: {  	_ =	shalt  }
0x47: {  	_ =	shalt  }
0x48: {  	_ =	shalt  }
0x49: {  	_ =	shalt  }
0x4a: {  	_ =	shalt  }
0x4b: {  	_ =	shalt  }
0x4c: {  	_ =	shalt  }
0x4d: {  	_ =	shalt  }
0x4e: {  	_ =	shalt  }
0x4f: {  	_ =	shalt  }
0x50: {  	_ =	shalt  }
0x51: {  	_ =	shalt  }
0x52: {  	_ =	shalt  }
0x53: {  	_ =	shalt  }
0x54: {  	_ =	shalt  }
0x55: {  	_ =	shalt  }
0x56: {  	_ =	shalt  }
0x57: {  	_ =	shalt  }
0x58: {  	_ =	shalt  }
0x59: {  	_ =	shalt  }
0x5a: {  	_ =	shalt  }
0x5b: {  	_ =	shalt  }
0x5c: {  	_ =	shalt  }
0x5d: {  	_ =	shalt  }
0x5e: {  	_ =	shalt  }
0x5f: {  	_ =	shalt  }
0x60: {  	_ =	shalt  }
0x61: {  	_ =	shalt  }
0x62: {  	_ =	shalt  }
0x63: {  	_ =	shalt  }
0x64: {  	_ =	shalt  }
0x65: {  	_ =	shalt  }
0x66: {  	_ =	shalt  }
0x67: {  	_ =	shalt  }
0x68: {  	_ =	shalt  }
0x69: {  	_ =	shalt  }
0x6a: {  	_ =	shalt  }
0x6b: {  	_ =	shalt  }
0x6c: {  	_ =	shalt  }
0x6d: {  	_ =	shalt  }
0x6e: {  	_ =	shalt  }
0x6f: {  	_ =	shalt  }
0x70: {  	_ =	shalt  }
0x71: {  	_ =	shalt  }
0x72: {  	_ =	shalt  }
0x73: {  	_ =	shalt  }
0x74: {  	_ =	shalt  }
0x75: {  	_ =	shalt  }
0x76: {  	_ =	shalt  }
0x77: {  	_ =	shalt  }
0x78: {  	_ =	shalt  }
0x79: {  	_ =	shalt  }
0x7a: {  	_ =	shalt  }
0x7b: {  	_ =	shalt  }
0x7c: {  	_ =	shalt  }
0x7d: {  	_ =	shalt  }
0x7e: {  	_ =	shalt  }
0x7f: {  	_ =	shalt  }
0x80: {  	_ =	shalt  }
0x81: {  	_ =	shalt  }
0x82: {  	_ =	shalt  }
0x83: {  	_ =	shalt  }
0x84: {  	_ =	shalt  }
0x85: {  	_ =	shalt  }
0x86: {  	_ =	shalt  }
0x87: {  	_ =	shalt  }
.Lfunc_end0:
.L_simem_size_0:
called_computation.1_lowered:
.L_overlay_start_0:
0x88: {  	s2 =	sld [smem:$0x3FD9]  }
0x89: {  	s3 =	sld [smem:$0x3FFE];
	_ =	sdelay $0x1  }
0x8a: {  	s1 =	srdreg.scid  }
0x8b: {  	s0 =	sand.u32 $0x1, s1  }
0x8c: {  	s16 =	sshll.u32 s0, $0xA;
	s2 =	sadd.s32 s3, s2  }
0x8d: {  	s2 =	sadd.s32 s2, s16  }
0x8e: {  	[smem:$0x3FC0] =	sst s2  }
0x8f: {  	_ = 	snop  }
0x90: {  	(tm) =	ssettm $0x1  }
0x91: {  	s17 =	sld [smem:$0x3FFB];
	_ =	sdelay $0x3  }
0x92: {  	_ =	strace s17  }
0x93: {  	s2 =	sld [smem:$0x3FFC];
	_ =	sdelay $0x3  }
0x94: {  	_ =	strace s2  }
0x95: {  	s2 =	sld [smem:$0x3FFD];
	_ =	sdelay $0x3  }
0x96: {  	_ =	strace s2  }
0x97: {  	_ =	strace $0x8FFFFFFF  }
0x98: {  	s18 =	sld [smem:$0x3FDB];
	_ =	sdelay $0x1  }
0x99: {  	s19 =	simm.s32 $_scs_section_size  }
0x9a: {  	s4 =	simm.s32 $_size__tile_overlayer_lowered;
	s5 =	simm.s32 $_tile_overlayer_lowered  }
0x9b: {  	s22 =	simm.s32 $0x1BFF;
	s21 =	sshll.u32 s5, $0x1;
	s2 =	sadd.s32 s19, s18  }
0x9c: {  	s6 =	simm.s32 $0x0;
	s20 =	sshll.u32 s4, $0x1;
	s4 =	sadd.s32 s21, s2  }
0x9d: {  	[timem:s6], [sflag:s22] =	dma.local [hbm:s4], s20  }
0x9e: {  	_ =	swait.ge [sflag:s22], s20  }
0x9f: {  	s3 =	ssub.s32 $0x0, s20;
	[sflag:s22] =	ssyncset.done $0x0  }
0xa0: {  	[sflag:s22] =	ssyncadd.s32 s3;
	_ =	sdelay $0x1  }
0xa1: {  	s23 =	simm.s32 $0x1B8B  }
0xa2: {  	_ =	swait.ge [sflag:s23], $0x1  }
0xa3: {  	[sflag:s23] =	ssyncset.done $0x0  }
0xa4: {  	s25 =	simm.s32 $0x1B8E;
	s24 =	sld [smem:$0x3FFE];
	[sflag:s23] =	ssyncadd.s32 $0xFFFFFFFF  }
0xa5: {  	s26 =	simm.s32 $execute0_lowered;
	[smem:$0x3FD2] =	sst s25  }
0xa6: {  	s4 =	sshll.u32 s26, $0x1;
	_ =	strace $0x80000049;
	[dreg:$0x1] =	wrdreg $0xFFFFFFFF  }
0xa7: {  	s28 =	simm.s32 $_size_execute0_lowered;
	s2 =	sadd.s32 s2, s4;
	[dreg:$0x0] =	wrdreg $0x0  }
0xa8: {  	s4 =	sshll.u32 s28, $0x1;
	[dreg:$0x2] =	wrdreg s2  }
0xa9: {  	[dreg:$0x3] =	wrdreg s4  }
0xaa: {  	[dreg:$0x4] =	wrdreg $0xC0  }
0xab: {  	_ =	task [dreg:s6], $0x5FFFF  }
0xac: {  	[dreg:$0x1] =	wrdreg $0xFFFFFFFF  }
0xad: {  	[dreg:$0x0] =	wrdreg $0x60  }
0xae: {  	[dreg:$0x2] =	wrdreg s24  }
0xaf: {  	[dreg:$0x3] =	wrdreg $0xB0000  }
0xb0: {  	[dreg:$0x4] =	wrdreg $0x9  }
0xb1: {  	_ =	task.clear_ibuf [dreg:s6], $0x5FFFF;
	_ =	strace $0x90000049  }
0xb2: {  	s29 =	simm.s32 $0x9;
	_ =	strace $0x8000004B  }
0xb3: {  	_ =	swait.ge [sflag:s29], $0x1  }
0xb4: {  	[sflag:s29] =	ssyncadd.s32 $0xFFFFFFFF  }
0xb5: {  	_ =	strace $0x9000004B  }
0xb6: {  	_ =	sfence  }
0xb7: {  	s30 =	sld [smem:$0x0];
	_ =	sdelay $0x2  }
0xb8: {  	s31 =	sshll.u32 s1, $0xD;
	s1 =	sshrl.u32 s1, $0x2  }
0xb9: {  	s3 =	sand.u32 $0x4000, s31;
	s1 =	sadd.s32 s1, s30  }
0xba: {  	s0 =	sor.u32 s3, s0;
	s1 =	sshll.u32 s1, $0x11  }
0xbb: {  	s0 =	sor.u32 s1, s0  }
0xbc: {  	s0 =	sadd.s32 $0x8F2B, s0  }
0xbd: {  	[sflag:s0] =	ssyncadd.remote.s32 $0x1  }
0xbe: {  	_ =	sfence.sel $0xFFFF  }
0xbf: {  	[dreg:$0x0] =	wrdreg $0xFFFFFFFF;
	(pc) =	sbr.abs _section_cstart, $3  }
0xc0: {  	[dreg:$0x1] =	wrdreg $0xFFFFFFFF  }
0xc1: {  	_ =	task.clear_ibuf [dreg:s6], $0x2FFFF;
	_ =	strace $0x9FFFFFFF  }
0xc2: {  	(tm) =	ssettm $0x7FFFFFFF  }
0xc3: {  	_ =	shalt  }
tec
execute0_lowered:
.L_overlay_start_1:
0x0: {  	(tag) =	ssettag $0x1  }
0x1: {  	s1 =	rddreg [dreg:$0x0]  }
0x2: {  	s2 =	rddreg [dreg:$0x1];
	s3 =	simm.s32 $0x0;
	s0 =	srdreg.scid  }
0x3: {  	s11 =	stileid.u32;
	[smem:$0x7FF] =	sst s3;
	s0 =	sand.u32 $0x1, s0  }
0x4: {  	s5 =	sshll.u32 s11, $0x1;
	s4 =	sadd.s32 $0x15C00, s1;
	s25 =	sadd.s32 $0xBE00, s1  }
0x5: {  	s6 =	sadd.s32 $0x2000, s1;
	s9 =	smul.u32 $0x4E20, s11;
	s7 =	sor.u32 s0, s5  }
0x6: {  	s12 =	sadd.s32 $0x64000, s1;
	_ =	strace $0x8000004A;
	s28 =	smul.u32 $0x2710, s7  }
0x7: {  	s5 =	sadd.s32 $0x3CE00, s1;
	s23 =	ssub.s32 $0x2, s0;
	s10 =	smul.u32 $0x2710, s0  }
0x8: {  	[dreg:$0x10] =	wrdreg s12;
	s24 =	sshrl.u32 s23, $0x1;
	s8 =	sshrl.u32 s28, $0x3  }
0x9: {  	[dreg:$0xf] =	wrdreg s5;
	s15 =	sadd.s32 s10, s9;
	s13 =	sadd.s32 s25, s8  }
0xa: {  	s26 =	sadd.s32 $0xA, s8;
	s30 =	sadd.s32 s6, s8;
	[dreg:$0x11] =	wrdreg s13  }
0xb: {  	s10 =	sadd.s32 $0x2D0, s15;
	[dreg:$0x12] =	wrdreg s30;
	s31 =	sadd.s32 s25, s26  }
0xc: {  	s16 =	sadd.s32 $0x1E, s8;
	s7 =	sadd.s32 s6, s26;
	[dreg:$0x13] =	wrdreg s31  }
0xd: {  	s20 =	sadd.s32 $0x320, s15;
	s17 =	sadd.s32 s25, s16;
	[dreg:$0x14] =	wrdreg s7  }
0xe: {  	s18 =	sshrl.u32 s10, $0x3;
	s9 =	sadd.s32 s6, s16;
	[dreg:$0x17] =	wrdreg s17  }
0xf: {  	s21 =	sshrl.u32 s20, $0x3;
	s19 =	sadd.s32 s18, s6;
	[dreg:$0x18] =	wrdreg s9  }
0x10: {  	s1 =	ssub.s32 s23, s24;
	s22 =	sadd.s32 s21, s6;
	[dreg:$0x3] =	wrdreg s19  }
0x11: {  	s13 =	sadd.s32 $0x14, s8;
	s24 =	sadd.s32 s21, s25;
	[dreg:$0x5] =	wrdreg s22  }
0x12: {  	s23 =	sadd.s32 $0x370, s15;
	s14 =	sadd.s32 s25, s13;
	[dreg:$0x6] =	wrdreg s24  }
0x13: {  	s26 =	sshrl.u32 s23, $0x3;
	s7 =	sadd.s32 s6, s13;
	[dreg:$0x15] =	wrdreg s14  }
0x14: {  	s30 =	sadd.s32 s26, s6;
	[dreg:$0x16] =	wrdreg s7  }
0x15: {  	s31 =	sadd.s32 $0x3C0, s15;
	s9 =	sadd.s32 s26, s25;
	[dreg:$0x7] =	wrdreg s30  }
0x16: {  	s7 =	sadd.s32 s18, s25;
	s10 =	sshrl.u32 s31, $0x3;
	[dreg:$0x8] =	wrdreg s9  }
0x17: {  	[dreg:$0x4] =	wrdreg s7;
	s13 =	sadd.s32 s10, s6  }
0x18: {  	s18 =	sadd.s32 $0x28, s8;
	s16 =	sadd.s32 s10, s25;
	[dreg:$0x9] =	wrdreg s13  }
0x19: {  	s20 =	sadd.s32 s25, s18;
	[dreg:$0xa] =	wrdreg s16  }
0x1a: {  	s8 =	sadd.s32 $0x32, s8;
	s10 =	sadd.s32 s6, s18;
	[dreg:$0x19] =	wrdreg s20  }
0x1b: {  	s24 =	smul.u32 $0x2700, s11;
	s26 =	sadd.s32 s25, s8;
	[dreg:$0x1a] =	wrdreg s10  }
0x1c: {  	p0 =	seq.s32 s0, $0x1;
	s30 =	sadd.s32 s6, s8;
	[dreg:$0x1b] =	wrdreg s26  }
0x1d: {  	s14 =	sadd.s32 $0x410, s15;
	s5 =	sadd.s32 s5, s24;
	[dreg:$0x1c] =	wrdreg s30  }
0x1e: {  	s17 =	sshrl.u32 s14, $0x3;
	s0 =	sadd.s32 s12, s24;
	[dreg:$0x1e] =	wrdreg s5  }
0x1f: {  	s21 =	sadd.s32 $0x1E0, s15;
	s19 =	sadd.s32 s17, s6;
	[dreg:$0x1f] =	wrdreg s0  }
0x20: {  	s7 =	sshrl.u32 s21, $0x3;
	s9 =	sadd.s32 s17, s25;
	[dreg:$0xb] =	wrdreg s19  }
0x21: {  	s23 =	smul.u32 $0x4E000, s11;
	s22 =	sadd.s32 s7, s6;
	[dreg:$0xc] =	wrdreg s9  }
0x22: {  	s7 =	sadd.s32 s7, s25;
	[dreg:$0xd] =	wrdreg s22  }
0x23: {  	s31 =	sshrl.u32 s23, $0x2;
	s5 =	smax.u32 s1, $0x1;
	[dreg:$0xe] =	wrdreg s7  }
0x24: {  	s10 =	sadd.s32 s31, s2;
	[smem:$0x7D5] =	sst s5  }
0x25: {  	s8 =	sadd.s32 $0x800, s10;
	[dreg:$0x1d] =	wrdreg s10  }
0x26: {  	p1 =	sne.s32 s11, $0xF;
	s9 =	sadd.s32 $0x1000, s10;
	[smem:$0x7D7] =	sst s8  }
0x27: {  	p2 =	seq.s32 s11, $0xF;
	s11 =	sadd.s32 $0x1800, s10;
	[smem:$0x7D8] =	sst s9  }
0x28: {  	s12 =	sadd.s32 $0x2000, s10;
	[smem:$0x7D9] =	sst s11  }
0x29: {  	s13 =	sadd.s32 $0x2800, s10;
	[smem:$0x7DA] =	sst s12  }
0x2a: {  	s14 =	sadd.s32 $0x3000, s10;
	[smem:$0x7DB] =	sst s13  }
0x2b: {  	s16 =	sadd.s32 $0x3800, s10;
	[smem:$0x7DC] =	sst s14  }
0x2c: {  	s17 =	sadd.s32 $0x4000, s10;
	[smem:$0x7DD] =	sst s16  }
0x2d: {  	s18 =	sadd.s32 $0x4800, s10;
	[smem:$0x7DE] =	sst s17  }
0x2e: {  	s19 =	sadd.s32 $0x5000, s10;
	[smem:$0x7DF] =	sst s18  }
0x2f: {  	s20 =	sadd.s32 $0x5800, s10;
	[smem:$0x7E0] =	sst s19  }
0x30: {  	s21 =	sadd.s32 $0x6000, s10;
	[smem:$0x7E1] =	sst s20  }
0x31: {  	s22 =	sadd.s32 $0x6800, s10;
	[smem:$0x7E2] =	sst s21  }
0x32: {  	s23 =	sadd.s32 $0x7000, s10;
	[smem:$0x7E3] =	sst s22  }
0x33: {  	s24 =	sadd.s32 $0x7800, s10;
	[smem:$0x7E4] =	sst s23  }
0x34: {  	s26 =	sadd.s32 $0x8000, s10;
	[smem:$0x7E5] =	sst s24  }
0x35: {  	s30 =	sadd.s32 $0x8800, s10;
	[smem:$0x7E6] =	sst s26  }
0x36: {  	s31 =	sadd.s32 $0x9000, s10;
	[smem:$0x7E7] =	sst s30  }
0x37: {  	s1 =	sadd.s32 $0x9800, s10;
	[smem:$0x7E8] =	sst s31  }
0x38: {  	s7 =	sadd.s32 $0x138000, s2;
	s5 =	sadd.s32 $0xA000, s10;
	[smem:$0x7E9] =	sst s1  }
0x39: {  	s0 =	sshrl.u32 s7, $0x3;
	[smem:$0x7EA] =	sst s5  }
0x3a: {  	s7 =	sadd.s32 $0xA800, s10;
	[smem:$0x7D6] =	sst s0  }
0x3b: {  	s8 =	sadd.s32 $0xB000, s10;
	[smem:$0x7EB] =	sst s7  }
0x3c: {  	s9 =	sadd.s32 $0xB800, s10;
	[smem:$0x7EC] =	sst s8  }
0x3d: {  	s11 =	sadd.s32 $0xC000, s10;
	[smem:$0x7ED] =	sst s9  }
0x3e: {  	s12 =	sadd.s32 $0xC800, s10;
	[smem:$0x7EE] =	sst s11  }
0x3f: {  	s13 =	sadd.s32 $0xD000, s10;
	[smem:$0x7EF] =	sst s12  }
0x40: {  	s14 =	sadd.s32 $0xD800, s10;
	[smem:$0x7F0] =	sst s13  }
0x41: {  	s16 =	sadd.s32 $0xE000, s10;
	[smem:$0x7F1] =	sst s14  }
0x42: {  	s17 =	sadd.s32 $0xE800, s10;
	[smem:$0x7F2] =	sst s16  }
0x43: {  	s18 =	sadd.s32 $0xF000, s10;
	[smem:$0x7F3] =	sst s17  }
0x44: {  	s19 =	sadd.s32 $0xF800, s10;
	[smem:$0x7F4] =	sst s18  }
0x45: {  	s20 =	sadd.s32 $0x10000, s10;
	[smem:$0x7F5] =	sst s19  }
0x46: {  	s21 =	sadd.s32 $0x10800, s10;
	[smem:$0x7F6] =	sst s20  }
0x47: {  	s22 =	sadd.s32 $0x11000, s10;
	[smem:$0x7F7] =	sst s21  }
0x48: {  	s23 =	sadd.s32 $0x11800, s10;
	[smem:$0x7F8] =	sst s22  }
0x49: {  	s24 =	sadd.s32 $0x12000, s10;
	[smem:$0x7F9] =	sst s23  }
0x4a: {  	s29 =	simm.s32 $0x500;
	s26 =	sadd.s32 $0x12800, s10;
	[smem:$0x7FA] =	sst s24  }
0x4b: {  	s30 =	sadd.s32 $0x13000, s10;
	s31 =	sadd.s32 $0x13800, s10;
	[smem:$0x7FB] =	sst s26  }
.Ltmp0:
0x4c: {  	s1 =	simm.s32 $0x1;
	[smem:$0x7FC] =	sst s30;
	(pc) =	sbr.rel .LBB2_1-.Ltmp0, $4  }
0x4d: {  	[smem:$0x7FD] =	sst s31;
	s20 =	simm.s32 $0x80;
	s24 =	simm.s32 $0x480  }
0x4e: {  	s22 =	simm.s32 $0x100;
	s23 =	simm.s32 $0x180;
	s11 =	simm.s32 $0x200  }
0x4f: {  	s12 =	simm.s32 $0x600;
	s26 =	simm.s32 $0x280;
	s9 =	simm.s32 $0x50  }
0x50: {  	v0 =	vimm.f32 $0.0e+00;
	s8 =	simm.s32 $0x2;
	s7 =	simm.s32 $0xD;
	s0 =	simm.s32 $0x0  }
.LBB2_10:
0x51: {  	s31 =	sld [smem:$0x7D6];
	_ =	sdelay $0x1  }
0x52: {  	s5 =	sadd.s32 $0x27000, s12;
	s0 =	simm.s32 $0xF  }
0x53: {  	[hbm:s5], [sflag:s11] =	dma.local [spmem:s31], $0x100  }
0x54: {  	_ =	swait.ge [sflag:s0], $0x100  }
0x55: {  	[sflag:s0] =	ssyncset.done $0x0  }
0x56: {  	[sflag:s0] =	ssyncadd.s32 $0xFFFFFF00  }
.LBB2_11:
0x57: {  	s5 =	sld [smem:$0x7D5];
	_ =	sdelay $0x1  }
0x58: {  	s0 =	sadd.s32 $0x1, s13  }
0x59: {  	p3 =	sne.s32 s0, s5  }
.Ltmp1:
0x5a: {  	_ = 	snop;
	(pc) =	sbr.rel @!p3 .LBB2_12-.Ltmp1, $2  }
0x5b: {  	_ =	sdelay $0x2  }
0x5c: {  	s11 =	simm.s32 $0x200;
	s12 =	simm.s32 $0x600;
	s26 =	simm.s32 $0x280  }
.LBB2_1:
0x5d: {  	s5 =	rddreg [dreg:$0x11]  }
0x5e: {  	[tilespmem:s3], [sflag:$0x1] =	stream.linear.gather [hbm4b:s5+s3], $0x50, $0x38;
	[tilespmem:$0x1E880] =	vst v63  }
0x5f: {  	s18 =	rddreg [dreg:$0x12];
	s13 =	simm.s32 $0x400  }
0x60: {  	[tilespmem:s13], [sflag:$0x1] =	stream.linear.gather [hbm4b:s18+s3], $0x50, $0x38;
	[tilespmem:$0x1E880] =	vst v63  }
0x61: {  	s19 =	rddreg [dreg:$0x13]  }
0x62: {  	[tilespmem:s20], [sflag:$0x2] =	stream.linear.gather [hbm4b:s19+s3], $0x50, $0x38;
	[tilespmem:$0x1E880] =	vst v63  }
0x63: {  	s21 =	rddreg [dreg:$0x14]  }
0x64: {  	[tilespmem:s24], [sflag:$0x2] =	stream.linear.gather [hbm4b:s21+s3], $0x50, $0x38;
	[tilespmem:$0x1E880] =	vst v63  }
0x65: {  	s30 =	rddreg [dreg:$0x15]  }
0x66: {  	[tilespmem:s22], [sflag:$0x3] =	stream.linear.gather [hbm4b:s30+s3], $0x50, $0x38;
	[tilespmem:$0x1E880] =	vst v63  }
0x67: {  	s13 =	rddreg [dreg:$0x16]  }
0x68: {  	[tilespmem:s29], [sflag:$0x3] =	stream.linear.gather [hbm4b:s13+s3], $0x50, $0x38;
	[tilespmem:$0x1E880] =	vst v63  }
0x69: {  	s14 =	rddreg [dreg:$0x17]  }
0x6a: {  	[tilespmem:s23], [sflag:$0x4] =	stream.linear.gather [hbm4b:s14+s3], $0x50, $0x38;
	[tilespmem:$0x1E880] =	vst v63  }
0x6b: {  	s16 =	rddreg [dreg:$0x18];
	s31 =	simm.s32 $0x580  }
0x6c: {  	[tilespmem:s31], [sflag:$0x4] =	stream.linear.gather [hbm4b:s16+s3], $0x50, $0x38;
	[tilespmem:$0x1E880] =	vst v63  }
0x6d: {  	s17 =	rddreg [dreg:$0x19]  }
0x6e: {  	[tilespmem:s11], [sflag:$0x5] =	stream.linear.gather [hbm4b:s17+s3], $0x50, $0x38;
	[tilespmem:$0x1E880] =	vst v63  }
0x6f: {  	s18 =	rddreg [dreg:$0x1a]  }
0x70: {  	[tilespmem:s12], [sflag:$0x5] =	stream.linear.gather [hbm4b:s18+s3], $0x50, $0x38;
	[tilespmem:$0x1E880] =	vst v63  }
0x71: {  	s19 =	rddreg [dreg:$0x1b]  }
0x72: {  	[tilespmem:s26], [sflag:$0x6] =	stream.linear.gather [hbm4b:s19+s3], $0x50, $0x38;
	[tilespmem:$0x1E880] =	vst v63  }
0x73: {  	s21 =	rddreg [dreg:$0x1c];
	s26 =	sand.u32 $0x1E00, s3  }
0x74: {  	s29 =	sand.u32 $0x70, s3;
	s23 =	simm.s32 $0x680;
	s30 =	sshrl.u32 s26, $0x2  }
0x75: {  	[tilespmem:s23], [sflag:$0x6] =	stream.linear.gather [hbm4b:s21+s3], $0x50, $0x38;
	[tilespmem:$0x1E880] =	vst v63  }
0x76: {  	s11 =	simm.s32 $0x40;
	s12 =	simm.s32 $0x0;
	s26 =	sor.u32 s29, s30  }
.LBB2_2:
0x77: {  	p3 =	sne.s32 s11, $0x1FC0  }
0x78: {  	[tilespmem:s26+$0xA800] =	vst v0;
	s12 =	sadd.s32 $0x10, s12;
	s26 =	smov.u32 s11;
	s11 =	sadd.s32 $0x40, s11  }
.Ltmp2:
0x79: {  	(pc) =	sbr.rel @p3 .LBB2_2-.Ltmp2, $4  }
0x7a: {  	_ = 	snop  }
0x7b: {  	s26 =	sand.u32 $0x1E00, s26  }
0x7c: {  	s29 =	sand.u32 $0x70, s12;
	s26 =	sshrl.u32 s26, $0x2  }
0x7d: {  	s26 =	sor.u32 s29, s26  }
0x7e: {  	[smem:$0x7D4] =	sst s0  }
0x7f: {  	[tilespmem:s26+$0xA800] =	vst v0;
	s11 =	simm.s32 $0xA800;
	s5 =	sld [smem:$0x7D7]  }
0x80: {  	[spmem:s10] =	stream.linear.scatter [tilespmem:s11], [sflag:$0xE], $0x800, $0x38;
	[tilespmem:$0x1E880] =	vst v63  }
0x81: {  	s13 =	sld [smem:$0x7D8]  }
0x82: {  	[spmem:s5] =	stream.linear.scatter [tilespmem:s11], [sflag:$0xE], $0x800, $0x38;
	[tilespmem:$0x1E880] =	vst v63  }
0x83: {  	s14 =	sld [smem:$0x7D9]  }
0x84: {  	[spmem:s13] =	stream.linear.scatter [tilespmem:s11], [sflag:$0xE], $0x800, $0x38;
	[tilespmem:$0x1E880] =	vst v63  }
0x85: {  	s17 =	sld [smem:$0x7DA]  }
0x86: {  	[spmem:s14] =	stream.linear.scatter [tilespmem:s11], [sflag:$0xE], $0x800, $0x38;
	[tilespmem:$0x1E880] =	vst v63  }
0x87: {  	s18 =	sld [smem:$0x7DB]  }
0x88: {  	[spmem:s17] =	stream.linear.scatter [tilespmem:s11], [sflag:$0xE], $0x800, $0x38;
	[tilespmem:$0x1E880] =	vst v63  }
0x89: {  	s19 =	sld [smem:$0x7DC]  }
0x8a: {  	[spmem:s18] =	stream.linear.scatter [tilespmem:s11], [sflag:$0xE], $0x800, $0x38;
	[tilespmem:$0x1E880] =	vst v63  }
0x8b: {  	s21 =	sld [smem:$0x7DD]  }
0x8c: {  	[spmem:s19] =	stream.linear.scatter [tilespmem:s11], [sflag:$0xE], $0x800, $0x38;
	[tilespmem:$0x1E880] =	vst v63  }
0x8d: {  	s23 =	sld [smem:$0x7DE]  }
0x8e: {  	[spmem:s21] =	stream.linear.scatter [tilespmem:s11], [sflag:$0xE], $0x800, $0x38;
	[tilespmem:$0x1E880] =	vst v63  }
0x8f: {  	s26 =	sld [smem:$0x7DF]  }
0x90: {  	[spmem:s23] =	stream.linear.scatter [tilespmem:s11], [sflag:$0xE], $0x800, $0x38;
	[tilespmem:$0x1E880] =	vst v63  }
0x91: {  	s29 =	sld [smem:$0x7E0]  }
0x92: {  	[spmem:s26] =	stream.linear.scatter [tilespmem:s11], [sflag:$0xE], $0x800, $0x38;
	[tilespmem:$0x1E880] =	vst v63  }
0x93: {  	s30 =	sld [smem:$0x7E1]  }
0x94: {  	[spmem:s29] =	stream.linear.scatter [tilespmem:s11], [sflag:$0xE], $0x800, $0x38;
	[tilespmem:$0x1E880] =	vst v63  }
0x95: {  	s0 =	sld [smem:$0x7E2]  }
0x96: {  	[spmem:s30] =	stream.linear.scatter [tilespmem:s11], [sflag:$0xE], $0x800, $0x38;
	[tilespmem:$0x1E880] =	vst v63  }
0x97: {  	s16 =	smov.u32 s2;
	s2 =	sld [smem:$0x7E3]  }
0x98: {  	[spmem:s0] =	stream.linear.scatter [tilespmem:s11], [sflag:$0xE], $0x800, $0x38;
	[tilespmem:$0x1E880] =	vst v63  }
0x99: {  	s10 =	sld [smem:$0x7E4]  }
0x9a: {  	[spmem:s2] =	stream.linear.scatter [tilespmem:s11], [sflag:$0xE], $0x800, $0x38;
	[tilespmem:$0x1E880] =	vst v63  }
0x9b: {  	s12 =	sld [smem:$0x7E5]  }
0x9c: {  	[spmem:s10] =	stream.linear.scatter [tilespmem:s11], [sflag:$0xE], $0x800, $0x38;
	[tilespmem:$0x1E880] =	vst v63  }
0x9d: {  	s13 =	sld [smem:$0x7E6]  }
0x9e: {  	[spmem:s12] =	stream.linear.scatter [tilespmem:s11], [sflag:$0xE], $0x800, $0x38;
	[tilespmem:$0x1E880] =	vst v63  }
0x9f: {  	s14 =	sld [smem:$0x7E7]  }
0xa0: {  	[spmem:s13] =	stream.linear.scatter [tilespmem:s11], [sflag:$0xE], $0x800, $0x38;
	[tilespmem:$0x1E880] =	vst v63  }
0xa1: {  	s17 =	sld [smem:$0x7E8]  }
0xa2: {  	[spmem:s14] =	stream.linear.scatter [tilespmem:s11], [sflag:$0xE], $0x800, $0x38;
	[tilespmem:$0x1E880] =	vst v63  }
0xa3: {  	s18 =	sld [smem:$0x7E9]  }
0xa4: {  	[spmem:s17] =	stream.linear.scatter [tilespmem:s11], [sflag:$0xE], $0x800, $0x38;
	[tilespmem:$0x1E880] =	vst v63  }
0xa5: {  	s19 =	sld [smem:$0x7EA]  }
0xa6: {  	[spmem:s18] =	stream.linear.scatter [tilespmem:s11], [sflag:$0xE], $0x800, $0x38;
	[tilespmem:$0x1E880] =	vst v63  }
0xa7: {  	s21 =	sld [smem:$0x7EB]  }
0xa8: {  	[spmem:s19] =	stream.linear.scatter [tilespmem:s11], [sflag:$0xE], $0x800, $0x38;
	[tilespmem:$0x1E880] =	vst v63  }
0xa9: {  	s23 =	sld [smem:$0x7EC]  }
0xaa: {  	[spmem:s21] =	stream.linear.scatter [tilespmem:s11], [sflag:$0xE], $0x800, $0x38;
	[tilespmem:$0x1E880] =	vst v63  }
0xab: {  	s26 =	sld [smem:$0x7ED]  }
0xac: {  	[spmem:s23] =	stream.linear.scatter [tilespmem:s11], [sflag:$0xE], $0x800, $0x38;
	[tilespmem:$0x1E880] =	vst v63  }
0xad: {  	s29 =	sld [smem:$0x7EE]  }
0xae: {  	[spmem:s26] =	stream.linear.scatter [tilespmem:s11], [sflag:$0xE], $0x800, $0x38;
	[tilespmem:$0x1E880] =	vst v63  }
0xaf: {  	s30 =	sld [smem:$0x7EF]  }
0xb0: {  	[spmem:s29] =	stream.linear.scatter [tilespmem:s11], [sflag:$0xE], $0x800, $0x38;
	[tilespmem:$0x1E880] =	vst v63  }
0xb1: {  	s0 =	sld [smem:$0x7F0]  }
0xb2: {  	[spmem:s30] =	stream.linear.scatter [tilespmem:s11], [sflag:$0xE], $0x800, $0x38;
	[tilespmem:$0x1E880] =	vst v63  }
0xb3: {  	s2 =	sld [smem:$0x7F1]  }
0xb4: {  	[spmem:s0] =	stream.linear.scatter [tilespmem:s11], [sflag:$0xE], $0x800, $0x38;
	[tilespmem:$0x1E880] =	vst v63  }
0xb5: {  	s10 =	sld [smem:$0x7F2]  }
0xb6: {  	[spmem:s2] =	stream.linear.scatter [tilespmem:s11], [sflag:$0xE], $0x800, $0x38;
	[tilespmem:$0x1E880] =	vst v63  }
0xb7: {  	s12 =	sld [smem:$0x7F3]  }
0xb8: {  	[spmem:s10] =	stream.linear.scatter [tilespmem:s11], [sflag:$0xE], $0x800, $0x38;
	[tilespmem:$0x1E880] =	vst v63  }
0xb9: {  	s13 =	sld [smem:$0x7F4]  }
0xba: {  	[spmem:s12] =	stream.linear.scatter [tilespmem:s11], [sflag:$0xE], $0x800, $0x38;
	[tilespmem:$0x1E880] =	vst v63  }
0xbb: {  	s14 =	sld [smem:$0x7F5]  }
0xbc: {  	[spmem:s13] =	stream.linear.scatter [tilespmem:s11], [sflag:$0xE], $0x800, $0x38;
	[tilespmem:$0x1E880] =	vst v63  }
0xbd: {  	s17 =	sld [smem:$0x7F6]  }
0xbe: {  	[spmem:s14] =	stream.linear.scatter [tilespmem:s11], [sflag:$0xE], $0x800, $0x38;
	[tilespmem:$0x1E880] =	vst v63  }
0xbf: {  	s18 =	sld [smem:$0x7F7]  }
0xc0: {  	[spmem:s17] =	stream.linear.scatter [tilespmem:s11], [sflag:$0xE], $0x800, $0x38;
	[tilespmem:$0x1E880] =	vst v63  }
0xc1: {  	s19 =	sld [smem:$0x7F8]  }
0xc2: {  	[spmem:s18] =	stream.linear.scatter [tilespmem:s11], [sflag:$0xE], $0x800, $0x38;
	[tilespmem:$0x1E880] =	vst v63  }
0xc3: {  	s21 =	sld [smem:$0x7F9]  }
0xc4: {  	[spmem:s19] =	stream.linear.scatter [tilespmem:s11], [sflag:$0xE], $0x800, $0x38;
	[tilespmem:$0x1E880] =	vst v63  }
0xc5: {  	s23 =	sld [smem:$0x7FA]  }
0xc6: {  	[spmem:s21] =	stream.linear.scatter [tilespmem:s11], [sflag:$0xE], $0x800, $0x38;
	[tilespmem:$0x1E880] =	vst v63  }
0xc7: {  	s26 =	sld [smem:$0x7FB]  }
0xc8: {  	[spmem:s23] =	stream.linear.scatter [tilespmem:s11], [sflag:$0xE], $0x800, $0x38;
	[tilespmem:$0x1E880] =	vst v63  }
0xc9: {  	s29 =	sld [smem:$0x7FC]  }
0xca: {  	[spmem:s26] =	stream.linear.scatter [tilespmem:s11], [sflag:$0xE], $0x800, $0x38;
	[tilespmem:$0x1E880] =	vst v63  }
0xcb: {  	s30 =	sld [smem:$0x7FD]  }
0xcc: {  	[spmem:s29] =	stream.linear.scatter [tilespmem:s11], [sflag:$0xE], $0x800, $0x38;
	[tilespmem:$0x1E880] =	vst v63  }
0xcd: {  	s5 =	simm.s32 $0xE  }
0xce: {  	[spmem:s30] =	stream.linear.scatter [tilespmem:s11], [sflag:$0xE], $0x800, $0x38;
	[tilespmem:$0x1E880] =	vst v63  }
0xcf: {  	_ =	swait.ge [sflag:s5], $0x800  }
0xd0: {  	s11 =	simm.s32 $0x27;
	[sflag:s5] =	ssyncset.done $0x0  }
.LBB2_4:
0xd1: {  	p3 =	sne.s32 s11, $0x1;
	s11 =	sadd.s32 $0xFFFFFFFF, s11;
	[sflag:s5] =	ssyncadd.s32 $0xFFFFF800  }
.Ltmp3:
0xd2: {  	(pc) =	sbr.rel @p3 .LBB2_4-.Ltmp3, $3  }
0xd3: {  	_ =	sdelay $0x1  }
0xd4: {  	_ =	swait.ge [sflag:s5], $0x800  }
0xd5: {  	[sflag:s5] =	ssyncset.done $0x0  }
0xd6: {  	[sflag:s5] =	ssyncadd.s32 $0xFFFFF800  }
0xd7: {  	[bflag:$0x0] =	sbarrier.arrive $0xFFFF  }
0xd8: {  	_ =	swait.ge [sflag:s1], $0x50  }
0xd9: {  	[sflag:s1] =	ssyncset.done $0x0  }
0xda: {  	[sflag:s1] =	ssyncadd.s32 $0xFFFFFFB0  }
0xdb: {  	_ =	swait.ge [sflag:s1], $0x50  }
0xdc: {  	[sflag:s1] =	ssyncset.done $0x0  }
0xdd: {  	s11 =	simm.s32 $0x0;
	s23 =	simm.s32 $0x800;
	[sflag:s1] =	ssyncadd.s32 $0xFFFFFFB0  }
0xde: {  	[tilespmem:s23], [sflag:$0x9] =	stream.indirect.gather [hbm4b:s4+s9], $0x80, s11, s9, $0xb8;
	[tilespmem:$0x1E880] =	vst v63  }
0xdf: {  	_ =	swait.ge [sflag:s8], $0x50  }
0xe0: {  	[sflag:s8] =	ssyncset.done $0x0  }
0xe1: {  	[sflag:s8] =	ssyncadd.s32 $0xFFFFFFB0  }
0xe2: {  	_ =	swait.ge [sflag:s8], $0x50  }
0xe3: {  	[sflag:s8] =	ssyncset.done $0x0  }
0xe4: {  	s26 =	rddreg [dreg:$0xe];
	[sflag:s8] =	ssyncadd.s32 $0xFFFFFFB0;
	s8 =	simm.s32 $0x3000  }
0xe5: {  	[tilespmem:s8], [sflag:$0xA] =	stream.indirect.gather [hbm4b:s4+s9], $0x80, s20, s9, $0xb8;
	[tilespmem:$0x1E880] =	vst v63  }
0xe6: {  	s18 =	simm.s32 $0x300;
	s12 =	rddreg [dreg:$0xd];
	s11 =	sadd.s32 $0x0, s26  }
0xe7: {  	[tilespmem:s18], [sflag:$0x7] =	stream.linear.gather [hbm4b:s11+s3], $0x50, $0x38;
	[tilespmem:$0x1E880] =	vst v63  }
0xe8: {  	s10 =	simm.s32 $0x700;
	s0 =	sadd.s32 $0x0, s12  }
0xe9: {  	[tilespmem:s10], [sflag:$0x7] =	stream.linear.gather [hbm4b:s0+s3], $0x50, $0x38;
	[tilespmem:$0x1E880] =	vst v63  }
0xea: {  	s0 =	simm.s32 $0x3  }
0xeb: {  	_ =	swait.ge [sflag:s0], $0x50  }
0xec: {  	[sflag:s0] =	ssyncset.done $0x0  }
0xed: {  	[sflag:s0] =	ssyncadd.s32 $0xFFFFFFB0  }
0xee: {  	_ =	swait.ge [sflag:s0], $0x50  }
0xef: {  	[sflag:s0] =	ssyncset.done $0x0  }
0xf0: {  	s13 =	simm.s32 $0x5800;
	s17 =	simm.s32 $0x9;
	[sflag:s0] =	ssyncadd.s32 $0xFFFFFFB0  }
0xf1: {  	[tilespmem:s13], [sflag:$0xB] =	stream.indirect.gather [hbm4b:s4+s9], $0x80, s22, s9, $0xb8;
	[tilespmem:$0x1E880] =	vst v63  }
0xf2: {  	_ =	swait.ge [sflag:s17], $0x2800  }
0xf3: {  	p3 =	por $0x0, $0x0;
	[sflag:s17] =	ssyncset.done $0x0  }
0xf4: {  	s12 =	simm.s32 @p3 $0x230;
	s11 =	simm.s32 @p3 $0xD;
	[sflag:s17] =	ssyncadd.s32 $0xFFFFD800  }
0xf5: {  	s29 =	simm.s32 @p3 $0x50;
	s12 =	simm.s32 @!p3 $0x230;
	_ =	swait.ge @p3 [sflag:s11], $0x2800  }
0xf6: {  	s26 =	simm.s32 @p3 $0x800;
	s12 =	sadd.s32 s28, s12;
	[sflag:s11] =	ssyncset.done @p3 $0x0  }
0xf7: {  	s12 =	sshrl.u32 s12, $0x3;
	[sflag:s11] =	ssyncadd.s32 @p3 $0xFFFFD800;
	s11 =	simm.s32 @p3 $0x400  }
0xf8: {  	[spmem:s16] =	stream.indirect.scatter.add.f32 @p3 [tilespmem:s26], [sflag:$0xD], $0x80, s11, s29, $0xb8;
	[tilespmem:$0x1E880] =	vst v63  }
0xf9: {  	s11 =	simm.s32 @!p3 $0x800;
	s26 =	simm.s32 @!p3 $0x50;
	s29 =	simm.s32 @!p3 $0x400  }
0xfa: {  	[spmem:s16] =	stream.indirect.scatter.add.f32 @!p3 [tilespmem:s11], [sflag:$0xD], $0x80, s29, s26, $0xb8;
	[tilespmem:$0x1E880] =	vst v63  }
0xfb: {  	s21 =	simm.s32 $0x380;
	s1 =	sadd.s32 s25, s12  }
0xfc: {  	[tilespmem:s21], [sflag:$0x8] =	stream.linear.gather [hbm4b:s1+s3], $0x50, $0x38;
	[tilespmem:$0x1E880] =	vst v63  }
0xfd: {  	s14 =	simm.s32 $0x4;
	s5 =	sadd.s32 s6, s12;
	s12 =	simm.s32 $0x780  }
0xfe: {  	[tilespmem:s12], [sflag:$0x8] =	stream.linear.gather [hbm4b:s5+s3], $0x50, $0x38;
	[tilespmem:$0x1E880] =	vst v63  }
0xff: {  	_ =	swait.ge [sflag:s14], $0x50  }
0x100: {  	[sflag:s14] =	ssyncset.done $0x0  }
0x101: {  	[sflag:s14] =	ssyncadd.s32 $0xFFFFFFB0  }
0x102: {  	_ =	swait.ge [sflag:s14], $0x50  }
0x103: {  	s0 =	simm.s32 $0x8000;
	[sflag:s14] =	ssyncset.done $0x0  }
0x104: {  	s5 =	simm.s32 $0x180;
	[sflag:s14] =	ssyncadd.s32 $0xFFFFFFB0;
	s14 =	simm.s32 $0xA  }
0x105: {  	[tilespmem:s0], [sflag:$0xC] =	stream.indirect.gather [hbm4b:s4+s9], $0x80, s5, s9, $0xb8;
	[tilespmem:$0x1E880] =	vst v63  }
0x106: {  	_ =	swait.ge [sflag:s14], $0x2800  }
0x107: {  	[sflag:s14] =	ssyncset.done $0x0  }
0x108: {  	[sflag:s14] =	ssyncadd.s32 $0xFFFFD800  }
0x109: {  	_ =	swait.ge [sflag:s7], $0x2800  }
0x10a: {  	s26 =	sadd.s32 $0x280, s15;
	[sflag:s7] =	ssyncset.done $0x0  }
0x10b: {  	s11 =	sshrl.u32 s26, $0x3;
	[sflag:s7] =	ssyncadd.s32 $0xFFFFD800  }
0x10c: {  	[spmem:s16] =	stream.indirect.scatter.add.f32 [tilespmem:s8], [sflag:$0xD], $0x80, s24, s9, $0xb8;
	[tilespmem:$0x1E880] =	vst v63  }
0x10d: {  	s1 =	sadd.s32 s25, s11  }
0x10e: {  	[tilespmem:s3], [sflag:$0x1] =	stream.linear.gather [hbm4b:s1+s3], $0x50, $0x38;
	[tilespmem:$0x1E880] =	vst v63  }
0x10f: {  	s11 =	sadd.s32 s6, s11;
	s8 =	simm.s32 $0x400  }
0x110: {  	[tilespmem:s8], [sflag:$0x1] =	stream.linear.gather [hbm4b:s11+s3], $0x50, $0x38;
	[tilespmem:$0x1E880] =	vst v63  }
0x111: {  	s11 =	simm.s32 $0x5  }
0x112: {  	_ =	swait.ge [sflag:s11], $0x50  }
0x113: {  	[sflag:s11] =	ssyncset.done $0x0  }
0x114: {  	[sflag:s11] =	ssyncadd.s32 $0xFFFFFFB0  }
0x115: {  	_ =	swait.ge [sflag:s11], $0x50  }
0x116: {  	[sflag:s11] =	ssyncset.done $0x0  }
0x117: {  	s26 =	simm.s32 $0x200;
	s1 =	simm.s32 $0xB;
	[sflag:s11] =	ssyncadd.s32 $0xFFFFFFB0  }
0x118: {  	[tilespmem:s23], [sflag:$0x9] =	stream.indirect.gather [hbm4b:s4+s9], $0x80, s26, s9, $0xb8;
	[tilespmem:$0x1E880] =	vst v63  }
0x119: {  	_ =	swait.ge [sflag:s1], $0x2800  }
0x11a: {  	[sflag:s1] =	ssyncset.done $0x0  }
0x11b: {  	[sflag:s1] =	ssyncadd.s32 $0xFFFFD800  }
0x11c: {  	_ =	swait.ge [sflag:s7], $0x2800  }
0x11d: {  	[sflag:s7] =	ssyncset.done $0x0  }
0x11e: {  	s29 =	simm.s32 $0x500;
	s12 =	rddreg [dreg:$0x4];
	[sflag:s7] =	ssyncadd.s32 $0xFFFFD800  }
0x11f: {  	[spmem:s16] =	stream.indirect.scatter.add.f32 [tilespmem:s13], [sflag:$0xD], $0x80, s29, s9, $0xb8;
	[tilespmem:$0x1E880] =	vst v63  }
0x120: {  	s8 =	rddreg [dreg:$0x3];
	s11 =	sadd.s32 $0x0, s12  }
0x121: {  	[tilespmem:s20], [sflag:$0x2] =	stream.linear.gather [hbm4b:s11+s3], $0x50, $0x38;
	[tilespmem:$0x1E880] =	vst v63  }
0x122: {  	s12 =	sadd.s32 $0x0, s8  }
0x123: {  	[tilespmem:s24], [sflag:$0x2] =	stream.linear.gather [hbm4b:s12+s3], $0x50, $0x38;
	[tilespmem:$0x1E880] =	vst v63  }
0x124: {  	s24 =	simm.s32 $0x6  }
0x125: {  	_ =	swait.ge [sflag:s24], $0x50  }
0x126: {  	[sflag:s24] =	ssyncset.done $0x0  }
0x127: {  	[sflag:s24] =	ssyncadd.s32 $0xFFFFFFB0  }
0x128: {  	_ =	swait.ge [sflag:s24], $0x50  }
0x129: {  	s8 =	simm.s32 $0x3000;
	[sflag:s24] =	ssyncset.done $0x0  }
0x12a: {  	s12 =	simm.s32 $0x280;
	[sflag:s24] =	ssyncadd.s32 $0xFFFFFFB0;
	s24 =	simm.s32 $0xC  }
0x12b: {  	[tilespmem:s8], [sflag:$0xA] =	stream.indirect.gather [hbm4b:s4+s9], $0x80, s12, s9, $0xb8;
	[tilespmem:$0x1E880] =	vst v63  }
0x12c: {  	_ =	swait.ge [sflag:s24], $0x2800  }
0x12d: {  	[sflag:s24] =	ssyncset.done $0x0  }
0x12e: {  	[sflag:s24] =	ssyncadd.s32 $0xFFFFD800  }
0x12f: {  	_ =	swait.ge [sflag:s7], $0x2800  }
0x130: {  	[sflag:s7] =	ssyncset.done $0x0  }
0x131: {  	s11 =	rddreg [dreg:$0x6];
	[sflag:s7] =	ssyncadd.s32 $0xFFFFD800  }
0x132: {  	[spmem:s16] =	stream.indirect.scatter.add.f32 [tilespmem:s0], [sflag:$0xD], $0x80, s31, s9, $0xb8;
	[tilespmem:$0x1E880] =	vst v63  }
0x133: {  	s12 =	rddreg [dreg:$0x5];
	s11 =	sadd.s32 $0x0, s11  }
0x134: {  	[tilespmem:s22], [sflag:$0x3] =	stream.linear.gather [hbm4b:s11+s3], $0x50, $0x38;
	[tilespmem:$0x1E880] =	vst v63  }
0x135: {  	s22 =	sadd.s32 $0x0, s12;
	s12 =	simm.s32 $0x7  }
0x136: {  	[tilespmem:s29], [sflag:$0x3] =	stream.linear.gather [hbm4b:s22+s3], $0x50, $0x38;
	[tilespmem:$0x1E880] =	vst v63  }
0x137: {  	_ =	swait.ge [sflag:s12], $0x50  }
0x138: {  	[sflag:s12] =	ssyncset.done $0x0  }
0x139: {  	[sflag:s12] =	ssyncadd.s32 $0xFFFFFFB0  }
0x13a: {  	_ =	swait.ge [sflag:s12], $0x50  }
0x13b: {  	[sflag:s12] =	ssyncset.done $0x0  }
0x13c: {  	[sflag:s12] =	ssyncadd.s32 $0xFFFFFFB0  }
0x13d: {  	[tilespmem:s13], [sflag:$0xB] =	stream.indirect.gather [hbm4b:s4+s9], $0x80, s18, s9, $0xb8;
	[tilespmem:$0x1E880] =	vst v63  }
0x13e: {  	_ =	swait.ge [sflag:s17], $0x2800  }
0x13f: {  	[sflag:s17] =	ssyncset.done $0x0  }
0x140: {  	[sflag:s17] =	ssyncadd.s32 $0xFFFFD800  }
0x141: {  	_ =	swait.ge [sflag:s7], $0x2800  }
0x142: {  	[sflag:s7] =	ssyncset.done $0x0  }
0x143: {  	s18 =	simm.s32 $0x600;
	s17 =	rddreg [dreg:$0x8];
	[sflag:s7] =	ssyncadd.s32 $0xFFFFD800  }
0x144: {  	[spmem:s16] =	stream.indirect.scatter.add.f32 [tilespmem:s23], [sflag:$0xD], $0x80, s18, s9, $0xb8;
	[tilespmem:$0x1E880] =	vst v63  }
0x145: {  	s22 =	rddreg [dreg:$0x7];
	s11 =	sadd.s32 $0x0, s17  }
0x146: {  	[tilespmem:s5], [sflag:$0x4] =	stream.linear.gather [hbm4b:s11+s3], $0x50, $0x38;
	[tilespmem:$0x1E880] =	vst v63  }
0x147: {  	s12 =	simm.s32 $0x8;
	s5 =	sadd.s32 $0x0, s22  }
0x148: {  	[tilespmem:s31], [sflag:$0x4] =	stream.linear.gather [hbm4b:s5+s3], $0x50, $0x38;
	[tilespmem:$0x1E880] =	vst v63  }
0x149: {  	_ =	swait.ge [sflag:s12], $0x50  }
0x14a: {  	[sflag:s12] =	ssyncset.done $0x0  }
0x14b: {  	[sflag:s12] =	ssyncadd.s32 $0xFFFFFFB0  }
0x14c: {  	_ =	swait.ge [sflag:s12], $0x50  }
0x14d: {  	[sflag:s12] =	ssyncset.done $0x0  }
0x14e: {  	[sflag:s12] =	ssyncadd.s32 $0xFFFFFFB0  }
0x14f: {  	[tilespmem:s0], [sflag:$0xC] =	stream.indirect.gather [hbm4b:s4+s9], $0x80, s21, s9, $0xb8;
	[tilespmem:$0x1E880] =	vst v63  }
0x150: {  	_ =	swait.ge [sflag:s14], $0x2800  }
0x151: {  	[sflag:s14] =	ssyncset.done $0x0  }
0x152: {  	[sflag:s14] =	ssyncadd.s32 $0xFFFFD800  }
0x153: {  	_ =	swait.ge [sflag:s7], $0x2800  }
0x154: {  	[sflag:s7] =	ssyncset.done $0x0  }
0x155: {  	s22 =	simm.s32 $0x680;
	s17 =	rddreg [dreg:$0xa];
	[sflag:s7] =	ssyncadd.s32 $0xFFFFD800  }
0x156: {  	[spmem:s16] =	stream.indirect.scatter.add.f32 [tilespmem:s8], [sflag:$0xD], $0x80, s22, s9, $0xb8;
	[tilespmem:$0x1E880] =	vst v63  }
0x157: {  	s21 =	rddreg [dreg:$0x9];
	s11 =	sadd.s32 $0x0, s17  }
0x158: {  	[tilespmem:s26], [sflag:$0x5] =	stream.linear.gather [hbm4b:s11+s3], $0x50, $0x38;
	[tilespmem:$0x1E880] =	vst v63  }
0x159: {  	s19 =	simm.s32 $0x1;
	s31 =	sadd.s32 $0x0, s21  }
0x15a: {  	[tilespmem:s18], [sflag:$0x5] =	stream.linear.gather [hbm4b:s31+s3], $0x50, $0x38;
	[tilespmem:$0x1E880] =	vst v63  }
0x15b: {  	_ =	swait.ge [sflag:s19], $0x50  }
0x15c: {  	[sflag:s19] =	ssyncset.done $0x0  }
0x15d: {  	[sflag:s19] =	ssyncadd.s32 $0xFFFFFFB0  }
0x15e: {  	_ =	swait.ge [sflag:s19], $0x50  }
0x15f: {  	[sflag:s19] =	ssyncset.done $0x0  }
0x160: {  	[sflag:s19] =	ssyncadd.s32 $0xFFFFFFB0  }
0x161: {  	[tilespmem:s23], [sflag:$0x9] =	stream.indirect.gather [hbm4b:s4+s9], $0x80, s3, s9, $0xb8;
	[tilespmem:$0x1E880] =	vst v63  }
0x162: {  	_ =	swait.ge [sflag:s1], $0x2800  }
0x163: {  	[sflag:s1] =	ssyncset.done $0x0  }
0x164: {  	[sflag:s1] =	ssyncadd.s32 $0xFFFFD800  }
0x165: {  	_ =	swait.ge [sflag:s7], $0x2800  }
0x166: {  	p3 =	por $0x0, $0x0;
	[sflag:s7] =	ssyncset.done $0x0  }
0x167: {  	s29 =	simm.s32 @!p3 $0x280;
	s11 =	rddreg [dreg:$0xc];
	[sflag:s7] =	ssyncadd.s32 $0xFFFFD800  }
0x168: {  	[spmem:s16] =	stream.indirect.scatter.add.f32 [tilespmem:s13], [sflag:$0xD], $0x80, s10, s9, $0xb8;
	[tilespmem:$0x1E880] =	vst v63  }
0x169: {  	s26 =	simm.s32 @!p3 $0x0;
	s12 =	rddreg [dreg:$0xb];
	s11 =	sadd.s32 @!p3 $0x0, s11  }
0x16a: {  	[tilespmem:s29], [sflag:$0x6] =	stream.linear.gather @!p3 [hbm4b:s11+s26], $0x50, $0x38;
	[tilespmem:$0x1E880] =	vst v63  }
0x16b: {  	s30 =	simm.s32 $0x2;
	s11 =	sadd.s32 @!p3 $0x0, s12;
	s12 =	simm.s32 @!p3 $0x680  }
0x16c: {  	[tilespmem:s12], [sflag:$0x6] =	stream.linear.gather @!p3 [hbm4b:s11+s26], $0x50, $0x38;
	[tilespmem:$0x1E880] =	vst v63  }
0x16d: {  	_ =	swait.ge [sflag:s30], $0x50  }
0x16e: {  	[sflag:s30] =	ssyncset.done $0x0  }
0x16f: {  	[sflag:s30] =	ssyncadd.s32 $0xFFFFFFB0  }
0x170: {  	_ =	swait.ge [sflag:s30], $0x50  }
0x171: {  	[sflag:s30] =	ssyncset.done $0x0  }
0x172: {  	[sflag:s30] =	ssyncadd.s32 $0xFFFFFFB0  }
0x173: {  	[tilespmem:s8], [sflag:$0xA] =	stream.indirect.gather [hbm4b:s4+s9], $0x80, s20, s9, $0xb8;
	[tilespmem:$0x1E880] =	vst v63  }
0x174: {  	_ =	swait.ge [sflag:s24], $0x2800  }
0x175: {  	[sflag:s24] =	ssyncset.done $0x0  }
0x176: {  	s2 =	smov.u32 s16;
	s29 =	simm.s32 $0x500;
	[sflag:s24] =	ssyncadd.s32 $0xFFFFD800  }
0x177: {  	s26 =	simm.s32 $0x50;
	s30 =	simm.s32 $0xA0;
	_ =	swait.ge [sflag:s7], $0x2800  }
0x178: {  	s8 =	simm.s32 $0x700;
	s12 =	rddreg [dreg:$0xe];
	[sflag:s7] =	ssyncset.done $0x0  }
.LBB2_6:
0x179: {  	[sflag:s7] =	ssyncadd.s32 $0xFFFFD800;
	s0 =	simm.s32 $0x8000;
	s14 =	simm.s32 $0x780  }
0x17a: {  	[spmem:s2] =	stream.indirect.scatter.add.f32 [tilespmem:s0], [sflag:$0xD], $0x80, s14, s9, $0xb8;
	[tilespmem:$0x1E880] =	vst v63  }
0x17b: {  	s23 =	rddreg [dreg:$0xd];
	s12 =	sadd.s32 s26, s12;
	s19 =	simm.s32 $0x300  }
0x17c: {  	[tilespmem:s19], [sflag:$0x7] =	stream.linear.gather [hbm4b:s12+s3], $0x50, $0x38;
	[tilespmem:$0x1E880] =	vst v63  }
0x17d: {  	s21 =	simm.s32 $0x3;
	s20 =	sadd.s32 s26, s23  }
0x17e: {  	[tilespmem:s8], [sflag:$0x7] =	stream.linear.gather [hbm4b:s20+s3], $0x50, $0x38;
	[tilespmem:$0x1E880] =	vst v63  }
0x17f: {  	_ =	swait.ge [sflag:s21], $0x50  }
0x180: {  	[sflag:s21] =	ssyncset.done $0x0  }
0x181: {  	[sflag:s21] =	ssyncadd.s32 $0xFFFFFFB0  }
0x182: {  	_ =	swait.ge [sflag:s21], $0x50  }
0x183: {  	s13 =	simm.s32 $0x5800;
	[sflag:s21] =	ssyncset.done $0x0  }
0x184: {  	s17 =	simm.s32 $0x100;
	s2 =	simm.s32 $0x9;
	[sflag:s21] =	ssyncadd.s32 $0xFFFFFFB0  }
0x185: {  	[tilespmem:s13], [sflag:$0xB] =	stream.indirect.gather [hbm4b:s4+s9], $0x80, s17, s9, $0xb8;
	[tilespmem:$0x1E880] =	vst v63  }
0x186: {  	_ =	swait.ge [sflag:s2], $0x2800  }
0x187: {  	p4 =	sne.s32 s26, $0x0;
	[sflag:s2] =	ssyncset.done $0x0  }
0x188: {  	s23 =	sadd.s32 @p4 $0xFFFFFFB0, s29;
	s12 =	simm.s32 @p4 $0xD;
	[sflag:s2] =	ssyncadd.s32 $0xFFFFD800  }
0x189: {  	s24 =	simm.s32 @!p4 $0x800;
	s10 =	simm.s32 @p4 $0x800;
	_ =	swait.ge @p4 [sflag:s12], $0x2800  }
0x18a: {  	s31 =	simm.s32 @p4 $0x50;
	s23 =	simm.s32 @!p4 $0x230;
	[sflag:s12] =	ssyncset.done @p4 $0x0  }
0x18b: {  	s5 =	simm.s32 @p4 $0x400;
	s23 =	sadd.s32 s28, s23;
	[sflag:s12] =	ssyncadd.s32 @p4 $0xFFFFD800  }
0x18c: {  	[spmem:s16] =	stream.indirect.scatter.add.f32 @p4 [tilespmem:s10], [sflag:$0xD], $0x80, s5, s31, $0xb8;
	[tilespmem:$0x1E880] =	vst v63  }
0x18d: {  	s22 =	sshrl.u32 s23, $0x3;
	s23 =	simm.s32 @!p4 $0x400;
	s5 =	simm.s32 @!p4 $0x50  }
0x18e: {  	[spmem:s16] =	stream.indirect.scatter.add.f32 @!p4 [tilespmem:s24], [sflag:$0xD], $0x80, s23, s5, $0xb8;
	[tilespmem:$0x1E880] =	vst v63  }
0x18f: {  	s18 =	sadd.s32 s25, s22;
	s21 =	simm.s32 $0x380  }
0x190: {  	[tilespmem:s21], [sflag:$0x8] =	stream.linear.gather [hbm4b:s18+s3], $0x50, $0x38;
	[tilespmem:$0x1E880] =	vst v63  }
0x191: {  	s22 =	sadd.s32 s6, s22;
	s23 =	simm.s32 $0x4  }
0x192: {  	[tilespmem:s14], [sflag:$0x8] =	stream.linear.gather [hbm4b:s22+s3], $0x50, $0x38;
	[tilespmem:$0x1E880] =	vst v63  }
0x193: {  	_ =	swait.ge [sflag:s23], $0x50  }
0x194: {  	[sflag:s23] =	ssyncset.done $0x0  }
0x195: {  	[sflag:s23] =	ssyncadd.s32 $0xFFFFFFB0  }
0x196: {  	_ =	swait.ge [sflag:s23], $0x50  }
0x197: {  	[sflag:s23] =	ssyncset.done $0x0  }
0x198: {  	s20 =	simm.s32 $0x180;
	s18 =	simm.s32 $0xA;
	[sflag:s23] =	ssyncadd.s32 $0xFFFFFFB0  }
0x199: {  	[tilespmem:s0], [sflag:$0xC] =	stream.indirect.gather [hbm4b:s4+s9], $0x80, s20, s9, $0xb8;
	[tilespmem:$0x1E880] =	vst v63  }
0x19a: {  	_ =	swait.ge [sflag:s18], $0x2800  }
0x19b: {  	[sflag:s18] =	ssyncset.done $0x0  }
0x19c: {  	[sflag:s18] =	ssyncadd.s32 $0xFFFFD800  }
0x19d: {  	_ =	swait.ge [sflag:s7], $0x2800  }
0x19e: {  	s8 =	simm.s32 $0x3000;
	s24 =	sadd.s32 s29, s15;
	[sflag:s7] =	ssyncset.done $0x0  }
0x19f: {  	s10 =	simm.s32 $0x480;
	s5 =	sshrl.u32 s24, $0x3;
	[sflag:s7] =	ssyncadd.s32 $0xFFFFD800  }
0x1a0: {  	[spmem:s16] =	stream.indirect.scatter.add.f32 [tilespmem:s8], [sflag:$0xD], $0x80, s10, s9, $0xb8;
	[tilespmem:$0x1E880] =	vst v63  }
0x1a1: {  	s31 =	sadd.s32 s25, s5  }
0x1a2: {  	[tilespmem:s3], [sflag:$0x1] =	stream.linear.gather [hbm4b:s31+s3], $0x50, $0x38;
	[tilespmem:$0x1E880] =	vst v63  }
0x1a3: {  	s1 =	simm.s32 $0x400;
	s5 =	sadd.s32 s6, s5;
	s14 =	simm.s32 $0x5  }
0x1a4: {  	[tilespmem:s1], [sflag:$0x1] =	stream.linear.gather [hbm4b:s5+s3], $0x50, $0x38;
	[tilespmem:$0x1E880] =	vst v63  }
0x1a5: {  	_ =	swait.ge [sflag:s14], $0x50  }
0x1a6: {  	[sflag:s14] =	ssyncset.done $0x0  }
0x1a7: {  	[sflag:s14] =	ssyncadd.s32 $0xFFFFFFB0  }
0x1a8: {  	_ =	swait.ge [sflag:s14], $0x50  }
0x1a9: {  	s24 =	simm.s32 $0x200;
	[sflag:s14] =	ssyncset.done $0x0  }
0x1aa: {  	s23 =	simm.s32 $0x800;
	s1 =	simm.s32 $0xB;
	[sflag:s14] =	ssyncadd.s32 $0xFFFFFFB0  }
0x1ab: {  	[tilespmem:s23], [sflag:$0x9] =	stream.indirect.gather [hbm4b:s4+s9], $0x80, s24, s9, $0xb8;
	[tilespmem:$0x1E880] =	vst v63  }
0x1ac: {  	_ =	swait.ge [sflag:s1], $0x2800  }
0x1ad: {  	[sflag:s1] =	ssyncset.done $0x0  }
0x1ae: {  	[sflag:s1] =	ssyncadd.s32 $0xFFFFD800  }
0x1af: {  	_ =	swait.ge [sflag:s7], $0x2800  }
0x1b0: {  	[sflag:s7] =	ssyncset.done $0x0  }
0x1b1: {  	s14 =	simm.s32 $0x500;
	s22 =	rddreg [dreg:$0x4];
	[sflag:s7] =	ssyncadd.s32 $0xFFFFD800  }
0x1b2: {  	[spmem:s16] =	stream.indirect.scatter.add.f32 [tilespmem:s13], [sflag:$0xD], $0x80, s14, s9, $0xb8;
	[tilespmem:$0x1E880] =	vst v63  }
0x1b3: {  	s31 =	rddreg [dreg:$0x3];
	s5 =	sadd.s32 s26, s22;
	s22 =	simm.s32 $0x80  }
0x1b4: {  	[tilespmem:s22], [sflag:$0x2] =	stream.linear.gather [hbm4b:s5+s3], $0x50, $0x38;
	[tilespmem:$0x1E880] =	vst v63  }
0x1b5: {  	s12 =	sadd.s32 s26, s31;
	s31 =	simm.s32 $0x6  }
0x1b6: {  	[tilespmem:s10], [sflag:$0x2] =	stream.linear.gather [hbm4b:s12+s3], $0x50, $0x38;
	[tilespmem:$0x1E880] =	vst v63  }
0x1b7: {  	_ =	swait.ge [sflag:s31], $0x50  }
0x1b8: {  	[sflag:s31] =	ssyncset.done $0x0  }
0x1b9: {  	[sflag:s31] =	ssyncadd.s32 $0xFFFFFFB0  }
0x1ba: {  	_ =	swait.ge [sflag:s31], $0x50  }
0x1bb: {  	[sflag:s31] =	ssyncset.done $0x0  }
0x1bc: {  	s10 =	simm.s32 $0x280;
	[sflag:s31] =	ssyncadd.s32 $0xFFFFFFB0  }
0x1bd: {  	[tilespmem:s8], [sflag:$0xA] =	stream.indirect.gather [hbm4b:s4+s9], $0x80, s10, s9, $0xb8;
	[tilespmem:$0x1E880] =	vst v63  }
0x1be: {  	s10 =	simm.s32 $0xC  }
0x1bf: {  	_ =	swait.ge [sflag:s10], $0x2800  }
0x1c0: {  	[sflag:s10] =	ssyncset.done $0x0  }
0x1c1: {  	[sflag:s10] =	ssyncadd.s32 $0xFFFFD800  }
0x1c2: {  	_ =	swait.ge [sflag:s7], $0x2800  }
0x1c3: {  	[sflag:s7] =	ssyncset.done $0x0  }
0x1c4: {  	s31 =	simm.s32 $0x580;
	s5 =	rddreg [dreg:$0x6];
	[sflag:s7] =	ssyncadd.s32 $0xFFFFD800  }
0x1c5: {  	[spmem:s16] =	stream.indirect.scatter.add.f32 [tilespmem:s0], [sflag:$0xD], $0x80, s31, s9, $0xb8;
	[tilespmem:$0x1E880] =	vst v63  }
0x1c6: {  	s12 =	rddreg [dreg:$0x5];
	s5 =	sadd.s32 s26, s5  }
0x1c7: {  	[tilespmem:s17], [sflag:$0x3] =	stream.linear.gather [hbm4b:s5+s3], $0x50, $0x38;
	[tilespmem:$0x1E880] =	vst v63  }
0x1c8: {  	s12 =	sadd.s32 s26, s12  }
0x1c9: {  	[tilespmem:s14], [sflag:$0x3] =	stream.linear.gather [hbm4b:s12+s3], $0x50, $0x38;
	[tilespmem:$0x1E880] =	vst v63  }
0x1ca: {  	s14 =	simm.s32 $0x7  }
0x1cb: {  	_ =	swait.ge [sflag:s14], $0x50  }
0x1cc: {  	[sflag:s14] =	ssyncset.done $0x0  }
0x1cd: {  	[sflag:s14] =	ssyncadd.s32 $0xFFFFFFB0  }
0x1ce: {  	_ =	swait.ge [sflag:s14], $0x50  }
0x1cf: {  	[sflag:s14] =	ssyncset.done $0x0  }
0x1d0: {  	[sflag:s14] =	ssyncadd.s32 $0xFFFFFFB0  }
0x1d1: {  	[tilespmem:s13], [sflag:$0xB] =	stream.indirect.gather [hbm4b:s4+s9], $0x80, s19, s9, $0xb8;
	[tilespmem:$0x1E880] =	vst v63  }
0x1d2: {  	_ =	swait.ge [sflag:s2], $0x2800  }
0x1d3: {  	[sflag:s2] =	ssyncset.done $0x0  }
0x1d4: {  	[sflag:s2] =	ssyncadd.s32 $0xFFFFD800  }
0x1d5: {  	_ =	swait.ge [sflag:s7], $0x2800  }
0x1d6: {  	[sflag:s7] =	ssyncset.done $0x0  }
0x1d7: {  	s14 =	simm.s32 $0x600;
	s17 =	rddreg [dreg:$0x8];
	[sflag:s7] =	ssyncadd.s32 $0xFFFFD800  }
0x1d8: {  	[spmem:s16] =	stream.indirect.scatter.add.f32 [tilespmem:s23], [sflag:$0xD], $0x80, s14, s9, $0xb8;
	[tilespmem:$0x1E880] =	vst v63  }
0x1d9: {  	s19 =	rddreg [dreg:$0x7];
	s5 =	sadd.s32 s26, s17  }
0x1da: {  	[tilespmem:s20], [sflag:$0x4] =	stream.linear.gather [hbm4b:s5+s3], $0x50, $0x38;
	[tilespmem:$0x1E880] =	vst v63  }
0x1db: {  	s12 =	sadd.s32 s26, s19;
	s17 =	simm.s32 $0x8  }
0x1dc: {  	[tilespmem:s31], [sflag:$0x4] =	stream.linear.gather [hbm4b:s12+s3], $0x50, $0x38;
	[tilespmem:$0x1E880] =	vst v63  }
0x1dd: {  	_ =	swait.ge [sflag:s17], $0x50  }
0x1de: {  	[sflag:s17] =	ssyncset.done $0x0  }
0x1df: {  	[sflag:s17] =	ssyncadd.s32 $0xFFFFFFB0  }
0x1e0: {  	_ =	swait.ge [sflag:s17], $0x50  }
0x1e1: {  	[sflag:s17] =	ssyncset.done $0x0  }
0x1e2: {  	[sflag:s17] =	ssyncadd.s32 $0xFFFFFFB0  }
0x1e3: {  	[tilespmem:s0], [sflag:$0xC] =	stream.indirect.gather [hbm4b:s4+s9], $0x80, s21, s9, $0xb8;
	[tilespmem:$0x1E880] =	vst v63  }
0x1e4: {  	_ =	swait.ge [sflag:s18], $0x2800  }
0x1e5: {  	[sflag:s18] =	ssyncset.done $0x0  }
0x1e6: {  	[sflag:s18] =	ssyncadd.s32 $0xFFFFD800  }
0x1e7: {  	_ =	swait.ge [sflag:s7], $0x2800  }
0x1e8: {  	[sflag:s7] =	ssyncset.done $0x0  }
0x1e9: {  	s20 =	simm.s32 $0x680;
	s18 =	rddreg [dreg:$0xa];
	[sflag:s7] =	ssyncadd.s32 $0xFFFFD800  }
0x1ea: {  	[spmem:s16] =	stream.indirect.scatter.add.f32 [tilespmem:s8], [sflag:$0xD], $0x80, s20, s9, $0xb8;
	[tilespmem:$0x1E880] =	vst v63  }
0x1eb: {  	s19 =	rddreg [dreg:$0x9];
	s5 =	sadd.s32 s26, s18  }
0x1ec: {  	[tilespmem:s24], [sflag:$0x5] =	stream.linear.gather [hbm4b:s5+s3], $0x50, $0x38;
	[tilespmem:$0x1E880] =	vst v63  }
0x1ed: {  	s21 =	sadd.s32 s26, s19;
	s24 =	simm.s32 $0x1  }
0x1ee: {  	[tilespmem:s14], [sflag:$0x5] =	stream.linear.gather [hbm4b:s21+s3], $0x50, $0x38;
	[tilespmem:$0x1E880] =	vst v63  }
0x1ef: {  	_ =	swait.ge [sflag:s24], $0x50  }
0x1f0: {  	[sflag:s24] =	ssyncset.done $0x0  }
0x1f1: {  	[sflag:s24] =	ssyncadd.s32 $0xFFFFFFB0  }
0x1f2: {  	_ =	swait.ge [sflag:s24], $0x50  }
0x1f3: {  	[sflag:s24] =	ssyncset.done $0x0  }
0x1f4: {  	[sflag:s24] =	ssyncadd.s32 $0xFFFFFFB0  }
0x1f5: {  	[tilespmem:s23], [sflag:$0x9] =	stream.indirect.gather [hbm4b:s4+s9], $0x80, s3, s9, $0xb8;
	[tilespmem:$0x1E880] =	vst v63  }
0x1f6: {  	_ =	swait.ge [sflag:s1], $0x2800  }
0x1f7: {  	[sflag:s1] =	ssyncset.done $0x0  }
0x1f8: {  	[sflag:s1] =	ssyncadd.s32 $0xFFFFD800  }
0x1f9: {  	_ =	swait.ge [sflag:s7], $0x2800  }
0x1fa: {  	p4 =	seq.s32 s26, $0x460;
	s8 =	simm.s32 $0x700;
	[sflag:s7] =	ssyncset.done $0x0  }
0x1fb: {  	s24 =	simm.s32 @!p4 $0x280;
	s5 =	rddreg [dreg:$0xc];
	[sflag:s7] =	ssyncadd.s32 $0xFFFFD800  }
0x1fc: {  	[spmem:s16] =	stream.indirect.scatter.add.f32 [tilespmem:s13], [sflag:$0xD], $0x80, s8, s9, $0xb8;
	[tilespmem:$0x1E880] =	vst v63  }
0x1fd: {  	s23 =	simm.s32 @!p4 $0x0;
	s12 =	rddreg [dreg:$0xb];
	s5 =	sadd.s32 @!p4 s26, s5  }
0x1fe: {  	[tilespmem:s24], [sflag:$0x6] =	stream.linear.gather @!p4 [hbm4b:s5+s23], $0x50, $0x38;
	[tilespmem:$0x1E880] =	vst v63  }
0x1ff: {  	s31 =	simm.s32 $0x2;
	s5 =	sadd.s32 @!p4 s26, s12;
	s12 =	simm.s32 @!p4 $0x680  }
0x200: {  	[tilespmem:s12], [sflag:$0x6] =	stream.linear.gather @!p4 [hbm4b:s5+s23], $0x50, $0x38;
	[tilespmem:$0x1E880] =	vst v63  }
0x201: {  	_ =	swait.ge [sflag:s31], $0x50  }
0x202: {  	[sflag:s31] =	ssyncset.done $0x0  }
0x203: {  	[sflag:s31] =	ssyncadd.s32 $0xFFFFFFB0  }
0x204: {  	_ =	swait.ge [sflag:s31], $0x50  }
0x205: {  	s11 =	smov.u32 s30;
	s30 =	sadd.s32 $0x50, s30;
	[sflag:s31] =	ssyncset.done $0x0  }
0x206: {  	p3 =	sne.s32 s30, $0x4B0;
	s24 =	simm.s32 $0x3000;
	[sflag:s31] =	ssyncadd.s32 $0xFFFFFFB0  }
0x207: {  	[tilespmem:s24], [sflag:$0xA] =	stream.indirect.gather [hbm4b:s4+s9], $0x80, s22, s9, $0xb8;
	[tilespmem:$0x1E880] =	vst v63  }
.Ltmp4:
0x208: {  	_ =	swait.ge [sflag:s10], $0x2800;
	(pc) =	sbr.rel @p3 .LBB2_6-.Ltmp4, $4  }
0x209: {  	[sflag:s10] =	ssyncset.done $0x0  }
0x20a: {  	[sflag:s10] =	ssyncadd.s32 $0xFFFFD800  }
0x20b: {  	s29 =	sadd.s32 $0x280, s29;
	s2 =	smov.u32 s16;
	_ =	swait.ge [sflag:s7], $0x2800  }
0x20c: {  	s26 =	smov.u32 s11;
	s12 =	rddreg [dreg:$0xe];
	[sflag:s7] =	ssyncset.done $0x0  }
0x20d: {  	[sflag:s7] =	ssyncadd.s32 $0xFFFFD800;
	s13 =	simm.s32 $0x8000;
	s0 =	simm.s32 $0x780  }
0x20e: {  	[spmem:s2] =	stream.indirect.scatter.add.f32 [tilespmem:s13], [sflag:$0xD], $0x80, s0, s9, $0xb8;
	[tilespmem:$0x1E880] =	vst v63  }
0x20f: {  	s5 =	rddreg [dreg:$0xd];
	s11 =	sadd.s32 s26, s12;
	s20 =	simm.s32 $0x300  }
0x210: {  	[tilespmem:s20], [sflag:$0x7] =	stream.linear.gather [hbm4b:s11+s3], $0x50, $0x38;
	[tilespmem:$0x1E880] =	vst v63  }
0x211: {  	s16 =	simm.s32 $0x3;
	s5 =	sadd.s32 s26, s5  }
0x212: {  	[tilespmem:s8], [sflag:$0x7] =	stream.linear.gather [hbm4b:s5+s3], $0x50, $0x38;
	[tilespmem:$0x1E880] =	vst v63  }
0x213: {  	_ =	swait.ge [sflag:s16], $0x50  }
0x214: {  	[sflag:s16] =	ssyncset.done $0x0  }
0x215: {  	[sflag:s16] =	ssyncadd.s32 $0xFFFFFFB0  }
0x216: {  	_ =	swait.ge [sflag:s16], $0x50  }
0x217: {  	[sflag:s16] =	ssyncset.done $0x0  }
0x218: {  	s30 =	simm.s32 $0x5800;
	s31 =	simm.s32 $0x100;
	[sflag:s16] =	ssyncadd.s32 $0xFFFFFFB0  }
0x219: {  	[tilespmem:s30], [sflag:$0xB] =	stream.indirect.gather [hbm4b:s4+s9], $0x80, s31, s9, $0xb8;
	[tilespmem:$0x1E880] =	vst v63  }
0x21a: {  	s30 =	simm.s32 $0x9  }
0x21b: {  	_ =	swait.ge [sflag:s30], $0x2800  }
0x21c: {  	p3 =	sne.s32 s26, $0x0;
	[sflag:s30] =	ssyncset.done $0x0  }
0x21d: {  	s5 =	simm.s32 @p3 $0xD;
	[sflag:s30] =	ssyncadd.s32 $0xFFFFD800  }
0x21e: {  	_ =	swait.ge @p3 [sflag:s5], $0x2800  }
0x21f: {  	s12 =	simm.s32 @p3 $0x50;
	[sflag:s5] =	ssyncset.done @p3 $0x0  }
0x220: {  	s11 =	simm.s32 @p3 $0x800;
	[sflag:s5] =	ssyncadd.s32 @p3 $0xFFFFD800;
	s5 =	simm.s32 @p3 $0x400  }
0x221: {  	[spmem:s2] =	stream.indirect.scatter.add.f32 @p3 [tilespmem:s11], [sflag:$0xD], $0x80, s5, s12, $0xb8;
	[tilespmem:$0x1E880] =	vst v63  }
0x222: {  	s5 =	simm.s32 @!p3 $0x800;
	s11 =	simm.s32 @!p3 $0x50;
	s12 =	simm.s32 @!p3 $0x400  }
0x223: {  	[spmem:s2] =	stream.indirect.scatter.add.f32 @!p3 [tilespmem:s5], [sflag:$0xD], $0x80, s12, s11, $0xb8;
	[tilespmem:$0x1E880] =	vst v63  }
0x224: {  	s5 =	sadd.s32 @p3 $0xFFFFFFB0, s29  }
0x225: {  	s5 =	simm.s32 @!p3 $0x230  }
0x226: {  	s5 =	sadd.s32 s28, s5  }
0x227: {  	s5 =	sshrl.u32 s5, $0x3  }
0x228: {  	s12 =	simm.s32 $0x380;
	s1 =	sadd.s32 s25, s5  }
0x229: {  	[tilespmem:s12], [sflag:$0x8] =	stream.linear.gather [hbm4b:s1+s3], $0x50, $0x38;
	[tilespmem:$0x1E880] =	vst v63  }
0x22a: {  	s10 =	simm.s32 $0x780;
	s0 =	simm.s32 $0x4;
	s5 =	sadd.s32 s6, s5  }
0x22b: {  	[tilespmem:s10], [sflag:$0x8] =	stream.linear.gather [hbm4b:s5+s3], $0x50, $0x38;
	[tilespmem:$0x1E880] =	vst v63  }
0x22c: {  	_ =	swait.ge [sflag:s0], $0x50  }
0x22d: {  	[sflag:s0] =	ssyncset.done $0x0  }
0x22e: {  	[sflag:s0] =	ssyncadd.s32 $0xFFFFFFB0  }
0x22f: {  	_ =	swait.ge [sflag:s0], $0x50  }
0x230: {  	[sflag:s0] =	ssyncset.done $0x0  }
0x231: {  	s14 =	simm.s32 $0x180;
	[sflag:s0] =	ssyncadd.s32 $0xFFFFFFB0  }
0x232: {  	[tilespmem:s13], [sflag:$0xC] =	stream.indirect.gather [hbm4b:s4+s9], $0x80, s14, s9, $0xb8;
	[tilespmem:$0x1E880] =	vst v63  }
0x233: {  	s14 =	simm.s32 $0xA  }
0x234: {  	_ =	swait.ge [sflag:s14], $0x2800  }
0x235: {  	[sflag:s14] =	ssyncset.done $0x0  }
0x236: {  	[sflag:s14] =	ssyncadd.s32 $0xFFFFD800  }
0x237: {  	_ =	swait.ge [sflag:s7], $0x2800  }
0x238: {  	s18 =	sadd.s32 s29, s15;
	[sflag:s7] =	ssyncset.done $0x0  }
0x239: {  	s31 =	simm.s32 $0x480;
	s5 =	sshrl.u32 s18, $0x3;
	[sflag:s7] =	ssyncadd.s32 $0xFFFFD800  }
0x23a: {  	[spmem:s2] =	stream.indirect.scatter.add.f32 [tilespmem:s24], [sflag:$0xD], $0x80, s31, s9, $0xb8;
	[tilespmem:$0x1E880] =	vst v63  }
0x23b: {  	s19 =	sadd.s32 s25, s5  }
0x23c: {  	[tilespmem:s3], [sflag:$0x1] =	stream.linear.gather [hbm4b:s19+s3], $0x50, $0x38;
	[tilespmem:$0x1E880] =	vst v63  }
0x23d: {  	s1 =	simm.s32 $0x400;
	s18 =	simm.s32 $0x5;
	s5 =	sadd.s32 s6, s5  }
0x23e: {  	[tilespmem:s1], [sflag:$0x1] =	stream.linear.gather [hbm4b:s5+s3], $0x50, $0x38;
	[tilespmem:$0x1E880] =	vst v63  }
0x23f: {  	_ =	swait.ge [sflag:s18], $0x50  }
0x240: {  	[sflag:s18] =	ssyncset.done $0x0  }
0x241: {  	[sflag:s18] =	ssyncadd.s32 $0xFFFFFFB0  }
0x242: {  	_ =	swait.ge [sflag:s18], $0x50  }
0x243: {  	s21 =	simm.s32 $0x200;
	[sflag:s18] =	ssyncset.done $0x0  }
0x244: {  	s29 =	simm.s32 $0x800;
	s19 =	simm.s32 $0xB;
	[sflag:s18] =	ssyncadd.s32 $0xFFFFFFB0  }
0x245: {  	[tilespmem:s29], [sflag:$0x9] =	stream.indirect.gather [hbm4b:s4+s9], $0x80, s21, s9, $0xb8;
	[tilespmem:$0x1E880] =	vst v63  }
0x246: {  	_ =	swait.ge [sflag:s19], $0x2800  }
0x247: {  	[sflag:s19] =	ssyncset.done $0x0  }
0x248: {  	[sflag:s19] =	ssyncadd.s32 $0xFFFFD800  }
0x249: {  	_ =	swait.ge [sflag:s7], $0x2800  }
0x24a: {  	s17 =	simm.s32 $0x5800;
	[sflag:s7] =	ssyncset.done $0x0  }
0x24b: {  	s1 =	simm.s32 $0x500;
	s22 =	rddreg [dreg:$0x4];
	[sflag:s7] =	ssyncadd.s32 $0xFFFFD800  }
0x24c: {  	[spmem:s2] =	stream.indirect.scatter.add.f32 [tilespmem:s17], [sflag:$0xD], $0x80, s1, s9, $0xb8;
	[tilespmem:$0x1E880] =	vst v63  }
0x24d: {  	s23 =	rddreg [dreg:$0x3];
	s5 =	sadd.s32 s26, s22;
	s22 =	simm.s32 $0x80  }
0x24e: {  	[tilespmem:s22], [sflag:$0x2] =	stream.linear.gather [hbm4b:s5+s3], $0x50, $0x38;
	[tilespmem:$0x1E880] =	vst v63  }
0x24f: {  	s11 =	simm.s32 $0x6;
	s10 =	sadd.s32 s26, s23  }
0x250: {  	[tilespmem:s31], [sflag:$0x2] =	stream.linear.gather [hbm4b:s10+s3], $0x50, $0x38;
	[tilespmem:$0x1E880] =	vst v63  }
0x251: {  	_ =	swait.ge [sflag:s11], $0x50  }
0x252: {  	[sflag:s11] =	ssyncset.done $0x0  }
0x253: {  	[sflag:s11] =	ssyncadd.s32 $0xFFFFFFB0  }
0x254: {  	_ =	swait.ge [sflag:s11], $0x50  }
0x255: {  	[sflag:s11] =	ssyncset.done $0x0  }
0x256: {  	s21 =	simm.s32 $0x280;
	s10 =	simm.s32 $0xC;
	[sflag:s11] =	ssyncadd.s32 $0xFFFFFFB0  }
0x257: {  	[tilespmem:s24], [sflag:$0xA] =	stream.indirect.gather [hbm4b:s4+s9], $0x80, s21, s9, $0xb8;
	[tilespmem:$0x1E880] =	vst v63  }
0x258: {  	_ =	swait.ge [sflag:s10], $0x2800  }
0x259: {  	[sflag:s10] =	ssyncset.done $0x0  }
0x25a: {  	[sflag:s10] =	ssyncadd.s32 $0xFFFFD800  }
0x25b: {  	_ =	swait.ge [sflag:s7], $0x2800  }
0x25c: {  	[sflag:s7] =	ssyncset.done $0x0  }
0x25d: {  	s21 =	simm.s32 $0x580;
	s23 =	rddreg [dreg:$0x6];
	[sflag:s7] =	ssyncadd.s32 $0xFFFFD800  }
0x25e: {  	[spmem:s2] =	stream.indirect.scatter.add.f32 [tilespmem:s13], [sflag:$0xD], $0x80, s21, s9, $0xb8;
	[tilespmem:$0x1E880] =	vst v63  }
0x25f: {  	s11 =	rddreg [dreg:$0x5];
	s5 =	sadd.s32 s26, s23;
	s23 =	simm.s32 $0x100  }
0x260: {  	[tilespmem:s23], [sflag:$0x3] =	stream.linear.gather [hbm4b:s5+s3], $0x50, $0x38;
	[tilespmem:$0x1E880] =	vst v63  }
0x261: {  	s1 =	simm.s32 $0x500;
	s11 =	sadd.s32 s26, s11;
	s23 =	simm.s32 $0x7  }
0x262: {  	[tilespmem:s1], [sflag:$0x3] =	stream.linear.gather [hbm4b:s11+s3], $0x50, $0x38;
	[tilespmem:$0x1E880] =	vst v63  }
0x263: {  	_ =	swait.ge [sflag:s23], $0x50  }
0x264: {  	[sflag:s23] =	ssyncset.done $0x0  }
0x265: {  	[sflag:s23] =	ssyncadd.s32 $0xFFFFFFB0  }
0x266: {  	_ =	swait.ge [sflag:s23], $0x50  }
0x267: {  	[sflag:s23] =	ssyncset.done $0x0  }
0x268: {  	[sflag:s23] =	ssyncadd.s32 $0xFFFFFFB0  }
0x269: {  	[tilespmem:s17], [sflag:$0xB] =	stream.indirect.gather [hbm4b:s4+s9], $0x80, s20, s9, $0xb8;
	[tilespmem:$0x1E880] =	vst v63  }
0x26a: {  	_ =	swait.ge [sflag:s30], $0x2800  }
0x26b: {  	[sflag:s30] =	ssyncset.done $0x0  }
0x26c: {  	[sflag:s30] =	ssyncadd.s32 $0xFFFFD800  }
0x26d: {  	_ =	swait.ge [sflag:s7], $0x2800  }
0x26e: {  	[sflag:s7] =	ssyncset.done $0x0  }
0x26f: {  	s20 =	simm.s32 $0x600;
	s1 =	rddreg [dreg:$0x8];
	[sflag:s7] =	ssyncadd.s32 $0xFFFFD800  }
0x270: {  	[spmem:s2] =	stream.indirect.scatter.add.f32 [tilespmem:s29], [sflag:$0xD], $0x80, s20, s9, $0xb8;
	[tilespmem:$0x1E880] =	vst v63  }
0x271: {  	s23 =	simm.s32 $0x180;
	s11 =	rddreg [dreg:$0x7];
	s5 =	sadd.s32 s26, s1  }
0x272: {  	[tilespmem:s23], [sflag:$0x4] =	stream.linear.gather [hbm4b:s5+s3], $0x50, $0x38;
	[tilespmem:$0x1E880] =	vst v63  }
0x273: {  	s1 =	sadd.s32 s26, s11;
	s11 =	simm.s32 $0x8  }
0x274: {  	[tilespmem:s21], [sflag:$0x4] =	stream.linear.gather [hbm4b:s1+s3], $0x50, $0x38;
	[tilespmem:$0x1E880] =	vst v63  }
0x275: {  	_ =	swait.ge [sflag:s11], $0x50  }
0x276: {  	[sflag:s11] =	ssyncset.done $0x0  }
0x277: {  	[sflag:s11] =	ssyncadd.s32 $0xFFFFFFB0  }
0x278: {  	_ =	swait.ge [sflag:s11], $0x50  }
0x279: {  	[sflag:s11] =	ssyncset.done $0x0  }
0x27a: {  	[sflag:s11] =	ssyncadd.s32 $0xFFFFFFB0  }
0x27b: {  	[tilespmem:s13], [sflag:$0xC] =	stream.indirect.gather [hbm4b:s4+s9], $0x80, s12, s9, $0xb8;
	[tilespmem:$0x1E880] =	vst v63  }
0x27c: {  	_ =	swait.ge [sflag:s14], $0x2800  }
0x27d: {  	[sflag:s14] =	ssyncset.done $0x0  }
0x27e: {  	[sflag:s14] =	ssyncadd.s32 $0xFFFFD800  }
0x27f: {  	_ =	swait.ge [sflag:s7], $0x2800  }
0x280: {  	[sflag:s7] =	ssyncset.done $0x0  }
0x281: {  	s12 =	simm.s32 $0x680;
	s23 =	rddreg [dreg:$0xa];
	[sflag:s7] =	ssyncadd.s32 $0xFFFFD800  }
0x282: {  	[spmem:s2] =	stream.indirect.scatter.add.f32 [tilespmem:s24], [sflag:$0xD], $0x80, s12, s9, $0xb8;
	[tilespmem:$0x1E880] =	vst v63  }
0x283: {  	s11 =	rddreg [dreg:$0x9];
	s5 =	sadd.s32 s26, s23;
	s23 =	simm.s32 $0x200  }
0x284: {  	[tilespmem:s23], [sflag:$0x5] =	stream.linear.gather [hbm4b:s5+s3], $0x50, $0x38;
	[tilespmem:$0x1E880] =	vst v63  }
0x285: {  	s1 =	sadd.s32 s26, s11;
	s5 =	simm.s32 $0x1  }
0x286: {  	[tilespmem:s20], [sflag:$0x5] =	stream.linear.gather [hbm4b:s1+s3], $0x50, $0x38;
	[tilespmem:$0x1E880] =	vst v63  }
0x287: {  	_ =	swait.ge [sflag:s5], $0x50  }
0x288: {  	[sflag:s5] =	ssyncset.done $0x0  }
0x289: {  	[sflag:s5] =	ssyncadd.s32 $0xFFFFFFB0  }
0x28a: {  	_ =	swait.ge [sflag:s5], $0x50  }
0x28b: {  	[sflag:s5] =	ssyncset.done $0x0  }
0x28c: {  	[sflag:s5] =	ssyncadd.s32 $0xFFFFFFB0  }
0x28d: {  	[tilespmem:s29], [sflag:$0x9] =	stream.indirect.gather [hbm4b:s4+s9], $0x80, s3, s9, $0xb8;
	[tilespmem:$0x1E880] =	vst v63  }
0x28e: {  	_ =	swait.ge [sflag:s19], $0x2800  }
0x28f: {  	[sflag:s19] =	ssyncset.done $0x0  }
0x290: {  	[sflag:s19] =	ssyncadd.s32 $0xFFFFD800  }
0x291: {  	_ =	swait.ge [sflag:s7], $0x2800  }
0x292: {  	p3 =	seq.s32 s26, $0x460;
	[sflag:s7] =	ssyncset.done $0x0  }
0x293: {  	s12 =	simm.s32 @!p3 $0x0;
	s5 =	rddreg [dreg:$0xc];
	[sflag:s7] =	ssyncadd.s32 $0xFFFFD800  }
0x294: {  	[spmem:s2] =	stream.indirect.scatter.add.f32 [tilespmem:s17], [sflag:$0xD], $0x80, s8, s9, $0xb8;
	[tilespmem:$0x1E880] =	vst v63  }
0x295: {  	s23 =	simm.s32 @!p3 $0x280;
	s11 =	rddreg [dreg:$0xb];
	s5 =	sadd.s32 @!p3 s26, s5  }
0x296: {  	[tilespmem:s23], [sflag:$0x6] =	stream.linear.gather @!p3 [hbm4b:s5+s12], $0x50, $0x38;
	[tilespmem:$0x1E880] =	vst v63  }
0x297: {  	s8 =	simm.s32 $0x2;
	s5 =	sadd.s32 @!p3 s26, s11;
	s11 =	simm.s32 @!p3 $0x680  }
0x298: {  	[tilespmem:s11], [sflag:$0x6] =	stream.linear.gather @!p3 [hbm4b:s5+s12], $0x50, $0x38;
	[tilespmem:$0x1E880] =	vst v63  }
0x299: {  	_ =	swait.ge [sflag:s8], $0x50  }
0x29a: {  	[sflag:s8] =	ssyncset.done $0x0  }
0x29b: {  	[sflag:s8] =	ssyncadd.s32 $0xFFFFFFB0  }
0x29c: {  	_ =	swait.ge [sflag:s8], $0x50  }
0x29d: {  	[sflag:s8] =	ssyncset.done $0x0  }
0x29e: {  	[sflag:s8] =	ssyncadd.s32 $0xFFFFFFB0  }
0x29f: {  	[tilespmem:s24], [sflag:$0xA] =	stream.indirect.gather [hbm4b:s4+s9], $0x80, s22, s9, $0xb8;
	[tilespmem:$0x1E880] =	vst v63  }
0x2a0: {  	_ =	swait.ge [sflag:s10], $0x2800  }
0x2a1: {  	[sflag:s10] =	ssyncset.done $0x0  }
0x2a2: {  	[sflag:s10] =	ssyncadd.s32 $0xFFFFD800  }
0x2a3: {  	_ =	swait.ge [sflag:s7], $0x2800  }
0x2a4: {  	[sflag:s7] =	ssyncset.done $0x0  }
0x2a5: {  	s11 =	simm.s32 $0x780;
	[sflag:s7] =	ssyncadd.s32 $0xFFFFD800  }
0x2a6: {  	[spmem:s2] =	stream.indirect.scatter.add.f32 [tilespmem:s13], [sflag:$0xD], $0x80, s11, s9, $0xb8;
	[tilespmem:$0x1E880] =	vst v63  }
0x2a7: {  	_ =	swait.ge [sflag:s16], $0x50  }
0x2a8: {  	[sflag:s16] =	ssyncset.done $0x0  }
0x2a9: {  	[sflag:s16] =	ssyncadd.s32 $0xFFFFFFB0  }
0x2aa: {  	_ =	swait.ge [sflag:s16], $0x50  }
0x2ab: {  	[sflag:s16] =	ssyncset.done $0x0  }
0x2ac: {  	s12 =	simm.s32 $0x100;
	[sflag:s16] =	ssyncadd.s32 $0xFFFFFFB0  }
0x2ad: {  	[tilespmem:s17], [sflag:$0xB] =	stream.indirect.gather [hbm4b:s4+s9], $0x80, s12, s9, $0xb8;
	[tilespmem:$0x1E880] =	vst v63  }
0x2ae: {  	_ =	swait.ge [sflag:s30], $0x2800  }
0x2af: {  	[sflag:s30] =	ssyncset.done $0x0  }
0x2b0: {  	[sflag:s30] =	ssyncadd.s32 $0xFFFFD800  }
0x2b1: {  	_ =	swait.ge [sflag:s7], $0x2800  }
0x2b2: {  	[sflag:s7] =	ssyncset.done $0x0  }
0x2b3: {  	s16 =	simm.s32 $0x400;
	[sflag:s7] =	ssyncadd.s32 $0xFFFFD800  }
0x2b4: {  	[spmem:s2] =	stream.indirect.scatter.add.f32 [tilespmem:s29], [sflag:$0xD], $0x80, s16, s9, $0xb8;
	[tilespmem:$0x1E880] =	vst v63  }
0x2b5: {  	_ =	swait.ge [sflag:s0], $0x50  }
0x2b6: {  	[sflag:s0] =	ssyncset.done $0x0  }
0x2b7: {  	[sflag:s0] =	ssyncadd.s32 $0xFFFFFFB0  }
0x2b8: {  	_ =	swait.ge [sflag:s0], $0x50  }
0x2b9: {  	[sflag:s0] =	ssyncset.done $0x0  }
0x2ba: {  	s22 =	simm.s32 $0x180;
	[sflag:s0] =	ssyncadd.s32 $0xFFFFFFB0  }
0x2bb: {  	[tilespmem:s13], [sflag:$0xC] =	stream.indirect.gather [hbm4b:s4+s9], $0x80, s22, s9, $0xb8;
	[tilespmem:$0x1E880] =	vst v63  }
0x2bc: {  	_ =	swait.ge [sflag:s14], $0x2800  }
0x2bd: {  	[sflag:s14] =	ssyncset.done $0x0  }
0x2be: {  	[sflag:s14] =	ssyncadd.s32 $0xFFFFD800  }
0x2bf: {  	_ =	swait.ge [sflag:s7], $0x2800  }
0x2c0: {  	[sflag:s7] =	ssyncset.done $0x0  }
0x2c1: {  	[sflag:s7] =	ssyncadd.s32 $0xFFFFD800  }
0x2c2: {  	[spmem:s2] =	stream.indirect.scatter.add.f32 [tilespmem:s24], [sflag:$0xD], $0x80, s31, s9, $0xb8;
	[tilespmem:$0x1E880] =	vst v63  }
0x2c3: {  	_ =	swait.ge [sflag:s18], $0x50  }
0x2c4: {  	[sflag:s18] =	ssyncset.done $0x0  }
0x2c5: {  	[sflag:s18] =	ssyncadd.s32 $0xFFFFFFB0  }
0x2c6: {  	_ =	swait.ge [sflag:s18], $0x50  }
0x2c7: {  	[sflag:s18] =	ssyncset.done $0x0  }
0x2c8: {  	s24 =	simm.s32 $0x200;
	[sflag:s18] =	ssyncadd.s32 $0xFFFFFFB0  }
0x2c9: {  	[tilespmem:s29], [sflag:$0x9] =	stream.indirect.gather [hbm4b:s4+s9], $0x80, s24, s9, $0xb8;
	[tilespmem:$0x1E880] =	vst v63  }
0x2ca: {  	_ =	swait.ge [sflag:s19], $0x2800  }
0x2cb: {  	[sflag:s19] =	ssyncset.done $0x0  }
0x2cc: {  	[sflag:s19] =	ssyncadd.s32 $0xFFFFD800  }
0x2cd: {  	_ =	swait.ge [sflag:s7], $0x2800  }
0x2ce: {  	[sflag:s7] =	ssyncset.done $0x0  }
0x2cf: {  	s26 =	simm.s32 $0x500;
	[sflag:s7] =	ssyncadd.s32 $0xFFFFD800  }
0x2d0: {  	[spmem:s2] =	stream.indirect.scatter.add.f32 [tilespmem:s17], [sflag:$0xD], $0x80, s26, s9, $0xb8;
	[tilespmem:$0x1E880] =	vst v63  }
0x2d1: {  	_ =	swait.ge [sflag:s10], $0x2800  }
0x2d2: {  	[sflag:s10] =	ssyncset.done $0x0  }
0x2d3: {  	[sflag:s10] =	ssyncadd.s32 $0xFFFFD800  }
0x2d4: {  	_ =	swait.ge [sflag:s7], $0x2800  }
0x2d5: {  	[sflag:s7] =	ssyncset.done $0x0  }
0x2d6: {  	[sflag:s7] =	ssyncadd.s32 $0xFFFFD800  }
0x2d7: {  	[spmem:s2] =	stream.indirect.scatter.add.f32 [tilespmem:s13], [sflag:$0xD], $0x80, s21, s9, $0xb8;
	[tilespmem:$0x1E880] =	vst v63  }
0x2d8: {  	_ =	swait.ge [sflag:s30], $0x2800  }
0x2d9: {  	[sflag:s30] =	ssyncset.done $0x0  }
0x2da: {  	[sflag:s30] =	ssyncadd.s32 $0xFFFFD800  }
0x2db: {  	_ =	swait.ge [sflag:s7], $0x2800  }
0x2dc: {  	[sflag:s7] =	ssyncset.done $0x0  }
0x2dd: {  	[sflag:s7] =	ssyncadd.s32 $0xFFFFD800  }
0x2de: {  	[spmem:s2] =	stream.indirect.scatter.add.f32 [tilespmem:s29], [sflag:$0xD], $0x80, s20, s9, $0xb8;
	[tilespmem:$0x1E880] =	vst v63  }
0x2df: {  	s1 =	simm.s32 $0x1;
	_ =	swait.ge [sflag:s7], $0x2800  }
.Ltmp5:
0x2e0: {  	s23 =	simm.s32 $0x180;
	[sflag:s7] =	ssyncset.done $0x0;
	(pc) =	sbr.rel @!p0 .LBB2_8-.Ltmp5, $4  }
0x2e1: {  	s8 =	simm.s32 $0x2;
	s31 =	stileid.u32;
	[sflag:s7] =	ssyncadd.s32 $0xFFFFD800  }
0x2e2: {  	s22 =	simm.s32 $0x100;
	s26 =	sshll.u32 s31, $0x6;
	[bflag:$0x0] =	sbarrier.arrive $0xFFFF  }
0x2e3: {  	s24 =	simm.s32 $0x480;
	s11 =	sor.u32 $0x1C0F, s26;
	s10 =	rddreg [dreg:$0x1d]  }
0x2e4: {  	s20 =	simm.s32 $0x80;
	s29 =	simm.s32 $0x500;
	s12 =	sshrl.u32 s10, $0x3  }
0x2e5: {  	s11 =	sor.u32 $0x1C0F, s26;
	s5 =	rddreg [dreg:$0x1f]  }
0x2e6: {  	[hbm:s5], [sflag:s11] =	dma.local [spmem:s12], $0x2700  }
.Ltmp6:
0x2e7: {  	_ = 	snop;
	(pc) =	sbr.rel @p1 .LBB2_11-.Ltmp6, $4  }
.Ltmp7:
0x2e8: {  	s0 =	simm.s32 $0xF;
	(pc) =	sbr.rel @!p1 .LBB2_10-.Ltmp7, $4  }
0x2e9: {  	_ =	swait.ge [sflag:s0], $0x2700  }
0x2ea: {  	[sflag:s0] =	ssyncset.done $0x0;
	s12 =	rddreg [dreg:$0x10]  }
0x2eb: {  	s13 =	sld [smem:$0x7D4];
	[sflag:s0] =	ssyncadd.s32 $0xFFFFD900  }
0x2ec: {  	_ = 	snop  }
.LBB2_8:
0x2ed: {  	s5 =	rddreg [dreg:$0x1e]  }
0x2ee: {  	[hbm:s5], [sflag:s11] =	dma.local [spmem:s12], $0x2700  }
.Ltmp8:
0x2ef: {  	_ = 	snop;
	(pc) =	sbr.rel @p2 .LBB2_10-.Ltmp8, $4  }
.Ltmp9:
0x2f0: {  	s0 =	simm.s32 $0xF;
	(pc) =	sbr.rel @!p2 .LBB2_11-.Ltmp9, $4  }
0x2f1: {  	_ =	swait.ge [sflag:s0], $0x2700  }
0x2f2: {  	[sflag:s0] =	ssyncset.done $0x0;
	s12 =	rddreg [dreg:$0xf]  }
0x2f3: {  	s13 =	sld [smem:$0x7D4];
	[sflag:s0] =	ssyncadd.s32 $0xFFFFD900  }
0x2f4: {  	_ = 	snop  }
.LBB2_12:
0x2f5: {  	_ =	sfence.sel $0x180000  }
0x2f6: {  	[bflag:$0x0] =	sbarrier.arrive $0xFFFF  }
0x2f7: {  	_ =	strace $0x9000004A  }
0x2f8: {  	s0 =	stileid.u32;
	[bflag:$0x2] =	sbarrier.arrive $0xFFFF  }
0x2f9: {  	p0 =	sne.s32 s0, $0x0;
	s0 =	rddreg [dreg:$0x2]  }
0x2fa: {  	s0 =	sadd.s32 @!p0 $0x100000, s0  }
0x2fb: {  	[sflag:s0] =	ssyncadd.tile.s32 @!p0 $0x1;
	_ =	shalt  }
.Lfunc_end2:
_tile_overlayer_lowered:
.L_overlay_start_2:
0x2fc: {  	(tag) =	ssettag $0x2  }
0x2fd: {  	s0 =	rddreg [dreg:$0x0];
	s2 =	stileid.u32  }
0x2fe: {  	s1 =	rddreg [dreg:$0x1];
	p0 =	sne.s32 s2, $0x0  }
0x2ff: {  	s3 =	rddreg [dreg:$0x2];
	[bflag:$0x3] =	sbarrier.arrive $0xFFFF;
	s2 =	simm.s32 @!p0 $0x1C0F  }
0x300: {  	[timem:s3], [sflag:s2] =	dma.local @!p0 [hbm:s0], s1  }
0x301: {  	s0 =	simm.s32 @!p0 $0xF  }
0x302: {  	_ =	swait.ge @!p0 [sflag:s0], s1  }
0x303: {  	s1 =	ssub.s32 @!p0 $0x0, s1;
	[sflag:s0] =	ssyncset.done @!p0 $0x0  }
0x304: {  	[sflag:s0] =	ssyncadd.s32 @!p0 s1  }
0x305: {  	[bflag:$0x3] =	sbarrier.arrive $0xFFFF  }
0x306: {  	_ =	shalt  }

</sc_bundles>
